<compile_context>
chip_gen: v7x
topology: tpu7x:2x2x1
jax: 0.10.2.dev20260603
libtpu: 0.0.44.dev20260713+nightly
codegen_flags: <defaults>
</compile_context>

<pallas_src>
import functools

import jax
import jax.numpy as jnp
from jax import lax
from jax.experimental import pallas as pl
from jax.experimental.pallas import tpu as pltpu
from jax.experimental.pallas import tpu_sc as plsc

B = 16
NPG = 625
NP = 640
EPG = 10000
HID = 32
K1, K2, K3 = 563, 507, 457
N0, N1, N2 = 640, 576, 512
ROWS = 160
CHUNK = 2000
NLANE = 16



def _adj_body(src_hbm, dst_hbm, out_hbm, src_v, dst_v, acc_v):
    wid = lax.axis_index("s") * 2 + lax.axis_index("c")
    iota = lax.iota(jnp.int32, NLANE)
    ones = jnp.ones((NLANE,), jnp.float32)
    for half in range(2):
        t = wid + half * 32
        g = t // 4
        q = t % 4
        row0 = q * ROWS

        def zbody(i, carry):
            acc_v[pl.ds(i * NLANE, NLANE)] = jnp.zeros((NLANE,), jnp.float32)
            return carry

        lax.fori_loop(0, (ROWS * NP) // NLANE, zbody, 0)

        for ch in range(EPG // CHUNK):
            off = pl.multiple_of(g * EPG + ch * CHUNK, CHUNK)
            pltpu.sync_copy(src_hbm.at[pl.ds(off, CHUNK)], src_v)
            pltpu.sync_copy(dst_hbm.at[pl.ds(off, CHUNK)], dst_v)

            def ebody(i, carry):
                sv = src_v[pl.ds(i * NLANE, NLANE)]
                dv = dst_v[pl.ds(i * NLANE, NLANE)]
                c = sv - g * NPG
                r = dv - g * NPG - row0
                ok = (r >= 0) & (r < ROWS)
                key = jnp.clip(r * NP + c, 0, ROWS * NP - 1)
                for l in range(NLANE):
                    plsc.addupdate_scatter(
                        acc_v, [key], ones, mask=ok & (iota == l))
                return carry

            lax.fori_loop(0, CHUNK // NLANE, ebody, 0)

        dst_off = pl.multiple_of((g * NP + row0) * NP, ROWS * NP)
        pltpu.sync_copy(acc_v, out_hbm.at[pl.ds(dst_off, ROWS * NP)])


def _adj_call(src, dst):
    mesh = plsc.VectorSubcoreMesh(core_axis_name="c", subcore_axis_name="s")
    kern = functools.partial(
        pl.kernel,
        mesh=mesh,
        compiler_params=pltpu.CompilerParams(needs_layout_passes=False),
        out_type=jax.ShapeDtypeStruct((B * NP * NP,), jnp.float32),
        scratch_types=[
            pltpu.VMEM((CHUNK,), jnp.int32),
            pltpu.VMEM((CHUNK,), jnp.int32),
            pltpu.VMEM((ROWS * NP,), jnp.float32),
        ],
    )(_adj_body)
    return kern(src, dst).reshape(B, NP, NP)




def _unet_body(A_ref, x0_ref, W0_ref, Ws_ref, bs_ref, pp_ref,
               pooled_ref, argm_ref,
               A1s, A2s, P1s, P2s, xs0, xs1, xs2):
    f32 = jnp.float32
    hp = lax.Precision.HIGHEST

    def eye(n):
        r = lax.broadcasted_iota(jnp.int32, (n, n), 0)
        c = lax.broadcasted_iota(jnp.int32, (n, n), 1)
        return (r == c).astype(f32)

    eyes = {n: eye(n) for n in (N0, N1, N2)}

    def tcol(v):
        n = v.shape[0]
        return lax.dot_general(v, eyes[n], (((0,), (0,)), ((), ())),
                               preferred_element_type=f32, precision=hp)

    def gcn(A, x, W, b2):
        n = A.shape[0]
        Ah = A + eyes[n]
        deg = jnp.sum(Ah, axis=1, keepdims=True)
        dis = jnp.where(deg > 0, 1.0 / jnp.sqrt(deg), 0.0)
        An = Ah * dis * tcol(dis)
        xW = jnp.dot(x, W, preferred_element_type=f32)
        return jnp.dot(An, xW, preferred_element_type=f32) + b2

    def augment(A):
        n = A.shape[0]
        Ai = A + eyes[n]
        A2 = jnp.dot(Ai, Ai, preferred_element_type=f32)
        return A2 * (1.0 - eyes[n])

    def pool(A, x, p2, n_valid, k, m):
        n = A.shape[0]
        rcol = lax.broadcasted_iota(jnp.int32, (n, 1), 0)
        nrm = jnp.sqrt(jnp.sum(p2 * p2))
        raw = jnp.sum(x * p2, axis=1, keepdims=True)
        s = jnp.tanh(raw / nrm)
        s = jnp.where(rcol < n_valid, s, -2.0)
        sT = tcol(s)
        cio = lax.broadcasted_iota(jnp.int32, (n, n), 1)
        rio = lax.broadcasted_iota(jnp.int32, (n, n), 0)
        gt = (sT > s).astype(f32)
        tie = ((sT == s) & (cio < rio)).astype(f32)
        rank = jnp.sum(gt + tie, axis=1, keepdims=True)
        rio_m = lax.broadcasted_iota(jnp.int32, (m, 1), 0)
        P = ((tcol(rank) == rio_m.astype(f32)) & (rio_m < k)).astype(f32)
        vals = jnp.dot(P, s, preferred_element_type=f32, precision=hp)
        xn = jnp.dot(P, x, preferred_element_type=f32, precision=hp) * vals
        PA = jnp.dot(P, A, preferred_element_type=f32, precision=hp)
        An = lax.dot_general(PA, P, (((1,), (1,)), ((), ())),
                             preferred_element_type=f32, precision=hp)
        return An, xn, P

    def unpool(P, x):
        return lax.dot_general(P, x, (((0,), (0,)), ((), ())),
                               preferred_element_type=f32, precision=hp)

    A0 = A_ref[0]
    x0 = x0_ref[0]
    W0 = W0_ref[...]

    def Wb(i):
        return Ws_ref[i - 1], bs_ref[i:i + 1, :]

    x = jax.nn.relu(gcn(A0, x0, W0, bs_ref[0:1, :]))
    xs0[...] = x

    Aaug = augment(A0)
    A, x, P1 = pool(Aaug, x, pp_ref[0:1, :], NPG, K1, N1)
    P1s[...] = P1
    A1s[...] = A
    W, b2 = Wb(1)
    x = jax.nn.relu(gcn(A, x, W, b2))
    xs1[...] = x

    Aaug = augment(A)
    A, x, P2 = pool(Aaug, x, pp_ref[1:2, :], K1, K2, N2)
    P2s[...] = P2
    A2s[...] = A
    W, b2 = Wb(2)
    x = jax.nn.relu(gcn(A, x, W, b2))
    xs2[...] = x

    Aaug = augment(A)
    A, x, P3 = pool(Aaug, x, pp_ref[2:3, :], K2, K3, N2)
    W, b2 = Wb(3)
    x = jax.nn.relu(gcn(A, x, W, b2))

    x = xs2[...] + unpool(P3, x)
    W, b2 = Wb(4)
    x = jax.nn.relu(gcn(A2s[...], x, W, b2))

    x = xs1[...] + unpool(P2s[...], x)
    W, b2 = Wb(5)
    x = jax.nn.relu(gcn(A1s[...], x, W, b2))

    x = xs0[...] + unpool(P1s[...], x)
    W, b2 = Wb(6)
    x = gcn(A0, x, W, b2)

    rio32 = lax.broadcasted_iota(jnp.int32, (N0, HID), 0)
    xm = jnp.where(rio32 < NPG, x, -3.4e38)
    mx = jnp.max(xm, axis=0, keepdims=True)
    cand = jnp.where(xm == mx, rio32, N0)
    pooled_ref[0] = mx
    argm_ref[0] = jnp.min(cand, axis=0, keepdims=True)


def _unet_call(A, x0, W0, Ws, bs, pp, interpret=False):
    grid = (B,)
    return pl.pallas_call(
        _unet_body,
        grid=grid,
        in_specs=[
            pl.BlockSpec((1, NP, NP), lambda b: (b, 0, 0)),
            pl.BlockSpec((1, NP, 8), lambda b: (b, 0, 0)),
            pl.BlockSpec((8, HID), lambda b: (0, 0)),
            pl.BlockSpec((6, HID, HID), lambda b: (0, 0, 0)),
            pl.BlockSpec((7, HID), lambda b: (0, 0)),
            pl.BlockSpec((3, HID), lambda b: (0, 0)),
        ],
        out_specs=[
            pl.BlockSpec((1, 1, HID), lambda b: (b, 0, 0)),
            pl.BlockSpec((1, 1, HID), lambda b: (b, 0, 0)),
        ],
        out_shape=[
            jax.ShapeDtypeStruct((B, 1, HID), jnp.float32),
            jax.ShapeDtypeStruct((B, 1, HID), jnp.int32),
        ],
        scratch_shapes=[
            pltpu.VMEM((N1, N1), jnp.float32),
            pltpu.VMEM((N2, N2), jnp.float32),
            pltpu.VMEM((N1, N0), jnp.float32),
            pltpu.VMEM((N2, N1), jnp.float32),
            pltpu.VMEM((N0, HID), jnp.float32),
            pltpu.VMEM((N1, HID), jnp.float32),
            pltpu.VMEM((N2, HID), jnp.float32),
        ],
        interpret=interpret,
    )(A, x0, W0, Ws, bs, pp)




def _head_body(h_ref, w0, b0, w1, b1, w2, b2, w3, b3, g0, g1, g2,
               bb0, bb1, bb2, out_ref):
    f32 = jnp.float32
    bn = 1.0 / jnp.sqrt(jnp.float32(1.0 + 1e-5))
    h = h_ref[...]
    for w, b, g, bb in ((w0, b0, g0, bb0), (w1, b1, g1, bb1),
                        (w2, b2, g2, bb2)):
        h = jax.nn.relu(jnp.dot(h, w[...], preferred_element_type=f32)
                        + b[...])
        h = h * bn * g[...] + bb[...]
    logits = jnp.dot(h, w3[...], preferred_element_type=f32) + b3[...]
    m = jnp.max(logits, axis=1, keepdims=True)
    shifted = logits - m
    lse = jnp.log(jnp.sum(jnp.exp(shifted), axis=1, keepdims=True))
    out_ref[...] = shifted - lse


def _head_call(pooled, hW, hb, bg, bb, interpret=False):
    args = [pooled,
            hW[0], hb[0][None, :], hW[1], hb[1][None, :],
            hW[2], hb[2][None, :], hW[3], hb[3][None, :],
            bg[0][None, :], bg[1][None, :], bg[2][None, :],
            bb[0][None, :], bb[1][None, :], bb[2][None, :]]
    return pl.pallas_call(
        _head_body,
        out_shape=jax.ShapeDtypeStruct((B, HID), jnp.float32),
        interpret=interpret,
    )(*args)




def kernel(norm, pos, params, edge_index, batch):
    x0 = jnp.concatenate([norm, pos], axis=1).reshape(B, NPG, 6)
    x0 = jnp.pad(x0, ((0, 0), (0, NP - NPG), (0, 2)))
    W0 = jnp.pad(params["gcn_W"][0], ((0, 2), (0, 0)))
    Ws = jnp.stack(params["gcn_W"][1:7])
    bs = jnp.stack(params["gcn_b"])
    pp = jnp.stack(params["pool_p"])

    A = _adj_call(edge_index[0], edge_index[1])
    pooled, argm = _unet_call(A, x0, W0, Ws, bs, pp)
    logp = _head_call(pooled.reshape(B, HID), params["head_W"],
                      params["head_b"], params["bn_g"], params["bn_b"])
    return logp, argm.reshape(B, HID)

# --- scband reference (transcript-rebuilt; emitter-appended) ---
"""Pipeline reference for scband-unet-90675349553273 (READ-ONLY COPY).

The authoritative reference and input builder live on the scoring server;
editing this copy changes nothing except your own understanding.
"""

import jax, jax.numpy as jnp
import numpy as np

B = 16
NPG = 625
N = B * NPG
DEG = 16
E = N * DEG
HID = 32
NUM_CLASSES = 32

def _glorot(key, shape):
    lim = float(np.sqrt(6.0 / (shape[0] + shape[1])))
    return jax.random.uniform(key, shape, minval=-lim, maxval=lim, dtype=jnp.float32)

def setup_inputs(seed: int = 0):
    key = jax.random.key(seed)
    ks = jax.random.split(key, 64)
    norm = jax.random.normal(ks[0], (N, 3), dtype=jnp.float32)
    pos = jax.random.normal(ks[1], (N, 3), dtype=jnp.float32)
    src = jax.random.randint(ks[2], (E,), 0, NPG, dtype=jnp.int32)
    dst = jax.random.randint(ks[3], (E,), 0, NPG, dtype=jnp.int32)
    off = jnp.repeat(jnp.arange(B, dtype=jnp.int32), E // B) * NPG
    edge_index = jnp.stack([src + off, dst + off]).astype(jnp.int32)
    batch = jnp.repeat(jnp.arange(B, dtype=jnp.int32), NPG)
    dims = [(6, HID)] + [(HID, HID)] * 5 + [(HID, NUM_CLASSES)]
    gcn_W = [_glorot(ks[4 + i], d) for i, d in enumerate(dims)]
    gcn_b = [jnp.zeros((d[1],), jnp.float32) for d in dims]
    lim_p = float(np.sqrt(1.0 / HID))
    pool_p = [jax.random.uniform(ks[12 + i], (HID,), minval=-lim_p, maxval=lim_p, dtype=jnp.float32) for i in range(3)]
    head_dims = [(32, 1024), (1024, 512), (512, 256), (256, NUM_CLASSES)]
    head_W = [_glorot(ks[16 + i], d) for i, d in enumerate(head_dims)]
    head_b = [jnp.zeros((d[1],), jnp.float32) for d in head_dims]
    bn_g = [jnp.ones((d[1],), jnp.float32) for d in head_dims[:3]]
    bn_b = [jnp.zeros((d[1],), jnp.float32) for d in head_dims[:3]]
    params = {"gcn_W": gcn_W, "gcn_b": gcn_b, "pool_p": pool_p,
              "head_W": head_W, "head_b": head_b, "bn_g": bn_g, "bn_b": bn_b}
    return {"norm": norm, "pos": pos, "params": params, "edge_index": edge_index, "batch": batch}

def _dense_adj(edge_index):
    src, dst = edge_index[0], edge_index[1]
    b = src // NPG
    A = jnp.zeros((B, NPG, NPG), jnp.float32)
    return A.at[b, dst % NPG, src % NPG].add(1.0)

def _gcn(A, x, W, bias):
    n = A.shape[1]
    Ah = A + jnp.eye(n, dtype=A.dtype)[None]
    deg = Ah.sum(axis=2)
    dis = jnp.where(deg > 0, 1.0 / jnp.sqrt(deg), 0.0)
    An = dis[:, :, None] * Ah * dis[:, None, :]
    return jnp.einsum('bij,bjc->bic', An, x @ W) + bias

def _augment(A):
    n = A.shape[1]
    eye = jnp.eye(n, dtype=A.dtype)[None]
    A2 = (A + eye) @ (A + eye)
    return A2 * (1.0 - eye)

def _topk_pool(A, x, p):
    score = jnp.tanh((x * p).sum(-1) / jnp.linalg.norm(p))
    k = int(np.ceil(0.9 * x.shape[1]))
    vals, idx = jax.lax.top_k(score, k)
    xn = jnp.take_along_axis(x, idx[:, :, None], axis=1) * vals[:, :, None]
    An = jnp.take_along_axis(A, idx[:, :, None], axis=1)
    An = jnp.take_along_axis(An, idx[:, None, :], axis=2)
    return An, xn, idx

def _forward(norm, pos, params, edge_index):
    # eval mode: F.dropout / dropout_adj / nn.Dropout are identity
    x = jnp.concatenate([norm, pos], axis=1).reshape(B, NPG, 6)
    A = _dense_adj(edge_index)
    gW, gb = params["gcn_W"], params["gcn_b"]
    x = jax.nn.relu(_gcn(A, x, gW[0], gb[0]))
    xs, adjs, perms = [x], [A], []
    for i in range(1, 4):
        A = _augment(A)
        A, x, perm = _topk_pool(A, x, params["pool_p"][i - 1])
        x = jax.nn.relu(_gcn(A, x, gW[i], gb[i]))
        if i < 3:
            xs.append(x)
            adjs.append(A)
        perms.append(perm)
    bi = jnp.arange(B)[:, None]
    for i in range(3):
        j = 2 - i
        up = jnp.zeros_like(xs[j]).at[bi, perms[j]].set(x)
        x = xs[j] + up
        x = _gcn(adjs[j], x, gW[4 + i], gb[4 + i])
        if i < 2:
            x = jax.nn.relu(x)
    pooled = x.max(axis=1)
    argm = jnp.argmax(x, axis=1)
    h = pooled
    bn_scale = 1.0 / jnp.sqrt(1.0 + 1e-5)  # eval BN: running_mean=0, running_var=1
    for t in range(3):
        h = jax.nn.relu(h @ params["head_W"][t] + params["head_b"][t])
        h = h * bn_scale * params["bn_g"][t] + params["bn_b"][t]
    h = h @ params["head_W"][3] + params["head_b"][3]
    return jax.nn.log_softmax(h, axis=1), argm

def reference(norm, pos, params, edge_index, batch):
    return _forward(norm, pos, params, edge_index)

if __name__ == "__main__":
    import jax
    _d = setup_inputs()
    print(jax.jit(kernel)(*tuple(_d.values())))

</pallas_src>

<mosaic_0001>
#map = affine_map<(d0, d1) -> (0)>
module attributes {stable_mosaic.version = 14 : i64} {
  func.func @_adj_body(%arg0: i32, %arg1: i32, %arg2: memref<160000xi32, #tpu.memory_space<hbm>>, %arg3: memref<160000xi32, #tpu.memory_space<hbm>>, %arg4: memref<6553600xf32, #tpu.memory_space<hbm>>, %arg5: memref<2000xi32, #tpu.memory_space<vmem>>, %arg6: memref<2000xi32, #tpu.memory_space<vmem>>, %arg7: memref<102400xf32, #tpu.memory_space<vmem>>) attributes {dimension_semantics = [#tpu.dimension_semantics<core_parallel>, #tpu.dimension_semantics<subcore_parallel>], iteration_bounds = array<i64: 2, 16>, scalar_prefetch = 0 : i64, scratch_operands = 3 : i64, tpu.core_type = #tpu.core_type<sc_vector_subcore>, window_params = [{transform_indices = #map}, {transform_indices = #map}, {transform_indices = #map}]} {
    %mul3A = arith.constant 2 : i32
    %mul3A_0 = arith.muli %arg1, %mul3A : i32
    %add3A = arith.addi %mul3A_0, %arg0 : i32
    %iota3A = tpu.iota {dimensions = array<i32: 0>} : vector<16xi32>
    %broadcast_in_dim3A = arith.constant 1.000000e+00 : f32
    %broadcast_in_dim3A_1 = vector.broadcast %broadcast_in_dim3A : f32 to vector<16xf32>
    %add3A_2 = arith.constant 0 : i32
    %add3A_3 = arith.addi %add3A, %add3A_2 : i32
    %jit3A = arith.constant 4 : i32
    %div3A = arith.divsi %add3A_3, %jit3A : i32
    %sign3A = arith.constant 0 : i32
    %sign3A_4 = arith.cmpi sgt, %add3A_3, %sign3A : i32
    %sign3A_5 = arith.extui %sign3A_4 : i1 to i32
    %sign3A_6 = arith.constant 0 : i32
    %sign3A_7 = arith.cmpi slt, %add3A_3, %sign3A_6 : i32
    %sign3A_8 = arith.extui %sign3A_7 : i1 to i32
    %sign3A_9 = arith.subi %sign3A_5, %sign3A_8 : i32
    %sign3A_10 = arith.constant 0 : i32
    %sign3A_11 = arith.cmpi sgt, %jit3A, %sign3A_10 : i32
    %sign3A_12 = arith.extui %sign3A_11 : i1 to i32
    %sign3A_13 = arith.constant 0 : i32
    %sign3A_14 = arith.cmpi slt, %jit3A, %sign3A_13 : i32
    %sign3A_15 = arith.extui %sign3A_14 : i1 to i32
    %sign3A_16 = arith.subi %sign3A_12, %sign3A_15 : i32
    %ne3A = arith.cmpi ne, %sign3A_9, %sign3A_16 : i32
    %rem3A = arith.remsi %add3A_3, %jit3A : i32
    %ne3A_17 = arith.constant 0 : i32
    %ne3A_18 = arith.cmpi ne, %rem3A, %ne3A_17 : i32
    %and3A = arith.andi %ne3A, %ne3A_18 : i1
    %sub3A = arith.constant 1 : i32
    %sub3A_19 = arith.subi %div3A, %sub3A : i32
    %select_n3A = arith.select %and3A, %sub3A_19, %div3A : i32
    %jit3A_20 = arith.constant 4 : i32
    %eq3A = arith.constant 0 : i32
    %eq3A_21 = arith.cmpi eq, %jit3A_20, %eq3A : i32
    %jit3A_22 = arith.constant 1 : i32
    %select_n3A_23 = arith.select %eq3A_21, %jit3A_22, %jit3A_20 : i32
    %rem3A_24 = arith.remsi %add3A_3, %select_n3A_23 : i32
    %ne3A_25 = arith.constant 0 : i32
    %ne3A_26 = arith.cmpi ne, %rem3A_24, %ne3A_25 : i32
    %lt3A = arith.constant 0 : i32
    %lt3A_27 = arith.cmpi slt, %rem3A_24, %lt3A : i32
    %lt3A_28 = arith.constant 0 : i32
    %lt3A_29 = arith.cmpi slt, %select_n3A_23, %lt3A_28 : i32
    %ne3A_30 = arith.xori %lt3A_27, %lt3A_29 : i1
    %and3A_31 = arith.andi %ne3A_30, %ne3A_26 : i1
    %add3A_32 = arith.addi %rem3A_24, %select_n3A_23 : i32
    %select_n3A_33 = arith.select %and3A_31, %add3A_32, %rem3A_24 : i32
    %mul3A_34 = arith.constant 160 : i32
    %mul3A_35 = arith.muli %select_n3A_33, %mul3A_34 : i32
    %scan3A = arith.constant 0 : i32
    %scan3A_36 = arith.constant 0 : i32
    %scan3A_37 = arith.constant 6400 : i32
    %scan3A_38 = arith.addi %scan3A_36, %scan3A_37 : i32
    %scan3A_39 = arith.constant 1 : i32
    scf.for %scan3A_212 = %scan3A_36 to %scan3A_38 step %scan3A_39  : i32 {
      %broadcast_in_dim3A_213 = arith.constant 0.000000e+00 : f32
      %broadcast_in_dim3A_214 = vector.broadcast %broadcast_in_dim3A_213 : f32 to vector<16xf32>
      %mul3A_215 = arith.constant 16 : i32
      %mul3A_216 = arith.muli %scan3A_212, %mul3A_215 : i32
      %swap3A = arith.index_cast %mul3A_216 : i32 to index
      %swap3A_217 = tpu.vector_load %arg7[%swap3A] {strides = array<i32>} : memref<102400xf32, #tpu.memory_space<vmem>>, vector<16xf32>,
      tpu.vector_store %arg7[%swap3A], %broadcast_in_dim3A_214 {strides = array<i32>} : memref<102400xf32, #tpu.memory_space<vmem>>, vector<16xf32>,
    }
    %scan3A_40 = arith.constant 6400 : i32
    %mul3A_41 = arith.constant 10000 : i32
    %mul3A_42 = arith.muli %select_n3A, %mul3A_41 : i32
    %add3A_43 = arith.constant 0 : i32
    %add3A_44 = arith.addi %mul3A_42, %add3A_43 : i32
    %multiple_of3A = tpu.assume_multiple %add3A_44, 2000 : i32
    "tpu.region"() ({
      %run_scoped3A = tpu.sem_alloc : memref<!tpu.dma_semaphore, #tpu.memory_space<semaphore_mem>>
      %dma_start3A = tpu.memref_slice %arg2[%multiple_of3A] : memref<160000xi32, #tpu.memory_space<hbm>> -> memref<2000xi32, #tpu.memory_space<hbm>>
      %dma_start3A_212 = tpu.memref_slice %arg2[%multiple_of3A] : memref<160000xi32, #tpu.memory_space<hbm>> -> memref<2000xi32, #tpu.memory_space<hbm>>
      tpu.enqueue_dma source(%dma_start3A_212 : memref<2000xi32, #tpu.memory_space<hbm>>) target(%arg5 : memref<2000xi32, #tpu.memory_space<vmem>>) target_semaphore(%run_scoped3A : memref<!tpu.dma_semaphore, #tpu.memory_space<semaphore_mem>>)
      %dma_wait3A = tpu.memref_slice %arg2[%multiple_of3A] : memref<160000xi32, #tpu.memory_space<hbm>> -> memref<2000xi32, #tpu.memory_space<hbm>>
      %dma_wait3A_213 = tpu.memref_slice %arg2[%multiple_of3A] : memref<160000xi32, #tpu.memory_space<hbm>> -> memref<2000xi32, #tpu.memory_space<hbm>>
      tpu.wait_dma2 semaphore(%run_scoped3A : memref<!tpu.dma_semaphore, #tpu.memory_space<semaphore_mem>>) src(%dma_wait3A_213 : memref<2000xi32, #tpu.memory_space<hbm>>) dst(%arg5 : memref<2000xi32, #tpu.memory_space<vmem>>)
      tpu.yield
    }) : () -> ()
    "tpu.region"() ({
      %run_scoped3A = tpu.sem_alloc : memref<!tpu.dma_semaphore, #tpu.memory_space<semaphore_mem>>
      %dma_start3A = tpu.memref_slice %arg3[%multiple_of3A] : memref<160000xi32, #tpu.memory_space<hbm>> -> memref<2000xi32, #tpu.memory_space<hbm>>
      %dma_start3A_212 = tpu.memref_slice %arg3[%multiple_of3A] : memref<160000xi32, #tpu.memory_space<hbm>> -> memref<2000xi32, #tpu.memory_space<hbm>>
      tpu.enqueue_dma source(%dma_start3A_212 : memref<2000xi32, #tpu.memory_space<hbm>>) target(%arg6 : memref<2000xi32, #tpu.memory_space<vmem>>) target_semaphore(%run_scoped3A : memref<!tpu.dma_semaphore, #tpu.memory_space<semaphore_mem>>)
      %dma_wait3A = tpu.memref_slice %arg3[%multiple_of3A] : memref<160000xi32, #tpu.memory_space<hbm>> -> memref<2000xi32, #tpu.memory_space<hbm>>
      %dma_wait3A_213 = tpu.memref_slice %arg3[%multiple_of3A] : memref<160000xi32, #tpu.memory_space<hbm>> -> memref<2000xi32, #tpu.memory_space<hbm>>
      tpu.wait_dma2 semaphore(%run_scoped3A : memref<!tpu.dma_semaphore, #tpu.memory_space<semaphore_mem>>) src(%dma_wait3A_213 : memref<2000xi32, #tpu.memory_space<hbm>>) dst(%arg6 : memref<2000xi32, #tpu.memory_space<vmem>>)
      tpu.yield
    }) : () -> ()
    %scan3A_45 = arith.constant 0 : i32
    %scan3A_46 = arith.constant 0 : i32
    %scan3A_47 = arith.constant 125 : i32
    %scan3A_48 = arith.addi %scan3A_46, %scan3A_47 : i32
    %scan3A_49 = arith.constant 1 : i32
    scf.for %scan3A_212 = %scan3A_46 to %scan3A_48 step %scan3A_49  : i32 {
      %mul3A_213 = arith.constant 16 : i32
      %mul3A_214 = arith.muli %scan3A_212, %mul3A_213 : i32
      %get3A = arith.index_cast %mul3A_214 : i32 to index
      %get3A_215 = tpu.vector_load %arg5[%get3A] {strides = array<i32>} : memref<2000xi32, #tpu.memory_space<vmem>>, vector<16xi32>,
      %mul3A_216 = arith.constant 16 : i32
      %mul3A_217 = arith.muli %scan3A_212, %mul3A_216 : i32
      %get3A_218 = arith.index_cast %mul3A_217 : i32 to index
      %get3A_219 = tpu.vector_load %arg6[%get3A_218] {strides = array<i32>} : memref<2000xi32, #tpu.memory_space<vmem>>, vector<16xi32>,
      %mul3A_220 = arith.constant 625 : i32
      %mul3A_221 = arith.muli %select_n3A, %mul3A_220 : i32
      %sub3A_222 = vector.broadcast %mul3A_221 : i32 to vector<16xi32>
      %sub3A_223 = arith.subi %get3A_215, %sub3A_222 : vector<16xi32>
      %mul3A_224 = arith.constant 625 : i32
      %mul3A_225 = arith.muli %select_n3A, %mul3A_224 : i32
      %sub3A_226 = vector.broadcast %mul3A_225 : i32 to vector<16xi32>
      %sub3A_227 = arith.subi %get3A_219, %sub3A_226 : vector<16xi32>
      %sub3A_228 = vector.broadcast %mul3A_35 : i32 to vector<16xi32>
      %sub3A_229 = arith.subi %sub3A_227, %sub3A_228 : vector<16xi32>
      %ge3A = arith.constant 0 : i32
      %ge3A_230 = vector.broadcast %ge3A : i32 to vector<16xi32>
      %ge3A_231 = arith.cmpi sge, %sub3A_229, %ge3A_230 : vector<16xi32>
      %lt3A_232 = arith.constant 160 : i32
      %lt3A_233 = vector.broadcast %lt3A_232 : i32 to vector<16xi32>
      %lt3A_234 = arith.cmpi slt, %sub3A_229, %lt3A_233 : vector<16xi32>
      %and3A_235 = arith.andi %ge3A_231, %lt3A_234 : vector<16xi1>
      %mul3A_236 = arith.constant 640 : i32
      %mul3A_237 = vector.broadcast %mul3A_236 : i32 to vector<16xi32>
      %mul3A_238 = arith.muli %sub3A_229, %mul3A_237 : vector<16xi32>
      %add3A_239 = arith.addi %mul3A_238, %sub3A_223 : vector<16xi32>
      %jit3A_240 = arith.constant 0 : i32
      %jit3A_241 = arith.constant 102399 : i32
      %max3A = vector.broadcast %jit3A_240 : i32 to vector<16xi32>
      %max3A_242 = arith.maxsi %max3A, %add3A_239 : vector<16xi32>
      %min3A = vector.broadcast %jit3A_241 : i32 to vector<16xi32>
      %min3A_243 = arith.minsi %min3A, %max3A_242 : vector<16xi32>
      %eq3A_244 = arith.constant 0 : i32
      %eq3A_245 = vector.broadcast %eq3A_244 : i32 to vector<16xi32>
      %eq3A_246 = arith.cmpi eq, %iota3A, %eq3A_245 : vector<16xi32>
      %and3A_247 = arith.andi %and3A_235, %eq3A_246 : vector<16xi1>
      tpu.vector_store_idx %arg7[%min3A_243], %broadcast_in_dim3A_1 masked %and3A_247 {add = true} : memref<102400xf32, #tpu.memory_space<vmem>>[vector<16xi32>], vector<16xf32>, vector<16xi1>
      %eq3A_248 = arith.constant 1 : i32
      %eq3A_249 = vector.broadcast %eq3A_248 : i32 to vector<16xi32>
      %eq3A_250 = arith.cmpi eq, %iota3A, %eq3A_249 : vector<16xi32>
      %and3A_251 = arith.andi %and3A_235, %eq3A_250 : vector<16xi1>
      tpu.vector_store_idx %arg7[%min3A_243], %broadcast_in_dim3A_1 masked %and3A_251 {add = true} : memref<102400xf32, #tpu.memory_space<vmem>>[vector<16xi32>], vector<16xf32>, vector<16xi1>
      %eq3A_252 = arith.constant 2 : i32
      %eq3A_253 = vector.broadcast %eq3A_252 : i32 to vector<16xi32>
      %eq3A_254 = arith.cmpi eq, %iota3A, %eq3A_253 : vector<16xi32>
      %and3A_255 = arith.andi %and3A_235, %eq3A_254 : vector<16xi1>
      tpu.vector_store_idx %arg7[%min3A_243], %broadcast_in_dim3A_1 masked %and3A_255 {add = true} : memref<102400xf32, #tpu.memory_space<vmem>>[vector<16xi32>], vector<16xf32>, vector<16xi1>
      %eq3A_256 = arith.constant 3 : i32
      %eq3A_257 = vector.broadcast %eq3A_256 : i32 to vector<16xi32>
      %eq3A_258 = arith.cmpi eq, %iota3A, %eq3A_257 : vector<16xi32>
      %and3A_259 = arith.andi %and3A_235, %eq3A_258 : vector<16xi1>
      tpu.vector_store_idx %arg7[%min3A_243], %broadcast_in_dim3A_1 masked %and3A_259 {add = true} : memref<102400xf32, #tpu.memory_space<vmem>>[vector<16xi32>], vector<16xf32>, vector<16xi1>
      %eq3A_260 = arith.constant 4 : i32
      %eq3A_261 = vector.broadcast %eq3A_260 : i32 to vector<16xi32>
      %eq3A_262 = arith.cmpi eq, %iota3A, %eq3A_261 : vector<16xi32>
      %and3A_263 = arith.andi %and3A_235, %eq3A_262 : vector<16xi1>
      tpu.vector_store_idx %arg7[%min3A_243], %broadcast_in_dim3A_1 masked %and3A_263 {add = true} : memref<102400xf32, #tpu.memory_space<vmem>>[vector<16xi32>], vector<16xf32>, vector<16xi1>
      %eq3A_264 = arith.constant 5 : i32
      %eq3A_265 = vector.broadcast %eq3A_264 : i32 to vector<16xi32>
      %eq3A_266 = arith.cmpi eq, %iota3A, %eq3A_265 : vector<16xi32>
      %and3A_267 = arith.andi %and3A_235, %eq3A_266 : vector<16xi1>
      tpu.vector_store_idx %arg7[%min3A_243], %broadcast_in_dim3A_1 masked %and3A_267 {add = true} : memref<102400xf32, #tpu.memory_space<vmem>>[vector<16xi32>], vector<16xf32>, vector<16xi1>
      %eq3A_268 = arith.constant 6 : i32
      %eq3A_269 = vector.broadcast %eq3A_268 : i32 to vector<16xi32>
      %eq3A_270 = arith.cmpi eq, %iota3A, %eq3A_269 : vector<16xi32>
      %and3A_271 = arith.andi %and3A_235, %eq3A_270 : vector<16xi1>
      tpu.vector_store_idx %arg7[%min3A_243], %broadcast_in_dim3A_1 masked %and3A_271 {add = true} : memref<102400xf32, #tpu.memory_space<vmem>>[vector<16xi32>], vector<16xf32>, vector<16xi1>
      %eq3A_272 = arith.constant 7 : i32
      %eq3A_273 = vector.broadcast %eq3A_272 : i32 to vector<16xi32>
      %eq3A_274 = arith.cmpi eq, %iota3A, %eq3A_273 : vector<16xi32>
      %and3A_275 = arith.andi %and3A_235, %eq3A_274 : vector<16xi1>
      tpu.vector_store_idx %arg7[%min3A_243], %broadcast_in_dim3A_1 masked %and3A_275 {add = true} : memref<102400xf32, #tpu.memory_space<vmem>>[vector<16xi32>], vector<16xf32>, vector<16xi1>
      %eq3A_276 = arith.constant 8 : i32
      %eq3A_277 = vector.broadcast %eq3A_276 : i32 to vector<16xi32>
      %eq3A_278 = arith.cmpi eq, %iota3A, %eq3A_277 : vector<16xi32>
      %and3A_279 = arith.andi %and3A_235, %eq3A_278 : vector<16xi1>
      tpu.vector_store_idx %arg7[%min3A_243], %broadcast_in_dim3A_1 masked %and3A_279 {add = true} : memref<102400xf32, #tpu.memory_space<vmem>>[vector<16xi32>], vector<16xf32>, vector<16xi1>
      %eq3A_280 = arith.constant 9 : i32
      %eq3A_281 = vector.broadcast %eq3A_280 : i32 to vector<16xi32>
      %eq3A_282 = arith.cmpi eq, %iota3A, %eq3A_281 : vector<16xi32>
      %and3A_283 = arith.andi %and3A_235, %eq3A_282 : vector<16xi1>
      tpu.vector_store_idx %arg7[%min3A_243], %broadcast_in_dim3A_1 masked %and3A_283 {add = true} : memref<102400xf32, #tpu.memory_space<vmem>>[vector<16xi32>], vector<16xf32>, vector<16xi1>
      %eq3A_284 = arith.constant 10 : i32
      %eq3A_285 = vector.broadcast %eq3A_284 : i32 to vector<16xi32>
      %eq3A_286 = arith.cmpi eq, %iota3A, %eq3A_285 : vector<16xi32>
      %and3A_287 = arith.andi %and3A_235, %eq3A_286 : vector<16xi1>
      tpu.vector_store_idx %arg7[%min3A_243], %broadcast_in_dim3A_1 masked %and3A_287 {add = true} : memref<102400xf32, #tpu.memory_space<vmem>>[vector<16xi32>], vector<16xf32>, vector<16xi1>
      %eq3A_288 = arith.constant 11 : i32
      %eq3A_289 = vector.broadcast %eq3A_288 : i32 to vector<16xi32>
      %eq3A_290 = arith.cmpi eq, %iota3A, %eq3A_289 : vector<16xi32>
      %and3A_291 = arith.andi %and3A_235, %eq3A_290 : vector<16xi1>
      tpu.vector_store_idx %arg7[%min3A_243], %broadcast_in_dim3A_1 masked %and3A_291 {add = true} : memref<102400xf32, #tpu.memory_space<vmem>>[vector<16xi32>], vector<16xf32>, vector<16xi1>
      %eq3A_292 = arith.constant 12 : i32
      %eq3A_293 = vector.broadcast %eq3A_292 : i32 to vector<16xi32>
      %eq3A_294 = arith.cmpi eq, %iota3A, %eq3A_293 : vector<16xi32>
      %and3A_295 = arith.andi %and3A_235, %eq3A_294 : vector<16xi1>
      tpu.vector_store_idx %arg7[%min3A_243], %broadcast_in_dim3A_1 masked %and3A_295 {add = true} : memref<102400xf32, #tpu.memory_space<vmem>>[vector<16xi32>], vector<16xf32>, vector<16xi1>
      %eq3A_296 = arith.constant 13 : i32
      %eq3A_297 = vector.broadcast %eq3A_296 : i32 to vector<16xi32>
      %eq3A_298 = arith.cmpi eq, %iota3A, %eq3A_297 : vector<16xi32>
      %and3A_299 = arith.andi %and3A_235, %eq3A_298 : vector<16xi1>
      tpu.vector_store_idx %arg7[%min3A_243], %broadcast_in_dim3A_1 masked %and3A_299 {add = true} : memref<102400xf32, #tpu.memory_space<vmem>>[vector<16xi32>], vector<16xf32>, vector<16xi1>
      %eq3A_300 = arith.constant 14 : i32
      %eq3A_301 = vector.broadcast %eq3A_300 : i32 to vector<16xi32>
      %eq3A_302 = arith.cmpi eq, %iota3A, %eq3A_301 : vector<16xi32>
      %and3A_303 = arith.andi %and3A_235, %eq3A_302 : vector<16xi1>
      tpu.vector_store_idx %arg7[%min3A_243], %broadcast_in_dim3A_1 masked %and3A_303 {add = true} : memref<102400xf32, #tpu.memory_space<vmem>>[vector<16xi32>], vector<16xf32>, vector<16xi1>
      %eq3A_304 = arith.constant 15 : i32
      %eq3A_305 = vector.broadcast %eq3A_304 : i32 to vector<16xi32>
      %eq3A_306 = arith.cmpi eq, %iota3A, %eq3A_305 : vector<16xi32>
      %and3A_307 = arith.andi %and3A_235, %eq3A_306 : vector<16xi1>
      tpu.vector_store_idx %arg7[%min3A_243], %broadcast_in_dim3A_1 masked %and3A_307 {add = true} : memref<102400xf32, #tpu.memory_space<vmem>>[vector<16xi32>], vector<16xf32>, vector<16xi1>
    }
    %scan3A_50 = arith.constant 125 : i32
    %mul3A_51 = arith.constant 10000 : i32
    %mul3A_52 = arith.muli %select_n3A, %mul3A_51 : i32
    %add3A_53 = arith.constant 2000 : i32
    %add3A_54 = arith.addi %mul3A_52, %add3A_53 : i32
    %multiple_of3A_55 = tpu.assume_multiple %add3A_54, 2000 : i32
    "tpu.region"() ({
      %run_scoped3A = tpu.sem_alloc : memref<!tpu.dma_semaphore, #tpu.memory_space<semaphore_mem>>
      %dma_start3A = tpu.memref_slice %arg2[%multiple_of3A_55] : memref<160000xi32, #tpu.memory_space<hbm>> -> memref<2000xi32, #tpu.memory_space<hbm>>
      %dma_start3A_212 = tpu.memref_slice %arg2[%multiple_of3A_55] : memref<160000xi32, #tpu.memory_space<hbm>> -> memref<2000xi32, #tpu.memory_space<hbm>>
      tpu.enqueue_dma source(%dma_start3A_212 : memref<2000xi32, #tpu.memory_space<hbm>>) target(%arg5 : memref<2000xi32, #tpu.memory_space<vmem>>) target_semaphore(%run_scoped3A : memref<!tpu.dma_semaphore, #tpu.memory_space<semaphore_mem>>)
      %dma_wait3A = tpu.memref_slice %arg2[%multiple_of3A_55] : memref<160000xi32, #tpu.memory_space<hbm>> -> memref<2000xi32, #tpu.memory_space<hbm>>
      %dma_wait3A_213 = tpu.memref_slice %arg2[%multiple_of3A_55] : memref<160000xi32, #tpu.memory_space<hbm>> -> memref<2000xi32, #tpu.memory_space<hbm>>
      tpu.wait_dma2 semaphore(%run_scoped3A : memref<!tpu.dma_semaphore, #tpu.memory_space<semaphore_mem>>) src(%dma_wait3A_213 : memref<2000xi32, #tpu.memory_space<hbm>>) dst(%arg5 : memref<2000xi32, #tpu.memory_space<vmem>>)
      tpu.yield
    }) : () -> ()
    "tpu.region"() ({
      %run_scoped3A = tpu.sem_alloc : memref<!tpu.dma_semaphore, #tpu.memory_space<semaphore_mem>>
      %dma_start3A = tpu.memref_slice %arg3[%multiple_of3A_55] : memref<160000xi32, #tpu.memory_space<hbm>> -> memref<2000xi32, #tpu.memory_space<hbm>>
      %dma_start3A_212 = tpu.memref_slice %arg3[%multiple_of3A_55] : memref<160000xi32, #tpu.memory_space<hbm>> -> memref<2000xi32, #tpu.memory_space<hbm>>
      tpu.enqueue_dma source(%dma_start3A_212 : memref<2000xi32, #tpu.memory_space<hbm>>) target(%arg6 : memref<2000xi32, #tpu.memory_space<vmem>>) target_semaphore(%run_scoped3A : memref<!tpu.dma_semaphore, #tpu.memory_space<semaphore_mem>>)
      %dma_wait3A = tpu.memref_slice %arg3[%multiple_of3A_55] : memref<160000xi32, #tpu.memory_space<hbm>> -> memref<2000xi32, #tpu.memory_space<hbm>>
      %dma_wait3A_213 = tpu.memref_slice %arg3[%multiple_of3A_55] : memref<160000xi32, #tpu.memory_space<hbm>> -> memref<2000xi32, #tpu.memory_space<hbm>>
      tpu.wait_dma2 semaphore(%run_scoped3A : memref<!tpu.dma_semaphore, #tpu.memory_space<semaphore_mem>>) src(%dma_wait3A_213 : memref<2000xi32, #tpu.memory_space<hbm>>) dst(%arg6 : memref<2000xi32, #tpu.memory_space<vmem>>)
      tpu.yield
    }) : () -> ()
    %scan3A_56 = arith.constant 0 : i32
    %scan3A_57 = arith.constant 0 : i32
    %scan3A_58 = arith.constant 125 : i32
    %scan3A_59 = arith.addi %scan3A_57, %scan3A_58 : i32
    %scan3A_60 = arith.constant 1 : i32
    scf.for %scan3A_212 = %scan3A_57 to %scan3A_59 step %scan3A_60  : i32 {
      %mul3A_213 = arith.constant 16 : i32
      %mul3A_214 = arith.muli %scan3A_212, %mul3A_213 : i32
      %get3A = arith.index_cast %mul3A_214 : i32 to index
      %get3A_215 = tpu.vector_load %arg5[%get3A] {strides = array<i32>} : memref<2000xi32, #tpu.memory_space<vmem>>, vector<16xi32>,
      %mul3A_216 = arith.constant 16 : i32
      %mul3A_217 = arith.muli %scan3A_212, %mul3A_216 : i32
      %get3A_218 = arith.index_cast %mul3A_217 : i32 to index
      %get3A_219 = tpu.vector_load %arg6[%get3A_218] {strides = array<i32>} : memref<2000xi32, #tpu.memory_space<vmem>>, vector<16xi32>,
      %mul3A_220 = arith.constant 625 : i32
      %mul3A_221 = arith.muli %select_n3A, %mul3A_220 : i32
      %sub3A_222 = vector.broadcast %mul3A_221 : i32 to vector<16xi32>
      %sub3A_223 = arith.subi %get3A_215, %sub3A_222 : vector<16xi32>
      %mul3A_224 = arith.constant 625 : i32
      %mul3A_225 = arith.muli %select_n3A, %mul3A_224 : i32
      %sub3A_226 = vector.broadcast %mul3A_225 : i32 to vector<16xi32>
      %sub3A_227 = arith.subi %get3A_219, %sub3A_226 : vector<16xi32>
      %sub3A_228 = vector.broadcast %mul3A_35 : i32 to vector<16xi32>
      %sub3A_229 = arith.subi %sub3A_227, %sub3A_228 : vector<16xi32>
      %ge3A = arith.constant 0 : i32
      %ge3A_230 = vector.broadcast %ge3A : i32 to vector<16xi32>
      %ge3A_231 = arith.cmpi sge, %sub3A_229, %ge3A_230 : vector<16xi32>
      %lt3A_232 = arith.constant 160 : i32
      %lt3A_233 = vector.broadcast %lt3A_232 : i32 to vector<16xi32>
      %lt3A_234 = arith.cmpi slt, %sub3A_229, %lt3A_233 : vector<16xi32>
      %and3A_235 = arith.andi %ge3A_231, %lt3A_234 : vector<16xi1>
      %mul3A_236 = arith.constant 640 : i32
      %mul3A_237 = vector.broadcast %mul3A_236 : i32 to vector<16xi32>
      %mul3A_238 = arith.muli %sub3A_229, %mul3A_237 : vector<16xi32>
      %add3A_239 = arith.addi %mul3A_238, %sub3A_223 : vector<16xi32>
      %jit3A_240 = arith.constant 0 : i32
      %jit3A_241 = arith.constant 102399 : i32
      %max3A = vector.broadcast %jit3A_240 : i32 to vector<16xi32>
      %max3A_242 = arith.maxsi %max3A, %add3A_239 : vector<16xi32>
      %min3A = vector.broadcast %jit3A_241 : i32 to vector<16xi32>
      %min3A_243 = arith.minsi %min3A, %max3A_242 : vector<16xi32>
      %eq3A_244 = arith.constant 0 : i32
      %eq3A_245 = vector.broadcast %eq3A_244 : i32 to vector<16xi32>
      %eq3A_246 = arith.cmpi eq, %iota3A, %eq3A_245 : vector<16xi32>
      %and3A_247 = arith.andi %and3A_235, %eq3A_246 : vector<16xi1>
      tpu.vector_store_idx %arg7[%min3A_243], %broadcast_in_dim3A_1 masked %and3A_247 {add = true} : memref<102400xf32, #tpu.memory_space<vmem>>[vector<16xi32>], vector<16xf32>, vector<16xi1>
      %eq3A_248 = arith.constant 1 : i32
      %eq3A_249 = vector.broadcast %eq3A_248 : i32 to vector<16xi32>
      %eq3A_250 = arith.cmpi eq, %iota3A, %eq3A_249 : vector<16xi32>
      %and3A_251 = arith.andi %and3A_235, %eq3A_250 : vector<16xi1>
      tpu.vector_store_idx %arg7[%min3A_243], %broadcast_in_dim3A_1 masked %and3A_251 {add = true} : memref<102400xf32, #tpu.memory_space<vmem>>[vector<16xi32>], vector<16xf32>, vector<16xi1>
      %eq3A_252 = arith.constant 2 : i32
      %eq3A_253 = vector.broadcast %eq3A_252 : i32 to vector<16xi32>
      %eq3A_254 = arith.cmpi eq, %iota3A, %eq3A_253 : vector<16xi32>
      %and3A_255 = arith.andi %and3A_235, %eq3A_254 : vector<16xi1>
      tpu.vector_store_idx %arg7[%min3A_243], %broadcast_in_dim3A_1 masked %and3A_255 {add = true} : memref<102400xf32, #tpu.memory_space<vmem>>[vector<16xi32>], vector<16xf32>, vector<16xi1>
      %eq3A_256 = arith.constant 3 : i32
      %eq3A_257 = vector.broadcast %eq3A_256 : i32 to vector<16xi32>
      %eq3A_258 = arith.cmpi eq, %iota3A, %eq3A_257 : vector<16xi32>
      %and3A_259 = arith.andi %and3A_235, %eq3A_258 : vector<16xi1>
      tpu.vector_store_idx %arg7[%min3A_243], %broadcast_in_dim3A_1 masked %and3A_259 {add = true} : memref<102400xf32, #tpu.memory_space<vmem>>[vector<16xi32>], vector<16xf32>, vector<16xi1>
      %eq3A_260 = arith.constant 4 : i32
      %eq3A_261 = vector.broadcast %eq3A_260 : i32 to vector<16xi32>
      %eq3A_262 = arith.cmpi eq, %iota3A, %eq3A_261 : vector<16xi32>
      %and3A_263 = arith.andi %and3A_235, %eq3A_262 : vector<16xi1>
      tpu.vector_store_idx %arg7[%min3A_243], %broadcast_in_dim3A_1 masked %and3A_263 {add = true} : memref<102400xf32, #tpu.memory_space<vmem>>[vector<16xi32>], vector<16xf32>, vector<16xi1>
      %eq3A_264 = arith.constant 5 : i32
      %eq3A_265 = vector.broadcast %eq3A_264 : i32 to vector<16xi32>
      %eq3A_266 = arith.cmpi eq, %iota3A, %eq3A_265 : vector<16xi32>
      %and3A_267 = arith.andi %and3A_235, %eq3A_266 : vector<16xi1>
      tpu.vector_store_idx %arg7[%min3A_243], %broadcast_in_dim3A_1 masked %and3A_267 {add = true} : memref<102400xf32, #tpu.memory_space<vmem>>[vector<16xi32>], vector<16xf32>, vector<16xi1>
      %eq3A_268 = arith.constant 6 : i32
      %eq3A_269 = vector.broadcast %eq3A_268 : i32 to vector<16xi32>
      %eq3A_270 = arith.cmpi eq, %iota3A, %eq3A_269 : vector<16xi32>
      %and3A_271 = arith.andi %and3A_235, %eq3A_270 : vector<16xi1>
      tpu.vector_store_idx %arg7[%min3A_243], %broadcast_in_dim3A_1 masked %and3A_271 {add = true} : memref<102400xf32, #tpu.memory_space<vmem>>[vector<16xi32>], vector<16xf32>, vector<16xi1>
      %eq3A_272 = arith.constant 7 : i32
      %eq3A_273 = vector.broadcast %eq3A_272 : i32 to vector<16xi32>
      %eq3A_274 = arith.cmpi eq, %iota3A, %eq3A_273 : vector<16xi32>
      %and3A_275 = arith.andi %and3A_235, %eq3A_274 : vector<16xi1>
      tpu.vector_store_idx %arg7[%min3A_243], %broadcast_in_dim3A_1 masked %and3A_275 {add = true} : memref<102400xf32, #tpu.memory_space<vmem>>[vector<16xi32>], vector<16xf32>, vector<16xi1>
      %eq3A_276 = arith.constant 8 : i32
      %eq3A_277 = vector.broadcast %eq3A_276 : i32 to vector<16xi32>
      %eq3A_278 = arith.cmpi eq, %iota3A, %eq3A_277 : vector<16xi32>
      %and3A_279 = arith.andi %and3A_235, %eq3A_278 : vector<16xi1>
      tpu.vector_store_idx %arg7[%min3A_243], %broadcast_in_dim3A_1 masked %and3A_279 {add = true} : memref<102400xf32, #tpu.memory_space<vmem>>[vector<16xi32>], vector<16xf32>, vector<16xi1>
      %eq3A_280 = arith.constant 9 : i32
      %eq3A_281 = vector.broadcast %eq3A_280 : i32 to vector<16xi32>
      %eq3A_282 = arith.cmpi eq, %iota3A, %eq3A_281 : vector<16xi32>
      %and3A_283 = arith.andi %and3A_235, %eq3A_282 : vector<16xi1>
      tpu.vector_store_idx %arg7[%min3A_243], %broadcast_in_dim3A_1 masked %and3A_283 {add = true} : memref<102400xf32, #tpu.memory_space<vmem>>[vector<16xi32>], vector<16xf32>, vector<16xi1>
      %eq3A_284 = arith.constant 10 : i32
      %eq3A_285 = vector.broadcast %eq3A_284 : i32 to vector<16xi32>
      %eq3A_286 = arith.cmpi eq, %iota3A, %eq3A_285 : vector<16xi32>
      %and3A_287 = arith.andi %and3A_235, %eq3A_286 : vector<16xi1>
      tpu.vector_store_idx %arg7[%min3A_243], %broadcast_in_dim3A_1 masked %and3A_287 {add = true} : memref<102400xf32, #tpu.memory_space<vmem>>[vector<16xi32>], vector<16xf32>, vector<16xi1>
      %eq3A_288 = arith.constant 11 : i32
      %eq3A_289 = vector.broadcast %eq3A_288 : i32 to vector<16xi32>
      %eq3A_290 = arith.cmpi eq, %iota3A, %eq3A_289 : vector<16xi32>
      %and3A_291 = arith.andi %and3A_235, %eq3A_290 : vector<16xi1>
      tpu.vector_store_idx %arg7[%min3A_243], %broadcast_in_dim3A_1 masked %and3A_291 {add = true} : memref<102400xf32, #tpu.memory_space<vmem>>[vector<16xi32>], vector<16xf32>, vector<16xi1>
      %eq3A_292 = arith.constant 12 : i32
      %eq3A_293 = vector.broadcast %eq3A_292 : i32 to vector<16xi32>
      %eq3A_294 = arith.cmpi eq, %iota3A, %eq3A_293 : vector<16xi32>
      %and3A_295 = arith.andi %and3A_235, %eq3A_294 : vector<16xi1>
      tpu.vector_store_idx %arg7[%min3A_243], %broadcast_in_dim3A_1 masked %and3A_295 {add = true} : memref<102400xf32, #tpu.memory_space<vmem>>[vector<16xi32>], vector<16xf32>, vector<16xi1>
      %eq3A_296 = arith.constant 13 : i32
      %eq3A_297 = vector.broadcast %eq3A_296 : i32 to vector<16xi32>
      %eq3A_298 = arith.cmpi eq, %iota3A, %eq3A_297 : vector<16xi32>
      %and3A_299 = arith.andi %and3A_235, %eq3A_298 : vector<16xi1>
      tpu.vector_store_idx %arg7[%min3A_243], %broadcast_in_dim3A_1 masked %and3A_299 {add = true} : memref<102400xf32, #tpu.memory_space<vmem>>[vector<16xi32>], vector<16xf32>, vector<16xi1>
      %eq3A_300 = arith.constant 14 : i32
      %eq3A_301 = vector.broadcast %eq3A_300 : i32 to vector<16xi32>
      %eq3A_302 = arith.cmpi eq, %iota3A, %eq3A_301 : vector<16xi32>
      %and3A_303 = arith.andi %and3A_235, %eq3A_302 : vector<16xi1>
      tpu.vector_store_idx %arg7[%min3A_243], %broadcast_in_dim3A_1 masked %and3A_303 {add = true} : memref<102400xf32, #tpu.memory_space<vmem>>[vector<16xi32>], vector<16xf32>, vector<16xi1>
      %eq3A_304 = arith.constant 15 : i32
      %eq3A_305 = vector.broadcast %eq3A_304 : i32 to vector<16xi32>
      %eq3A_306 = arith.cmpi eq, %iota3A, %eq3A_305 : vector<16xi32>
      %and3A_307 = arith.andi %and3A_235, %eq3A_306 : vector<16xi1>
      tpu.vector_store_idx %arg7[%min3A_243], %broadcast_in_dim3A_1 masked %and3A_307 {add = true} : memref<102400xf32, #tpu.memory_space<vmem>>[vector<16xi32>], vector<16xf32>, vector<16xi1>
    }
    %scan3A_61 = arith.constant 125 : i32
    %mul3A_62 = arith.constant 10000 : i32
    %mul3A_63 = arith.muli %select_n3A, %mul3A_62 : i32
    %add3A_64 = arith.constant 4000 : i32
    %add3A_65 = arith.addi %mul3A_63, %add3A_64 : i32
    %multiple_of3A_66 = tpu.assume_multiple %add3A_65, 2000 : i32
    "tpu.region"() ({
      %run_scoped3A = tpu.sem_alloc : memref<!tpu.dma_semaphore, #tpu.memory_space<semaphore_mem>>
      %dma_start3A = tpu.memref_slice %arg2[%multiple_of3A_66] : memref<160000xi32, #tpu.memory_space<hbm>> -> memref<2000xi32, #tpu.memory_space<hbm>>
      %dma_start3A_212 = tpu.memref_slice %arg2[%multiple_of3A_66] : memref<160000xi32, #tpu.memory_space<hbm>> -> memref<2000xi32, #tpu.memory_space<hbm>>
      tpu.enqueue_dma source(%dma_start3A_212 : memref<2000xi32, #tpu.memory_space<hbm>>) target(%arg5 : memref<2000xi32, #tpu.memory_space<vmem>>) target_semaphore(%run_scoped3A : memref<!tpu.dma_semaphore, #tpu.memory_space<semaphore_mem>>)
      %dma_wait3A = tpu.memref_slice %arg2[%multiple_of3A_66] : memref<160000xi32, #tpu.memory_space<hbm>> -> memref<2000xi32, #tpu.memory_space<hbm>>
      %dma_wait3A_213 = tpu.memref_slice %arg2[%multiple_of3A_66] : memref<160000xi32, #tpu.memory_space<hbm>> -> memref<2000xi32, #tpu.memory_space<hbm>>
      tpu.wait_dma2 semaphore(%run_scoped3A : memref<!tpu.dma_semaphore, #tpu.memory_space<semaphore_mem>>) src(%dma_wait3A_213 : memref<2000xi32, #tpu.memory_space<hbm>>) dst(%arg5 : memref<2000xi32, #tpu.memory_space<vmem>>)
      tpu.yield
    }) : () -> ()
    "tpu.region"() ({
      %run_scoped3A = tpu.sem_alloc : memref<!tpu.dma_semaphore, #tpu.memory_space<semaphore_mem>>
      %dma_start3A = tpu.memref_slice %arg3[%multiple_of3A_66] : memref<160000xi32, #tpu.memory_space<hbm>> -> memref<2000xi32, #tpu.memory_space<hbm>>
      %dma_start3A_212 = tpu.memref_slice %arg3[%multiple_of3A_66] : memref<160000xi32, #tpu.memory_space<hbm>> -> memref<2000xi32, #tpu.memory_space<hbm>>
      tpu.enqueue_dma source(%dma_start3A_212 : memref<2000xi32, #tpu.memory_space<hbm>>) target(%arg6 : memref<2000xi32, #tpu.memory_space<vmem>>) target_semaphore(%run_scoped3A : memref<!tpu.dma_semaphore, #tpu.memory_space<semaphore_mem>>)
      %dma_wait3A = tpu.memref_slice %arg3[%multiple_of3A_66] : memref<160000xi32, #tpu.memory_space<hbm>> -> memref<2000xi32, #tpu.memory_space<hbm>>
      %dma_wait3A_213 = tpu.memref_slice %arg3[%multiple_of3A_66] : memref<160000xi32, #tpu.memory_space<hbm>> -> memref<2000xi32, #tpu.memory_space<hbm>>
      tpu.wait_dma2 semaphore(%run_scoped3A : memref<!tpu.dma_semaphore, #tpu.memory_space<semaphore_mem>>) src(%dma_wait3A_213 : memref<2000xi32, #tpu.memory_space<hbm>>) dst(%arg6 : memref<2000xi32, #tpu.memory_space<vmem>>)
      tpu.yield
    }) : () -> ()
    %scan3A_67 = arith.constant 0 : i32
    %scan3A_68 = arith.constant 0 : i32
    %scan3A_69 = arith.constant 125 : i32
    %scan3A_70 = arith.addi %scan3A_68, %scan3A_69 : i32
    %scan3A_71 = arith.constant 1 : i32
    scf.for %scan3A_212 = %scan3A_68 to %scan3A_70 step %scan3A_71  : i32 {
      %mul3A_213 = arith.constant 16 : i32
      %mul3A_214 = arith.muli %scan3A_212, %mul3A_213 : i32
      %get3A = arith.index_cast %mul3A_214 : i32 to index
      %get3A_215 = tpu.vector_load %arg5[%get3A] {strides = array<i32>} : memref<2000xi32, #tpu.memory_space<vmem>>, vector<16xi32>,
      %mul3A_216 = arith.constant 16 : i32
      %mul3A_217 = arith.muli %scan3A_212, %mul3A_216 : i32
      %get3A_218 = arith.index_cast %mul3A_217 : i32 to index
      %get3A_219 = tpu.vector_load %arg6[%get3A_218] {strides = array<i32>} : memref<2000xi32, #tpu.memory_space<vmem>>, vector<16xi32>,
      %mul3A_220 = arith.constant 625 : i32
      %mul3A_221 = arith.muli %select_n3A, %mul3A_220 : i32
      %sub3A_222 = vector.broadcast %mul3A_221 : i32 to vector<16xi32>
      %sub3A_223 = arith.subi %get3A_215, %sub3A_222 : vector<16xi32>
      %mul3A_224 = arith.constant 625 : i32
      %mul3A_225 = arith.muli %select_n3A, %mul3A_224 : i32
      %sub3A_226 = vector.broadcast %mul3A_225 : i32 to vector<16xi32>
      %sub3A_227 = arith.subi %get3A_219, %sub3A_226 : vector<16xi32>
      %sub3A_228 = vector.broadcast %mul3A_35 : i32 to vector<16xi32>
      %sub3A_229 = arith.subi %sub3A_227, %sub3A_228 : vector<16xi32>
      %ge3A = arith.constant 0 : i32
      %ge3A_230 = vector.broadcast %ge3A : i32 to vector<16xi32>
      %ge3A_231 = arith.cmpi sge, %sub3A_229, %ge3A_230 : vector<16xi32>
      %lt3A_232 = arith.constant 160 : i32
      %lt3A_233 = vector.broadcast %lt3A_232 : i32 to vector<16xi32>
      %lt3A_234 = arith.cmpi slt, %sub3A_229, %lt3A_233 : vector<16xi32>
      %and3A_235 = arith.andi %ge3A_231, %lt3A_234 : vector<16xi1>
      %mul3A_236 = arith.constant 640 : i32
      %mul3A_237 = vector.broadcast %mul3A_236 : i32 to vector<16xi32>
      %mul3A_238 = arith.muli %sub3A_229, %mul3A_237 : vector<16xi32>
      %add3A_239 = arith.addi %mul3A_238, %sub3A_223 : vector<16xi32>
      %jit3A_240 = arith.constant 0 : i32
      %jit3A_241 = arith.constant 102399 : i32
      %max3A = vector.broadcast %jit3A_240 : i32 to vector<16xi32>
      %max3A_242 = arith.maxsi %max3A, %add3A_239 : vector<16xi32>
      %min3A = vector.broadcast %jit3A_241 : i32 to vector<16xi32>
      %min3A_243 = arith.minsi %min3A, %max3A_242 : vector<16xi32>
      %eq3A_244 = arith.constant 0 : i32
      %eq3A_245 = vector.broadcast %eq3A_244 : i32 to vector<16xi32>
      %eq3A_246 = arith.cmpi eq, %iota3A, %eq3A_245 : vector<16xi32>
      %and3A_247 = arith.andi %and3A_235, %eq3A_246 : vector<16xi1>
      tpu.vector_store_idx %arg7[%min3A_243], %broadcast_in_dim3A_1 masked %and3A_247 {add = true} : memref<102400xf32, #tpu.memory_space<vmem>>[vector<16xi32>], vector<16xf32>, vector<16xi1>
      %eq3A_248 = arith.constant 1 : i32
      %eq3A_249 = vector.broadcast %eq3A_248 : i32 to vector<16xi32>
      %eq3A_250 = arith.cmpi eq, %iota3A, %eq3A_249 : vector<16xi32>
      %and3A_251 = arith.andi %and3A_235, %eq3A_250 : vector<16xi1>
      tpu.vector_store_idx %arg7[%min3A_243], %broadcast_in_dim3A_1 masked %and3A_251 {add = true} : memref<102400xf32, #tpu.memory_space<vmem>>[vector<16xi32>], vector<16xf32>, vector<16xi1>
      %eq3A_252 = arith.constant 2 : i32
      %eq3A_253 = vector.broadcast %eq3A_252 : i32 to vector<16xi32>
      %eq3A_254 = arith.cmpi eq, %iota3A, %eq3A_253 : vector<16xi32>
      %and3A_255 = arith.andi %and3A_235, %eq3A_254 : vector<16xi1>
      tpu.vector_store_idx %arg7[%min3A_243], %broadcast_in_dim3A_1 masked %and3A_255 {add = true} : memref<102400xf32, #tpu.memory_space<vmem>>[vector<16xi32>], vector<16xf32>, vector<16xi1>
      %eq3A_256 = arith.constant 3 : i32
      %eq3A_257 = vector.broadcast %eq3A_256 : i32 to vector<16xi32>
      %eq3A_258 = arith.cmpi eq, %iota3A, %eq3A_257 : vector<16xi32>
      %and3A_259 = arith.andi %and3A_235, %eq3A_258 : vector<16xi1>
      tpu.vector_store_idx %arg7[%min3A_243], %broadcast_in_dim3A_1 masked %and3A_259 {add = true} : memref<102400xf32, #tpu.memory_space<vmem>>[vector<16xi32>], vector<16xf32>, vector<16xi1>
      %eq3A_260 = arith.constant 4 : i32
      %eq3A_261 = vector.broadcast %eq3A_260 : i32 to vector<16xi32>
      %eq3A_262 = arith.cmpi eq, %iota3A, %eq3A_261 : vector<16xi32>
      %and3A_263 = arith.andi %and3A_235, %eq3A_262 : vector<16xi1>
      tpu.vector_store_idx %arg7[%min3A_243], %broadcast_in_dim3A_1 masked %and3A_263 {add = true} : memref<102400xf32, #tpu.memory_space<vmem>>[vector<16xi32>], vector<16xf32>, vector<16xi1>
      %eq3A_264 = arith.constant 5 : i32
      %eq3A_265 = vector.broadcast %eq3A_264 : i32 to vector<16xi32>
      %eq3A_266 = arith.cmpi eq, %iota3A, %eq3A_265 : vector<16xi32>
      %and3A_267 = arith.andi %and3A_235, %eq3A_266 : vector<16xi1>
      tpu.vector_store_idx %arg7[%min3A_243], %broadcast_in_dim3A_1 masked %and3A_267 {add = true} : memref<102400xf32, #tpu.memory_space<vmem>>[vector<16xi32>], vector<16xf32>, vector<16xi1>
      %eq3A_268 = arith.constant 6 : i32
      %eq3A_269 = vector.broadcast %eq3A_268 : i32 to vector<16xi32>
      %eq3A_270 = arith.cmpi eq, %iota3A, %eq3A_269 : vector<16xi32>
      %and3A_271 = arith.andi %and3A_235, %eq3A_270 : vector<16xi1>
      tpu.vector_store_idx %arg7[%min3A_243], %broadcast_in_dim3A_1 masked %and3A_271 {add = true} : memref<102400xf32, #tpu.memory_space<vmem>>[vector<16xi32>], vector<16xf32>, vector<16xi1>
      %eq3A_272 = arith.constant 7 : i32
      %eq3A_273 = vector.broadcast %eq3A_272 : i32 to vector<16xi32>
      %eq3A_274 = arith.cmpi eq, %iota3A, %eq3A_273 : vector<16xi32>
      %and3A_275 = arith.andi %and3A_235, %eq3A_274 : vector<16xi1>
      tpu.vector_store_idx %arg7[%min3A_243], %broadcast_in_dim3A_1 masked %and3A_275 {add = true} : memref<102400xf32, #tpu.memory_space<vmem>>[vector<16xi32>], vector<16xf32>, vector<16xi1>
      %eq3A_276 = arith.constant 8 : i32
      %eq3A_277 = vector.broadcast %eq3A_276 : i32 to vector<16xi32>
      %eq3A_278 = arith.cmpi eq, %iota3A, %eq3A_277 : vector<16xi32>
      %and3A_279 = arith.andi %and3A_235, %eq3A_278 : vector<16xi1>
      tpu.vector_store_idx %arg7[%min3A_243], %broadcast_in_dim3A_1 masked %and3A_279 {add = true} : memref<102400xf32, #tpu.memory_space<vmem>>[vector<16xi32>], vector<16xf32>, vector<16xi1>
      %eq3A_280 = arith.constant 9 : i32
      %eq3A_281 = vector.broadcast %eq3A_280 : i32 to vector<16xi32>
      %eq3A_282 = arith.cmpi eq, %iota3A, %eq3A_281 : vector<16xi32>
      %and3A_283 = arith.andi %and3A_235, %eq3A_282 : vector<16xi1>
      tpu.vector_store_idx %arg7[%min3A_243], %broadcast_in_dim3A_1 masked %and3A_283 {add = true} : memref<102400xf32, #tpu.memory_space<vmem>>[vector<16xi32>], vector<16xf32>, vector<16xi1>
      %eq3A_284 = arith.constant 10 : i32
      %eq3A_285 = vector.broadcast %eq3A_284 : i32 to vector<16xi32>
      %eq3A_286 = arith.cmpi eq, %iota3A, %eq3A_285 : vector<16xi32>
      %and3A_287 = arith.andi %and3A_235, %eq3A_286 : vector<16xi1>
      tpu.vector_store_idx %arg7[%min3A_243], %broadcast_in_dim3A_1 masked %and3A_287 {add = true} : memref<102400xf32, #tpu.memory_space<vmem>>[vector<16xi32>], vector<16xf32>, vector<16xi1>
      %eq3A_288 = arith.constant 11 : i32
      %eq3A_289 = vector.broadcast %eq3A_288 : i32 to vector<16xi32>
      %eq3A_290 = arith.cmpi eq, %iota3A, %eq3A_289 : vector<16xi32>
      %and3A_291 = arith.andi %and3A_235, %eq3A_290 : vector<16xi1>
      tpu.vector_store_idx %arg7[%min3A_243], %broadcast_in_dim3A_1 masked %and3A_291 {add = true} : memref<102400xf32, #tpu.memory_space<vmem>>[vector<16xi32>], vector<16xf32>, vector<16xi1>
      %eq3A_292 = arith.constant 12 : i32
      %eq3A_293 = vector.broadcast %eq3A_292 : i32 to vector<16xi32>
      %eq3A_294 = arith.cmpi eq, %iota3A, %eq3A_293 : vector<16xi32>
      %and3A_295 = arith.andi %and3A_235, %eq3A_294 : vector<16xi1>
      tpu.vector_store_idx %arg7[%min3A_243], %broadcast_in_dim3A_1 masked %and3A_295 {add = true} : memref<102400xf32, #tpu.memory_space<vmem>>[vector<16xi32>], vector<16xf32>, vector<16xi1>
      %eq3A_296 = arith.constant 13 : i32
      %eq3A_297 = vector.broadcast %eq3A_296 : i32 to vector<16xi32>
      %eq3A_298 = arith.cmpi eq, %iota3A, %eq3A_297 : vector<16xi32>
      %and3A_299 = arith.andi %and3A_235, %eq3A_298 : vector<16xi1>
      tpu.vector_store_idx %arg7[%min3A_243], %broadcast_in_dim3A_1 masked %and3A_299 {add = true} : memref<102400xf32, #tpu.memory_space<vmem>>[vector<16xi32>], vector<16xf32>, vector<16xi1>
      %eq3A_300 = arith.constant 14 : i32
      %eq3A_301 = vector.broadcast %eq3A_300 : i32 to vector<16xi32>
      %eq3A_302 = arith.cmpi eq, %iota3A, %eq3A_301 : vector<16xi32>
      %and3A_303 = arith.andi %and3A_235, %eq3A_302 : vector<16xi1>
      tpu.vector_store_idx %arg7[%min3A_243], %broadcast_in_dim3A_1 masked %and3A_303 {add = true} : memref<102400xf32, #tpu.memory_space<vmem>>[vector<16xi32>], vector<16xf32>, vector<16xi1>
      %eq3A_304 = arith.constant 15 : i32
      %eq3A_305 = vector.broadcast %eq3A_304 : i32 to vector<16xi32>
      %eq3A_306 = arith.cmpi eq, %iota3A, %eq3A_305 : vector<16xi32>
      %and3A_307 = arith.andi %and3A_235, %eq3A_306 : vector<16xi1>
      tpu.vector_store_idx %arg7[%min3A_243], %broadcast_in_dim3A_1 masked %and3A_307 {add = true} : memref<102400xf32, #tpu.memory_space<vmem>>[vector<16xi32>], vector<16xf32>, vector<16xi1>
    }
    %scan3A_72 = arith.constant 125 : i32
    %mul3A_73 = arith.constant 10000 : i32
    %mul3A_74 = arith.muli %select_n3A, %mul3A_73 : i32
    %add3A_75 = arith.constant 6000 : i32
    %add3A_76 = arith.addi %mul3A_74, %add3A_75 : i32
    %multiple_of3A_77 = tpu.assume_multiple %add3A_76, 2000 : i32
    "tpu.region"() ({
      %run_scoped3A = tpu.sem_alloc : memref<!tpu.dma_semaphore, #tpu.memory_space<semaphore_mem>>
      %dma_start3A = tpu.memref_slice %arg2[%multiple_of3A_77] : memref<160000xi32, #tpu.memory_space<hbm>> -> memref<2000xi32, #tpu.memory_space<hbm>>
      %dma_start3A_212 = tpu.memref_slice %arg2[%multiple_of3A_77] : memref<160000xi32, #tpu.memory_space<hbm>> -> memref<2000xi32, #tpu.memory_space<hbm>>
      tpu.enqueue_dma source(%dma_start3A_212 : memref<2000xi32, #tpu.memory_space<hbm>>) target(%arg5 : memref<2000xi32, #tpu.memory_space<vmem>>) target_semaphore(%run_scoped3A : memref<!tpu.dma_semaphore, #tpu.memory_space<semaphore_mem>>)
      %dma_wait3A = tpu.memref_slice %arg2[%multiple_of3A_77] : memref<160000xi32, #tpu.memory_space<hbm>> -> memref<2000xi32, #tpu.memory_space<hbm>>
      %dma_wait3A_213 = tpu.memref_slice %arg2[%multiple_of3A_77] : memref<160000xi32, #tpu.memory_space<hbm>> -> memref<2000xi32, #tpu.memory_space<hbm>>
      tpu.wait_dma2 semaphore(%run_scoped3A : memref<!tpu.dma_semaphore, #tpu.memory_space<semaphore_mem>>) src(%dma_wait3A_213 : memref<2000xi32, #tpu.memory_space<hbm>>) dst(%arg5 : memref<2000xi32, #tpu.memory_space<vmem>>)
      tpu.yield
    }) : () -> ()
    "tpu.region"() ({
      %run_scoped3A = tpu.sem_alloc : memref<!tpu.dma_semaphore, #tpu.memory_space<semaphore_mem>>
      %dma_start3A = tpu.memref_slice %arg3[%multiple_of3A_77] : memref<160000xi32, #tpu.memory_space<hbm>> -> memref<2000xi32, #tpu.memory_space<hbm>>
      %dma_start3A_212 = tpu.memref_slice %arg3[%multiple_of3A_77] : memref<160000xi32, #tpu.memory_space<hbm>> -> memref<2000xi32, #tpu.memory_space<hbm>>
      tpu.enqueue_dma source(%dma_start3A_212 : memref<2000xi32, #tpu.memory_space<hbm>>) target(%arg6 : memref<2000xi32, #tpu.memory_space<vmem>>) target_semaphore(%run_scoped3A : memref<!tpu.dma_semaphore, #tpu.memory_space<semaphore_mem>>)
      %dma_wait3A = tpu.memref_slice %arg3[%multiple_of3A_77] : memref<160000xi32, #tpu.memory_space<hbm>> -> memref<2000xi32, #tpu.memory_space<hbm>>
      %dma_wait3A_213 = tpu.memref_slice %arg3[%multiple_of3A_77] : memref<160000xi32, #tpu.memory_space<hbm>> -> memref<2000xi32, #tpu.memory_space<hbm>>
      tpu.wait_dma2 semaphore(%run_scoped3A : memref<!tpu.dma_semaphore, #tpu.memory_space<semaphore_mem>>) src(%dma_wait3A_213 : memref<2000xi32, #tpu.memory_space<hbm>>) dst(%arg6 : memref<2000xi32, #tpu.memory_space<vmem>>)
      tpu.yield
    }) : () -> ()
    %scan3A_78 = arith.constant 0 : i32
    %scan3A_79 = arith.constant 0 : i32
    %scan3A_80 = arith.constant 125 : i32
    %scan3A_81 = arith.addi %scan3A_79, %scan3A_80 : i32
    %scan3A_82 = arith.constant 1 : i32
    scf.for %scan3A_212 = %scan3A_79 to %scan3A_81 step %scan3A_82  : i32 {
      %mul3A_213 = arith.constant 16 : i32
      %mul3A_214 = arith.muli %scan3A_212, %mul3A_213 : i32
      %get3A = arith.index_cast %mul3A_214 : i32 to index
      %get3A_215 = tpu.vector_load %arg5[%get3A] {strides = array<i32>} : memref<2000xi32, #tpu.memory_space<vmem>>, vector<16xi32>,
      %mul3A_216 = arith.constant 16 : i32
      %mul3A_217 = arith.muli %scan3A_212, %mul3A_216 : i32
      %get3A_218 = arith.index_cast %mul3A_217 : i32 to index
      %get3A_219 = tpu.vector_load %arg6[%get3A_218] {strides = array<i32>} : memref<2000xi32, #tpu.memory_space<vmem>>, vector<16xi32>,
      %mul3A_220 = arith.constant 625 : i32
      %mul3A_221 = arith.muli %select_n3A, %mul3A_220 : i32
      %sub3A_222 = vector.broadcast %mul3A_221 : i32 to vector<16xi32>
      %sub3A_223 = arith.subi %get3A_215, %sub3A_222 : vector<16xi32>
      %mul3A_224 = arith.constant 625 : i32
      %mul3A_225 = arith.muli %select_n3A, %mul3A_224 : i32
      %sub3A_226 = vector.broadcast %mul3A_225 : i32 to vector<16xi32>
      %sub3A_227 = arith.subi %get3A_219, %sub3A_226 : vector<16xi32>
      %sub3A_228 = vector.broadcast %mul3A_35 : i32 to vector<16xi32>
      %sub3A_229 = arith.subi %sub3A_227, %sub3A_228 : vector<16xi32>
      %ge3A = arith.constant 0 : i32
      %ge3A_230 = vector.broadcast %ge3A : i32 to vector<16xi32>
      %ge3A_231 = arith.cmpi sge, %sub3A_229, %ge3A_230 : vector<16xi32>
      %lt3A_232 = arith.constant 160 : i32
      %lt3A_233 = vector.broadcast %lt3A_232 : i32 to vector<16xi32>
      %lt3A_234 = arith.cmpi slt, %sub3A_229, %lt3A_233 : vector<16xi32>
      %and3A_235 = arith.andi %ge3A_231, %lt3A_234 : vector<16xi1>
      %mul3A_236 = arith.constant 640 : i32
      %mul3A_237 = vector.broadcast %mul3A_236 : i32 to vector<16xi32>
      %mul3A_238 = arith.muli %sub3A_229, %mul3A_237 : vector<16xi32>
      %add3A_239 = arith.addi %mul3A_238, %sub3A_223 : vector<16xi32>
      %jit3A_240 = arith.constant 0 : i32
      %jit3A_241 = arith.constant 102399 : i32
      %max3A = vector.broadcast %jit3A_240 : i32 to vector<16xi32>
      %max3A_242 = arith.maxsi %max3A, %add3A_239 : vector<16xi32>
      %min3A = vector.broadcast %jit3A_241 : i32 to vector<16xi32>
      %min3A_243 = arith.minsi %min3A, %max3A_242 : vector<16xi32>
      %eq3A_244 = arith.constant 0 : i32
      %eq3A_245 = vector.broadcast %eq3A_244 : i32 to vector<16xi32>
      %eq3A_246 = arith.cmpi eq, %iota3A, %eq3A_245 : vector<16xi32>
      %and3A_247 = arith.andi %and3A_235, %eq3A_246 : vector<16xi1>
      tpu.vector_store_idx %arg7[%min3A_243], %broadcast_in_dim3A_1 masked %and3A_247 {add = true} : memref<102400xf32, #tpu.memory_space<vmem>>[vector<16xi32>], vector<16xf32>, vector<16xi1>
      %eq3A_248 = arith.constant 1 : i32
      %eq3A_249 = vector.broadcast %eq3A_248 : i32 to vector<16xi32>
      %eq3A_250 = arith.cmpi eq, %iota3A, %eq3A_249 : vector<16xi32>
      %and3A_251 = arith.andi %and3A_235, %eq3A_250 : vector<16xi1>
      tpu.vector_store_idx %arg7[%min3A_243], %broadcast_in_dim3A_1 masked %and3A_251 {add = true} : memref<102400xf32, #tpu.memory_space<vmem>>[vector<16xi32>], vector<16xf32>, vector<16xi1>
      %eq3A_252 = arith.constant 2 : i32
      %eq3A_253 = vector.broadcast %eq3A_252 : i32 to vector<16xi32>
      %eq3A_254 = arith.cmpi eq, %iota3A, %eq3A_253 : vector<16xi32>
      %and3A_255 = arith.andi %and3A_235, %eq3A_254 : vector<16xi1>
      tpu.vector_store_idx %arg7[%min3A_243], %broadcast_in_dim3A_1 masked %and3A_255 {add = true} : memref<102400xf32, #tpu.memory_space<vmem>>[vector<16xi32>], vector<16xf32>, vector<16xi1>
      %eq3A_256 = arith.constant 3 : i32
      %eq3A_257 = vector.broadcast %eq3A_256 : i32 to vector<16xi32>
      %eq3A_258 = arith.cmpi eq, %iota3A, %eq3A_257 : vector<16xi32>
      %and3A_259 = arith.andi %and3A_235, %eq3A_258 : vector<16xi1>
      tpu.vector_store_idx %arg7[%min3A_243], %broadcast_in_dim3A_1 masked %and3A_259 {add = true} : memref<102400xf32, #tpu.memory_space<vmem>>[vector<16xi32>], vector<16xf32>, vector<16xi1>
      %eq3A_260 = arith.constant 4 : i32
      %eq3A_261 = vector.broadcast %eq3A_260 : i32 to vector<16xi32>
      %eq3A_262 = arith.cmpi eq, %iota3A, %eq3A_261 : vector<16xi32>
      %and3A_263 = arith.andi %and3A_235, %eq3A_262 : vector<16xi1>
      tpu.vector_store_idx %arg7[%min3A_243], %broadcast_in_dim3A_1 masked %and3A_263 {add = true} : memref<102400xf32, #tpu.memory_space<vmem>>[vector<16xi32>], vector<16xf32>, vector<16xi1>
      %eq3A_264 = arith.constant 5 : i32
      %eq3A_265 = vector.broadcast %eq3A_264 : i32 to vector<16xi32>
      %eq3A_266 = arith.cmpi eq, %iota3A, %eq3A_265 : vector<16xi32>
      %and3A_267 = arith.andi %and3A_235, %eq3A_266 : vector<16xi1>
      tpu.vector_store_idx %arg7[%min3A_243], %broadcast_in_dim3A_1 masked %and3A_267 {add = true} : memref<102400xf32, #tpu.memory_space<vmem>>[vector<16xi32>], vector<16xf32>, vector<16xi1>
      %eq3A_268 = arith.constant 6 : i32
      %eq3A_269 = vector.broadcast %eq3A_268 : i32 to vector<16xi32>
      %eq3A_270 = arith.cmpi eq, %iota3A, %eq3A_269 : vector<16xi32>
      %and3A_271 = arith.andi %and3A_235, %eq3A_270 : vector<16xi1>
      tpu.vector_store_idx %arg7[%min3A_243], %broadcast_in_dim3A_1 masked %and3A_271 {add = true} : memref<102400xf32, #tpu.memory_space<vmem>>[vector<16xi32>], vector<16xf32>, vector<16xi1>
      %eq3A_272 = arith.constant 7 : i32
      %eq3A_273 = vector.broadcast %eq3A_272 : i32 to vector<16xi32>
      %eq3A_274 = arith.cmpi eq, %iota3A, %eq3A_273 : vector<16xi32>
      %and3A_275 = arith.andi %and3A_235, %eq3A_274 : vector<16xi1>
      tpu.vector_store_idx %arg7[%min3A_243], %broadcast_in_dim3A_1 masked %and3A_275 {add = true} : memref<102400xf32, #tpu.memory_space<vmem>>[vector<16xi32>], vector<16xf32>, vector<16xi1>
      %eq3A_276 = arith.constant 8 : i32
      %eq3A_277 = vector.broadcast %eq3A_276 : i32 to vector<16xi32>
      %eq3A_278 = arith.cmpi eq, %iota3A, %eq3A_277 : vector<16xi32>
      %and3A_279 = arith.andi %and3A_235, %eq3A_278 : vector<16xi1>
      tpu.vector_store_idx %arg7[%min3A_243], %broadcast_in_dim3A_1 masked %and3A_279 {add = true} : memref<102400xf32, #tpu.memory_space<vmem>>[vector<16xi32>], vector<16xf32>, vector<16xi1>
      %eq3A_280 = arith.constant 9 : i32
      %eq3A_281 = vector.broadcast %eq3A_280 : i32 to vector<16xi32>
      %eq3A_282 = arith.cmpi eq, %iota3A, %eq3A_281 : vector<16xi32>
      %and3A_283 = arith.andi %and3A_235, %eq3A_282 : vector<16xi1>
      tpu.vector_store_idx %arg7[%min3A_243], %broadcast_in_dim3A_1 masked %and3A_283 {add = true} : memref<102400xf32, #tpu.memory_space<vmem>>[vector<16xi32>], vector<16xf32>, vector<16xi1>
      %eq3A_284 = arith.constant 10 : i32
      %eq3A_285 = vector.broadcast %eq3A_284 : i32 to vector<16xi32>
      %eq3A_286 = arith.cmpi eq, %iota3A, %eq3A_285 : vector<16xi32>
      %and3A_287 = arith.andi %and3A_235, %eq3A_286 : vector<16xi1>
      tpu.vector_store_idx %arg7[%min3A_243], %broadcast_in_dim3A_1 masked %and3A_287 {add = true} : memref<102400xf32, #tpu.memory_space<vmem>>[vector<16xi32>], vector<16xf32>, vector<16xi1>
      %eq3A_288 = arith.constant 11 : i32
      %eq3A_289 = vector.broadcast %eq3A_288 : i32 to vector<16xi32>
      %eq3A_290 = arith.cmpi eq, %iota3A, %eq3A_289 : vector<16xi32>
      %and3A_291 = arith.andi %and3A_235, %eq3A_290 : vector<16xi1>
      tpu.vector_store_idx %arg7[%min3A_243], %broadcast_in_dim3A_1 masked %and3A_291 {add = true} : memref<102400xf32, #tpu.memory_space<vmem>>[vector<16xi32>], vector<16xf32>, vector<16xi1>
      %eq3A_292 = arith.constant 12 : i32
      %eq3A_293 = vector.broadcast %eq3A_292 : i32 to vector<16xi32>
      %eq3A_294 = arith.cmpi eq, %iota3A, %eq3A_293 : vector<16xi32>
      %and3A_295 = arith.andi %and3A_235, %eq3A_294 : vector<16xi1>
      tpu.vector_store_idx %arg7[%min3A_243], %broadcast_in_dim3A_1 masked %and3A_295 {add = true} : memref<102400xf32, #tpu.memory_space<vmem>>[vector<16xi32>], vector<16xf32>, vector<16xi1>
      %eq3A_296 = arith.constant 13 : i32
      %eq3A_297 = vector.broadcast %eq3A_296 : i32 to vector<16xi32>
      %eq3A_298 = arith.cmpi eq, %iota3A, %eq3A_297 : vector<16xi32>
      %and3A_299 = arith.andi %and3A_235, %eq3A_298 : vector<16xi1>
      tpu.vector_store_idx %arg7[%min3A_243], %broadcast_in_dim3A_1 masked %and3A_299 {add = true} : memref<102400xf32, #tpu.memory_space<vmem>>[vector<16xi32>], vector<16xf32>, vector<16xi1>
      %eq3A_300 = arith.constant 14 : i32
      %eq3A_301 = vector.broadcast %eq3A_300 : i32 to vector<16xi32>
      %eq3A_302 = arith.cmpi eq, %iota3A, %eq3A_301 : vector<16xi32>
      %and3A_303 = arith.andi %and3A_235, %eq3A_302 : vector<16xi1>
      tpu.vector_store_idx %arg7[%min3A_243], %broadcast_in_dim3A_1 masked %and3A_303 {add = true} : memref<102400xf32, #tpu.memory_space<vmem>>[vector<16xi32>], vector<16xf32>, vector<16xi1>
      %eq3A_304 = arith.constant 15 : i32
      %eq3A_305 = vector.broadcast %eq3A_304 : i32 to vector<16xi32>
      %eq3A_306 = arith.cmpi eq, %iota3A, %eq3A_305 : vector<16xi32>
      %and3A_307 = arith.andi %and3A_235, %eq3A_306 : vector<16xi1>
      tpu.vector_store_idx %arg7[%min3A_243], %broadcast_in_dim3A_1 masked %and3A_307 {add = true} : memref<102400xf32, #tpu.memory_space<vmem>>[vector<16xi32>], vector<16xf32>, vector<16xi1>
    }
    %scan3A_83 = arith.constant 125 : i32
    %mul3A_84 = arith.constant 10000 : i32
    %mul3A_85 = arith.muli %select_n3A, %mul3A_84 : i32
    %add3A_86 = arith.constant 8000 : i32
    %add3A_87 = arith.addi %mul3A_85, %add3A_86 : i32
    %multiple_of3A_88 = tpu.assume_multiple %add3A_87, 2000 : i32
    "tpu.region"() ({
      %run_scoped3A = tpu.sem_alloc : memref<!tpu.dma_semaphore, #tpu.memory_space<semaphore_mem>>
      %dma_start3A = tpu.memref_slice %arg2[%multiple_of3A_88] : memref<160000xi32, #tpu.memory_space<hbm>> -> memref<2000xi32, #tpu.memory_space<hbm>>
      %dma_start3A_212 = tpu.memref_slice %arg2[%multiple_of3A_88] : memref<160000xi32, #tpu.memory_space<hbm>> -> memref<2000xi32, #tpu.memory_space<hbm>>
      tpu.enqueue_dma source(%dma_start3A_212 : memref<2000xi32, #tpu.memory_space<hbm>>) target(%arg5 : memref<2000xi32, #tpu.memory_space<vmem>>) target_semaphore(%run_scoped3A : memref<!tpu.dma_semaphore, #tpu.memory_space<semaphore_mem>>)
      %dma_wait3A = tpu.memref_slice %arg2[%multiple_of3A_88] : memref<160000xi32, #tpu.memory_space<hbm>> -> memref<2000xi32, #tpu.memory_space<hbm>>
      %dma_wait3A_213 = tpu.memref_slice %arg2[%multiple_of3A_88] : memref<160000xi32, #tpu.memory_space<hbm>> -> memref<2000xi32, #tpu.memory_space<hbm>>
      tpu.wait_dma2 semaphore(%run_scoped3A : memref<!tpu.dma_semaphore, #tpu.memory_space<semaphore_mem>>) src(%dma_wait3A_213 : memref<2000xi32, #tpu.memory_space<hbm>>) dst(%arg5 : memref<2000xi32, #tpu.memory_space<vmem>>)
      tpu.yield
    }) : () -> ()
    "tpu.region"() ({
      %run_scoped3A = tpu.sem_alloc : memref<!tpu.dma_semaphore, #tpu.memory_space<semaphore_mem>>
      %dma_start3A = tpu.memref_slice %arg3[%multiple_of3A_88] : memref<160000xi32, #tpu.memory_space<hbm>> -> memref<2000xi32, #tpu.memory_space<hbm>>
      %dma_start3A_212 = tpu.memref_slice %arg3[%multiple_of3A_88] : memref<160000xi32, #tpu.memory_space<hbm>> -> memref<2000xi32, #tpu.memory_space<hbm>>
      tpu.enqueue_dma source(%dma_start3A_212 : memref<2000xi32, #tpu.memory_space<hbm>>) target(%arg6 : memref<2000xi32, #tpu.memory_space<vmem>>) target_semaphore(%run_scoped3A : memref<!tpu.dma_semaphore, #tpu.memory_space<semaphore_mem>>)
      %dma_wait3A = tpu.memref_slice %arg3[%multiple_of3A_88] : memref<160000xi32, #tpu.memory_space<hbm>> -> memref<2000xi32, #tpu.memory_space<hbm>>
      %dma_wait3A_213 = tpu.memref_slice %arg3[%multiple_of3A_88] : memref<160000xi32, #tpu.memory_space<hbm>> -> memref<2000xi32, #tpu.memory_space<hbm>>
      tpu.wait_dma2 semaphore(%run_scoped3A : memref<!tpu.dma_semaphore, #tpu.memory_space<semaphore_mem>>) src(%dma_wait3A_213 : memref<2000xi32, #tpu.memory_space<hbm>>) dst(%arg6 : memref<2000xi32, #tpu.memory_space<vmem>>)
      tpu.yield
    }) : () -> ()
    %scan3A_89 = arith.constant 0 : i32
    %scan3A_90 = arith.constant 0 : i32
    %scan3A_91 = arith.constant 125 : i32
    %scan3A_92 = arith.addi %scan3A_90, %scan3A_91 : i32
    %scan3A_93 = arith.constant 1 : i32
    scf.for %scan3A_212 = %scan3A_90 to %scan3A_92 step %scan3A_93  : i32 {
      %mul3A_213 = arith.constant 16 : i32
      %mul3A_214 = arith.muli %scan3A_212, %mul3A_213 : i32
      %get3A = arith.index_cast %mul3A_214 : i32 to index
      %get3A_215 = tpu.vector_load %arg5[%get3A] {strides = array<i32>} : memref<2000xi32, #tpu.memory_space<vmem>>, vector<16xi32>,
      %mul3A_216 = arith.constant 16 : i32
      %mul3A_217 = arith.muli %scan3A_212, %mul3A_216 : i32
      %get3A_218 = arith.index_cast %mul3A_217 : i32 to index
      %get3A_219 = tpu.vector_load %arg6[%get3A_218] {strides = array<i32>} : memref<2000xi32, #tpu.memory_space<vmem>>, vector<16xi32>,
      %mul3A_220 = arith.constant 625 : i32
      %mul3A_221 = arith.muli %select_n3A, %mul3A_220 : i32
      %sub3A_222 = vector.broadcast %mul3A_221 : i32 to vector<16xi32>
      %sub3A_223 = arith.subi %get3A_215, %sub3A_222 : vector<16xi32>
      %mul3A_224 = arith.constant 625 : i32
      %mul3A_225 = arith.muli %select_n3A, %mul3A_224 : i32
      %sub3A_226 = vector.broadcast %mul3A_225 : i32 to vector<16xi32>
      %sub3A_227 = arith.subi %get3A_219, %sub3A_226 : vector<16xi32>
      %sub3A_228 = vector.broadcast %mul3A_35 : i32 to vector<16xi32>
      %sub3A_229 = arith.subi %sub3A_227, %sub3A_228 : vector<16xi32>
      %ge3A = arith.constant 0 : i32
      %ge3A_230 = vector.broadcast %ge3A : i32 to vector<16xi32>
      %ge3A_231 = arith.cmpi sge, %sub3A_229, %ge3A_230 : vector<16xi32>
      %lt3A_232 = arith.constant 160 : i32
      %lt3A_233 = vector.broadcast %lt3A_232 : i32 to vector<16xi32>
      %lt3A_234 = arith.cmpi slt, %sub3A_229, %lt3A_233 : vector<16xi32>
      %and3A_235 = arith.andi %ge3A_231, %lt3A_234 : vector<16xi1>
      %mul3A_236 = arith.constant 640 : i32
      %mul3A_237 = vector.broadcast %mul3A_236 : i32 to vector<16xi32>
      %mul3A_238 = arith.muli %sub3A_229, %mul3A_237 : vector<16xi32>
      %add3A_239 = arith.addi %mul3A_238, %sub3A_223 : vector<16xi32>
      %jit3A_240 = arith.constant 0 : i32
      %jit3A_241 = arith.constant 102399 : i32
      %max3A = vector.broadcast %jit3A_240 : i32 to vector<16xi32>
      %max3A_242 = arith.maxsi %max3A, %add3A_239 : vector<16xi32>
      %min3A = vector.broadcast %jit3A_241 : i32 to vector<16xi32>
      %min3A_243 = arith.minsi %min3A, %max3A_242 : vector<16xi32>
      %eq3A_244 = arith.constant 0 : i32
      %eq3A_245 = vector.broadcast %eq3A_244 : i32 to vector<16xi32>
      %eq3A_246 = arith.cmpi eq, %iota3A, %eq3A_245 : vector<16xi32>
      %and3A_247 = arith.andi %and3A_235, %eq3A_246 : vector<16xi1>
      tpu.vector_store_idx %arg7[%min3A_243], %broadcast_in_dim3A_1 masked %and3A_247 {add = true} : memref<102400xf32, #tpu.memory_space<vmem>>[vector<16xi32>], vector<16xf32>, vector<16xi1>
      %eq3A_248 = arith.constant 1 : i32
      %eq3A_249 = vector.broadcast %eq3A_248 : i32 to vector<16xi32>
      %eq3A_250 = arith.cmpi eq, %iota3A, %eq3A_249 : vector<16xi32>
      %and3A_251 = arith.andi %and3A_235, %eq3A_250 : vector<16xi1>
      tpu.vector_store_idx %arg7[%min3A_243], %broadcast_in_dim3A_1 masked %and3A_251 {add = true} : memref<102400xf32, #tpu.memory_space<vmem>>[vector<16xi32>], vector<16xf32>, vector<16xi1>
      %eq3A_252 = arith.constant 2 : i32
      %eq3A_253 = vector.broadcast %eq3A_252 : i32 to vector<16xi32>
      %eq3A_254 = arith.cmpi eq, %iota3A, %eq3A_253 : vector<16xi32>
      %and3A_255 = arith.andi %and3A_235, %eq3A_254 : vector<16xi1>
      tpu.vector_store_idx %arg7[%min3A_243], %broadcast_in_dim3A_1 masked %and3A_255 {add = true} : memref<102400xf32, #tpu.memory_space<vmem>>[vector<16xi32>], vector<16xf32>, vector<16xi1>
      %eq3A_256 = arith.constant 3 : i32
      %eq3A_257 = vector.broadcast %eq3A_256 : i32 to vector<16xi32>
      %eq3A_258 = arith.cmpi eq, %iota3A, %eq3A_257 : vector<16xi32>
      %and3A_259 = arith.andi %and3A_235, %eq3A_258 : vector<16xi1>
      tpu.vector_store_idx %arg7[%min3A_243], %broadcast_in_dim3A_1 masked %and3A_259 {add = true} : memref<102400xf32, #tpu.memory_space<vmem>>[vector<16xi32>], vector<16xf32>, vector<16xi1>
      %eq3A_260 = arith.constant 4 : i32
      %eq3A_261 = vector.broadcast %eq3A_260 : i32 to vector<16xi32>
      %eq3A_262 = arith.cmpi eq, %iota3A, %eq3A_261 : vector<16xi32>
      %and3A_263 = arith.andi %and3A_235, %eq3A_262 : vector<16xi1>
      tpu.vector_store_idx %arg7[%min3A_243], %broadcast_in_dim3A_1 masked %and3A_263 {add = true} : memref<102400xf32, #tpu.memory_space<vmem>>[vector<16xi32>], vector<16xf32>, vector<16xi1>
      %eq3A_264 = arith.constant 5 : i32
      %eq3A_265 = vector.broadcast %eq3A_264 : i32 to vector<16xi32>
      %eq3A_266 = arith.cmpi eq, %iota3A, %eq3A_265 : vector<16xi32>
      %and3A_267 = arith.andi %and3A_235, %eq3A_266 : vector<16xi1>
      tpu.vector_store_idx %arg7[%min3A_243], %broadcast_in_dim3A_1 masked %and3A_267 {add = true} : memref<102400xf32, #tpu.memory_space<vmem>>[vector<16xi32>], vector<16xf32>, vector<16xi1>
      %eq3A_268 = arith.constant 6 : i32
      %eq3A_269 = vector.broadcast %eq3A_268 : i32 to vector<16xi32>
      %eq3A_270 = arith.cmpi eq, %iota3A, %eq3A_269 : vector<16xi32>
      %and3A_271 = arith.andi %and3A_235, %eq3A_270 : vector<16xi1>
      tpu.vector_store_idx %arg7[%min3A_243], %broadcast_in_dim3A_1 masked %and3A_271 {add = true} : memref<102400xf32, #tpu.memory_space<vmem>>[vector<16xi32>], vector<16xf32>, vector<16xi1>
      %eq3A_272 = arith.constant 7 : i32
      %eq3A_273 = vector.broadcast %eq3A_272 : i32 to vector<16xi32>
      %eq3A_274 = arith.cmpi eq, %iota3A, %eq3A_273 : vector<16xi32>
      %and3A_275 = arith.andi %and3A_235, %eq3A_274 : vector<16xi1>
      tpu.vector_store_idx %arg7[%min3A_243], %broadcast_in_dim3A_1 masked %and3A_275 {add = true} : memref<102400xf32, #tpu.memory_space<vmem>>[vector<16xi32>], vector<16xf32>, vector<16xi1>
      %eq3A_276 = arith.constant 8 : i32
      %eq3A_277 = vector.broadcast %eq3A_276 : i32 to vector<16xi32>
      %eq3A_278 = arith.cmpi eq, %iota3A, %eq3A_277 : vector<16xi32>
      %and3A_279 = arith.andi %and3A_235, %eq3A_278 : vector<16xi1>
      tpu.vector_store_idx %arg7[%min3A_243], %broadcast_in_dim3A_1 masked %and3A_279 {add = true} : memref<102400xf32, #tpu.memory_space<vmem>>[vector<16xi32>], vector<16xf32>, vector<16xi1>
      %eq3A_280 = arith.constant 9 : i32
      %eq3A_281 = vector.broadcast %eq3A_280 : i32 to vector<16xi32>
      %eq3A_282 = arith.cmpi eq, %iota3A, %eq3A_281 : vector<16xi32>
      %and3A_283 = arith.andi %and3A_235, %eq3A_282 : vector<16xi1>
      tpu.vector_store_idx %arg7[%min3A_243], %broadcast_in_dim3A_1 masked %and3A_283 {add = true} : memref<102400xf32, #tpu.memory_space<vmem>>[vector<16xi32>], vector<16xf32>, vector<16xi1>
      %eq3A_284 = arith.constant 10 : i32
      %eq3A_285 = vector.broadcast %eq3A_284 : i32 to vector<16xi32>
      %eq3A_286 = arith.cmpi eq, %iota3A, %eq3A_285 : vector<16xi32>
      %and3A_287 = arith.andi %and3A_235, %eq3A_286 : vector<16xi1>
      tpu.vector_store_idx %arg7[%min3A_243], %broadcast_in_dim3A_1 masked %and3A_287 {add = true} : memref<102400xf32, #tpu.memory_space<vmem>>[vector<16xi32>], vector<16xf32>, vector<16xi1>
      %eq3A_288 = arith.constant 11 : i32
      %eq3A_289 = vector.broadcast %eq3A_288 : i32 to vector<16xi32>
      %eq3A_290 = arith.cmpi eq, %iota3A, %eq3A_289 : vector<16xi32>
      %and3A_291 = arith.andi %and3A_235, %eq3A_290 : vector<16xi1>
      tpu.vector_store_idx %arg7[%min3A_243], %broadcast_in_dim3A_1 masked %and3A_291 {add = true} : memref<102400xf32, #tpu.memory_space<vmem>>[vector<16xi32>], vector<16xf32>, vector<16xi1>
      %eq3A_292 = arith.constant 12 : i32
      %eq3A_293 = vector.broadcast %eq3A_292 : i32 to vector<16xi32>
      %eq3A_294 = arith.cmpi eq, %iota3A, %eq3A_293 : vector<16xi32>
      %and3A_295 = arith.andi %and3A_235, %eq3A_294 : vector<16xi1>
      tpu.vector_store_idx %arg7[%min3A_243], %broadcast_in_dim3A_1 masked %and3A_295 {add = true} : memref<102400xf32, #tpu.memory_space<vmem>>[vector<16xi32>], vector<16xf32>, vector<16xi1>
      %eq3A_296 = arith.constant 13 : i32
      %eq3A_297 = vector.broadcast %eq3A_296 : i32 to vector<16xi32>
      %eq3A_298 = arith.cmpi eq, %iota3A, %eq3A_297 : vector<16xi32>
      %and3A_299 = arith.andi %and3A_235, %eq3A_298 : vector<16xi1>
      tpu.vector_store_idx %arg7[%min3A_243], %broadcast_in_dim3A_1 masked %and3A_299 {add = true} : memref<102400xf32, #tpu.memory_space<vmem>>[vector<16xi32>], vector<16xf32>, vector<16xi1>
      %eq3A_300 = arith.constant 14 : i32
      %eq3A_301 = vector.broadcast %eq3A_300 : i32 to vector<16xi32>
      %eq3A_302 = arith.cmpi eq, %iota3A, %eq3A_301 : vector<16xi32>
      %and3A_303 = arith.andi %and3A_235, %eq3A_302 : vector<16xi1>
      tpu.vector_store_idx %arg7[%min3A_243], %broadcast_in_dim3A_1 masked %and3A_303 {add = true} : memref<102400xf32, #tpu.memory_space<vmem>>[vector<16xi32>], vector<16xf32>, vector<16xi1>
      %eq3A_304 = arith.constant 15 : i32
      %eq3A_305 = vector.broadcast %eq3A_304 : i32 to vector<16xi32>
      %eq3A_306 = arith.cmpi eq, %iota3A, %eq3A_305 : vector<16xi32>
      %and3A_307 = arith.andi %and3A_235, %eq3A_306 : vector<16xi1>
      tpu.vector_store_idx %arg7[%min3A_243], %broadcast_in_dim3A_1 masked %and3A_307 {add = true} : memref<102400xf32, #tpu.memory_space<vmem>>[vector<16xi32>], vector<16xf32>, vector<16xi1>
    }
    %scan3A_94 = arith.constant 125 : i32
    %mul3A_95 = arith.constant 640 : i32
    %mul3A_96 = arith.muli %select_n3A, %mul3A_95 : i32
    %add3A_97 = arith.addi %mul3A_96, %mul3A_35 : i32
    %mul3A_98 = arith.constant 640 : i32
    %mul3A_99 = arith.muli %add3A_97, %mul3A_98 : i32
    %multiple_of3A_100 = tpu.assume_multiple %mul3A_99, 102400 : i32
    "tpu.region"() ({
      %run_scoped3A = tpu.sem_alloc : memref<!tpu.dma_semaphore, #tpu.memory_space<semaphore_mem>>
      %dma_start3A = tpu.memref_slice %arg4[%multiple_of3A_100] : memref<6553600xf32, #tpu.memory_space<hbm>> -> memref<102400xf32, #tpu.memory_space<hbm>>
      %dma_start3A_212 = tpu.memref_slice %arg4[%multiple_of3A_100] : memref<6553600xf32, #tpu.memory_space<hbm>> -> memref<102400xf32, #tpu.memory_space<hbm>>
      tpu.enqueue_dma source(%arg7 : memref<102400xf32, #tpu.memory_space<vmem>>) target(%dma_start3A_212 : memref<102400xf32, #tpu.memory_space<hbm>>) target_semaphore(%run_scoped3A : memref<!tpu.dma_semaphore, #tpu.memory_space<semaphore_mem>>)
      %dma_wait3A = tpu.memref_slice %arg4[%multiple_of3A_100] : memref<6553600xf32, #tpu.memory_space<hbm>> -> memref<102400xf32, #tpu.memory_space<hbm>>
      %dma_wait3A_213 = tpu.memref_slice %arg4[%multiple_of3A_100] : memref<6553600xf32, #tpu.memory_space<hbm>> -> memref<102400xf32, #tpu.memory_space<hbm>>
      tpu.wait_dma2 semaphore(%run_scoped3A : memref<!tpu.dma_semaphore, #tpu.memory_space<semaphore_mem>>) src(%arg7 : memref<102400xf32, #tpu.memory_space<vmem>>) dst(%dma_wait3A_213 : memref<102400xf32, #tpu.memory_space<hbm>>)
      tpu.yield
    }) : () -> ()
    %add3A_101 = arith.constant 32 : i32
    %add3A_102 = arith.addi %add3A, %add3A_101 : i32
    %jit3A_103 = arith.constant 4 : i32
    %div3A_104 = arith.divsi %add3A_102, %jit3A_103 : i32
    %sign3A_105 = arith.constant 0 : i32
    %sign3A_106 = arith.cmpi sgt, %add3A_102, %sign3A_105 : i32
    %sign3A_107 = arith.extui %sign3A_106 : i1 to i32
    %sign3A_108 = arith.constant 0 : i32
    %sign3A_109 = arith.cmpi slt, %add3A_102, %sign3A_108 : i32
    %sign3A_110 = arith.extui %sign3A_109 : i1 to i32
    %sign3A_111 = arith.subi %sign3A_107, %sign3A_110 : i32
    %sign3A_112 = arith.constant 0 : i32
    %sign3A_113 = arith.cmpi sgt, %jit3A_103, %sign3A_112 : i32
    %sign3A_114 = arith.extui %sign3A_113 : i1 to i32
    %sign3A_115 = arith.constant 0 : i32
    %sign3A_116 = arith.cmpi slt, %jit3A_103, %sign3A_115 : i32
    %sign3A_117 = arith.extui %sign3A_116 : i1 to i32
    %sign3A_118 = arith.subi %sign3A_114, %sign3A_117 : i32
    %ne3A_119 = arith.cmpi ne, %sign3A_111, %sign3A_118 : i32
    %rem3A_120 = arith.remsi %add3A_102, %jit3A_103 : i32
    %ne3A_121 = arith.constant 0 : i32
    %ne3A_122 = arith.cmpi ne, %rem3A_120, %ne3A_121 : i32
    %and3A_123 = arith.andi %ne3A_119, %ne3A_122 : i1
    %sub3A_124 = arith.constant 1 : i32
    %sub3A_125 = arith.subi %div3A_104, %sub3A_124 : i32
    %select_n3A_126 = arith.select %and3A_123, %sub3A_125, %div3A_104 : i32
    %jit3A_127 = arith.constant 4 : i32
    %eq3A_128 = arith.constant 0 : i32
    %eq3A_129 = arith.cmpi eq, %jit3A_127, %eq3A_128 : i32
    %jit3A_130 = arith.constant 1 : i32
    %select_n3A_131 = arith.select %eq3A_129, %jit3A_130, %jit3A_127 : i32
    %rem3A_132 = arith.remsi %add3A_102, %select_n3A_131 : i32
    %ne3A_133 = arith.constant 0 : i32
    %ne3A_134 = arith.cmpi ne, %rem3A_132, %ne3A_133 : i32
    %lt3A_135 = arith.constant 0 : i32
    %lt3A_136 = arith.cmpi slt, %rem3A_132, %lt3A_135 : i32
    %lt3A_137 = arith.constant 0 : i32
    %lt3A_138 = arith.cmpi slt, %select_n3A_131, %lt3A_137 : i32
    %ne3A_139 = arith.xori %lt3A_136, %lt3A_138 : i1
    %and3A_140 = arith.andi %ne3A_139, %ne3A_134 : i1
    %add3A_141 = arith.addi %rem3A_132, %select_n3A_131 : i32
    %select_n3A_142 = arith.select %and3A_140, %add3A_141, %rem3A_132 : i32
    %mul3A_143 = arith.constant 160 : i32
    %mul3A_144 = arith.muli %select_n3A_142, %mul3A_143 : i32
    %scan3A_145 = arith.constant 0 : i32
    %scan3A_146 = arith.constant 0 : i32
    %scan3A_147 = arith.constant 6400 : i32
    %scan3A_148 = arith.addi %scan3A_146, %scan3A_147 : i32
    %scan3A_149 = arith.constant 1 : i32
    scf.for %scan3A_212 = %scan3A_146 to %scan3A_148 step %scan3A_149  : i32 {
      %broadcast_in_dim3A_213 = arith.constant 0.000000e+00 : f32
      %broadcast_in_dim3A_214 = vector.broadcast %broadcast_in_dim3A_213 : f32 to vector<16xf32>
      %mul3A_215 = arith.constant 16 : i32
      %mul3A_216 = arith.muli %scan3A_212, %mul3A_215 : i32
      %swap3A = arith.index_cast %mul3A_216 : i32 to index
      %swap3A_217 = tpu.vector_load %arg7[%swap3A] {strides = array<i32>} : memref<102400xf32, #tpu.memory_space<vmem>>, vector<16xf32>,
      tpu.vector_store %arg7[%swap3A], %broadcast_in_dim3A_214 {strides = array<i32>} : memref<102400xf32, #tpu.memory_space<vmem>>, vector<16xf32>,
    }
    %scan3A_150 = arith.constant 6400 : i32
    %mul3A_151 = arith.constant 10000 : i32
    %mul3A_152 = arith.muli %select_n3A_126, %mul3A_151 : i32
    %add3A_153 = arith.constant 0 : i32
    %add3A_154 = arith.addi %mul3A_152, %add3A_153 : i32
    %multiple_of3A_155 = tpu.assume_multiple %add3A_154, 2000 : i32
    "tpu.region"() ({
      %run_scoped3A = tpu.sem_alloc : memref<!tpu.dma_semaphore, #tpu.memory_space<semaphore_mem>>
      %dma_start3A = tpu.memref_slice %arg2[%multiple_of3A_155] : memref<160000xi32, #tpu.memory_space<hbm>> -> memref<2000xi32, #tpu.memory_space<hbm>>
      %dma_start3A_212 = tpu.memref_slice %arg2[%multiple_of3A_155] : memref<160000xi32, #tpu.memory_space<hbm>> -> memref<2000xi32, #tpu.memory_space<hbm>>
      tpu.enqueue_dma source(%dma_start3A_212 : memref<2000xi32, #tpu.memory_space<hbm>>) target(%arg5 : memref<2000xi32, #tpu.memory_space<vmem>>) target_semaphore(%run_scoped3A : memref<!tpu.dma_semaphore, #tpu.memory_space<semaphore_mem>>)
      %dma_wait3A = tpu.memref_slice %arg2[%multiple_of3A_155] : memref<160000xi32, #tpu.memory_space<hbm>> -> memref<2000xi32, #tpu.memory_space<hbm>>
      %dma_wait3A_213 = tpu.memref_slice %arg2[%multiple_of3A_155] : memref<160000xi32, #tpu.memory_space<hbm>> -> memref<2000xi32, #tpu.memory_space<hbm>>
      tpu.wait_dma2 semaphore(%run_scoped3A : memref<!tpu.dma_semaphore, #tpu.memory_space<semaphore_mem>>) src(%dma_wait3A_213 : memref<2000xi32, #tpu.memory_space<hbm>>) dst(%arg5 : memref<2000xi32, #tpu.memory_space<vmem>>)
      tpu.yield
    }) : () -> ()
    "tpu.region"() ({
      %run_scoped3A = tpu.sem_alloc : memref<!tpu.dma_semaphore, #tpu.memory_space<semaphore_mem>>
      %dma_start3A = tpu.memref_slice %arg3[%multiple_of3A_155] : memref<160000xi32, #tpu.memory_space<hbm>> -> memref<2000xi32, #tpu.memory_space<hbm>>
      %dma_start3A_212 = tpu.memref_slice %arg3[%multiple_of3A_155] : memref<160000xi32, #tpu.memory_space<hbm>> -> memref<2000xi32, #tpu.memory_space<hbm>>
      tpu.enqueue_dma source(%dma_start3A_212 : memref<2000xi32, #tpu.memory_space<hbm>>) target(%arg6 : memref<2000xi32, #tpu.memory_space<vmem>>) target_semaphore(%run_scoped3A : memref<!tpu.dma_semaphore, #tpu.memory_space<semaphore_mem>>)
      %dma_wait3A = tpu.memref_slice %arg3[%multiple_of3A_155] : memref<160000xi32, #tpu.memory_space<hbm>> -> memref<2000xi32, #tpu.memory_space<hbm>>
      %dma_wait3A_213 = tpu.memref_slice %arg3[%multiple_of3A_155] : memref<160000xi32, #tpu.memory_space<hbm>> -> memref<2000xi32, #tpu.memory_space<hbm>>
      tpu.wait_dma2 semaphore(%run_scoped3A : memref<!tpu.dma_semaphore, #tpu.memory_space<semaphore_mem>>) src(%dma_wait3A_213 : memref<2000xi32, #tpu.memory_space<hbm>>) dst(%arg6 : memref<2000xi32, #tpu.memory_space<vmem>>)
      tpu.yield
    }) : () -> ()
    %scan3A_156 = arith.constant 0 : i32
    %scan3A_157 = arith.constant 0 : i32
    %scan3A_158 = arith.constant 125 : i32
    %scan3A_159 = arith.addi %scan3A_157, %scan3A_158 : i32
    %scan3A_160 = arith.constant 1 : i32
    scf.for %scan3A_212 = %scan3A_157 to %scan3A_159 step %scan3A_160  : i32 {
      %mul3A_213 = arith.constant 16 : i32
      %mul3A_214 = arith.muli %scan3A_212, %mul3A_213 : i32
      %get3A = arith.index_cast %mul3A_214 : i32 to index
      %get3A_215 = tpu.vector_load %arg5[%get3A] {strides = array<i32>} : memref<2000xi32, #tpu.memory_space<vmem>>, vector<16xi32>,
      %mul3A_216 = arith.constant 16 : i32
      %mul3A_217 = arith.muli %scan3A_212, %mul3A_216 : i32
      %get3A_218 = arith.index_cast %mul3A_217 : i32 to index
      %get3A_219 = tpu.vector_load %arg6[%get3A_218] {strides = array<i32>} : memref<2000xi32, #tpu.memory_space<vmem>>, vector<16xi32>,
      %mul3A_220 = arith.constant 625 : i32
      %mul3A_221 = arith.muli %select_n3A_126, %mul3A_220 : i32
      %sub3A_222 = vector.broadcast %mul3A_221 : i32 to vector<16xi32>
      %sub3A_223 = arith.subi %get3A_215, %sub3A_222 : vector<16xi32>
      %mul3A_224 = arith.constant 625 : i32
      %mul3A_225 = arith.muli %select_n3A_126, %mul3A_224 : i32
      %sub3A_226 = vector.broadcast %mul3A_225 : i32 to vector<16xi32>
      %sub3A_227 = arith.subi %get3A_219, %sub3A_226 : vector<16xi32>
      %sub3A_228 = vector.broadcast %mul3A_144 : i32 to vector<16xi32>
      %sub3A_229 = arith.subi %sub3A_227, %sub3A_228 : vector<16xi32>
      %ge3A = arith.constant 0 : i32
      %ge3A_230 = vector.broadcast %ge3A : i32 to vector<16xi32>
      %ge3A_231 = arith.cmpi sge, %sub3A_229, %ge3A_230 : vector<16xi32>
      %lt3A_232 = arith.constant 160 : i32
      %lt3A_233 = vector.broadcast %lt3A_232 : i32 to vector<16xi32>
      %lt3A_234 = arith.cmpi slt, %sub3A_229, %lt3A_233 : vector<16xi32>
      %and3A_235 = arith.andi %ge3A_231, %lt3A_234 : vector<16xi1>
      %mul3A_236 = arith.constant 640 : i32
      %mul3A_237 = vector.broadcast %mul3A_236 : i32 to vector<16xi32>
      %mul3A_238 = arith.muli %sub3A_229, %mul3A_237 : vector<16xi32>
      %add3A_239 = arith.addi %mul3A_238, %sub3A_223 : vector<16xi32>
      %jit3A_240 = arith.constant 0 : i32
      %jit3A_241 = arith.constant 102399 : i32
      %max3A = vector.broadcast %jit3A_240 : i32 to vector<16xi32>
      %max3A_242 = arith.maxsi %max3A, %add3A_239 : vector<16xi32>
      %min3A = vector.broadcast %jit3A_241 : i32 to vector<16xi32>
      %min3A_243 = arith.minsi %min3A, %max3A_242 : vector<16xi32>
      %eq3A_244 = arith.constant 0 : i32
      %eq3A_245 = vector.broadcast %eq3A_244 : i32 to vector<16xi32>
      %eq3A_246 = arith.cmpi eq, %iota3A, %eq3A_245 : vector<16xi32>
      %and3A_247 = arith.andi %and3A_235, %eq3A_246 : vector<16xi1>
      tpu.vector_store_idx %arg7[%min3A_243], %broadcast_in_dim3A_1 masked %and3A_247 {add = true} : memref<102400xf32, #tpu.memory_space<vmem>>[vector<16xi32>], vector<16xf32>, vector<16xi1>
      %eq3A_248 = arith.constant 1 : i32
      %eq3A_249 = vector.broadcast %eq3A_248 : i32 to vector<16xi32>
      %eq3A_250 = arith.cmpi eq, %iota3A, %eq3A_249 : vector<16xi32>
      %and3A_251 = arith.andi %and3A_235, %eq3A_250 : vector<16xi1>
      tpu.vector_store_idx %arg7[%min3A_243], %broadcast_in_dim3A_1 masked %and3A_251 {add = true} : memref<102400xf32, #tpu.memory_space<vmem>>[vector<16xi32>], vector<16xf32>, vector<16xi1>
      %eq3A_252 = arith.constant 2 : i32
      %eq3A_253 = vector.broadcast %eq3A_252 : i32 to vector<16xi32>
      %eq3A_254 = arith.cmpi eq, %iota3A, %eq3A_253 : vector<16xi32>
      %and3A_255 = arith.andi %and3A_235, %eq3A_254 : vector<16xi1>
      tpu.vector_store_idx %arg7[%min3A_243], %broadcast_in_dim3A_1 masked %and3A_255 {add = true} : memref<102400xf32, #tpu.memory_space<vmem>>[vector<16xi32>], vector<16xf32>, vector<16xi1>
      %eq3A_256 = arith.constant 3 : i32
      %eq3A_257 = vector.broadcast %eq3A_256 : i32 to vector<16xi32>
      %eq3A_258 = arith.cmpi eq, %iota3A, %eq3A_257 : vector<16xi32>
      %and3A_259 = arith.andi %and3A_235, %eq3A_258 : vector<16xi1>
      tpu.vector_store_idx %arg7[%min3A_243], %broadcast_in_dim3A_1 masked %and3A_259 {add = true} : memref<102400xf32, #tpu.memory_space<vmem>>[vector<16xi32>], vector<16xf32>, vector<16xi1>
      %eq3A_260 = arith.constant 4 : i32
      %eq3A_261 = vector.broadcast %eq3A_260 : i32 to vector<16xi32>
      %eq3A_262 = arith.cmpi eq, %iota3A, %eq3A_261 : vector<16xi32>
      %and3A_263 = arith.andi %and3A_235, %eq3A_262 : vector<16xi1>
      tpu.vector_store_idx %arg7[%min3A_243], %broadcast_in_dim3A_1 masked %and3A_263 {add = true} : memref<102400xf32, #tpu.memory_space<vmem>>[vector<16xi32>], vector<16xf32>, vector<16xi1>
      %eq3A_264 = arith.constant 5 : i32
      %eq3A_265 = vector.broadcast %eq3A_264 : i32 to vector<16xi32>
      %eq3A_266 = arith.cmpi eq, %iota3A, %eq3A_265 : vector<16xi32>
      %and3A_267 = arith.andi %and3A_235, %eq3A_266 : vector<16xi1>
      tpu.vector_store_idx %arg7[%min3A_243], %broadcast_in_dim3A_1 masked %and3A_267 {add = true} : memref<102400xf32, #tpu.memory_space<vmem>>[vector<16xi32>], vector<16xf32>, vector<16xi1>
      %eq3A_268 = arith.constant 6 : i32
      %eq3A_269 = vector.broadcast %eq3A_268 : i32 to vector<16xi32>
      %eq3A_270 = arith.cmpi eq, %iota3A, %eq3A_269 : vector<16xi32>
      %and3A_271 = arith.andi %and3A_235, %eq3A_270 : vector<16xi1>
      tpu.vector_store_idx %arg7[%min3A_243], %broadcast_in_dim3A_1 masked %and3A_271 {add = true} : memref<102400xf32, #tpu.memory_space<vmem>>[vector<16xi32>], vector<16xf32>, vector<16xi1>
      %eq3A_272 = arith.constant 7 : i32
      %eq3A_273 = vector.broadcast %eq3A_272 : i32 to vector<16xi32>
      %eq3A_274 = arith.cmpi eq, %iota3A, %eq3A_273 : vector<16xi32>
      %and3A_275 = arith.andi %and3A_235, %eq3A_274 : vector<16xi1>
      tpu.vector_store_idx %arg7[%min3A_243], %broadcast_in_dim3A_1 masked %and3A_275 {add = true} : memref<102400xf32, #tpu.memory_space<vmem>>[vector<16xi32>], vector<16xf32>, vector<16xi1>
      %eq3A_276 = arith.constant 8 : i32
      %eq3A_277 = vector.broadcast %eq3A_276 : i32 to vector<16xi32>
      %eq3A_278 = arith.cmpi eq, %iota3A, %eq3A_277 : vector<16xi32>
      %and3A_279 = arith.andi %and3A_235, %eq3A_278 : vector<16xi1>
      tpu.vector_store_idx %arg7[%min3A_243], %broadcast_in_dim3A_1 masked %and3A_279 {add = true} : memref<102400xf32, #tpu.memory_space<vmem>>[vector<16xi32>], vector<16xf32>, vector<16xi1>
      %eq3A_280 = arith.constant 9 : i32
      %eq3A_281 = vector.broadcast %eq3A_280 : i32 to vector<16xi32>
      %eq3A_282 = arith.cmpi eq, %iota3A, %eq3A_281 : vector<16xi32>
      %and3A_283 = arith.andi %and3A_235, %eq3A_282 : vector<16xi1>
      tpu.vector_store_idx %arg7[%min3A_243], %broadcast_in_dim3A_1 masked %and3A_283 {add = true} : memref<102400xf32, #tpu.memory_space<vmem>>[vector<16xi32>], vector<16xf32>, vector<16xi1>
      %eq3A_284 = arith.constant 10 : i32
      %eq3A_285 = vector.broadcast %eq3A_284 : i32 to vector<16xi32>
      %eq3A_286 = arith.cmpi eq, %iota3A, %eq3A_285 : vector<16xi32>
      %and3A_287 = arith.andi %and3A_235, %eq3A_286 : vector<16xi1>
      tpu.vector_store_idx %arg7[%min3A_243], %broadcast_in_dim3A_1 masked %and3A_287 {add = true} : memref<102400xf32, #tpu.memory_space<vmem>>[vector<16xi32>], vector<16xf32>, vector<16xi1>
      %eq3A_288 = arith.constant 11 : i32
      %eq3A_289 = vector.broadcast %eq3A_288 : i32 to vector<16xi32>
      %eq3A_290 = arith.cmpi eq, %iota3A, %eq3A_289 : vector<16xi32>
      %and3A_291 = arith.andi %and3A_235, %eq3A_290 : vector<16xi1>
      tpu.vector_store_idx %arg7[%min3A_243], %broadcast_in_dim3A_1 masked %and3A_291 {add = true} : memref<102400xf32, #tpu.memory_space<vmem>>[vector<16xi32>], vector<16xf32>, vector<16xi1>
      %eq3A_292 = arith.constant 12 : i32
      %eq3A_293 = vector.broadcast %eq3A_292 : i32 to vector<16xi32>
      %eq3A_294 = arith.cmpi eq, %iota3A, %eq3A_293 : vector<16xi32>
      %and3A_295 = arith.andi %and3A_235, %eq3A_294 : vector<16xi1>
      tpu.vector_store_idx %arg7[%min3A_243], %broadcast_in_dim3A_1 masked %and3A_295 {add = true} : memref<102400xf32, #tpu.memory_space<vmem>>[vector<16xi32>], vector<16xf32>, vector<16xi1>
      %eq3A_296 = arith.constant 13 : i32
      %eq3A_297 = vector.broadcast %eq3A_296 : i32 to vector<16xi32>
      %eq3A_298 = arith.cmpi eq, %iota3A, %eq3A_297 : vector<16xi32>
      %and3A_299 = arith.andi %and3A_235, %eq3A_298 : vector<16xi1>
      tpu.vector_store_idx %arg7[%min3A_243], %broadcast_in_dim3A_1 masked %and3A_299 {add = true} : memref<102400xf32, #tpu.memory_space<vmem>>[vector<16xi32>], vector<16xf32>, vector<16xi1>
      %eq3A_300 = arith.constant 14 : i32
      %eq3A_301 = vector.broadcast %eq3A_300 : i32 to vector<16xi32>
      %eq3A_302 = arith.cmpi eq, %iota3A, %eq3A_301 : vector<16xi32>
      %and3A_303 = arith.andi %and3A_235, %eq3A_302 : vector<16xi1>
      tpu.vector_store_idx %arg7[%min3A_243], %broadcast_in_dim3A_1 masked %and3A_303 {add = true} : memref<102400xf32, #tpu.memory_space<vmem>>[vector<16xi32>], vector<16xf32>, vector<16xi1>
      %eq3A_304 = arith.constant 15 : i32
      %eq3A_305 = vector.broadcast %eq3A_304 : i32 to vector<16xi32>
      %eq3A_306 = arith.cmpi eq, %iota3A, %eq3A_305 : vector<16xi32>
      %and3A_307 = arith.andi %and3A_235, %eq3A_306 : vector<16xi1>
      tpu.vector_store_idx %arg7[%min3A_243], %broadcast_in_dim3A_1 masked %and3A_307 {add = true} : memref<102400xf32, #tpu.memory_space<vmem>>[vector<16xi32>], vector<16xf32>, vector<16xi1>
    }
    %scan3A_161 = arith.constant 125 : i32
    %mul3A_162 = arith.constant 10000 : i32
    %mul3A_163 = arith.muli %select_n3A_126, %mul3A_162 : i32
    %add3A_164 = arith.constant 2000 : i32
    %add3A_165 = arith.addi %mul3A_163, %add3A_164 : i32
    %multiple_of3A_166 = tpu.assume_multiple %add3A_165, 2000 : i32
    "tpu.region"() ({
      %run_scoped3A = tpu.sem_alloc : memref<!tpu.dma_semaphore, #tpu.memory_space<semaphore_mem>>
      %dma_start3A = tpu.memref_slice %arg2[%multiple_of3A_166] : memref<160000xi32, #tpu.memory_space<hbm>> -> memref<2000xi32, #tpu.memory_space<hbm>>
      %dma_start3A_212 = tpu.memref_slice %arg2[%multiple_of3A_166] : memref<160000xi32, #tpu.memory_space<hbm>> -> memref<2000xi32, #tpu.memory_space<hbm>>
      tpu.enqueue_dma source(%dma_start3A_212 : memref<2000xi32, #tpu.memory_space<hbm>>) target(%arg5 : memref<2000xi32, #tpu.memory_space<vmem>>) target_semaphore(%run_scoped3A : memref<!tpu.dma_semaphore, #tpu.memory_space<semaphore_mem>>)
      %dma_wait3A = tpu.memref_slice %arg2[%multiple_of3A_166] : memref<160000xi32, #tpu.memory_space<hbm>> -> memref<2000xi32, #tpu.memory_space<hbm>>
      %dma_wait3A_213 = tpu.memref_slice %arg2[%multiple_of3A_166] : memref<160000xi32, #tpu.memory_space<hbm>> -> memref<2000xi32, #tpu.memory_space<hbm>>
      tpu.wait_dma2 semaphore(%run_scoped3A : memref<!tpu.dma_semaphore, #tpu.memory_space<semaphore_mem>>) src(%dma_wait3A_213 : memref<2000xi32, #tpu.memory_space<hbm>>) dst(%arg5 : memref<2000xi32, #tpu.memory_space<vmem>>)
      tpu.yield
    }) : () -> ()
    "tpu.region"() ({
      %run_scoped3A = tpu.sem_alloc : memref<!tpu.dma_semaphore, #tpu.memory_space<semaphore_mem>>
      %dma_start3A = tpu.memref_slice %arg3[%multiple_of3A_166] : memref<160000xi32, #tpu.memory_space<hbm>> -> memref<2000xi32, #tpu.memory_space<hbm>>
      %dma_start3A_212 = tpu.memref_slice %arg3[%multiple_of3A_166] : memref<160000xi32, #tpu.memory_space<hbm>> -> memref<2000xi32, #tpu.memory_space<hbm>>
      tpu.enqueue_dma source(%dma_start3A_212 : memref<2000xi32, #tpu.memory_space<hbm>>) target(%arg6 : memref<2000xi32, #tpu.memory_space<vmem>>) target_semaphore(%run_scoped3A : memref<!tpu.dma_semaphore, #tpu.memory_space<semaphore_mem>>)
      %dma_wait3A = tpu.memref_slice %arg3[%multiple_of3A_166] : memref<160000xi32, #tpu.memory_space<hbm>> -> memref<2000xi32, #tpu.memory_space<hbm>>
      %dma_wait3A_213 = tpu.memref_slice %arg3[%multiple_of3A_166] : memref<160000xi32, #tpu.memory_space<hbm>> -> memref<2000xi32, #tpu.memory_space<hbm>>
      tpu.wait_dma2 semaphore(%run_scoped3A : memref<!tpu.dma_semaphore, #tpu.memory_space<semaphore_mem>>) src(%dma_wait3A_213 : memref<2000xi32, #tpu.memory_space<hbm>>) dst(%arg6 : memref<2000xi32, #tpu.memory_space<vmem>>)
      tpu.yield
    }) : () -> ()
    %scan3A_167 = arith.constant 0 : i32
    %scan3A_168 = arith.constant 0 : i32
    %scan3A_169 = arith.constant 125 : i32
    %scan3A_170 = arith.addi %scan3A_168, %scan3A_169 : i32
    %scan3A_171 = arith.constant 1 : i32
    scf.for %scan3A_212 = %scan3A_168 to %scan3A_170 step %scan3A_171  : i32 {
      %mul3A_213 = arith.constant 16 : i32
      %mul3A_214 = arith.muli %scan3A_212, %mul3A_213 : i32
      %get3A = arith.index_cast %mul3A_214 : i32 to index
      %get3A_215 = tpu.vector_load %arg5[%get3A] {strides = array<i32>} : memref<2000xi32, #tpu.memory_space<vmem>>, vector<16xi32>,
      %mul3A_216 = arith.constant 16 : i32
      %mul3A_217 = arith.muli %scan3A_212, %mul3A_216 : i32
      %get3A_218 = arith.index_cast %mul3A_217 : i32 to index
      %get3A_219 = tpu.vector_load %arg6[%get3A_218] {strides = array<i32>} : memref<2000xi32, #tpu.memory_space<vmem>>, vector<16xi32>,
      %mul3A_220 = arith.constant 625 : i32
      %mul3A_221 = arith.muli %select_n3A_126, %mul3A_220 : i32
      %sub3A_222 = vector.broadcast %mul3A_221 : i32 to vector<16xi32>
      %sub3A_223 = arith.subi %get3A_215, %sub3A_222 : vector<16xi32>
      %mul3A_224 = arith.constant 625 : i32
      %mul3A_225 = arith.muli %select_n3A_126, %mul3A_224 : i32
      %sub3A_226 = vector.broadcast %mul3A_225 : i32 to vector<16xi32>
      %sub3A_227 = arith.subi %get3A_219, %sub3A_226 : vector<16xi32>
      %sub3A_228 = vector.broadcast %mul3A_144 : i32 to vector<16xi32>
      %sub3A_229 = arith.subi %sub3A_227, %sub3A_228 : vector<16xi32>
      %ge3A = arith.constant 0 : i32
      %ge3A_230 = vector.broadcast %ge3A : i32 to vector<16xi32>
      %ge3A_231 = arith.cmpi sge, %sub3A_229, %ge3A_230 : vector<16xi32>
      %lt3A_232 = arith.constant 160 : i32
      %lt3A_233 = vector.broadcast %lt3A_232 : i32 to vector<16xi32>
      %lt3A_234 = arith.cmpi slt, %sub3A_229, %lt3A_233 : vector<16xi32>
      %and3A_235 = arith.andi %ge3A_231, %lt3A_234 : vector<16xi1>
      %mul3A_236 = arith.constant 640 : i32
      %mul3A_237 = vector.broadcast %mul3A_236 : i32 to vector<16xi32>
      %mul3A_238 = arith.muli %sub3A_229, %mul3A_237 : vector<16xi32>
      %add3A_239 = arith.addi %mul3A_238, %sub3A_223 : vector<16xi32>
      %jit3A_240 = arith.constant 0 : i32
      %jit3A_241 = arith.constant 102399 : i32
      %max3A = vector.broadcast %jit3A_240 : i32 to vector<16xi32>
      %max3A_242 = arith.maxsi %max3A, %add3A_239 : vector<16xi32>
      %min3A = vector.broadcast %jit3A_241 : i32 to vector<16xi32>
      %min3A_243 = arith.minsi %min3A, %max3A_242 : vector<16xi32>
      %eq3A_244 = arith.constant 0 : i32
      %eq3A_245 = vector.broadcast %eq3A_244 : i32 to vector<16xi32>
      %eq3A_246 = arith.cmpi eq, %iota3A, %eq3A_245 : vector<16xi32>
      %and3A_247 = arith.andi %and3A_235, %eq3A_246 : vector<16xi1>
      tpu.vector_store_idx %arg7[%min3A_243], %broadcast_in_dim3A_1 masked %and3A_247 {add = true} : memref<102400xf32, #tpu.memory_space<vmem>>[vector<16xi32>], vector<16xf32>, vector<16xi1>
      %eq3A_248 = arith.constant 1 : i32
      %eq3A_249 = vector.broadcast %eq3A_248 : i32 to vector<16xi32>
      %eq3A_250 = arith.cmpi eq, %iota3A, %eq3A_249 : vector<16xi32>
      %and3A_251 = arith.andi %and3A_235, %eq3A_250 : vector<16xi1>
      tpu.vector_store_idx %arg7[%min3A_243], %broadcast_in_dim3A_1 masked %and3A_251 {add = true} : memref<102400xf32, #tpu.memory_space<vmem>>[vector<16xi32>], vector<16xf32>, vector<16xi1>
      %eq3A_252 = arith.constant 2 : i32
      %eq3A_253 = vector.broadcast %eq3A_252 : i32 to vector<16xi32>
      %eq3A_254 = arith.cmpi eq, %iota3A, %eq3A_253 : vector<16xi32>
      %and3A_255 = arith.andi %and3A_235, %eq3A_254 : vector<16xi1>
      tpu.vector_store_idx %arg7[%min3A_243], %broadcast_in_dim3A_1 masked %and3A_255 {add = true} : memref<102400xf32, #tpu.memory_space<vmem>>[vector<16xi32>], vector<16xf32>, vector<16xi1>
      %eq3A_256 = arith.constant 3 : i32
      %eq3A_257 = vector.broadcast %eq3A_256 : i32 to vector<16xi32>
      %eq3A_258 = arith.cmpi eq, %iota3A, %eq3A_257 : vector<16xi32>
      %and3A_259 = arith.andi %and3A_235, %eq3A_258 : vector<16xi1>
      tpu.vector_store_idx %arg7[%min3A_243], %broadcast_in_dim3A_1 masked %and3A_259 {add = true} : memref<102400xf32, #tpu.memory_space<vmem>>[vector<16xi32>], vector<16xf32>, vector<16xi1>
      %eq3A_260 = arith.constant 4 : i32
      %eq3A_261 = vector.broadcast %eq3A_260 : i32 to vector<16xi32>
      %eq3A_262 = arith.cmpi eq, %iota3A, %eq3A_261 : vector<16xi32>
      %and3A_263 = arith.andi %and3A_235, %eq3A_262 : vector<16xi1>
      tpu.vector_store_idx %arg7[%min3A_243], %broadcast_in_dim3A_1 masked %and3A_263 {add = true} : memref<102400xf32, #tpu.memory_space<vmem>>[vector<16xi32>], vector<16xf32>, vector<16xi1>
      %eq3A_264 = arith.constant 5 : i32
      %eq3A_265 = vector.broadcast %eq3A_264 : i32 to vector<16xi32>
      %eq3A_266 = arith.cmpi eq, %iota3A, %eq3A_265 : vector<16xi32>
      %and3A_267 = arith.andi %and3A_235, %eq3A_266 : vector<16xi1>
      tpu.vector_store_idx %arg7[%min3A_243], %broadcast_in_dim3A_1 masked %and3A_267 {add = true} : memref<102400xf32, #tpu.memory_space<vmem>>[vector<16xi32>], vector<16xf32>, vector<16xi1>
      %eq3A_268 = arith.constant 6 : i32
      %eq3A_269 = vector.broadcast %eq3A_268 : i32 to vector<16xi32>
      %eq3A_270 = arith.cmpi eq, %iota3A, %eq3A_269 : vector<16xi32>
      %and3A_271 = arith.andi %and3A_235, %eq3A_270 : vector<16xi1>
      tpu.vector_store_idx %arg7[%min3A_243], %broadcast_in_dim3A_1 masked %and3A_271 {add = true} : memref<102400xf32, #tpu.memory_space<vmem>>[vector<16xi32>], vector<16xf32>, vector<16xi1>
      %eq3A_272 = arith.constant 7 : i32
      %eq3A_273 = vector.broadcast %eq3A_272 : i32 to vector<16xi32>
      %eq3A_274 = arith.cmpi eq, %iota3A, %eq3A_273 : vector<16xi32>
      %and3A_275 = arith.andi %and3A_235, %eq3A_274 : vector<16xi1>
      tpu.vector_store_idx %arg7[%min3A_243], %broadcast_in_dim3A_1 masked %and3A_275 {add = true} : memref<102400xf32, #tpu.memory_space<vmem>>[vector<16xi32>], vector<16xf32>, vector<16xi1>
      %eq3A_276 = arith.constant 8 : i32
      %eq3A_277 = vector.broadcast %eq3A_276 : i32 to vector<16xi32>
      %eq3A_278 = arith.cmpi eq, %iota3A, %eq3A_277 : vector<16xi32>
      %and3A_279 = arith.andi %and3A_235, %eq3A_278 : vector<16xi1>
      tpu.vector_store_idx %arg7[%min3A_243], %broadcast_in_dim3A_1 masked %and3A_279 {add = true} : memref<102400xf32, #tpu.memory_space<vmem>>[vector<16xi32>], vector<16xf32>, vector<16xi1>
      %eq3A_280 = arith.constant 9 : i32
      %eq3A_281 = vector.broadcast %eq3A_280 : i32 to vector<16xi32>
      %eq3A_282 = arith.cmpi eq, %iota3A, %eq3A_281 : vector<16xi32>
      %and3A_283 = arith.andi %and3A_235, %eq3A_282 : vector<16xi1>
      tpu.vector_store_idx %arg7[%min3A_243], %broadcast_in_dim3A_1 masked %and3A_283 {add = true} : memref<102400xf32, #tpu.memory_space<vmem>>[vector<16xi32>], vector<16xf32>, vector<16xi1>
      %eq3A_284 = arith.constant 10 : i32
      %eq3A_285 = vector.broadcast %eq3A_284 : i32 to vector<16xi32>
      %eq3A_286 = arith.cmpi eq, %iota3A, %eq3A_285 : vector<16xi32>
      %and3A_287 = arith.andi %and3A_235, %eq3A_286 : vector<16xi1>
      tpu.vector_store_idx %arg7[%min3A_243], %broadcast_in_dim3A_1 masked %and3A_287 {add = true} : memref<102400xf32, #tpu.memory_space<vmem>>[vector<16xi32>], vector<16xf32>, vector<16xi1>
      %eq3A_288 = arith.constant 11 : i32
      %eq3A_289 = vector.broadcast %eq3A_288 : i32 to vector<16xi32>
      %eq3A_290 = arith.cmpi eq, %iota3A, %eq3A_289 : vector<16xi32>
      %and3A_291 = arith.andi %and3A_235, %eq3A_290 : vector<16xi1>
      tpu.vector_store_idx %arg7[%min3A_243], %broadcast_in_dim3A_1 masked %and3A_291 {add = true} : memref<102400xf32, #tpu.memory_space<vmem>>[vector<16xi32>], vector<16xf32>, vector<16xi1>
      %eq3A_292 = arith.constant 12 : i32
      %eq3A_293 = vector.broadcast %eq3A_292 : i32 to vector<16xi32>
      %eq3A_294 = arith.cmpi eq, %iota3A, %eq3A_293 : vector<16xi32>
      %and3A_295 = arith.andi %and3A_235, %eq3A_294 : vector<16xi1>
      tpu.vector_store_idx %arg7[%min3A_243], %broadcast_in_dim3A_1 masked %and3A_295 {add = true} : memref<102400xf32, #tpu.memory_space<vmem>>[vector<16xi32>], vector<16xf32>, vector<16xi1>
      %eq3A_296 = arith.constant 13 : i32
      %eq3A_297 = vector.broadcast %eq3A_296 : i32 to vector<16xi32>
      %eq3A_298 = arith.cmpi eq, %iota3A, %eq3A_297 : vector<16xi32>
      %and3A_299 = arith.andi %and3A_235, %eq3A_298 : vector<16xi1>
      tpu.vector_store_idx %arg7[%min3A_243], %broadcast_in_dim3A_1 masked %and3A_299 {add = true} : memref<102400xf32, #tpu.memory_space<vmem>>[vector<16xi32>], vector<16xf32>, vector<16xi1>
      %eq3A_300 = arith.constant 14 : i32
      %eq3A_301 = vector.broadcast %eq3A_300 : i32 to vector<16xi32>
      %eq3A_302 = arith.cmpi eq, %iota3A, %eq3A_301 : vector<16xi32>
      %and3A_303 = arith.andi %and3A_235, %eq3A_302 : vector<16xi1>
      tpu.vector_store_idx %arg7[%min3A_243], %broadcast_in_dim3A_1 masked %and3A_303 {add = true} : memref<102400xf32, #tpu.memory_space<vmem>>[vector<16xi32>], vector<16xf32>, vector<16xi1>
      %eq3A_304 = arith.constant 15 : i32
      %eq3A_305 = vector.broadcast %eq3A_304 : i32 to vector<16xi32>
      %eq3A_306 = arith.cmpi eq, %iota3A, %eq3A_305 : vector<16xi32>
      %and3A_307 = arith.andi %and3A_235, %eq3A_306 : vector<16xi1>
      tpu.vector_store_idx %arg7[%min3A_243], %broadcast_in_dim3A_1 masked %and3A_307 {add = true} : memref<102400xf32, #tpu.memory_space<vmem>>[vector<16xi32>], vector<16xf32>, vector<16xi1>
    }
    %scan3A_172 = arith.constant 125 : i32
    %mul3A_173 = arith.constant 10000 : i32
    %mul3A_174 = arith.muli %select_n3A_126, %mul3A_173 : i32
    %add3A_175 = arith.constant 4000 : i32
    %add3A_176 = arith.addi %mul3A_174, %add3A_175 : i32
    %multiple_of3A_177 = tpu.assume_multiple %add3A_176, 2000 : i32
    "tpu.region"() ({
      %run_scoped3A = tpu.sem_alloc : memref<!tpu.dma_semaphore, #tpu.memory_space<semaphore_mem>>
      %dma_start3A = tpu.memref_slice %arg2[%multiple_of3A_177] : memref<160000xi32, #tpu.memory_space<hbm>> -> memref<2000xi32, #tpu.memory_space<hbm>>
      %dma_start3A_212 = tpu.memref_slice %arg2[%multiple_of3A_177] : memref<160000xi32, #tpu.memory_space<hbm>> -> memref<2000xi32, #tpu.memory_space<hbm>>
      tpu.enqueue_dma source(%dma_start3A_212 : memref<2000xi32, #tpu.memory_space<hbm>>) target(%arg5 : memref<2000xi32, #tpu.memory_space<vmem>>) target_semaphore(%run_scoped3A : memref<!tpu.dma_semaphore, #tpu.memory_space<semaphore_mem>>)
      %dma_wait3A = tpu.memref_slice %arg2[%multiple_of3A_177] : memref<160000xi32, #tpu.memory_space<hbm>> -> memref<2000xi32, #tpu.memory_space<hbm>>
      %dma_wait3A_213 = tpu.memref_slice %arg2[%multiple_of3A_177] : memref<160000xi32, #tpu.memory_space<hbm>> -> memref<2000xi32, #tpu.memory_space<hbm>>
      tpu.wait_dma2 semaphore(%run_scoped3A : memref<!tpu.dma_semaphore, #tpu.memory_space<semaphore_mem>>) src(%dma_wait3A_213 : memref<2000xi32, #tpu.memory_space<hbm>>) dst(%arg5 : memref<2000xi32, #tpu.memory_space<vmem>>)
      tpu.yield
    }) : () -> ()
    "tpu.region"() ({
      %run_scoped3A = tpu.sem_alloc : memref<!tpu.dma_semaphore, #tpu.memory_space<semaphore_mem>>
      %dma_start3A = tpu.memref_slice %arg3[%multiple_of3A_177] : memref<160000xi32, #tpu.memory_space<hbm>> -> memref<2000xi32, #tpu.memory_space<hbm>>
      %dma_start3A_212 = tpu.memref_slice %arg3[%multiple_of3A_177] : memref<160000xi32, #tpu.memory_space<hbm>> -> memref<2000xi32, #tpu.memory_space<hbm>>
      tpu.enqueue_dma source(%dma_start3A_212 : memref<2000xi32, #tpu.memory_space<hbm>>) target(%arg6 : memref<2000xi32, #tpu.memory_space<vmem>>) target_semaphore(%run_scoped3A : memref<!tpu.dma_semaphore, #tpu.memory_space<semaphore_mem>>)
      %dma_wait3A = tpu.memref_slice %arg3[%multiple_of3A_177] : memref<160000xi32, #tpu.memory_space<hbm>> -> memref<2000xi32, #tpu.memory_space<hbm>>
      %dma_wait3A_213 = tpu.memref_slice %arg3[%multiple_of3A_177] : memref<160000xi32, #tpu.memory_space<hbm>> -> memref<2000xi32, #tpu.memory_space<hbm>>
      tpu.wait_dma2 semaphore(%run_scoped3A : memref<!tpu.dma_semaphore, #tpu.memory_space<semaphore_mem>>) src(%dma_wait3A_213 : memref<2000xi32, #tpu.memory_space<hbm>>) dst(%arg6 : memref<2000xi32, #tpu.memory_space<vmem>>)
      tpu.yield
    }) : () -> ()
    %scan3A_178 = arith.constant 0 : i32
    %scan3A_179 = arith.constant 0 : i32
    %scan3A_180 = arith.constant 125 : i32
    %scan3A_181 = arith.addi %scan3A_179, %scan3A_180 : i32
    %scan3A_182 = arith.constant 1 : i32
    scf.for %scan3A_212 = %scan3A_179 to %scan3A_181 step %scan3A_182  : i32 {
      %mul3A_213 = arith.constant 16 : i32
      %mul3A_214 = arith.muli %scan3A_212, %mul3A_213 : i32
      %get3A = arith.index_cast %mul3A_214 : i32 to index
      %get3A_215 = tpu.vector_load %arg5[%get3A] {strides = array<i32>} : memref<2000xi32, #tpu.memory_space<vmem>>, vector<16xi32>,
      %mul3A_216 = arith.constant 16 : i32
      %mul3A_217 = arith.muli %scan3A_212, %mul3A_216 : i32
      %get3A_218 = arith.index_cast %mul3A_217 : i32 to index
      %get3A_219 = tpu.vector_load %arg6[%get3A_218] {strides = array<i32>} : memref<2000xi32, #tpu.memory_space<vmem>>, vector<16xi32>,
      %mul3A_220 = arith.constant 625 : i32
      %mul3A_221 = arith.muli %select_n3A_126, %mul3A_220 : i32
      %sub3A_222 = vector.broadcast %mul3A_221 : i32 to vector<16xi32>
      %sub3A_223 = arith.subi %get3A_215, %sub3A_222 : vector<16xi32>
      %mul3A_224 = arith.constant 625 : i32
      %mul3A_225 = arith.muli %select_n3A_126, %mul3A_224 : i32
      %sub3A_226 = vector.broadcast %mul3A_225 : i32 to vector<16xi32>
      %sub3A_227 = arith.subi %get3A_219, %sub3A_226 : vector<16xi32>
      %sub3A_228 = vector.broadcast %mul3A_144 : i32 to vector<16xi32>
      %sub3A_229 = arith.subi %sub3A_227, %sub3A_228 : vector<16xi32>
      %ge3A = arith.constant 0 : i32
      %ge3A_230 = vector.broadcast %ge3A : i32 to vector<16xi32>
      %ge3A_231 = arith.cmpi sge, %sub3A_229, %ge3A_230 : vector<16xi32>
      %lt3A_232 = arith.constant 160 : i32
      %lt3A_233 = vector.broadcast %lt3A_232 : i32 to vector<16xi32>
      %lt3A_234 = arith.cmpi slt, %sub3A_229, %lt3A_233 : vector<16xi32>
      %and3A_235 = arith.andi %ge3A_231, %lt3A_234 : vector<16xi1>
      %mul3A_236 = arith.constant 640 : i32
      %mul3A_237 = vector.broadcast %mul3A_236 : i32 to vector<16xi32>
      %mul3A_238 = arith.muli %sub3A_229, %mul3A_237 : vector<16xi32>
      %add3A_239 = arith.addi %mul3A_238, %sub3A_223 : vector<16xi32>
      %jit3A_240 = arith.constant 0 : i32
      %jit3A_241 = arith.constant 102399 : i32
      %max3A = vector.broadcast %jit3A_240 : i32 to vector<16xi32>
      %max3A_242 = arith.maxsi %max3A, %add3A_239 : vector<16xi32>
      %min3A = vector.broadcast %jit3A_241 : i32 to vector<16xi32>
      %min3A_243 = arith.minsi %min3A, %max3A_242 : vector<16xi32>
      %eq3A_244 = arith.constant 0 : i32
      %eq3A_245 = vector.broadcast %eq3A_244 : i32 to vector<16xi32>
      %eq3A_246 = arith.cmpi eq, %iota3A, %eq3A_245 : vector<16xi32>
      %and3A_247 = arith.andi %and3A_235, %eq3A_246 : vector<16xi1>
      tpu.vector_store_idx %arg7[%min3A_243], %broadcast_in_dim3A_1 masked %and3A_247 {add = true} : memref<102400xf32, #tpu.memory_space<vmem>>[vector<16xi32>], vector<16xf32>, vector<16xi1>
      %eq3A_248 = arith.constant 1 : i32
      %eq3A_249 = vector.broadcast %eq3A_248 : i32 to vector<16xi32>
      %eq3A_250 = arith.cmpi eq, %iota3A, %eq3A_249 : vector<16xi32>
      %and3A_251 = arith.andi %and3A_235, %eq3A_250 : vector<16xi1>
      tpu.vector_store_idx %arg7[%min3A_243], %broadcast_in_dim3A_1 masked %and3A_251 {add = true} : memref<102400xf32, #tpu.memory_space<vmem>>[vector<16xi32>], vector<16xf32>, vector<16xi1>
      %eq3A_252 = arith.constant 2 : i32
      %eq3A_253 = vector.broadcast %eq3A_252 : i32 to vector<16xi32>
      %eq3A_254 = arith.cmpi eq, %iota3A, %eq3A_253 : vector<16xi32>
      %and3A_255 = arith.andi %and3A_235, %eq3A_254 : vector<16xi1>
      tpu.vector_store_idx %arg7[%min3A_243], %broadcast_in_dim3A_1 masked %and3A_255 {add = true} : memref<102400xf32, #tpu.memory_space<vmem>>[vector<16xi32>], vector<16xf32>, vector<16xi1>
      %eq3A_256 = arith.constant 3 : i32
      %eq3A_257 = vector.broadcast %eq3A_256 : i32 to vector<16xi32>
      %eq3A_258 = arith.cmpi eq, %iota3A, %eq3A_257 : vector<16xi32>
      %and3A_259 = arith.andi %and3A_235, %eq3A_258 : vector<16xi1>
      tpu.vector_store_idx %arg7[%min3A_243], %broadcast_in_dim3A_1 masked %and3A_259 {add = true} : memref<102400xf32, #tpu.memory_space<vmem>>[vector<16xi32>], vector<16xf32>, vector<16xi1>
      %eq3A_260 = arith.constant 4 : i32
      %eq3A_261 = vector.broadcast %eq3A_260 : i32 to vector<16xi32>
      %eq3A_262 = arith.cmpi eq, %iota3A, %eq3A_261 : vector<16xi32>
      %and3A_263 = arith.andi %and3A_235, %eq3A_262 : vector<16xi1>
      tpu.vector_store_idx %arg7[%min3A_243], %broadcast_in_dim3A_1 masked %and3A_263 {add = true} : memref<102400xf32, #tpu.memory_space<vmem>>[vector<16xi32>], vector<16xf32>, vector<16xi1>
      %eq3A_264 = arith.constant 5 : i32
      %eq3A_265 = vector.broadcast %eq3A_264 : i32 to vector<16xi32>
      %eq3A_266 = arith.cmpi eq, %iota3A, %eq3A_265 : vector<16xi32>
      %and3A_267 = arith.andi %and3A_235, %eq3A_266 : vector<16xi1>
      tpu.vector_store_idx %arg7[%min3A_243], %broadcast_in_dim3A_1 masked %and3A_267 {add = true} : memref<102400xf32, #tpu.memory_space<vmem>>[vector<16xi32>], vector<16xf32>, vector<16xi1>
      %eq3A_268 = arith.constant 6 : i32
      %eq3A_269 = vector.broadcast %eq3A_268 : i32 to vector<16xi32>
      %eq3A_270 = arith.cmpi eq, %iota3A, %eq3A_269 : vector<16xi32>
      %and3A_271 = arith.andi %and3A_235, %eq3A_270 : vector<16xi1>
      tpu.vector_store_idx %arg7[%min3A_243], %broadcast_in_dim3A_1 masked %and3A_271 {add = true} : memref<102400xf32, #tpu.memory_space<vmem>>[vector<16xi32>], vector<16xf32>, vector<16xi1>
      %eq3A_272 = arith.constant 7 : i32
      %eq3A_273 = vector.broadcast %eq3A_272 : i32 to vector<16xi32>
      %eq3A_274 = arith.cmpi eq, %iota3A, %eq3A_273 : vector<16xi32>
      %and3A_275 = arith.andi %and3A_235, %eq3A_274 : vector<16xi1>
      tpu.vector_store_idx %arg7[%min3A_243], %broadcast_in_dim3A_1 masked %and3A_275 {add = true} : memref<102400xf32, #tpu.memory_space<vmem>>[vector<16xi32>], vector<16xf32>, vector<16xi1>
      %eq3A_276 = arith.constant 8 : i32
      %eq3A_277 = vector.broadcast %eq3A_276 : i32 to vector<16xi32>
      %eq3A_278 = arith.cmpi eq, %iota3A, %eq3A_277 : vector<16xi32>
      %and3A_279 = arith.andi %and3A_235, %eq3A_278 : vector<16xi1>
      tpu.vector_store_idx %arg7[%min3A_243], %broadcast_in_dim3A_1 masked %and3A_279 {add = true} : memref<102400xf32, #tpu.memory_space<vmem>>[vector<16xi32>], vector<16xf32>, vector<16xi1>
      %eq3A_280 = arith.constant 9 : i32
      %eq3A_281 = vector.broadcast %eq3A_280 : i32 to vector<16xi32>
      %eq3A_282 = arith.cmpi eq, %iota3A, %eq3A_281 : vector<16xi32>
      %and3A_283 = arith.andi %and3A_235, %eq3A_282 : vector<16xi1>
      tpu.vector_store_idx %arg7[%min3A_243], %broadcast_in_dim3A_1 masked %and3A_283 {add = true} : memref<102400xf32, #tpu.memory_space<vmem>>[vector<16xi32>], vector<16xf32>, vector<16xi1>
      %eq3A_284 = arith.constant 10 : i32
      %eq3A_285 = vector.broadcast %eq3A_284 : i32 to vector<16xi32>
      %eq3A_286 = arith.cmpi eq, %iota3A, %eq3A_285 : vector<16xi32>
      %and3A_287 = arith.andi %and3A_235, %eq3A_286 : vector<16xi1>
      tpu.vector_store_idx %arg7[%min3A_243], %broadcast_in_dim3A_1 masked %and3A_287 {add = true} : memref<102400xf32, #tpu.memory_space<vmem>>[vector<16xi32>], vector<16xf32>, vector<16xi1>
      %eq3A_288 = arith.constant 11 : i32
      %eq3A_289 = vector.broadcast %eq3A_288 : i32 to vector<16xi32>
      %eq3A_290 = arith.cmpi eq, %iota3A, %eq3A_289 : vector<16xi32>
      %and3A_291 = arith.andi %and3A_235, %eq3A_290 : vector<16xi1>
      tpu.vector_store_idx %arg7[%min3A_243], %broadcast_in_dim3A_1 masked %and3A_291 {add = true} : memref<102400xf32, #tpu.memory_space<vmem>>[vector<16xi32>], vector<16xf32>, vector<16xi1>
      %eq3A_292 = arith.constant 12 : i32
      %eq3A_293 = vector.broadcast %eq3A_292 : i32 to vector<16xi32>
      %eq3A_294 = arith.cmpi eq, %iota3A, %eq3A_293 : vector<16xi32>
      %and3A_295 = arith.andi %and3A_235, %eq3A_294 : vector<16xi1>
      tpu.vector_store_idx %arg7[%min3A_243], %broadcast_in_dim3A_1 masked %and3A_295 {add = true} : memref<102400xf32, #tpu.memory_space<vmem>>[vector<16xi32>], vector<16xf32>, vector<16xi1>
      %eq3A_296 = arith.constant 13 : i32
      %eq3A_297 = vector.broadcast %eq3A_296 : i32 to vector<16xi32>
      %eq3A_298 = arith.cmpi eq, %iota3A, %eq3A_297 : vector<16xi32>
      %and3A_299 = arith.andi %and3A_235, %eq3A_298 : vector<16xi1>
      tpu.vector_store_idx %arg7[%min3A_243], %broadcast_in_dim3A_1 masked %and3A_299 {add = true} : memref<102400xf32, #tpu.memory_space<vmem>>[vector<16xi32>], vector<16xf32>, vector<16xi1>
      %eq3A_300 = arith.constant 14 : i32
      %eq3A_301 = vector.broadcast %eq3A_300 : i32 to vector<16xi32>
      %eq3A_302 = arith.cmpi eq, %iota3A, %eq3A_301 : vector<16xi32>
      %and3A_303 = arith.andi %and3A_235, %eq3A_302 : vector<16xi1>
      tpu.vector_store_idx %arg7[%min3A_243], %broadcast_in_dim3A_1 masked %and3A_303 {add = true} : memref<102400xf32, #tpu.memory_space<vmem>>[vector<16xi32>], vector<16xf32>, vector<16xi1>
      %eq3A_304 = arith.constant 15 : i32
      %eq3A_305 = vector.broadcast %eq3A_304 : i32 to vector<16xi32>
      %eq3A_306 = arith.cmpi eq, %iota3A, %eq3A_305 : vector<16xi32>
      %and3A_307 = arith.andi %and3A_235, %eq3A_306 : vector<16xi1>
      tpu.vector_store_idx %arg7[%min3A_243], %broadcast_in_dim3A_1 masked %and3A_307 {add = true} : memref<102400xf32, #tpu.memory_space<vmem>>[vector<16xi32>], vector<16xf32>, vector<16xi1>
    }
    %scan3A_183 = arith.constant 125 : i32
    %mul3A_184 = arith.constant 10000 : i32
    %mul3A_185 = arith.muli %select_n3A_126, %mul3A_184 : i32
    %add3A_186 = arith.constant 6000 : i32
    %add3A_187 = arith.addi %mul3A_185, %add3A_186 : i32
    %multiple_of3A_188 = tpu.assume_multiple %add3A_187, 2000 : i32
    "tpu.region"() ({
      %run_scoped3A = tpu.sem_alloc : memref<!tpu.dma_semaphore, #tpu.memory_space<semaphore_mem>>
      %dma_start3A = tpu.memref_slice %arg2[%multiple_of3A_188] : memref<160000xi32, #tpu.memory_space<hbm>> -> memref<2000xi32, #tpu.memory_space<hbm>>
      %dma_start3A_212 = tpu.memref_slice %arg2[%multiple_of3A_188] : memref<160000xi32, #tpu.memory_space<hbm>> -> memref<2000xi32, #tpu.memory_space<hbm>>
      tpu.enqueue_dma source(%dma_start3A_212 : memref<2000xi32, #tpu.memory_space<hbm>>) target(%arg5 : memref<2000xi32, #tpu.memory_space<vmem>>) target_semaphore(%run_scoped3A : memref<!tpu.dma_semaphore, #tpu.memory_space<semaphore_mem>>)
      %dma_wait3A = tpu.memref_slice %arg2[%multiple_of3A_188] : memref<160000xi32, #tpu.memory_space<hbm>> -> memref<2000xi32, #tpu.memory_space<hbm>>
      %dma_wait3A_213 = tpu.memref_slice %arg2[%multiple_of3A_188] : memref<160000xi32, #tpu.memory_space<hbm>> -> memref<2000xi32, #tpu.memory_space<hbm>>
      tpu.wait_dma2 semaphore(%run_scoped3A : memref<!tpu.dma_semaphore, #tpu.memory_space<semaphore_mem>>) src(%dma_wait3A_213 : memref<2000xi32, #tpu.memory_space<hbm>>) dst(%arg5 : memref<2000xi32, #tpu.memory_space<vmem>>)
      tpu.yield
    }) : () -> ()
    "tpu.region"() ({
      %run_scoped3A = tpu.sem_alloc : memref<!tpu.dma_semaphore, #tpu.memory_space<semaphore_mem>>
      %dma_start3A = tpu.memref_slice %arg3[%multiple_of3A_188] : memref<160000xi32, #tpu.memory_space<hbm>> -> memref<2000xi32, #tpu.memory_space<hbm>>
      %dma_start3A_212 = tpu.memref_slice %arg3[%multiple_of3A_188] : memref<160000xi32, #tpu.memory_space<hbm>> -> memref<2000xi32, #tpu.memory_space<hbm>>
      tpu.enqueue_dma source(%dma_start3A_212 : memref<2000xi32, #tpu.memory_space<hbm>>) target(%arg6 : memref<2000xi32, #tpu.memory_space<vmem>>) target_semaphore(%run_scoped3A : memref<!tpu.dma_semaphore, #tpu.memory_space<semaphore_mem>>)
      %dma_wait3A = tpu.memref_slice %arg3[%multiple_of3A_188] : memref<160000xi32, #tpu.memory_space<hbm>> -> memref<2000xi32, #tpu.memory_space<hbm>>
      %dma_wait3A_213 = tpu.memref_slice %arg3[%multiple_of3A_188] : memref<160000xi32, #tpu.memory_space<hbm>> -> memref<2000xi32, #tpu.memory_space<hbm>>
      tpu.wait_dma2 semaphore(%run_scoped3A : memref<!tpu.dma_semaphore, #tpu.memory_space<semaphore_mem>>) src(%dma_wait3A_213 : memref<2000xi32, #tpu.memory_space<hbm>>) dst(%arg6 : memref<2000xi32, #tpu.memory_space<vmem>>)
      tpu.yield
    }) : () -> ()
    %scan3A_189 = arith.constant 0 : i32
    %scan3A_190 = arith.constant 0 : i32
    %scan3A_191 = arith.constant 125 : i32
    %scan3A_192 = arith.addi %scan3A_190, %scan3A_191 : i32
    %scan3A_193 = arith.constant 1 : i32
    scf.for %scan3A_212 = %scan3A_190 to %scan3A_192 step %scan3A_193  : i32 {
      %mul3A_213 = arith.constant 16 : i32
      %mul3A_214 = arith.muli %scan3A_212, %mul3A_213 : i32
      %get3A = arith.index_cast %mul3A_214 : i32 to index
      %get3A_215 = tpu.vector_load %arg5[%get3A] {strides = array<i32>} : memref<2000xi32, #tpu.memory_space<vmem>>, vector<16xi32>,
      %mul3A_216 = arith.constant 16 : i32
      %mul3A_217 = arith.muli %scan3A_212, %mul3A_216 : i32
      %get3A_218 = arith.index_cast %mul3A_217 : i32 to index
      %get3A_219 = tpu.vector_load %arg6[%get3A_218] {strides = array<i32>} : memref<2000xi32, #tpu.memory_space<vmem>>, vector<16xi32>,
      %mul3A_220 = arith.constant 625 : i32
      %mul3A_221 = arith.muli %select_n3A_126, %mul3A_220 : i32
      %sub3A_222 = vector.broadcast %mul3A_221 : i32 to vector<16xi32>
      %sub3A_223 = arith.subi %get3A_215, %sub3A_222 : vector<16xi32>
      %mul3A_224 = arith.constant 625 : i32
      %mul3A_225 = arith.muli %select_n3A_126, %mul3A_224 : i32
      %sub3A_226 = vector.broadcast %mul3A_225 : i32 to vector<16xi32>
      %sub3A_227 = arith.subi %get3A_219, %sub3A_226 : vector<16xi32>
      %sub3A_228 = vector.broadcast %mul3A_144 : i32 to vector<16xi32>
      %sub3A_229 = arith.subi %sub3A_227, %sub3A_228 : vector<16xi32>
      %ge3A = arith.constant 0 : i32
      %ge3A_230 = vector.broadcast %ge3A : i32 to vector<16xi32>
      %ge3A_231 = arith.cmpi sge, %sub3A_229, %ge3A_230 : vector<16xi32>
      %lt3A_232 = arith.constant 160 : i32
      %lt3A_233 = vector.broadcast %lt3A_232 : i32 to vector<16xi32>
      %lt3A_234 = arith.cmpi slt, %sub3A_229, %lt3A_233 : vector<16xi32>
      %and3A_235 = arith.andi %ge3A_231, %lt3A_234 : vector<16xi1>
      %mul3A_236 = arith.constant 640 : i32
      %mul3A_237 = vector.broadcast %mul3A_236 : i32 to vector<16xi32>
      %mul3A_238 = arith.muli %sub3A_229, %mul3A_237 : vector<16xi32>
      %add3A_239 = arith.addi %mul3A_238, %sub3A_223 : vector<16xi32>
      %jit3A_240 = arith.constant 0 : i32
      %jit3A_241 = arith.constant 102399 : i32
      %max3A = vector.broadcast %jit3A_240 : i32 to vector<16xi32>
      %max3A_242 = arith.maxsi %max3A, %add3A_239 : vector<16xi32>
      %min3A = vector.broadcast %jit3A_241 : i32 to vector<16xi32>
      %min3A_243 = arith.minsi %min3A, %max3A_242 : vector<16xi32>
      %eq3A_244 = arith.constant 0 : i32
      %eq3A_245 = vector.broadcast %eq3A_244 : i32 to vector<16xi32>
      %eq3A_246 = arith.cmpi eq, %iota3A, %eq3A_245 : vector<16xi32>
      %and3A_247 = arith.andi %and3A_235, %eq3A_246 : vector<16xi1>
      tpu.vector_store_idx %arg7[%min3A_243], %broadcast_in_dim3A_1 masked %and3A_247 {add = true} : memref<102400xf32, #tpu.memory_space<vmem>>[vector<16xi32>], vector<16xf32>, vector<16xi1>
      %eq3A_248 = arith.constant 1 : i32
      %eq3A_249 = vector.broadcast %eq3A_248 : i32 to vector<16xi32>
      %eq3A_250 = arith.cmpi eq, %iota3A, %eq3A_249 : vector<16xi32>
      %and3A_251 = arith.andi %and3A_235, %eq3A_250 : vector<16xi1>
      tpu.vector_store_idx %arg7[%min3A_243], %broadcast_in_dim3A_1 masked %and3A_251 {add = true} : memref<102400xf32, #tpu.memory_space<vmem>>[vector<16xi32>], vector<16xf32>, vector<16xi1>
      %eq3A_252 = arith.constant 2 : i32
      %eq3A_253 = vector.broadcast %eq3A_252 : i32 to vector<16xi32>
      %eq3A_254 = arith.cmpi eq, %iota3A, %eq3A_253 : vector<16xi32>
      %and3A_255 = arith.andi %and3A_235, %eq3A_254 : vector<16xi1>
      tpu.vector_store_idx %arg7[%min3A_243], %broadcast_in_dim3A_1 masked %and3A_255 {add = true} : memref<102400xf32, #tpu.memory_space<vmem>>[vector<16xi32>], vector<16xf32>, vector<16xi1>
      %eq3A_256 = arith.constant 3 : i32
      %eq3A_257 = vector.broadcast %eq3A_256 : i32 to vector<16xi32>
      %eq3A_258 = arith.cmpi eq, %iota3A, %eq3A_257 : vector<16xi32>
      %and3A_259 = arith.andi %and3A_235, %eq3A_258 : vector<16xi1>
      tpu.vector_store_idx %arg7[%min3A_243], %broadcast_in_dim3A_1 masked %and3A_259 {add = true} : memref<102400xf32, #tpu.memory_space<vmem>>[vector<16xi32>], vector<16xf32>, vector<16xi1>
      %eq3A_260 = arith.constant 4 : i32
      %eq3A_261 = vector.broadcast %eq3A_260 : i32 to vector<16xi32>
      %eq3A_262 = arith.cmpi eq, %iota3A, %eq3A_261 : vector<16xi32>
      %and3A_263 = arith.andi %and3A_235, %eq3A_262 : vector<16xi1>
      tpu.vector_store_idx %arg7[%min3A_243], %broadcast_in_dim3A_1 masked %and3A_263 {add = true} : memref<102400xf32, #tpu.memory_space<vmem>>[vector<16xi32>], vector<16xf32>, vector<16xi1>
      %eq3A_264 = arith.constant 5 : i32
      %eq3A_265 = vector.broadcast %eq3A_264 : i32 to vector<16xi32>
      %eq3A_266 = arith.cmpi eq, %iota3A, %eq3A_265 : vector<16xi32>
      %and3A_267 = arith.andi %and3A_235, %eq3A_266 : vector<16xi1>
      tpu.vector_store_idx %arg7[%min3A_243], %broadcast_in_dim3A_1 masked %and3A_267 {add = true} : memref<102400xf32, #tpu.memory_space<vmem>>[vector<16xi32>], vector<16xf32>, vector<16xi1>
      %eq3A_268 = arith.constant 6 : i32
      %eq3A_269 = vector.broadcast %eq3A_268 : i32 to vector<16xi32>
      %eq3A_270 = arith.cmpi eq, %iota3A, %eq3A_269 : vector<16xi32>
      %and3A_271 = arith.andi %and3A_235, %eq3A_270 : vector<16xi1>
      tpu.vector_store_idx %arg7[%min3A_243], %broadcast_in_dim3A_1 masked %and3A_271 {add = true} : memref<102400xf32, #tpu.memory_space<vmem>>[vector<16xi32>], vector<16xf32>, vector<16xi1>
      %eq3A_272 = arith.constant 7 : i32
      %eq3A_273 = vector.broadcast %eq3A_272 : i32 to vector<16xi32>
      %eq3A_274 = arith.cmpi eq, %iota3A, %eq3A_273 : vector<16xi32>
      %and3A_275 = arith.andi %and3A_235, %eq3A_274 : vector<16xi1>
      tpu.vector_store_idx %arg7[%min3A_243], %broadcast_in_dim3A_1 masked %and3A_275 {add = true} : memref<102400xf32, #tpu.memory_space<vmem>>[vector<16xi32>], vector<16xf32>, vector<16xi1>
      %eq3A_276 = arith.constant 8 : i32
      %eq3A_277 = vector.broadcast %eq3A_276 : i32 to vector<16xi32>
      %eq3A_278 = arith.cmpi eq, %iota3A, %eq3A_277 : vector<16xi32>
      %and3A_279 = arith.andi %and3A_235, %eq3A_278 : vector<16xi1>
      tpu.vector_store_idx %arg7[%min3A_243], %broadcast_in_dim3A_1 masked %and3A_279 {add = true} : memref<102400xf32, #tpu.memory_space<vmem>>[vector<16xi32>], vector<16xf32>, vector<16xi1>
      %eq3A_280 = arith.constant 9 : i32
      %eq3A_281 = vector.broadcast %eq3A_280 : i32 to vector<16xi32>
      %eq3A_282 = arith.cmpi eq, %iota3A, %eq3A_281 : vector<16xi32>
      %and3A_283 = arith.andi %and3A_235, %eq3A_282 : vector<16xi1>
      tpu.vector_store_idx %arg7[%min3A_243], %broadcast_in_dim3A_1 masked %and3A_283 {add = true} : memref<102400xf32, #tpu.memory_space<vmem>>[vector<16xi32>], vector<16xf32>, vector<16xi1>
      %eq3A_284 = arith.constant 10 : i32
      %eq3A_285 = vector.broadcast %eq3A_284 : i32 to vector<16xi32>
      %eq3A_286 = arith.cmpi eq, %iota3A, %eq3A_285 : vector<16xi32>
      %and3A_287 = arith.andi %and3A_235, %eq3A_286 : vector<16xi1>
      tpu.vector_store_idx %arg7[%min3A_243], %broadcast_in_dim3A_1 masked %and3A_287 {add = true} : memref<102400xf32, #tpu.memory_space<vmem>>[vector<16xi32>], vector<16xf32>, vector<16xi1>
      %eq3A_288 = arith.constant 11 : i32
      %eq3A_289 = vector.broadcast %eq3A_288 : i32 to vector<16xi32>
      %eq3A_290 = arith.cmpi eq, %iota3A, %eq3A_289 : vector<16xi32>
      %and3A_291 = arith.andi %and3A_235, %eq3A_290 : vector<16xi1>
      tpu.vector_store_idx %arg7[%min3A_243], %broadcast_in_dim3A_1 masked %and3A_291 {add = true} : memref<102400xf32, #tpu.memory_space<vmem>>[vector<16xi32>], vector<16xf32>, vector<16xi1>
      %eq3A_292 = arith.constant 12 : i32
      %eq3A_293 = vector.broadcast %eq3A_292 : i32 to vector<16xi32>
      %eq3A_294 = arith.cmpi eq, %iota3A, %eq3A_293 : vector<16xi32>
      %and3A_295 = arith.andi %and3A_235, %eq3A_294 : vector<16xi1>
      tpu.vector_store_idx %arg7[%min3A_243], %broadcast_in_dim3A_1 masked %and3A_295 {add = true} : memref<102400xf32, #tpu.memory_space<vmem>>[vector<16xi32>], vector<16xf32>, vector<16xi1>
      %eq3A_296 = arith.constant 13 : i32
      %eq3A_297 = vector.broadcast %eq3A_296 : i32 to vector<16xi32>
      %eq3A_298 = arith.cmpi eq, %iota3A, %eq3A_297 : vector<16xi32>
      %and3A_299 = arith.andi %and3A_235, %eq3A_298 : vector<16xi1>
      tpu.vector_store_idx %arg7[%min3A_243], %broadcast_in_dim3A_1 masked %and3A_299 {add = true} : memref<102400xf32, #tpu.memory_space<vmem>>[vector<16xi32>], vector<16xf32>, vector<16xi1>
      %eq3A_300 = arith.constant 14 : i32
      %eq3A_301 = vector.broadcast %eq3A_300 : i32 to vector<16xi32>
      %eq3A_302 = arith.cmpi eq, %iota3A, %eq3A_301 : vector<16xi32>
      %and3A_303 = arith.andi %and3A_235, %eq3A_302 : vector<16xi1>
      tpu.vector_store_idx %arg7[%min3A_243], %broadcast_in_dim3A_1 masked %and3A_303 {add = true} : memref<102400xf32, #tpu.memory_space<vmem>>[vector<16xi32>], vector<16xf32>, vector<16xi1>
      %eq3A_304 = arith.constant 15 : i32
      %eq3A_305 = vector.broadcast %eq3A_304 : i32 to vector<16xi32>
      %eq3A_306 = arith.cmpi eq, %iota3A, %eq3A_305 : vector<16xi32>
      %and3A_307 = arith.andi %and3A_235, %eq3A_306 : vector<16xi1>
      tpu.vector_store_idx %arg7[%min3A_243], %broadcast_in_dim3A_1 masked %and3A_307 {add = true} : memref<102400xf32, #tpu.memory_space<vmem>>[vector<16xi32>], vector<16xf32>, vector<16xi1>
    }
    %scan3A_194 = arith.constant 125 : i32
    %mul3A_195 = arith.constant 10000 : i32
    %mul3A_196 = arith.muli %select_n3A_126, %mul3A_195 : i32
    %add3A_197 = arith.constant 8000 : i32
    %add3A_198 = arith.addi %mul3A_196, %add3A_197 : i32
    %multiple_of3A_199 = tpu.assume_multiple %add3A_198, 2000 : i32
    "tpu.region"() ({
      %run_scoped3A = tpu.sem_alloc : memref<!tpu.dma_semaphore, #tpu.memory_space<semaphore_mem>>
      %dma_start3A = tpu.memref_slice %arg2[%multiple_of3A_199] : memref<160000xi32, #tpu.memory_space<hbm>> -> memref<2000xi32, #tpu.memory_space<hbm>>
      %dma_start3A_212 = tpu.memref_slice %arg2[%multiple_of3A_199] : memref<160000xi32, #tpu.memory_space<hbm>> -> memref<2000xi32, #tpu.memory_space<hbm>>
      tpu.enqueue_dma source(%dma_start3A_212 : memref<2000xi32, #tpu.memory_space<hbm>>) target(%arg5 : memref<2000xi32, #tpu.memory_space<vmem>>) target_semaphore(%run_scoped3A : memref<!tpu.dma_semaphore, #tpu.memory_space<semaphore_mem>>)
      %dma_wait3A = tpu.memref_slice %arg2[%multiple_of3A_199] : memref<160000xi32, #tpu.memory_space<hbm>> -> memref<2000xi32, #tpu.memory_space<hbm>>
      %dma_wait3A_213 = tpu.memref_slice %arg2[%multiple_of3A_199] : memref<160000xi32, #tpu.memory_space<hbm>> -> memref<2000xi32, #tpu.memory_space<hbm>>
      tpu.wait_dma2 semaphore(%run_scoped3A : memref<!tpu.dma_semaphore, #tpu.memory_space<semaphore_mem>>) src(%dma_wait3A_213 : memref<2000xi32, #tpu.memory_space<hbm>>) dst(%arg5 : memref<2000xi32, #tpu.memory_space<vmem>>)
      tpu.yield
    }) : () -> ()
    "tpu.region"() ({
      %run_scoped3A = tpu.sem_alloc : memref<!tpu.dma_semaphore, #tpu.memory_space<semaphore_mem>>
      %dma_start3A = tpu.memref_slice %arg3[%multiple_of3A_199] : memref<160000xi32, #tpu.memory_space<hbm>> -> memref<2000xi32, #tpu.memory_space<hbm>>
      %dma_start3A_212 = tpu.memref_slice %arg3[%multiple_of3A_199] : memref<160000xi32, #tpu.memory_space<hbm>> -> memref<2000xi32, #tpu.memory_space<hbm>>
      tpu.enqueue_dma source(%dma_start3A_212 : memref<2000xi32, #tpu.memory_space<hbm>>) target(%arg6 : memref<2000xi32, #tpu.memory_space<vmem>>) target_semaphore(%run_scoped3A : memref<!tpu.dma_semaphore, #tpu.memory_space<semaphore_mem>>)
      %dma_wait3A = tpu.memref_slice %arg3[%multiple_of3A_199] : memref<160000xi32, #tpu.memory_space<hbm>> -> memref<2000xi32, #tpu.memory_space<hbm>>
      %dma_wait3A_213 = tpu.memref_slice %arg3[%multiple_of3A_199] : memref<160000xi32, #tpu.memory_space<hbm>> -> memref<2000xi32, #tpu.memory_space<hbm>>
      tpu.wait_dma2 semaphore(%run_scoped3A : memref<!tpu.dma_semaphore, #tpu.memory_space<semaphore_mem>>) src(%dma_wait3A_213 : memref<2000xi32, #tpu.memory_space<hbm>>) dst(%arg6 : memref<2000xi32, #tpu.memory_space<vmem>>)
      tpu.yield
    }) : () -> ()
    %scan3A_200 = arith.constant 0 : i32
    %scan3A_201 = arith.constant 0 : i32
    %scan3A_202 = arith.constant 125 : i32
    %scan3A_203 = arith.addi %scan3A_201, %scan3A_202 : i32
    %scan3A_204 = arith.constant 1 : i32
    scf.for %scan3A_212 = %scan3A_201 to %scan3A_203 step %scan3A_204  : i32 {
      %mul3A_213 = arith.constant 16 : i32
      %mul3A_214 = arith.muli %scan3A_212, %mul3A_213 : i32
      %get3A = arith.index_cast %mul3A_214 : i32 to index
      %get3A_215 = tpu.vector_load %arg5[%get3A] {strides = array<i32>} : memref<2000xi32, #tpu.memory_space<vmem>>, vector<16xi32>,
      %mul3A_216 = arith.constant 16 : i32
      %mul3A_217 = arith.muli %scan3A_212, %mul3A_216 : i32
      %get3A_218 = arith.index_cast %mul3A_217 : i32 to index
      %get3A_219 = tpu.vector_load %arg6[%get3A_218] {strides = array<i32>} : memref<2000xi32, #tpu.memory_space<vmem>>, vector<16xi32>,
      %mul3A_220 = arith.constant 625 : i32
      %mul3A_221 = arith.muli %select_n3A_126, %mul3A_220 : i32
      %sub3A_222 = vector.broadcast %mul3A_221 : i32 to vector<16xi32>
      %sub3A_223 = arith.subi %get3A_215, %sub3A_222 : vector<16xi32>
      %mul3A_224 = arith.constant 625 : i32
      %mul3A_225 = arith.muli %select_n3A_126, %mul3A_224 : i32
      %sub3A_226 = vector.broadcast %mul3A_225 : i32 to vector<16xi32>
      %sub3A_227 = arith.subi %get3A_219, %sub3A_226 : vector<16xi32>
      %sub3A_228 = vector.broadcast %mul3A_144 : i32 to vector<16xi32>
      %sub3A_229 = arith.subi %sub3A_227, %sub3A_228 : vector<16xi32>
      %ge3A = arith.constant 0 : i32
      %ge3A_230 = vector.broadcast %ge3A : i32 to vector<16xi32>
      %ge3A_231 = arith.cmpi sge, %sub3A_229, %ge3A_230 : vector<16xi32>
      %lt3A_232 = arith.constant 160 : i32
      %lt3A_233 = vector.broadcast %lt3A_232 : i32 to vector<16xi32>
      %lt3A_234 = arith.cmpi slt, %sub3A_229, %lt3A_233 : vector<16xi32>
      %and3A_235 = arith.andi %ge3A_231, %lt3A_234 : vector<16xi1>
      %mul3A_236 = arith.constant 640 : i32
      %mul3A_237 = vector.broadcast %mul3A_236 : i32 to vector<16xi32>
      %mul3A_238 = arith.muli %sub3A_229, %mul3A_237 : vector<16xi32>
      %add3A_239 = arith.addi %mul3A_238, %sub3A_223 : vector<16xi32>
      %jit3A_240 = arith.constant 0 : i32
      %jit3A_241 = arith.constant 102399 : i32
      %max3A = vector.broadcast %jit3A_240 : i32 to vector<16xi32>
      %max3A_242 = arith.maxsi %max3A, %add3A_239 : vector<16xi32>
      %min3A = vector.broadcast %jit3A_241 : i32 to vector<16xi32>
      %min3A_243 = arith.minsi %min3A, %max3A_242 : vector<16xi32>
      %eq3A_244 = arith.constant 0 : i32
      %eq3A_245 = vector.broadcast %eq3A_244 : i32 to vector<16xi32>
      %eq3A_246 = arith.cmpi eq, %iota3A, %eq3A_245 : vector<16xi32>
      %and3A_247 = arith.andi %and3A_235, %eq3A_246 : vector<16xi1>
      tpu.vector_store_idx %arg7[%min3A_243], %broadcast_in_dim3A_1 masked %and3A_247 {add = true} : memref<102400xf32, #tpu.memory_space<vmem>>[vector<16xi32>], vector<16xf32>, vector<16xi1>
      %eq3A_248 = arith.constant 1 : i32
      %eq3A_249 = vector.broadcast %eq3A_248 : i32 to vector<16xi32>
      %eq3A_250 = arith.cmpi eq, %iota3A, %eq3A_249 : vector<16xi32>
      %and3A_251 = arith.andi %and3A_235, %eq3A_250 : vector<16xi1>
      tpu.vector_store_idx %arg7[%min3A_243], %broadcast_in_dim3A_1 masked %and3A_251 {add = true} : memref<102400xf32, #tpu.memory_space<vmem>>[vector<16xi32>], vector<16xf32>, vector<16xi1>
      %eq3A_252 = arith.constant 2 : i32
      %eq3A_253 = vector.broadcast %eq3A_252 : i32 to vector<16xi32>
      %eq3A_254 = arith.cmpi eq, %iota3A, %eq3A_253 : vector<16xi32>
      %and3A_255 = arith.andi %and3A_235, %eq3A_254 : vector<16xi1>
      tpu.vector_store_idx %arg7[%min3A_243], %broadcast_in_dim3A_1 masked %and3A_255 {add = true} : memref<102400xf32, #tpu.memory_space<vmem>>[vector<16xi32>], vector<16xf32>, vector<16xi1>
      %eq3A_256 = arith.constant 3 : i32
      %eq3A_257 = vector.broadcast %eq3A_256 : i32 to vector<16xi32>
      %eq3A_258 = arith.cmpi eq, %iota3A, %eq3A_257 : vector<16xi32>
      %and3A_259 = arith.andi %and3A_235, %eq3A_258 : vector<16xi1>
      tpu.vector_store_idx %arg7[%min3A_243], %broadcast_in_dim3A_1 masked %and3A_259 {add = true} : memref<102400xf32, #tpu.memory_space<vmem>>[vector<16xi32>], vector<16xf32>, vector<16xi1>
      %eq3A_260 = arith.constant 4 : i32
      %eq3A_261 = vector.broadcast %eq3A_260 : i32 to vector<16xi32>
      %eq3A_262 = arith.cmpi eq, %iota3A, %eq3A_261 : vector<16xi32>
      %and3A_263 = arith.andi %and3A_235, %eq3A_262 : vector<16xi1>
      tpu.vector_store_idx %arg7[%min3A_243], %broadcast_in_dim3A_1 masked %and3A_263 {add = true} : memref<102400xf32, #tpu.memory_space<vmem>>[vector<16xi32>], vector<16xf32>, vector<16xi1>
      %eq3A_264 = arith.constant 5 : i32
      %eq3A_265 = vector.broadcast %eq3A_264 : i32 to vector<16xi32>
      %eq3A_266 = arith.cmpi eq, %iota3A, %eq3A_265 : vector<16xi32>
      %and3A_267 = arith.andi %and3A_235, %eq3A_266 : vector<16xi1>
      tpu.vector_store_idx %arg7[%min3A_243], %broadcast_in_dim3A_1 masked %and3A_267 {add = true} : memref<102400xf32, #tpu.memory_space<vmem>>[vector<16xi32>], vector<16xf32>, vector<16xi1>
      %eq3A_268 = arith.constant 6 : i32
      %eq3A_269 = vector.broadcast %eq3A_268 : i32 to vector<16xi32>
      %eq3A_270 = arith.cmpi eq, %iota3A, %eq3A_269 : vector<16xi32>
      %and3A_271 = arith.andi %and3A_235, %eq3A_270 : vector<16xi1>
      tpu.vector_store_idx %arg7[%min3A_243], %broadcast_in_dim3A_1 masked %and3A_271 {add = true} : memref<102400xf32, #tpu.memory_space<vmem>>[vector<16xi32>], vector<16xf32>, vector<16xi1>
      %eq3A_272 = arith.constant 7 : i32
      %eq3A_273 = vector.broadcast %eq3A_272 : i32 to vector<16xi32>
      %eq3A_274 = arith.cmpi eq, %iota3A, %eq3A_273 : vector<16xi32>
      %and3A_275 = arith.andi %and3A_235, %eq3A_274 : vector<16xi1>
      tpu.vector_store_idx %arg7[%min3A_243], %broadcast_in_dim3A_1 masked %and3A_275 {add = true} : memref<102400xf32, #tpu.memory_space<vmem>>[vector<16xi32>], vector<16xf32>, vector<16xi1>
      %eq3A_276 = arith.constant 8 : i32
      %eq3A_277 = vector.broadcast %eq3A_276 : i32 to vector<16xi32>
      %eq3A_278 = arith.cmpi eq, %iota3A, %eq3A_277 : vector<16xi32>
      %and3A_279 = arith.andi %and3A_235, %eq3A_278 : vector<16xi1>
      tpu.vector_store_idx %arg7[%min3A_243], %broadcast_in_dim3A_1 masked %and3A_279 {add = true} : memref<102400xf32, #tpu.memory_space<vmem>>[vector<16xi32>], vector<16xf32>, vector<16xi1>
      %eq3A_280 = arith.constant 9 : i32
      %eq3A_281 = vector.broadcast %eq3A_280 : i32 to vector<16xi32>
      %eq3A_282 = arith.cmpi eq, %iota3A, %eq3A_281 : vector<16xi32>
      %and3A_283 = arith.andi %and3A_235, %eq3A_282 : vector<16xi1>
      tpu.vector_store_idx %arg7[%min3A_243], %broadcast_in_dim3A_1 masked %and3A_283 {add = true} : memref<102400xf32, #tpu.memory_space<vmem>>[vector<16xi32>], vector<16xf32>, vector<16xi1>
      %eq3A_284 = arith.constant 10 : i32
      %eq3A_285 = vector.broadcast %eq3A_284 : i32 to vector<16xi32>
      %eq3A_286 = arith.cmpi eq, %iota3A, %eq3A_285 : vector<16xi32>
      %and3A_287 = arith.andi %and3A_235, %eq3A_286 : vector<16xi1>
      tpu.vector_store_idx %arg7[%min3A_243], %broadcast_in_dim3A_1 masked %and3A_287 {add = true} : memref<102400xf32, #tpu.memory_space<vmem>>[vector<16xi32>], vector<16xf32>, vector<16xi1>
      %eq3A_288 = arith.constant 11 : i32
      %eq3A_289 = vector.broadcast %eq3A_288 : i32 to vector<16xi32>
      %eq3A_290 = arith.cmpi eq, %iota3A, %eq3A_289 : vector<16xi32>
      %and3A_291 = arith.andi %and3A_235, %eq3A_290 : vector<16xi1>
      tpu.vector_store_idx %arg7[%min3A_243], %broadcast_in_dim3A_1 masked %and3A_291 {add = true} : memref<102400xf32, #tpu.memory_space<vmem>>[vector<16xi32>], vector<16xf32>, vector<16xi1>
      %eq3A_292 = arith.constant 12 : i32
      %eq3A_293 = vector.broadcast %eq3A_292 : i32 to vector<16xi32>
      %eq3A_294 = arith.cmpi eq, %iota3A, %eq3A_293 : vector<16xi32>
      %and3A_295 = arith.andi %and3A_235, %eq3A_294 : vector<16xi1>
      tpu.vector_store_idx %arg7[%min3A_243], %broadcast_in_dim3A_1 masked %and3A_295 {add = true} : memref<102400xf32, #tpu.memory_space<vmem>>[vector<16xi32>], vector<16xf32>, vector<16xi1>
      %eq3A_296 = arith.constant 13 : i32
      %eq3A_297 = vector.broadcast %eq3A_296 : i32 to vector<16xi32>
      %eq3A_298 = arith.cmpi eq, %iota3A, %eq3A_297 : vector<16xi32>
      %and3A_299 = arith.andi %and3A_235, %eq3A_298 : vector<16xi1>
      tpu.vector_store_idx %arg7[%min3A_243], %broadcast_in_dim3A_1 masked %and3A_299 {add = true} : memref<102400xf32, #tpu.memory_space<vmem>>[vector<16xi32>], vector<16xf32>, vector<16xi1>
      %eq3A_300 = arith.constant 14 : i32
      %eq3A_301 = vector.broadcast %eq3A_300 : i32 to vector<16xi32>
      %eq3A_302 = arith.cmpi eq, %iota3A, %eq3A_301 : vector<16xi32>
      %and3A_303 = arith.andi %and3A_235, %eq3A_302 : vector<16xi1>
      tpu.vector_store_idx %arg7[%min3A_243], %broadcast_in_dim3A_1 masked %and3A_303 {add = true} : memref<102400xf32, #tpu.memory_space<vmem>>[vector<16xi32>], vector<16xf32>, vector<16xi1>
      %eq3A_304 = arith.constant 15 : i32
      %eq3A_305 = vector.broadcast %eq3A_304 : i32 to vector<16xi32>
      %eq3A_306 = arith.cmpi eq, %iota3A, %eq3A_305 : vector<16xi32>
      %and3A_307 = arith.andi %and3A_235, %eq3A_306 : vector<16xi1>
      tpu.vector_store_idx %arg7[%min3A_243], %broadcast_in_dim3A_1 masked %and3A_307 {add = true} : memref<102400xf32, #tpu.memory_space<vmem>>[vector<16xi32>], vector<16xf32>, vector<16xi1>
    }
    %scan3A_205 = arith.constant 125 : i32
    %mul3A_206 = arith.constant 640 : i32
    %mul3A_207 = arith.muli %select_n3A_126, %mul3A_206 : i32
    %add3A_208 = arith.addi %mul3A_207, %mul3A_144 : i32
    %mul3A_209 = arith.constant 640 : i32
    %mul3A_210 = arith.muli %add3A_208, %mul3A_209 : i32
    %multiple_of3A_211 = tpu.assume_multiple %mul3A_210, 102400 : i32
    "tpu.region"() ({
      %run_scoped3A = tpu.sem_alloc : memref<!tpu.dma_semaphore, #tpu.memory_space<semaphore_mem>>
      %dma_start3A = tpu.memref_slice %arg4[%multiple_of3A_211] : memref<6553600xf32, #tpu.memory_space<hbm>> -> memref<102400xf32, #tpu.memory_space<hbm>>
      %dma_start3A_212 = tpu.memref_slice %arg4[%multiple_of3A_211] : memref<6553600xf32, #tpu.memory_space<hbm>> -> memref<102400xf32, #tpu.memory_space<hbm>>
      tpu.enqueue_dma source(%arg7 : memref<102400xf32, #tpu.memory_space<vmem>>) target(%dma_start3A_212 : memref<102400xf32, #tpu.memory_space<hbm>>) target_semaphore(%run_scoped3A : memref<!tpu.dma_semaphore, #tpu.memory_space<semaphore_mem>>)
      %dma_wait3A = tpu.memref_slice %arg4[%multiple_of3A_211] : memref<6553600xf32, #tpu.memory_space<hbm>> -> memref<102400xf32, #tpu.memory_space<hbm>>
      %dma_wait3A_213 = tpu.memref_slice %arg4[%multiple_of3A_211] : memref<6553600xf32, #tpu.memory_space<hbm>> -> memref<102400xf32, #tpu.memory_space<hbm>>
      tpu.wait_dma2 semaphore(%run_scoped3A : memref<!tpu.dma_semaphore, #tpu.memory_space<semaphore_mem>>) src(%arg7 : memref<102400xf32, #tpu.memory_space<vmem>>) dst(%dma_wait3A_213 : memref<102400xf32, #tpu.memory_space<hbm>>)
      tpu.yield
    }) : () -> ()
    return
  }
}

module attributes {stable_mosaic.version = 14 : i64} {
  func.func @_head_body(%arg0: memref<16x32xf32, #tpu.memory_space<vmem>>, %arg1: memref<32x1024xf32, #tpu.memory_space<vmem>>, %arg2: memref<1x1024xf32, #tpu.memory_space<vmem>>, %arg3: memref<1024x512xf32, #tpu.memory_space<vmem>>, %arg4: memref<1x512xf32, #tpu.memory_space<vmem>>, %arg5: memref<512x256xf32, #tpu.memory_space<vmem>>, %arg6: memref<1x256xf32, #tpu.memory_space<vmem>>, %arg7: memref<256x32xf32, #tpu.memory_space<vmem>>, %arg8: memref<1x32xf32, #tpu.memory_space<vmem>>, %arg9: memref<1x1024xf32, #tpu.memory_space<vmem>>, %arg10: memref<1x512xf32, #tpu.memory_space<vmem>>, %arg11: memref<1x256xf32, #tpu.memory_space<vmem>>, %arg12: memref<1x1024xf32, #tpu.memory_space<vmem>>, %arg13: memref<1x512xf32, #tpu.memory_space<vmem>>, %arg14: memref<1x256xf32, #tpu.memory_space<vmem>>, %arg15: memref<16x32xf32, #tpu.memory_space<vmem>>) attributes {dimension_semantics = [], scalar_prefetch = 0 : i64, scratch_operands = 0 : i64, tpu.core_type = #tpu.core_type<tc>} {
    %sqrt3A = arith.constant 1.000010e+00 : f32
    %sqrt3A_0 = math.sqrt %sqrt3A : f32
    %div3A = arith.constant 1.000000e+00 : f32
    %div3A_1 = arith.divf %div3A, %sqrt3A_0 : f32
    %get3A = arith.constant 0 : index
    %get3A_2 = arith.constant 0 : index
    %get3A_3 = vector.load %arg0[%get3A, %get3A_2] : memref<16x32xf32, #tpu.memory_space<vmem>>, vector<16x32xf32>
    %get3A_4 = arith.constant 0 : index
    %get3A_5 = arith.constant 0 : index
    %get3A_6 = vector.load %arg1[%get3A_4, %get3A_5] : memref<32x1024xf32, #tpu.memory_space<vmem>>, vector<32x1024xf32>
    %dot_general3A = arith.constant dense<0.000000e+00> : vector<16x1024xf32>
    %dot_general3A_7 = tpu.matmul %get3A_3, %get3A_6, %dot_general3A {dimension_numbers = #tpu.dot_dimension_numbers<[1], [0], [0], [1], [0, 0, 1, 1], [], []>, transpose_lhs_hint = false} : vector<16x32xf32>, vector<32x1024xf32>, vector<16x1024xf32> -> vector<16x1024xf32>
    %get3A_8 = arith.constant 0 : index
    %get3A_9 = arith.constant 0 : index
    %get3A_10 = vector.load %arg2[%get3A_8, %get3A_9] : memref<1x1024xf32, #tpu.memory_space<vmem>>, vector<1x1024xf32>
    %add3A = vector.broadcast %get3A_10 : vector<1x1024xf32> to vector<16x1024xf32>
    %add3A_11 = arith.addf %dot_general3A_7, %add3A : vector<16x1024xf32>
    %max3A = arith.constant 0.000000e+00 : f32
    %max3A_12 = vector.broadcast %max3A : f32 to vector<16x1024xf32>
    %max3A_13 = arith.maximumf %add3A_11, %max3A_12 : vector<16x1024xf32>
    %mul3A = vector.broadcast %div3A_1 : f32 to vector<16x1024xf32>
    %mul3A_14 = arith.mulf %max3A_13, %mul3A : vector<16x1024xf32>
    %get3A_15 = arith.constant 0 : index
    %get3A_16 = arith.constant 0 : index
    %get3A_17 = vector.load %arg9[%get3A_15, %get3A_16] : memref<1x1024xf32, #tpu.memory_space<vmem>>, vector<1x1024xf32>
    %mul3A_18 = vector.broadcast %get3A_17 : vector<1x1024xf32> to vector<16x1024xf32>
    %mul3A_19 = arith.mulf %mul3A_14, %mul3A_18 : vector<16x1024xf32>
    %get3A_20 = arith.constant 0 : index
    %get3A_21 = arith.constant 0 : index
    %get3A_22 = vector.load %arg12[%get3A_20, %get3A_21] : memref<1x1024xf32, #tpu.memory_space<vmem>>, vector<1x1024xf32>
    %add3A_23 = vector.broadcast %get3A_22 : vector<1x1024xf32> to vector<16x1024xf32>
    %add3A_24 = arith.addf %mul3A_19, %add3A_23 : vector<16x1024xf32>
    %get3A_25 = arith.constant 0 : index
    %get3A_26 = arith.constant 0 : index
    %get3A_27 = vector.load %arg3[%get3A_25, %get3A_26] : memref<1024x512xf32, #tpu.memory_space<vmem>>, vector<1024x512xf32>
    %dot_general3A_28 = arith.constant dense<0.000000e+00> : vector<16x512xf32>
    %dot_general3A_29 = tpu.matmul %add3A_24, %get3A_27, %dot_general3A_28 {dimension_numbers = #tpu.dot_dimension_numbers<[1], [0], [0], [1], [0, 0, 1, 1], [], []>, transpose_lhs_hint = false} : vector<16x1024xf32>, vector<1024x512xf32>, vector<16x512xf32> -> vector<16x512xf32>
    %get3A_30 = arith.constant 0 : index
    %get3A_31 = arith.constant 0 : index
    %get3A_32 = vector.load %arg4[%get3A_30, %get3A_31] : memref<1x512xf32, #tpu.memory_space<vmem>>, vector<1x512xf32>
    %add3A_33 = vector.broadcast %get3A_32 : vector<1x512xf32> to vector<16x512xf32>
    %add3A_34 = arith.addf %dot_general3A_29, %add3A_33 : vector<16x512xf32>
    %max3A_35 = arith.constant 0.000000e+00 : f32
    %max3A_36 = vector.broadcast %max3A_35 : f32 to vector<16x512xf32>
    %max3A_37 = arith.maximumf %add3A_34, %max3A_36 : vector<16x512xf32>
    %mul3A_38 = vector.broadcast %div3A_1 : f32 to vector<16x512xf32>
    %mul3A_39 = arith.mulf %max3A_37, %mul3A_38 : vector<16x512xf32>
    %get3A_40 = arith.constant 0 : index
    %get3A_41 = arith.constant 0 : index
    %get3A_42 = vector.load %arg10[%get3A_40, %get3A_41] : memref<1x512xf32, #tpu.memory_space<vmem>>, vector<1x512xf32>
    %mul3A_43 = vector.broadcast %get3A_42 : vector<1x512xf32> to vector<16x512xf32>
    %mul3A_44 = arith.mulf %mul3A_39, %mul3A_43 : vector<16x512xf32>
    %get3A_45 = arith.constant 0 : index
    %get3A_46 = arith.constant 0 : index
    %get3A_47 = vector.load %arg13[%get3A_45, %get3A_46] : memref<1x512xf32, #tpu.memory_space<vmem>>, vector<1x512xf32>
    %add3A_48 = vector.broadcast %get3A_47 : vector<1x512xf32> to vector<16x512xf32>
    %add3A_49 = arith.addf %mul3A_44, %add3A_48 : vector<16x512xf32>
    %get3A_50 = arith.constant 0 : index
    %get3A_51 = arith.constant 0 : index
    %get3A_52 = vector.load %arg5[%get3A_50, %get3A_51] : memref<512x256xf32, #tpu.memory_space<vmem>>, vector<512x256xf32>
    %dot_general3A_53 = arith.constant dense<0.000000e+00> : vector<16x256xf32>
    %dot_general3A_54 = tpu.matmul %add3A_49, %get3A_52, %dot_general3A_53 {dimension_numbers = #tpu.dot_dimension_numbers<[1], [0], [0], [1], [0, 0, 1, 1], [], []>, transpose_lhs_hint = false} : vector<16x512xf32>, vector<512x256xf32>, vector<16x256xf32> -> vector<16x256xf32>
    %get3A_55 = arith.constant 0 : index
    %get3A_56 = arith.constant 0 : index
    %get3A_57 = vector.load %arg6[%get3A_55, %get3A_56] : memref<1x256xf32, #tpu.memory_space<vmem>>, vector<1x256xf32>
    %add3A_58 = vector.broadcast %get3A_57 : vector<1x256xf32> to vector<16x256xf32>
    %add3A_59 = arith.addf %dot_general3A_54, %add3A_58 : vector<16x256xf32>
    %max3A_60 = arith.constant 0.000000e+00 : f32
    %max3A_61 = vector.broadcast %max3A_60 : f32 to vector<16x256xf32>
    %max3A_62 = arith.maximumf %add3A_59, %max3A_61 : vector<16x256xf32>
    %mul3A_63 = vector.broadcast %div3A_1 : f32 to vector<16x256xf32>
    %mul3A_64 = arith.mulf %max3A_62, %mul3A_63 : vector<16x256xf32>
    %get3A_65 = arith.constant 0 : index
    %get3A_66 = arith.constant 0 : index
    %get3A_67 = vector.load %arg11[%get3A_65, %get3A_66] : memref<1x256xf32, #tpu.memory_space<vmem>>, vector<1x256xf32>
    %mul3A_68 = vector.broadcast %get3A_67 : vector<1x256xf32> to vector<16x256xf32>
    %mul3A_69 = arith.mulf %mul3A_64, %mul3A_68 : vector<16x256xf32>
    %get3A_70 = arith.constant 0 : index
    %get3A_71 = arith.constant 0 : index
    %get3A_72 = vector.load %arg14[%get3A_70, %get3A_71] : memref<1x256xf32, #tpu.memory_space<vmem>>, vector<1x256xf32>
    %add3A_73 = vector.broadcast %get3A_72 : vector<1x256xf32> to vector<16x256xf32>
    %add3A_74 = arith.addf %mul3A_69, %add3A_73 : vector<16x256xf32>
    %get3A_75 = arith.constant 0 : index
    %get3A_76 = arith.constant 0 : index
    %get3A_77 = vector.load %arg7[%get3A_75, %get3A_76] : memref<256x32xf32, #tpu.memory_space<vmem>>, vector<256x32xf32>
    %dot_general3A_78 = arith.constant dense<0.000000e+00> : vector<16x32xf32>
    %dot_general3A_79 = tpu.matmul %add3A_74, %get3A_77, %dot_general3A_78 {dimension_numbers = #tpu.dot_dimension_numbers<[1], [0], [0], [1], [0, 0, 1, 1], [], []>, transpose_lhs_hint = false} : vector<16x256xf32>, vector<256x32xf32>, vector<16x32xf32> -> vector<16x32xf32>
    %get3A_80 = arith.constant 0 : index
    %get3A_81 = arith.constant 0 : index
    %get3A_82 = vector.load %arg8[%get3A_80, %get3A_81] : memref<1x32xf32, #tpu.memory_space<vmem>>, vector<1x32xf32>
    %add3A_83 = vector.broadcast %get3A_82 : vector<1x32xf32> to vector<16x32xf32>
    %add3A_84 = arith.addf %dot_general3A_79, %add3A_83 : vector<16x32xf32>
    %reduce_max3A = arith.constant dense<0xFF800000> : vector<16xf32>
    %reduce_max3A_85 = vector.multi_reduction <maximumf>, %add3A_84, %reduce_max3A [1] : vector<16x32xf32> to vector<16xf32>
    %broadcast_in_dim3A = vector.shape_cast %reduce_max3A_85 : vector<16xf32> to vector<16x1xf32>
    %sub3A = vector.broadcast %broadcast_in_dim3A : vector<16x1xf32> to vector<16x32xf32>
    %sub3A_86 = arith.subf %add3A_84, %sub3A : vector<16x32xf32>
    %exp3A = math.exp %sub3A_86 : vector<16x32xf32>
    %reduce_sum3A = arith.constant dense<0.000000e+00> : vector<16xf32>
    %reduce_sum3A_87 = vector.multi_reduction <add>, %exp3A, %reduce_sum3A [1] : vector<16x32xf32> to vector<16xf32>
    %broadcast_in_dim3A_88 = vector.shape_cast %reduce_sum3A_87 : vector<16xf32> to vector<16x1xf32>
    %log3A = math.log %broadcast_in_dim3A_88 : vector<16x1xf32>
    %sub3A_89 = vector.broadcast %log3A : vector<16x1xf32> to vector<16x32xf32>
    %sub3A_90 = arith.subf %sub3A_86, %sub3A_89 : vector<16x32xf32>
    %swap3A = arith.constant 0 : index
    %swap3A_91 = arith.constant 0 : index
    %swap3A_92 = vector.load %arg15[%swap3A, %swap3A_91] : memref<16x32xf32, #tpu.memory_space<vmem>>, vector<16x32xf32>
    tpu.vector_store %arg15[%swap3A, %swap3A_91], %sub3A_90 {strides = array<i32>} : memref<16x32xf32, #tpu.memory_space<vmem>>, vector<16x32xf32>,
    return
  }
}

module attributes {stable_mosaic.version = 14 : i64} {
  func.func @_unet_body(%arg0: i32, %arg1: memref<1x640x640xf32, #tpu.memory_space<vmem>>, %arg2: memref<1x640x8xf32, #tpu.memory_space<vmem>>, %arg3: memref<8x32xf32, #tpu.memory_space<vmem>>, %arg4: memref<6x32x32xf32, #tpu.memory_space<vmem>>, %arg5: memref<7x32xf32, #tpu.memory_space<vmem>>, %arg6: memref<3x32xf32, #tpu.memory_space<vmem>>, %arg7: memref<1x1x32xf32, #tpu.memory_space<vmem>>, %arg8: memref<1x1x32xi32, #tpu.memory_space<vmem>>, %arg9: memref<576x576xf32, #tpu.memory_space<vmem>>, %arg10: memref<512x512xf32, #tpu.memory_space<vmem>>, %arg11: memref<576x640xf32, #tpu.memory_space<vmem>>, %arg12: memref<512x576xf32, #tpu.memory_space<vmem>>, %arg13: memref<640x32xf32, #tpu.memory_space<vmem>>, %arg14: memref<576x32xf32, #tpu.memory_space<vmem>>, %arg15: memref<512x32xf32, #tpu.memory_space<vmem>>) attributes {dimension_semantics = [#tpu.dimension_semantics<arbitrary>], iteration_bounds = array<i64: 16>, scalar_prefetch = 0 : i64, scratch_operands = 7 : i64, tpu.core_type = #tpu.core_type<tc>, window_params = [{transform_indices = @transform_0, window_bounds = array<i64: 1, 640, 640>}, {transform_indices = @transform_1, window_bounds = array<i64: 1, 640, 8>}, {pipeline_mode = #tpu.pipeline_mode<synchronous>, transform_indices = @transform_2, window_bounds = array<i64: 8, 32>}, {pipeline_mode = #tpu.pipeline_mode<synchronous>, transform_indices = @transform_3, window_bounds = array<i64: 6, 32, 32>}, {pipeline_mode = #tpu.pipeline_mode<synchronous>, transform_indices = @transform_4, window_bounds = array<i64: 7, 32>}, {pipeline_mode = #tpu.pipeline_mode<synchronous>, transform_indices = @transform_5, window_bounds = array<i64: 3, 32>}, {transform_indices = @transform_6, window_bounds = array<i64: 1, 1, 32>}, {transform_indices = @transform_7, window_bounds = array<i64: 1, 1, 32>}]} {
    %iota3A = tpu.iota {dimensions = array<i32: 0>} : vector<640x640xi32>
    %iota3A_0 = tpu.iota {dimensions = array<i32: 1>} : vector<640x640xi32>
    %eq3A = arith.cmpi eq, %iota3A, %iota3A_0 : vector<640x640xi32>
    %convert_element_type3A = arith.extui %eq3A : vector<640x640xi1> to vector<640x640xi32>
    %convert_element_type3A_1 = arith.sitofp %convert_element_type3A : vector<640x640xi32> to vector<640x640xf32>
    %iota3A_2 = tpu.iota {dimensions = array<i32: 0>} : vector<576x576xi32>
    %iota3A_3 = tpu.iota {dimensions = array<i32: 1>} : vector<576x576xi32>
    %eq3A_4 = arith.cmpi eq, %iota3A_2, %iota3A_3 : vector<576x576xi32>
    %convert_element_type3A_5 = arith.extui %eq3A_4 : vector<576x576xi1> to vector<576x576xi32>
    %convert_element_type3A_6 = arith.sitofp %convert_element_type3A_5 : vector<576x576xi32> to vector<576x576xf32>
    %iota3A_7 = tpu.iota {dimensions = array<i32: 0>} : vector<512x512xi32>
    %iota3A_8 = tpu.iota {dimensions = array<i32: 1>} : vector<512x512xi32>
    %eq3A_9 = arith.cmpi eq, %iota3A_7, %iota3A_8 : vector<512x512xi32>
    %convert_element_type3A_10 = arith.extui %eq3A_9 : vector<512x512xi1> to vector<512x512xi32>
    %convert_element_type3A_11 = arith.sitofp %convert_element_type3A_10 : vector<512x512xi32> to vector<512x512xf32>
    %get3A = arith.constant 0 : index
    %get3A_12 = arith.constant 0 : index
    %get3A_13 = arith.constant 0 : index
    %get3A_14 = vector.load %arg1[%get3A, %get3A_12, %get3A_13] : memref<1x640x640xf32, #tpu.memory_space<vmem>>, vector<1x640x640xf32>
    %get3A_15 = vector.shape_cast %get3A_14 : vector<1x640x640xf32> to vector<640x640xf32>
    %get3A_16 = arith.constant 0 : index
    %get3A_17 = arith.constant 0 : index
    %get3A_18 = arith.constant 0 : index
    %get3A_19 = vector.load %arg2[%get3A_16, %get3A_17, %get3A_18] : memref<1x640x8xf32, #tpu.memory_space<vmem>>, vector<1x640x8xf32>
    %get3A_20 = vector.shape_cast %get3A_19 : vector<1x640x8xf32> to vector<640x8xf32>
    %get3A_21 = arith.constant 0 : index
    %get3A_22 = arith.constant 0 : index
    %get3A_23 = vector.load %arg3[%get3A_21, %get3A_22] : memref<8x32xf32, #tpu.memory_space<vmem>>, vector<8x32xf32>
    %get3A_24 = arith.constant 0 : index
    %get3A_25 = arith.constant 0 : index
    %get3A_26 = vector.load %arg5[%get3A_24, %get3A_25] : memref<7x32xf32, #tpu.memory_space<vmem>>, vector<1x32xf32>
    %add3A = arith.addf %get3A_15, %convert_element_type3A_1 : vector<640x640xf32>
    %reduce_sum3A = arith.constant dense<0.000000e+00> : vector<640xf32>
    %reduce_sum3A_27 = vector.multi_reduction <add>, %add3A, %reduce_sum3A [1] : vector<640x640xf32> to vector<640xf32>
    %broadcast_in_dim3A = vector.shape_cast %reduce_sum3A_27 : vector<640xf32> to vector<640x1xf32>
    %gt3A = arith.constant 0.000000e+00 : f32
    %gt3A_28 = vector.broadcast %gt3A : f32 to vector<640x1xf32>
    %gt3A_29 = arith.cmpf ogt, %broadcast_in_dim3A, %gt3A_28 : vector<640x1xf32>
    %sqrt3A = math.sqrt %broadcast_in_dim3A : vector<640x1xf32>
    %div3A = arith.constant 1.000000e+00 : f32
    %div3A_30 = vector.broadcast %div3A : f32 to vector<640x1xf32>
    %div3A_31 = arith.divf %div3A_30, %sqrt3A : vector<640x1xf32>
    %jit3A = arith.constant 0.000000e+00 : f32
    %broadcast_in_dim3A_32 = vector.broadcast %jit3A : f32 to vector<640x1xf32>
    %select_n3A = arith.select %gt3A_29, %div3A_31, %broadcast_in_dim3A_32 : vector<640x1xi1>, vector<640x1xf32>
    %mul3A = vector.broadcast %select_n3A : vector<640x1xf32> to vector<640x640xf32>
    %mul3A_33 = arith.mulf %add3A, %mul3A : vector<640x640xf32>
    %dot_general3A = arith.constant dense<0.000000e+00> : vector<1x640xf32>
    %dot_general3A_34 = tpu.matmul %select_n3A, %convert_element_type3A_1, %dot_general3A {dimension_numbers = #tpu.dot_dimension_numbers<[0], [0], [1], [1], [0, 1, 1, 1], [], []>, precision = #tpu.contract_precision<fp32>, transpose_lhs_hint = false} : vector<640x1xf32>, vector<640x640xf32>, vector<1x640xf32> -> vector<1x640xf32>
    %mul3A_35 = vector.broadcast %dot_general3A_34 : vector<1x640xf32> to vector<640x640xf32>
    %mul3A_36 = arith.mulf %mul3A_33, %mul3A_35 : vector<640x640xf32>
    %dot_general3A_37 = arith.constant dense<0.000000e+00> : vector<640x32xf32>
    %dot_general3A_38 = tpu.matmul %get3A_20, %get3A_23, %dot_general3A_37 {dimension_numbers = #tpu.dot_dimension_numbers<[1], [0], [0], [1], [0, 0, 1, 1], [], []>, transpose_lhs_hint = false} : vector<640x8xf32>, vector<8x32xf32>, vector<640x32xf32> -> vector<640x32xf32>
    %dot_general3A_39 = arith.constant dense<0.000000e+00> : vector<640x32xf32>
    %dot_general3A_40 = tpu.matmul %mul3A_36, %dot_general3A_38, %dot_general3A_39 {dimension_numbers = #tpu.dot_dimension_numbers<[1], [0], [0], [1], [0, 0, 1, 1], [], []>, transpose_lhs_hint = false} : vector<640x640xf32>, vector<640x32xf32>, vector<640x32xf32> -> vector<640x32xf32>
    %add3A_41 = vector.broadcast %get3A_26 : vector<1x32xf32> to vector<640x32xf32>
    %add3A_42 = arith.addf %dot_general3A_40, %add3A_41 : vector<640x32xf32>
    %max3A = arith.constant 0.000000e+00 : f32
    %max3A_43 = vector.broadcast %max3A : f32 to vector<640x32xf32>
    %max3A_44 = arith.maximumf %add3A_42, %max3A_43 : vector<640x32xf32>
    %swap3A = arith.constant 0 : index
    %swap3A_45 = arith.constant 0 : index
    %swap3A_46 = vector.load %arg13[%swap3A, %swap3A_45] : memref<640x32xf32, #tpu.memory_space<vmem>>, vector<640x32xf32>
    tpu.vector_store %arg13[%swap3A, %swap3A_45], %max3A_44 {strides = array<i32>} : memref<640x32xf32, #tpu.memory_space<vmem>>, vector<640x32xf32>,
    %add3A_47 = arith.addf %get3A_15, %convert_element_type3A_1 : vector<640x640xf32>
    %dot_general3A_48 = arith.constant dense<0.000000e+00> : vector<640x640xf32>
    %dot_general3A_49 = tpu.matmul %add3A_47, %add3A_47, %dot_general3A_48 {dimension_numbers = #tpu.dot_dimension_numbers<[1], [0], [0], [1], [0, 0, 1, 1], [], []>, transpose_lhs_hint = false} : vector<640x640xf32>, vector<640x640xf32>, vector<640x640xf32> -> vector<640x640xf32>
    %sub3A = arith.constant 1.000000e+00 : f32
    %sub3A_50 = vector.broadcast %sub3A : f32 to vector<640x640xf32>
    %sub3A_51 = arith.subf %sub3A_50, %convert_element_type3A_1 : vector<640x640xf32>
    %mul3A_52 = arith.mulf %dot_general3A_49, %sub3A_51 : vector<640x640xf32>
    %get3A_53 = arith.constant 0 : index
    %get3A_54 = arith.constant 0 : index
    %get3A_55 = vector.load %arg6[%get3A_53, %get3A_54] : memref<3x32xf32, #tpu.memory_space<vmem>>, vector<1x32xf32>
    %iota3A_56 = tpu.iota {dimensions = array<i32: 0>} : vector<640x1xi32>
    %mul3A_57 = arith.mulf %get3A_55, %get3A_55 : vector<1x32xf32>
    %reduce_sum3A_58 = vector.shape_cast %mul3A_57 : vector<1x32xf32> to vector<1x1x32xf32>
    %reduce_sum3A_59 = arith.constant dense<0.000000e+00> : vector<1xf32>
    %reduce_sum3A_60 = vector.multi_reduction <add>, %reduce_sum3A_58, %reduce_sum3A_59 [1, 2] : vector<1x1x32xf32> to vector<1xf32>
    %reduce_sum3A_61 = vector.shape_cast %reduce_sum3A_60 : vector<1xf32> to vector<1x1x1xf32>
    %reduce_sum3A_62 = vector.extract %reduce_sum3A_61[0, 0, 0] : f32 from vector<1x1x1xf32>
    %sqrt3A_63 = math.sqrt %reduce_sum3A_62 : f32
    %mul3A_64 = vector.broadcast %get3A_55 : vector<1x32xf32> to vector<640x32xf32>
    %mul3A_65 = arith.mulf %max3A_44, %mul3A_64 : vector<640x32xf32>
    %reduce_sum3A_66 = arith.constant dense<0.000000e+00> : vector<640xf32>
    %reduce_sum3A_67 = vector.multi_reduction <add>, %mul3A_65, %reduce_sum3A_66 [1] : vector<640x32xf32> to vector<640xf32>
    %broadcast_in_dim3A_68 = vector.shape_cast %reduce_sum3A_67 : vector<640xf32> to vector<640x1xf32>
    %div3A_69 = vector.broadcast %sqrt3A_63 : f32 to vector<640x1xf32>
    %div3A_70 = arith.divf %broadcast_in_dim3A_68, %div3A_69 : vector<640x1xf32>
    %tanh3A = math.tanh %div3A_70 : vector<640x1xf32>
    %lt3A = arith.constant 625 : i32
    %lt3A_71 = vector.broadcast %lt3A : i32 to vector<640x1xi32>
    %lt3A_72 = arith.cmpi slt, %iota3A_56, %lt3A_71 : vector<640x1xi32>
    %jit3A_73 = arith.constant -2.000000e+00 : f32
    %broadcast_in_dim3A_74 = vector.broadcast %jit3A_73 : f32 to vector<640x1xf32>
    %select_n3A_75 = arith.select %lt3A_72, %tanh3A, %broadcast_in_dim3A_74 : vector<640x1xi1>, vector<640x1xf32>
    %dot_general3A_76 = arith.constant dense<0.000000e+00> : vector<1x640xf32>
    %dot_general3A_77 = tpu.matmul %select_n3A_75, %convert_element_type3A_1, %dot_general3A_76 {dimension_numbers = #tpu.dot_dimension_numbers<[0], [0], [1], [1], [0, 1, 1, 1], [], []>, precision = #tpu.contract_precision<fp32>, transpose_lhs_hint = false} : vector<640x1xf32>, vector<640x640xf32>, vector<1x640xf32> -> vector<1x640xf32>
    %iota3A_78 = tpu.iota {dimensions = array<i32: 1>} : vector<640x640xi32>
    %iota3A_79 = tpu.iota {dimensions = array<i32: 0>} : vector<640x640xi32>
    %gt3A_80 = vector.broadcast %dot_general3A_77 : vector<1x640xf32> to vector<640x640xf32>
    %gt3A_81 = vector.broadcast %select_n3A_75 : vector<640x1xf32> to vector<640x640xf32>
    %gt3A_82 = arith.cmpf ogt, %gt3A_80, %gt3A_81 : vector<640x640xf32>
    %convert_element_type3A_83 = arith.extui %gt3A_82 : vector<640x640xi1> to vector<640x640xi32>
    %convert_element_type3A_84 = arith.sitofp %convert_element_type3A_83 : vector<640x640xi32> to vector<640x640xf32>
    %eq3A_85 = vector.broadcast %dot_general3A_77 : vector<1x640xf32> to vector<640x640xf32>
    %eq3A_86 = vector.broadcast %select_n3A_75 : vector<640x1xf32> to vector<640x640xf32>
    %eq3A_87 = arith.cmpf oeq, %eq3A_85, %eq3A_86 : vector<640x640xf32>
    %lt3A_88 = arith.cmpi slt, %iota3A_78, %iota3A_79 : vector<640x640xi32>
    %and3A = arith.andi %eq3A_87, %lt3A_88 : vector<640x640xi1>
    %convert_element_type3A_89 = arith.extui %and3A : vector<640x640xi1> to vector<640x640xi32>
    %convert_element_type3A_90 = arith.sitofp %convert_element_type3A_89 : vector<640x640xi32> to vector<640x640xf32>
    %add3A_91 = arith.addf %convert_element_type3A_84, %convert_element_type3A_90 : vector<640x640xf32>
    %reduce_sum3A_92 = arith.constant dense<0.000000e+00> : vector<640xf32>
    %reduce_sum3A_93 = vector.multi_reduction <add>, %add3A_91, %reduce_sum3A_92 [1] : vector<640x640xf32> to vector<640xf32>
    %broadcast_in_dim3A_94 = vector.shape_cast %reduce_sum3A_93 : vector<640xf32> to vector<640x1xf32>
    %iota3A_95 = tpu.iota {dimensions = array<i32: 0>} : vector<576x1xi32>
    %dot_general3A_96 = arith.constant dense<0.000000e+00> : vector<1x640xf32>
    %dot_general3A_97 = tpu.matmul %broadcast_in_dim3A_94, %convert_element_type3A_1, %dot_general3A_96 {dimension_numbers = #tpu.dot_dimension_numbers<[0], [0], [1], [1], [0, 1, 1, 1], [], []>, precision = #tpu.contract_precision<fp32>, transpose_lhs_hint = false} : vector<640x1xf32>, vector<640x640xf32>, vector<1x640xf32> -> vector<1x640xf32>
    %convert_element_type3A_98 = arith.sitofp %iota3A_95 : vector<576x1xi32> to vector<576x1xf32>
    %eq3A_99 = vector.broadcast %dot_general3A_97 : vector<1x640xf32> to vector<576x640xf32>
    %eq3A_100 = vector.broadcast %convert_element_type3A_98 : vector<576x1xf32> to vector<576x640xf32>
    %eq3A_101 = arith.cmpf oeq, %eq3A_99, %eq3A_100 : vector<576x640xf32>
    %lt3A_102 = arith.constant 563 : i32
    %lt3A_103 = vector.broadcast %lt3A_102 : i32 to vector<576x1xi32>
    %lt3A_104 = arith.cmpi slt, %iota3A_95, %lt3A_103 : vector<576x1xi32>
    %and3A_105 = vector.broadcast %lt3A_104 : vector<576x1xi1> to vector<576x640xi1>
    %and3A_106 = arith.andi %eq3A_101, %and3A_105 : vector<576x640xi1>
    %convert_element_type3A_107 = arith.extui %and3A_106 : vector<576x640xi1> to vector<576x640xi32>
    %convert_element_type3A_108 = arith.sitofp %convert_element_type3A_107 : vector<576x640xi32> to vector<576x640xf32>
    %dot_general3A_109 = arith.constant dense<0.000000e+00> : vector<576x1xf32>
    %dot_general3A_110 = tpu.matmul %convert_element_type3A_108, %select_n3A_75, %dot_general3A_109 {dimension_numbers = #tpu.dot_dimension_numbers<[1], [0], [0], [1], [0, 0, 1, 1], [], []>, precision = #tpu.contract_precision<fp32>, transpose_lhs_hint = false} : vector<576x640xf32>, vector<640x1xf32>, vector<576x1xf32> -> vector<576x1xf32>
    %dot_general3A_111 = arith.constant dense<0.000000e+00> : vector<576x32xf32>
    %dot_general3A_112 = tpu.matmul %convert_element_type3A_108, %max3A_44, %dot_general3A_111 {dimension_numbers = #tpu.dot_dimension_numbers<[1], [0], [0], [1], [0, 0, 1, 1], [], []>, precision = #tpu.contract_precision<fp32>, transpose_lhs_hint = false} : vector<576x640xf32>, vector<640x32xf32>, vector<576x32xf32> -> vector<576x32xf32>
    %mul3A_113 = vector.broadcast %dot_general3A_110 : vector<576x1xf32> to vector<576x32xf32>
    %mul3A_114 = arith.mulf %dot_general3A_112, %mul3A_113 : vector<576x32xf32>
    %dot_general3A_115 = arith.constant dense<0.000000e+00> : vector<576x640xf32>
    %dot_general3A_116 = tpu.matmul %convert_element_type3A_108, %mul3A_52, %dot_general3A_115 {dimension_numbers = #tpu.dot_dimension_numbers<[1], [0], [0], [1], [0, 0, 1, 1], [], []>, precision = #tpu.contract_precision<fp32>, transpose_lhs_hint = false} : vector<576x640xf32>, vector<640x640xf32>, vector<576x640xf32> -> vector<576x640xf32>
    %dot_general3A_117 = arith.constant dense<0.000000e+00> : vector<576x576xf32>
    %dot_general3A_118 = tpu.matmul %dot_general3A_116, %convert_element_type3A_108, %dot_general3A_117 {dimension_numbers = #tpu.dot_dimension_numbers<[1], [1], [0], [0], [0, 0, 1, 0], [], []>, precision = #tpu.contract_precision<fp32>, transpose_lhs_hint = false} : vector<576x640xf32>, vector<576x640xf32>, vector<576x576xf32> -> vector<576x576xf32>
    %swap3A_119 = arith.constant 0 : index
    %swap3A_120 = arith.constant 0 : index
    %swap3A_121 = vector.load %arg11[%swap3A_119, %swap3A_120] : memref<576x640xf32, #tpu.memory_space<vmem>>, vector<576x640xf32>
    tpu.vector_store %arg11[%swap3A_119, %swap3A_120], %convert_element_type3A_108 {strides = array<i32>} : memref<576x640xf32, #tpu.memory_space<vmem>>, vector<576x640xf32>,
    %swap3A_122 = arith.constant 0 : index
    %swap3A_123 = arith.constant 0 : index
    %swap3A_124 = vector.load %arg9[%swap3A_122, %swap3A_123] : memref<576x576xf32, #tpu.memory_space<vmem>>, vector<576x576xf32>
    tpu.vector_store %arg9[%swap3A_122, %swap3A_123], %dot_general3A_118 {strides = array<i32>} : memref<576x576xf32, #tpu.memory_space<vmem>>, vector<576x576xf32>,
    %get3A_125 = arith.constant 0 : index
    %get3A_126 = arith.constant 0 : index
    %get3A_127 = arith.constant 0 : index
    %get3A_128 = vector.load %arg4[%get3A_125, %get3A_126, %get3A_127] : memref<6x32x32xf32, #tpu.memory_space<vmem>>, vector<1x32x32xf32>
    %get3A_129 = vector.shape_cast %get3A_128 : vector<1x32x32xf32> to vector<32x32xf32>
    %get3A_130 = arith.constant 1 : index
    %get3A_131 = arith.constant 0 : index
    %get3A_132 = vector.load %arg5[%get3A_130, %get3A_131] : memref<7x32xf32, #tpu.memory_space<vmem>>, vector<1x32xf32>
    %add3A_133 = arith.addf %dot_general3A_118, %convert_element_type3A_6 : vector<576x576xf32>
    %reduce_sum3A_134 = arith.constant dense<0.000000e+00> : vector<576xf32>
    %reduce_sum3A_135 = vector.multi_reduction <add>, %add3A_133, %reduce_sum3A_134 [1] : vector<576x576xf32> to vector<576xf32>
    %broadcast_in_dim3A_136 = vector.shape_cast %reduce_sum3A_135 : vector<576xf32> to vector<576x1xf32>
    %gt3A_137 = arith.constant 0.000000e+00 : f32
    %gt3A_138 = vector.broadcast %gt3A_137 : f32 to vector<576x1xf32>
    %gt3A_139 = arith.cmpf ogt, %broadcast_in_dim3A_136, %gt3A_138 : vector<576x1xf32>
    %sqrt3A_140 = math.sqrt %broadcast_in_dim3A_136 : vector<576x1xf32>
    %div3A_141 = arith.constant 1.000000e+00 : f32
    %div3A_142 = vector.broadcast %div3A_141 : f32 to vector<576x1xf32>
    %div3A_143 = arith.divf %div3A_142, %sqrt3A_140 : vector<576x1xf32>
    %jit3A_144 = arith.constant 0.000000e+00 : f32
    %broadcast_in_dim3A_145 = vector.broadcast %jit3A_144 : f32 to vector<576x1xf32>
    %select_n3A_146 = arith.select %gt3A_139, %div3A_143, %broadcast_in_dim3A_145 : vector<576x1xi1>, vector<576x1xf32>
    %mul3A_147 = vector.broadcast %select_n3A_146 : vector<576x1xf32> to vector<576x576xf32>
    %mul3A_148 = arith.mulf %add3A_133, %mul3A_147 : vector<576x576xf32>
    %dot_general3A_149 = arith.constant dense<0.000000e+00> : vector<1x576xf32>
    %dot_general3A_150 = tpu.matmul %select_n3A_146, %convert_element_type3A_6, %dot_general3A_149 {dimension_numbers = #tpu.dot_dimension_numbers<[0], [0], [1], [1], [0, 1, 1, 1], [], []>, precision = #tpu.contract_precision<fp32>, transpose_lhs_hint = false} : vector<576x1xf32>, vector<576x576xf32>, vector<1x576xf32> -> vector<1x576xf32>
    %mul3A_151 = vector.broadcast %dot_general3A_150 : vector<1x576xf32> to vector<576x576xf32>
    %mul3A_152 = arith.mulf %mul3A_148, %mul3A_151 : vector<576x576xf32>
    %dot_general3A_153 = arith.constant dense<0.000000e+00> : vector<576x32xf32>
    %dot_general3A_154 = tpu.matmul %mul3A_114, %get3A_129, %dot_general3A_153 {dimension_numbers = #tpu.dot_dimension_numbers<[1], [0], [0], [1], [0, 0, 1, 1], [], []>, transpose_lhs_hint = false} : vector<576x32xf32>, vector<32x32xf32>, vector<576x32xf32> -> vector<576x32xf32>
    %dot_general3A_155 = arith.constant dense<0.000000e+00> : vector<576x32xf32>
    %dot_general3A_156 = tpu.matmul %mul3A_152, %dot_general3A_154, %dot_general3A_155 {dimension_numbers = #tpu.dot_dimension_numbers<[1], [0], [0], [1], [0, 0, 1, 1], [], []>, transpose_lhs_hint = false} : vector<576x576xf32>, vector<576x32xf32>, vector<576x32xf32> -> vector<576x32xf32>
    %add3A_157 = vector.broadcast %get3A_132 : vector<1x32xf32> to vector<576x32xf32>
    %add3A_158 = arith.addf %dot_general3A_156, %add3A_157 : vector<576x32xf32>
    %max3A_159 = arith.constant 0.000000e+00 : f32
    %max3A_160 = vector.broadcast %max3A_159 : f32 to vector<576x32xf32>
    %max3A_161 = arith.maximumf %add3A_158, %max3A_160 : vector<576x32xf32>
    %swap3A_162 = arith.constant 0 : index
    %swap3A_163 = arith.constant 0 : index
    %swap3A_164 = vector.load %arg14[%swap3A_162, %swap3A_163] : memref<576x32xf32, #tpu.memory_space<vmem>>, vector<576x32xf32>
    tpu.vector_store %arg14[%swap3A_162, %swap3A_163], %max3A_161 {strides = array<i32>} : memref<576x32xf32, #tpu.memory_space<vmem>>, vector<576x32xf32>,
    %add3A_165 = arith.addf %dot_general3A_118, %convert_element_type3A_6 : vector<576x576xf32>
    %dot_general3A_166 = arith.constant dense<0.000000e+00> : vector<576x576xf32>
    %dot_general3A_167 = tpu.matmul %add3A_165, %add3A_165, %dot_general3A_166 {dimension_numbers = #tpu.dot_dimension_numbers<[1], [0], [0], [1], [0, 0, 1, 1], [], []>, transpose_lhs_hint = false} : vector<576x576xf32>, vector<576x576xf32>, vector<576x576xf32> -> vector<576x576xf32>
    %sub3A_168 = arith.constant 1.000000e+00 : f32
    %sub3A_169 = vector.broadcast %sub3A_168 : f32 to vector<576x576xf32>
    %sub3A_170 = arith.subf %sub3A_169, %convert_element_type3A_6 : vector<576x576xf32>
    %mul3A_171 = arith.mulf %dot_general3A_167, %sub3A_170 : vector<576x576xf32>
    %get3A_172 = arith.constant 1 : index
    %get3A_173 = arith.constant 0 : index
    %get3A_174 = vector.load %arg6[%get3A_172, %get3A_173] : memref<3x32xf32, #tpu.memory_space<vmem>>, vector<1x32xf32>
    %iota3A_175 = tpu.iota {dimensions = array<i32: 0>} : vector<576x1xi32>
    %mul3A_176 = arith.mulf %get3A_174, %get3A_174 : vector<1x32xf32>
    %reduce_sum3A_177 = vector.shape_cast %mul3A_176 : vector<1x32xf32> to vector<1x1x32xf32>
    %reduce_sum3A_178 = arith.constant dense<0.000000e+00> : vector<1xf32>
    %reduce_sum3A_179 = vector.multi_reduction <add>, %reduce_sum3A_177, %reduce_sum3A_178 [1, 2] : vector<1x1x32xf32> to vector<1xf32>
    %reduce_sum3A_180 = vector.shape_cast %reduce_sum3A_179 : vector<1xf32> to vector<1x1x1xf32>
    %reduce_sum3A_181 = vector.extract %reduce_sum3A_180[0, 0, 0] : f32 from vector<1x1x1xf32>
    %sqrt3A_182 = math.sqrt %reduce_sum3A_181 : f32
    %mul3A_183 = vector.broadcast %get3A_174 : vector<1x32xf32> to vector<576x32xf32>
    %mul3A_184 = arith.mulf %max3A_161, %mul3A_183 : vector<576x32xf32>
    %reduce_sum3A_185 = arith.constant dense<0.000000e+00> : vector<576xf32>
    %reduce_sum3A_186 = vector.multi_reduction <add>, %mul3A_184, %reduce_sum3A_185 [1] : vector<576x32xf32> to vector<576xf32>
    %broadcast_in_dim3A_187 = vector.shape_cast %reduce_sum3A_186 : vector<576xf32> to vector<576x1xf32>
    %div3A_188 = vector.broadcast %sqrt3A_182 : f32 to vector<576x1xf32>
    %div3A_189 = arith.divf %broadcast_in_dim3A_187, %div3A_188 : vector<576x1xf32>
    %tanh3A_190 = math.tanh %div3A_189 : vector<576x1xf32>
    %lt3A_191 = arith.constant 563 : i32
    %lt3A_192 = vector.broadcast %lt3A_191 : i32 to vector<576x1xi32>
    %lt3A_193 = arith.cmpi slt, %iota3A_175, %lt3A_192 : vector<576x1xi32>
    %jit3A_194 = arith.constant -2.000000e+00 : f32
    %broadcast_in_dim3A_195 = vector.broadcast %jit3A_194 : f32 to vector<576x1xf32>
    %select_n3A_196 = arith.select %lt3A_193, %tanh3A_190, %broadcast_in_dim3A_195 : vector<576x1xi1>, vector<576x1xf32>
    %dot_general3A_197 = arith.constant dense<0.000000e+00> : vector<1x576xf32>
    %dot_general3A_198 = tpu.matmul %select_n3A_196, %convert_element_type3A_6, %dot_general3A_197 {dimension_numbers = #tpu.dot_dimension_numbers<[0], [0], [1], [1], [0, 1, 1, 1], [], []>, precision = #tpu.contract_precision<fp32>, transpose_lhs_hint = false} : vector<576x1xf32>, vector<576x576xf32>, vector<1x576xf32> -> vector<1x576xf32>
    %iota3A_199 = tpu.iota {dimensions = array<i32: 1>} : vector<576x576xi32>
    %iota3A_200 = tpu.iota {dimensions = array<i32: 0>} : vector<576x576xi32>
    %gt3A_201 = vector.broadcast %dot_general3A_198 : vector<1x576xf32> to vector<576x576xf32>
    %gt3A_202 = vector.broadcast %select_n3A_196 : vector<576x1xf32> to vector<576x576xf32>
    %gt3A_203 = arith.cmpf ogt, %gt3A_201, %gt3A_202 : vector<576x576xf32>
    %convert_element_type3A_204 = arith.extui %gt3A_203 : vector<576x576xi1> to vector<576x576xi32>
    %convert_element_type3A_205 = arith.sitofp %convert_element_type3A_204 : vector<576x576xi32> to vector<576x576xf32>
    %eq3A_206 = vector.broadcast %dot_general3A_198 : vector<1x576xf32> to vector<576x576xf32>
    %eq3A_207 = vector.broadcast %select_n3A_196 : vector<576x1xf32> to vector<576x576xf32>
    %eq3A_208 = arith.cmpf oeq, %eq3A_206, %eq3A_207 : vector<576x576xf32>
    %lt3A_209 = arith.cmpi slt, %iota3A_199, %iota3A_200 : vector<576x576xi32>
    %and3A_210 = arith.andi %eq3A_208, %lt3A_209 : vector<576x576xi1>
    %convert_element_type3A_211 = arith.extui %and3A_210 : vector<576x576xi1> to vector<576x576xi32>
    %convert_element_type3A_212 = arith.sitofp %convert_element_type3A_211 : vector<576x576xi32> to vector<576x576xf32>
    %add3A_213 = arith.addf %convert_element_type3A_205, %convert_element_type3A_212 : vector<576x576xf32>
    %reduce_sum3A_214 = arith.constant dense<0.000000e+00> : vector<576xf32>
    %reduce_sum3A_215 = vector.multi_reduction <add>, %add3A_213, %reduce_sum3A_214 [1] : vector<576x576xf32> to vector<576xf32>
    %broadcast_in_dim3A_216 = vector.shape_cast %reduce_sum3A_215 : vector<576xf32> to vector<576x1xf32>
    %iota3A_217 = tpu.iota {dimensions = array<i32: 0>} : vector<512x1xi32>
    %dot_general3A_218 = arith.constant dense<0.000000e+00> : vector<1x576xf32>
    %dot_general3A_219 = tpu.matmul %broadcast_in_dim3A_216, %convert_element_type3A_6, %dot_general3A_218 {dimension_numbers = #tpu.dot_dimension_numbers<[0], [0], [1], [1], [0, 1, 1, 1], [], []>, precision = #tpu.contract_precision<fp32>, transpose_lhs_hint = false} : vector<576x1xf32>, vector<576x576xf32>, vector<1x576xf32> -> vector<1x576xf32>
    %convert_element_type3A_220 = arith.sitofp %iota3A_217 : vector<512x1xi32> to vector<512x1xf32>
    %eq3A_221 = vector.broadcast %dot_general3A_219 : vector<1x576xf32> to vector<512x576xf32>
    %eq3A_222 = vector.broadcast %convert_element_type3A_220 : vector<512x1xf32> to vector<512x576xf32>
    %eq3A_223 = arith.cmpf oeq, %eq3A_221, %eq3A_222 : vector<512x576xf32>
    %lt3A_224 = arith.constant 507 : i32
    %lt3A_225 = vector.broadcast %lt3A_224 : i32 to vector<512x1xi32>
    %lt3A_226 = arith.cmpi slt, %iota3A_217, %lt3A_225 : vector<512x1xi32>
    %and3A_227 = vector.broadcast %lt3A_226 : vector<512x1xi1> to vector<512x576xi1>
    %and3A_228 = arith.andi %eq3A_223, %and3A_227 : vector<512x576xi1>
    %convert_element_type3A_229 = arith.extui %and3A_228 : vector<512x576xi1> to vector<512x576xi32>
    %convert_element_type3A_230 = arith.sitofp %convert_element_type3A_229 : vector<512x576xi32> to vector<512x576xf32>
    %dot_general3A_231 = arith.constant dense<0.000000e+00> : vector<512x1xf32>
    %dot_general3A_232 = tpu.matmul %convert_element_type3A_230, %select_n3A_196, %dot_general3A_231 {dimension_numbers = #tpu.dot_dimension_numbers<[1], [0], [0], [1], [0, 0, 1, 1], [], []>, precision = #tpu.contract_precision<fp32>, transpose_lhs_hint = false} : vector<512x576xf32>, vector<576x1xf32>, vector<512x1xf32> -> vector<512x1xf32>
    %dot_general3A_233 = arith.constant dense<0.000000e+00> : vector<512x32xf32>
    %dot_general3A_234 = tpu.matmul %convert_element_type3A_230, %max3A_161, %dot_general3A_233 {dimension_numbers = #tpu.dot_dimension_numbers<[1], [0], [0], [1], [0, 0, 1, 1], [], []>, precision = #tpu.contract_precision<fp32>, transpose_lhs_hint = false} : vector<512x576xf32>, vector<576x32xf32>, vector<512x32xf32> -> vector<512x32xf32>
    %mul3A_235 = vector.broadcast %dot_general3A_232 : vector<512x1xf32> to vector<512x32xf32>
    %mul3A_236 = arith.mulf %dot_general3A_234, %mul3A_235 : vector<512x32xf32>
    %dot_general3A_237 = arith.constant dense<0.000000e+00> : vector<512x576xf32>
    %dot_general3A_238 = tpu.matmul %convert_element_type3A_230, %mul3A_171, %dot_general3A_237 {dimension_numbers = #tpu.dot_dimension_numbers<[1], [0], [0], [1], [0, 0, 1, 1], [], []>, precision = #tpu.contract_precision<fp32>, transpose_lhs_hint = false} : vector<512x576xf32>, vector<576x576xf32>, vector<512x576xf32> -> vector<512x576xf32>
    %dot_general3A_239 = arith.constant dense<0.000000e+00> : vector<512x512xf32>
    %dot_general3A_240 = tpu.matmul %dot_general3A_238, %convert_element_type3A_230, %dot_general3A_239 {dimension_numbers = #tpu.dot_dimension_numbers<[1], [1], [0], [0], [0, 0, 1, 0], [], []>, precision = #tpu.contract_precision<fp32>, transpose_lhs_hint = false} : vector<512x576xf32>, vector<512x576xf32>, vector<512x512xf32> -> vector<512x512xf32>
    %swap3A_241 = arith.constant 0 : index
    %swap3A_242 = arith.constant 0 : index
    %swap3A_243 = vector.load %arg12[%swap3A_241, %swap3A_242] : memref<512x576xf32, #tpu.memory_space<vmem>>, vector<512x576xf32>
    tpu.vector_store %arg12[%swap3A_241, %swap3A_242], %convert_element_type3A_230 {strides = array<i32>} : memref<512x576xf32, #tpu.memory_space<vmem>>, vector<512x576xf32>,
    %swap3A_244 = arith.constant 0 : index
    %swap3A_245 = arith.constant 0 : index
    %swap3A_246 = vector.load %arg10[%swap3A_244, %swap3A_245] : memref<512x512xf32, #tpu.memory_space<vmem>>, vector<512x512xf32>
    tpu.vector_store %arg10[%swap3A_244, %swap3A_245], %dot_general3A_240 {strides = array<i32>} : memref<512x512xf32, #tpu.memory_space<vmem>>, vector<512x512xf32>,
    %get3A_247 = arith.constant 1 : index
    %get3A_248 = arith.constant 0 : index
    %get3A_249 = arith.constant 0 : index
    %get3A_250 = vector.load %arg4[%get3A_247, %get3A_248, %get3A_249] : memref<6x32x32xf32, #tpu.memory_space<vmem>>, vector<1x32x32xf32>
    %get3A_251 = vector.shape_cast %get3A_250 : vector<1x32x32xf32> to vector<32x32xf32>
    %get3A_252 = arith.constant 2 : index
    %get3A_253 = arith.constant 0 : index
    %get3A_254 = vector.load %arg5[%get3A_252, %get3A_253] : memref<7x32xf32, #tpu.memory_space<vmem>>, vector<1x32xf32>
    %add3A_255 = arith.addf %dot_general3A_240, %convert_element_type3A_11 : vector<512x512xf32>
    %reduce_sum3A_256 = arith.constant dense<0.000000e+00> : vector<512xf32>
    %reduce_sum3A_257 = vector.multi_reduction <add>, %add3A_255, %reduce_sum3A_256 [1] : vector<512x512xf32> to vector<512xf32>
    %broadcast_in_dim3A_258 = vector.shape_cast %reduce_sum3A_257 : vector<512xf32> to vector<512x1xf32>
    %gt3A_259 = arith.constant 0.000000e+00 : f32
    %gt3A_260 = vector.broadcast %gt3A_259 : f32 to vector<512x1xf32>
    %gt3A_261 = arith.cmpf ogt, %broadcast_in_dim3A_258, %gt3A_260 : vector<512x1xf32>
    %sqrt3A_262 = math.sqrt %broadcast_in_dim3A_258 : vector<512x1xf32>
    %div3A_263 = arith.constant 1.000000e+00 : f32
    %div3A_264 = vector.broadcast %div3A_263 : f32 to vector<512x1xf32>
    %div3A_265 = arith.divf %div3A_264, %sqrt3A_262 : vector<512x1xf32>
    %jit3A_266 = arith.constant 0.000000e+00 : f32
    %broadcast_in_dim3A_267 = vector.broadcast %jit3A_266 : f32 to vector<512x1xf32>
    %select_n3A_268 = arith.select %gt3A_261, %div3A_265, %broadcast_in_dim3A_267 : vector<512x1xi1>, vector<512x1xf32>
    %mul3A_269 = vector.broadcast %select_n3A_268 : vector<512x1xf32> to vector<512x512xf32>
    %mul3A_270 = arith.mulf %add3A_255, %mul3A_269 : vector<512x512xf32>
    %dot_general3A_271 = arith.constant dense<0.000000e+00> : vector<1x512xf32>
    %dot_general3A_272 = tpu.matmul %select_n3A_268, %convert_element_type3A_11, %dot_general3A_271 {dimension_numbers = #tpu.dot_dimension_numbers<[0], [0], [1], [1], [0, 1, 1, 1], [], []>, precision = #tpu.contract_precision<fp32>, transpose_lhs_hint = false} : vector<512x1xf32>, vector<512x512xf32>, vector<1x512xf32> -> vector<1x512xf32>
    %mul3A_273 = vector.broadcast %dot_general3A_272 : vector<1x512xf32> to vector<512x512xf32>
    %mul3A_274 = arith.mulf %mul3A_270, %mul3A_273 : vector<512x512xf32>
    %dot_general3A_275 = arith.constant dense<0.000000e+00> : vector<512x32xf32>
    %dot_general3A_276 = tpu.matmul %mul3A_236, %get3A_251, %dot_general3A_275 {dimension_numbers = #tpu.dot_dimension_numbers<[1], [0], [0], [1], [0, 0, 1, 1], [], []>, transpose_lhs_hint = false} : vector<512x32xf32>, vector<32x32xf32>, vector<512x32xf32> -> vector<512x32xf32>
    %dot_general3A_277 = arith.constant dense<0.000000e+00> : vector<512x32xf32>
    %dot_general3A_278 = tpu.matmul %mul3A_274, %dot_general3A_276, %dot_general3A_277 {dimension_numbers = #tpu.dot_dimension_numbers<[1], [0], [0], [1], [0, 0, 1, 1], [], []>, transpose_lhs_hint = false} : vector<512x512xf32>, vector<512x32xf32>, vector<512x32xf32> -> vector<512x32xf32>
    %add3A_279 = vector.broadcast %get3A_254 : vector<1x32xf32> to vector<512x32xf32>
    %add3A_280 = arith.addf %dot_general3A_278, %add3A_279 : vector<512x32xf32>
    %max3A_281 = arith.constant 0.000000e+00 : f32
    %max3A_282 = vector.broadcast %max3A_281 : f32 to vector<512x32xf32>
    %max3A_283 = arith.maximumf %add3A_280, %max3A_282 : vector<512x32xf32>
    %swap3A_284 = arith.constant 0 : index
    %swap3A_285 = arith.constant 0 : index
    %swap3A_286 = vector.load %arg15[%swap3A_284, %swap3A_285] : memref<512x32xf32, #tpu.memory_space<vmem>>, vector<512x32xf32>
    tpu.vector_store %arg15[%swap3A_284, %swap3A_285], %max3A_283 {strides = array<i32>} : memref<512x32xf32, #tpu.memory_space<vmem>>, vector<512x32xf32>,
    %add3A_287 = arith.addf %dot_general3A_240, %convert_element_type3A_11 : vector<512x512xf32>
    %dot_general3A_288 = arith.constant dense<0.000000e+00> : vector<512x512xf32>
    %dot_general3A_289 = tpu.matmul %add3A_287, %add3A_287, %dot_general3A_288 {dimension_numbers = #tpu.dot_dimension_numbers<[1], [0], [0], [1], [0, 0, 1, 1], [], []>, transpose_lhs_hint = false} : vector<512x512xf32>, vector<512x512xf32>, vector<512x512xf32> -> vector<512x512xf32>
    %sub3A_290 = arith.constant 1.000000e+00 : f32
    %sub3A_291 = vector.broadcast %sub3A_290 : f32 to vector<512x512xf32>
    %sub3A_292 = arith.subf %sub3A_291, %convert_element_type3A_11 : vector<512x512xf32>
    %mul3A_293 = arith.mulf %dot_general3A_289, %sub3A_292 : vector<512x512xf32>
    %get3A_294 = arith.constant 2 : index
    %get3A_295 = arith.constant 0 : index
    %get3A_296 = vector.load %arg6[%get3A_294, %get3A_295] : memref<3x32xf32, #tpu.memory_space<vmem>>, vector<1x32xf32>
    %iota3A_297 = tpu.iota {dimensions = array<i32: 0>} : vector<512x1xi32>
    %mul3A_298 = arith.mulf %get3A_296, %get3A_296 : vector<1x32xf32>
    %reduce_sum3A_299 = vector.shape_cast %mul3A_298 : vector<1x32xf32> to vector<1x1x32xf32>
    %reduce_sum3A_300 = arith.constant dense<0.000000e+00> : vector<1xf32>
    %reduce_sum3A_301 = vector.multi_reduction <add>, %reduce_sum3A_299, %reduce_sum3A_300 [1, 2] : vector<1x1x32xf32> to vector<1xf32>
    %reduce_sum3A_302 = vector.shape_cast %reduce_sum3A_301 : vector<1xf32> to vector<1x1x1xf32>
    %reduce_sum3A_303 = vector.extract %reduce_sum3A_302[0, 0, 0] : f32 from vector<1x1x1xf32>
    %sqrt3A_304 = math.sqrt %reduce_sum3A_303 : f32
    %mul3A_305 = vector.broadcast %get3A_296 : vector<1x32xf32> to vector<512x32xf32>
    %mul3A_306 = arith.mulf %max3A_283, %mul3A_305 : vector<512x32xf32>
    %reduce_sum3A_307 = arith.constant dense<0.000000e+00> : vector<512xf32>
    %reduce_sum3A_308 = vector.multi_reduction <add>, %mul3A_306, %reduce_sum3A_307 [1] : vector<512x32xf32> to vector<512xf32>
    %broadcast_in_dim3A_309 = vector.shape_cast %reduce_sum3A_308 : vector<512xf32> to vector<512x1xf32>
    %div3A_310 = vector.broadcast %sqrt3A_304 : f32 to vector<512x1xf32>
    %div3A_311 = arith.divf %broadcast_in_dim3A_309, %div3A_310 : vector<512x1xf32>
    %tanh3A_312 = math.tanh %div3A_311 : vector<512x1xf32>
    %lt3A_313 = arith.constant 507 : i32
    %lt3A_314 = vector.broadcast %lt3A_313 : i32 to vector<512x1xi32>
    %lt3A_315 = arith.cmpi slt, %iota3A_297, %lt3A_314 : vector<512x1xi32>
    %jit3A_316 = arith.constant -2.000000e+00 : f32
    %broadcast_in_dim3A_317 = vector.broadcast %jit3A_316 : f32 to vector<512x1xf32>
    %select_n3A_318 = arith.select %lt3A_315, %tanh3A_312, %broadcast_in_dim3A_317 : vector<512x1xi1>, vector<512x1xf32>
    %dot_general3A_319 = arith.constant dense<0.000000e+00> : vector<1x512xf32>
    %dot_general3A_320 = tpu.matmul %select_n3A_318, %convert_element_type3A_11, %dot_general3A_319 {dimension_numbers = #tpu.dot_dimension_numbers<[0], [0], [1], [1], [0, 1, 1, 1], [], []>, precision = #tpu.contract_precision<fp32>, transpose_lhs_hint = false} : vector<512x1xf32>, vector<512x512xf32>, vector<1x512xf32> -> vector<1x512xf32>
    %iota3A_321 = tpu.iota {dimensions = array<i32: 1>} : vector<512x512xi32>
    %iota3A_322 = tpu.iota {dimensions = array<i32: 0>} : vector<512x512xi32>
    %gt3A_323 = vector.broadcast %dot_general3A_320 : vector<1x512xf32> to vector<512x512xf32>
    %gt3A_324 = vector.broadcast %select_n3A_318 : vector<512x1xf32> to vector<512x512xf32>
    %gt3A_325 = arith.cmpf ogt, %gt3A_323, %gt3A_324 : vector<512x512xf32>
    %convert_element_type3A_326 = arith.extui %gt3A_325 : vector<512x512xi1> to vector<512x512xi32>
    %convert_element_type3A_327 = arith.sitofp %convert_element_type3A_326 : vector<512x512xi32> to vector<512x512xf32>
    %eq3A_328 = vector.broadcast %dot_general3A_320 : vector<1x512xf32> to vector<512x512xf32>
    %eq3A_329 = vector.broadcast %select_n3A_318 : vector<512x1xf32> to vector<512x512xf32>
    %eq3A_330 = arith.cmpf oeq, %eq3A_328, %eq3A_329 : vector<512x512xf32>
    %lt3A_331 = arith.cmpi slt, %iota3A_321, %iota3A_322 : vector<512x512xi32>
    %and3A_332 = arith.andi %eq3A_330, %lt3A_331 : vector<512x512xi1>
    %convert_element_type3A_333 = arith.extui %and3A_332 : vector<512x512xi1> to vector<512x512xi32>
    %convert_element_type3A_334 = arith.sitofp %convert_element_type3A_333 : vector<512x512xi32> to vector<512x512xf32>
    %add3A_335 = arith.addf %convert_element_type3A_327, %convert_element_type3A_334 : vector<512x512xf32>
    %reduce_sum3A_336 = arith.constant dense<0.000000e+00> : vector<512xf32>
    %reduce_sum3A_337 = vector.multi_reduction <add>, %add3A_335, %reduce_sum3A_336 [1] : vector<512x512xf32> to vector<512xf32>
    %broadcast_in_dim3A_338 = vector.shape_cast %reduce_sum3A_337 : vector<512xf32> to vector<512x1xf32>
    %iota3A_339 = tpu.iota {dimensions = array<i32: 0>} : vector<512x1xi32>
    %dot_general3A_340 = arith.constant dense<0.000000e+00> : vector<1x512xf32>
    %dot_general3A_341 = tpu.matmul %broadcast_in_dim3A_338, %convert_element_type3A_11, %dot_general3A_340 {dimension_numbers = #tpu.dot_dimension_numbers<[0], [0], [1], [1], [0, 1, 1, 1], [], []>, precision = #tpu.contract_precision<fp32>, transpose_lhs_hint = false} : vector<512x1xf32>, vector<512x512xf32>, vector<1x512xf32> -> vector<1x512xf32>
    %convert_element_type3A_342 = arith.sitofp %iota3A_339 : vector<512x1xi32> to vector<512x1xf32>
    %eq3A_343 = vector.broadcast %dot_general3A_341 : vector<1x512xf32> to vector<512x512xf32>
    %eq3A_344 = vector.broadcast %convert_element_type3A_342 : vector<512x1xf32> to vector<512x512xf32>
    %eq3A_345 = arith.cmpf oeq, %eq3A_343, %eq3A_344 : vector<512x512xf32>
    %lt3A_346 = arith.constant 457 : i32
    %lt3A_347 = vector.broadcast %lt3A_346 : i32 to vector<512x1xi32>
    %lt3A_348 = arith.cmpi slt, %iota3A_339, %lt3A_347 : vector<512x1xi32>
    %and3A_349 = vector.broadcast %lt3A_348 : vector<512x1xi1> to vector<512x512xi1>
    %and3A_350 = arith.andi %eq3A_345, %and3A_349 : vector<512x512xi1>
    %convert_element_type3A_351 = arith.extui %and3A_350 : vector<512x512xi1> to vector<512x512xi32>
    %convert_element_type3A_352 = arith.sitofp %convert_element_type3A_351 : vector<512x512xi32> to vector<512x512xf32>
    %dot_general3A_353 = arith.constant dense<0.000000e+00> : vector<512x1xf32>
    %dot_general3A_354 = tpu.matmul %convert_element_type3A_352, %select_n3A_318, %dot_general3A_353 {dimension_numbers = #tpu.dot_dimension_numbers<[1], [0], [0], [1], [0, 0, 1, 1], [], []>, precision = #tpu.contract_precision<fp32>, transpose_lhs_hint = false} : vector<512x512xf32>, vector<512x1xf32>, vector<512x1xf32> -> vector<512x1xf32>
    %dot_general3A_355 = arith.constant dense<0.000000e+00> : vector<512x32xf32>
    %dot_general3A_356 = tpu.matmul %convert_element_type3A_352, %max3A_283, %dot_general3A_355 {dimension_numbers = #tpu.dot_dimension_numbers<[1], [0], [0], [1], [0, 0, 1, 1], [], []>, precision = #tpu.contract_precision<fp32>, transpose_lhs_hint = false} : vector<512x512xf32>, vector<512x32xf32>, vector<512x32xf32> -> vector<512x32xf32>
    %mul3A_357 = vector.broadcast %dot_general3A_354 : vector<512x1xf32> to vector<512x32xf32>
    %mul3A_358 = arith.mulf %dot_general3A_356, %mul3A_357 : vector<512x32xf32>
    %dot_general3A_359 = arith.constant dense<0.000000e+00> : vector<512x512xf32>
    %dot_general3A_360 = tpu.matmul %convert_element_type3A_352, %mul3A_293, %dot_general3A_359 {dimension_numbers = #tpu.dot_dimension_numbers<[1], [0], [0], [1], [0, 0, 1, 1], [], []>, precision = #tpu.contract_precision<fp32>, transpose_lhs_hint = false} : vector<512x512xf32>, vector<512x512xf32>, vector<512x512xf32> -> vector<512x512xf32>
    %dot_general3A_361 = arith.constant dense<0.000000e+00> : vector<512x512xf32>
    %dot_general3A_362 = tpu.matmul %dot_general3A_360, %convert_element_type3A_352, %dot_general3A_361 {dimension_numbers = #tpu.dot_dimension_numbers<[1], [1], [0], [0], [0, 0, 1, 0], [], []>, precision = #tpu.contract_precision<fp32>, transpose_lhs_hint = false} : vector<512x512xf32>, vector<512x512xf32>, vector<512x512xf32> -> vector<512x512xf32>
    %get3A_363 = arith.constant 2 : index
    %get3A_364 = arith.constant 0 : index
    %get3A_365 = arith.constant 0 : index
    %get3A_366 = vector.load %arg4[%get3A_363, %get3A_364, %get3A_365] : memref<6x32x32xf32, #tpu.memory_space<vmem>>, vector<1x32x32xf32>
    %get3A_367 = vector.shape_cast %get3A_366 : vector<1x32x32xf32> to vector<32x32xf32>
    %get3A_368 = arith.constant 3 : index
    %get3A_369 = arith.constant 0 : index
    %get3A_370 = vector.load %arg5[%get3A_368, %get3A_369] : memref<7x32xf32, #tpu.memory_space<vmem>>, vector<1x32xf32>
    %add3A_371 = arith.addf %dot_general3A_362, %convert_element_type3A_11 : vector<512x512xf32>
    %reduce_sum3A_372 = arith.constant dense<0.000000e+00> : vector<512xf32>
    %reduce_sum3A_373 = vector.multi_reduction <add>, %add3A_371, %reduce_sum3A_372 [1] : vector<512x512xf32> to vector<512xf32>
    %broadcast_in_dim3A_374 = vector.shape_cast %reduce_sum3A_373 : vector<512xf32> to vector<512x1xf32>
    %gt3A_375 = arith.constant 0.000000e+00 : f32
    %gt3A_376 = vector.broadcast %gt3A_375 : f32 to vector<512x1xf32>
    %gt3A_377 = arith.cmpf ogt, %broadcast_in_dim3A_374, %gt3A_376 : vector<512x1xf32>
    %sqrt3A_378 = math.sqrt %broadcast_in_dim3A_374 : vector<512x1xf32>
    %div3A_379 = arith.constant 1.000000e+00 : f32
    %div3A_380 = vector.broadcast %div3A_379 : f32 to vector<512x1xf32>
    %div3A_381 = arith.divf %div3A_380, %sqrt3A_378 : vector<512x1xf32>
    %jit3A_382 = arith.constant 0.000000e+00 : f32
    %broadcast_in_dim3A_383 = vector.broadcast %jit3A_382 : f32 to vector<512x1xf32>
    %select_n3A_384 = arith.select %gt3A_377, %div3A_381, %broadcast_in_dim3A_383 : vector<512x1xi1>, vector<512x1xf32>
    %mul3A_385 = vector.broadcast %select_n3A_384 : vector<512x1xf32> to vector<512x512xf32>
    %mul3A_386 = arith.mulf %add3A_371, %mul3A_385 : vector<512x512xf32>
    %dot_general3A_387 = arith.constant dense<0.000000e+00> : vector<1x512xf32>
    %dot_general3A_388 = tpu.matmul %select_n3A_384, %convert_element_type3A_11, %dot_general3A_387 {dimension_numbers = #tpu.dot_dimension_numbers<[0], [0], [1], [1], [0, 1, 1, 1], [], []>, precision = #tpu.contract_precision<fp32>, transpose_lhs_hint = false} : vector<512x1xf32>, vector<512x512xf32>, vector<1x512xf32> -> vector<1x512xf32>
    %mul3A_389 = vector.broadcast %dot_general3A_388 : vector<1x512xf32> to vector<512x512xf32>
    %mul3A_390 = arith.mulf %mul3A_386, %mul3A_389 : vector<512x512xf32>
    %dot_general3A_391 = arith.constant dense<0.000000e+00> : vector<512x32xf32>
    %dot_general3A_392 = tpu.matmul %mul3A_358, %get3A_367, %dot_general3A_391 {dimension_numbers = #tpu.dot_dimension_numbers<[1], [0], [0], [1], [0, 0, 1, 1], [], []>, transpose_lhs_hint = false} : vector<512x32xf32>, vector<32x32xf32>, vector<512x32xf32> -> vector<512x32xf32>
    %dot_general3A_393 = arith.constant dense<0.000000e+00> : vector<512x32xf32>
    %dot_general3A_394 = tpu.matmul %mul3A_390, %dot_general3A_392, %dot_general3A_393 {dimension_numbers = #tpu.dot_dimension_numbers<[1], [0], [0], [1], [0, 0, 1, 1], [], []>, transpose_lhs_hint = false} : vector<512x512xf32>, vector<512x32xf32>, vector<512x32xf32> -> vector<512x32xf32>
    %add3A_395 = vector.broadcast %get3A_370 : vector<1x32xf32> to vector<512x32xf32>
    %add3A_396 = arith.addf %dot_general3A_394, %add3A_395 : vector<512x32xf32>
    %max3A_397 = arith.constant 0.000000e+00 : f32
    %max3A_398 = vector.broadcast %max3A_397 : f32 to vector<512x32xf32>
    %max3A_399 = arith.maximumf %add3A_396, %max3A_398 : vector<512x32xf32>
    %get3A_400 = arith.constant 0 : index
    %get3A_401 = arith.constant 0 : index
    %get3A_402 = vector.load %arg15[%get3A_400, %get3A_401] : memref<512x32xf32, #tpu.memory_space<vmem>>, vector<512x32xf32>
    %dot_general3A_403 = arith.constant dense<0.000000e+00> : vector<512x32xf32>
    %dot_general3A_404 = tpu.matmul %convert_element_type3A_352, %max3A_399, %dot_general3A_403 {dimension_numbers = #tpu.dot_dimension_numbers<[0], [0], [1], [1], [0, 1, 1, 1], [], []>, precision = #tpu.contract_precision<fp32>, transpose_lhs_hint = false} : vector<512x512xf32>, vector<512x32xf32>, vector<512x32xf32> -> vector<512x32xf32>
    %add3A_405 = arith.addf %get3A_402, %dot_general3A_404 : vector<512x32xf32>
    %get3A_406 = arith.constant 3 : index
    %get3A_407 = arith.constant 0 : index
    %get3A_408 = arith.constant 0 : index
    %get3A_409 = vector.load %arg4[%get3A_406, %get3A_407, %get3A_408] : memref<6x32x32xf32, #tpu.memory_space<vmem>>, vector<1x32x32xf32>
    %get3A_410 = vector.shape_cast %get3A_409 : vector<1x32x32xf32> to vector<32x32xf32>
    %get3A_411 = arith.constant 4 : index
    %get3A_412 = arith.constant 0 : index
    %get3A_413 = vector.load %arg5[%get3A_411, %get3A_412] : memref<7x32xf32, #tpu.memory_space<vmem>>, vector<1x32xf32>
    %get3A_414 = arith.constant 0 : index
    %get3A_415 = arith.constant 0 : index
    %get3A_416 = vector.load %arg10[%get3A_414, %get3A_415] : memref<512x512xf32, #tpu.memory_space<vmem>>, vector<512x512xf32>
    %add3A_417 = arith.addf %get3A_416, %convert_element_type3A_11 : vector<512x512xf32>
    %reduce_sum3A_418 = arith.constant dense<0.000000e+00> : vector<512xf32>
    %reduce_sum3A_419 = vector.multi_reduction <add>, %add3A_417, %reduce_sum3A_418 [1] : vector<512x512xf32> to vector<512xf32>
    %broadcast_in_dim3A_420 = vector.shape_cast %reduce_sum3A_419 : vector<512xf32> to vector<512x1xf32>
    %gt3A_421 = arith.constant 0.000000e+00 : f32
    %gt3A_422 = vector.broadcast %gt3A_421 : f32 to vector<512x1xf32>
    %gt3A_423 = arith.cmpf ogt, %broadcast_in_dim3A_420, %gt3A_422 : vector<512x1xf32>
    %sqrt3A_424 = math.sqrt %broadcast_in_dim3A_420 : vector<512x1xf32>
    %div3A_425 = arith.constant 1.000000e+00 : f32
    %div3A_426 = vector.broadcast %div3A_425 : f32 to vector<512x1xf32>
    %div3A_427 = arith.divf %div3A_426, %sqrt3A_424 : vector<512x1xf32>
    %jit3A_428 = arith.constant 0.000000e+00 : f32
    %broadcast_in_dim3A_429 = vector.broadcast %jit3A_428 : f32 to vector<512x1xf32>
    %select_n3A_430 = arith.select %gt3A_423, %div3A_427, %broadcast_in_dim3A_429 : vector<512x1xi1>, vector<512x1xf32>
    %mul3A_431 = vector.broadcast %select_n3A_430 : vector<512x1xf32> to vector<512x512xf32>
    %mul3A_432 = arith.mulf %add3A_417, %mul3A_431 : vector<512x512xf32>
    %dot_general3A_433 = arith.constant dense<0.000000e+00> : vector<1x512xf32>
    %dot_general3A_434 = tpu.matmul %select_n3A_430, %convert_element_type3A_11, %dot_general3A_433 {dimension_numbers = #tpu.dot_dimension_numbers<[0], [0], [1], [1], [0, 1, 1, 1], [], []>, precision = #tpu.contract_precision<fp32>, transpose_lhs_hint = false} : vector<512x1xf32>, vector<512x512xf32>, vector<1x512xf32> -> vector<1x512xf32>
    %mul3A_435 = vector.broadcast %dot_general3A_434 : vector<1x512xf32> to vector<512x512xf32>
    %mul3A_436 = arith.mulf %mul3A_432, %mul3A_435 : vector<512x512xf32>
    %dot_general3A_437 = arith.constant dense<0.000000e+00> : vector<512x32xf32>
    %dot_general3A_438 = tpu.matmul %add3A_405, %get3A_410, %dot_general3A_437 {dimension_numbers = #tpu.dot_dimension_numbers<[1], [0], [0], [1], [0, 0, 1, 1], [], []>, transpose_lhs_hint = false} : vector<512x32xf32>, vector<32x32xf32>, vector<512x32xf32> -> vector<512x32xf32>
    %dot_general3A_439 = arith.constant dense<0.000000e+00> : vector<512x32xf32>
    %dot_general3A_440 = tpu.matmul %mul3A_436, %dot_general3A_438, %dot_general3A_439 {dimension_numbers = #tpu.dot_dimension_numbers<[1], [0], [0], [1], [0, 0, 1, 1], [], []>, transpose_lhs_hint = false} : vector<512x512xf32>, vector<512x32xf32>, vector<512x32xf32> -> vector<512x32xf32>
    %add3A_441 = vector.broadcast %get3A_413 : vector<1x32xf32> to vector<512x32xf32>
    %add3A_442 = arith.addf %dot_general3A_440, %add3A_441 : vector<512x32xf32>
    %max3A_443 = arith.constant 0.000000e+00 : f32
    %max3A_444 = vector.broadcast %max3A_443 : f32 to vector<512x32xf32>
    %max3A_445 = arith.maximumf %add3A_442, %max3A_444 : vector<512x32xf32>
    %get3A_446 = arith.constant 0 : index
    %get3A_447 = arith.constant 0 : index
    %get3A_448 = vector.load %arg14[%get3A_446, %get3A_447] : memref<576x32xf32, #tpu.memory_space<vmem>>, vector<576x32xf32>
    %get3A_449 = arith.constant 0 : index
    %get3A_450 = arith.constant 0 : index
    %get3A_451 = vector.load %arg12[%get3A_449, %get3A_450] : memref<512x576xf32, #tpu.memory_space<vmem>>, vector<512x576xf32>
    %dot_general3A_452 = arith.constant dense<0.000000e+00> : vector<576x32xf32>
    %dot_general3A_453 = tpu.matmul %get3A_451, %max3A_445, %dot_general3A_452 {dimension_numbers = #tpu.dot_dimension_numbers<[0], [0], [1], [1], [0, 1, 1, 1], [], []>, precision = #tpu.contract_precision<fp32>, transpose_lhs_hint = false} : vector<512x576xf32>, vector<512x32xf32>, vector<576x32xf32> -> vector<576x32xf32>
    %add3A_454 = arith.addf %get3A_448, %dot_general3A_453 : vector<576x32xf32>
    %get3A_455 = arith.constant 4 : index
    %get3A_456 = arith.constant 0 : index
    %get3A_457 = arith.constant 0 : index
    %get3A_458 = vector.load %arg4[%get3A_455, %get3A_456, %get3A_457] : memref<6x32x32xf32, #tpu.memory_space<vmem>>, vector<1x32x32xf32>
    %get3A_459 = vector.shape_cast %get3A_458 : vector<1x32x32xf32> to vector<32x32xf32>
    %get3A_460 = arith.constant 5 : index
    %get3A_461 = arith.constant 0 : index
    %get3A_462 = vector.load %arg5[%get3A_460, %get3A_461] : memref<7x32xf32, #tpu.memory_space<vmem>>, vector<1x32xf32>
    %get3A_463 = arith.constant 0 : index
    %get3A_464 = arith.constant 0 : index
    %get3A_465 = vector.load %arg9[%get3A_463, %get3A_464] : memref<576x576xf32, #tpu.memory_space<vmem>>, vector<576x576xf32>
    %add3A_466 = arith.addf %get3A_465, %convert_element_type3A_6 : vector<576x576xf32>
    %reduce_sum3A_467 = arith.constant dense<0.000000e+00> : vector<576xf32>
    %reduce_sum3A_468 = vector.multi_reduction <add>, %add3A_466, %reduce_sum3A_467 [1] : vector<576x576xf32> to vector<576xf32>
    %broadcast_in_dim3A_469 = vector.shape_cast %reduce_sum3A_468 : vector<576xf32> to vector<576x1xf32>
    %gt3A_470 = arith.constant 0.000000e+00 : f32
    %gt3A_471 = vector.broadcast %gt3A_470 : f32 to vector<576x1xf32>
    %gt3A_472 = arith.cmpf ogt, %broadcast_in_dim3A_469, %gt3A_471 : vector<576x1xf32>
    %sqrt3A_473 = math.sqrt %broadcast_in_dim3A_469 : vector<576x1xf32>
    %div3A_474 = arith.constant 1.000000e+00 : f32
    %div3A_475 = vector.broadcast %div3A_474 : f32 to vector<576x1xf32>
    %div3A_476 = arith.divf %div3A_475, %sqrt3A_473 : vector<576x1xf32>
    %jit3A_477 = arith.constant 0.000000e+00 : f32
    %broadcast_in_dim3A_478 = vector.broadcast %jit3A_477 : f32 to vector<576x1xf32>
    %select_n3A_479 = arith.select %gt3A_472, %div3A_476, %broadcast_in_dim3A_478 : vector<576x1xi1>, vector<576x1xf32>
    %mul3A_480 = vector.broadcast %select_n3A_479 : vector<576x1xf32> to vector<576x576xf32>
    %mul3A_481 = arith.mulf %add3A_466, %mul3A_480 : vector<576x576xf32>
    %dot_general3A_482 = arith.constant dense<0.000000e+00> : vector<1x576xf32>
    %dot_general3A_483 = tpu.matmul %select_n3A_479, %convert_element_type3A_6, %dot_general3A_482 {dimension_numbers = #tpu.dot_dimension_numbers<[0], [0], [1], [1], [0, 1, 1, 1], [], []>, precision = #tpu.contract_precision<fp32>, transpose_lhs_hint = false} : vector<576x1xf32>, vector<576x576xf32>, vector<1x576xf32> -> vector<1x576xf32>
    %mul3A_484 = vector.broadcast %dot_general3A_483 : vector<1x576xf32> to vector<576x576xf32>
    %mul3A_485 = arith.mulf %mul3A_481, %mul3A_484 : vector<576x576xf32>
    %dot_general3A_486 = arith.constant dense<0.000000e+00> : vector<576x32xf32>
    %dot_general3A_487 = tpu.matmul %add3A_454, %get3A_459, %dot_general3A_486 {dimension_numbers = #tpu.dot_dimension_numbers<[1], [0], [0], [1], [0, 0, 1, 1], [], []>, transpose_lhs_hint = false} : vector<576x32xf32>, vector<32x32xf32>, vector<576x32xf32> -> vector<576x32xf32>
    %dot_general3A_488 = arith.constant dense<0.000000e+00> : vector<576x32xf32>
    %dot_general3A_489 = tpu.matmul %mul3A_485, %dot_general3A_487, %dot_general3A_488 {dimension_numbers = #tpu.dot_dimension_numbers<[1], [0], [0], [1], [0, 0, 1, 1], [], []>, transpose_lhs_hint = false} : vector<576x576xf32>, vector<576x32xf32>, vector<576x32xf32> -> vector<576x32xf32>
    %add3A_490 = vector.broadcast %get3A_462 : vector<1x32xf32> to vector<576x32xf32>
    %add3A_491 = arith.addf %dot_general3A_489, %add3A_490 : vector<576x32xf32>
    %max3A_492 = arith.constant 0.000000e+00 : f32
    %max3A_493 = vector.broadcast %max3A_492 : f32 to vector<576x32xf32>
    %max3A_494 = arith.maximumf %add3A_491, %max3A_493 : vector<576x32xf32>
    %get3A_495 = arith.constant 0 : index
    %get3A_496 = arith.constant 0 : index
    %get3A_497 = vector.load %arg13[%get3A_495, %get3A_496] : memref<640x32xf32, #tpu.memory_space<vmem>>, vector<640x32xf32>
    %get3A_498 = arith.constant 0 : index
    %get3A_499 = arith.constant 0 : index
    %get3A_500 = vector.load %arg11[%get3A_498, %get3A_499] : memref<576x640xf32, #tpu.memory_space<vmem>>, vector<576x640xf32>
    %dot_general3A_501 = arith.constant dense<0.000000e+00> : vector<640x32xf32>
    %dot_general3A_502 = tpu.matmul %get3A_500, %max3A_494, %dot_general3A_501 {dimension_numbers = #tpu.dot_dimension_numbers<[0], [0], [1], [1], [0, 1, 1, 1], [], []>, precision = #tpu.contract_precision<fp32>, transpose_lhs_hint = false} : vector<576x640xf32>, vector<576x32xf32>, vector<640x32xf32> -> vector<640x32xf32>
    %add3A_503 = arith.addf %get3A_497, %dot_general3A_502 : vector<640x32xf32>
    %get3A_504 = arith.constant 5 : index
    %get3A_505 = arith.constant 0 : index
    %get3A_506 = arith.constant 0 : index
    %get3A_507 = vector.load %arg4[%get3A_504, %get3A_505, %get3A_506] : memref<6x32x32xf32, #tpu.memory_space<vmem>>, vector<1x32x32xf32>
    %get3A_508 = vector.shape_cast %get3A_507 : vector<1x32x32xf32> to vector<32x32xf32>
    %get3A_509 = arith.constant 6 : index
    %get3A_510 = arith.constant 0 : index
    %get3A_511 = vector.load %arg5[%get3A_509, %get3A_510] : memref<7x32xf32, #tpu.memory_space<vmem>>, vector<1x32xf32>
    %add3A_512 = arith.addf %get3A_15, %convert_element_type3A_1 : vector<640x640xf32>
    %reduce_sum3A_513 = arith.constant dense<0.000000e+00> : vector<640xf32>
    %reduce_sum3A_514 = vector.multi_reduction <add>, %add3A_512, %reduce_sum3A_513 [1] : vector<640x640xf32> to vector<640xf32>
    %broadcast_in_dim3A_515 = vector.shape_cast %reduce_sum3A_514 : vector<640xf32> to vector<640x1xf32>
    %gt3A_516 = arith.constant 0.000000e+00 : f32
    %gt3A_517 = vector.broadcast %gt3A_516 : f32 to vector<640x1xf32>
    %gt3A_518 = arith.cmpf ogt, %broadcast_in_dim3A_515, %gt3A_517 : vector<640x1xf32>
    %sqrt3A_519 = math.sqrt %broadcast_in_dim3A_515 : vector<640x1xf32>
    %div3A_520 = arith.constant 1.000000e+00 : f32
    %div3A_521 = vector.broadcast %div3A_520 : f32 to vector<640x1xf32>
    %div3A_522 = arith.divf %div3A_521, %sqrt3A_519 : vector<640x1xf32>
    %jit3A_523 = arith.constant 0.000000e+00 : f32
    %broadcast_in_dim3A_524 = vector.broadcast %jit3A_523 : f32 to vector<640x1xf32>
    %select_n3A_525 = arith.select %gt3A_518, %div3A_522, %broadcast_in_dim3A_524 : vector<640x1xi1>, vector<640x1xf32>
    %mul3A_526 = vector.broadcast %select_n3A_525 : vector<640x1xf32> to vector<640x640xf32>
    %mul3A_527 = arith.mulf %add3A_512, %mul3A_526 : vector<640x640xf32>
    %dot_general3A_528 = arith.constant dense<0.000000e+00> : vector<1x640xf32>
    %dot_general3A_529 = tpu.matmul %select_n3A_525, %convert_element_type3A_1, %dot_general3A_528 {dimension_numbers = #tpu.dot_dimension_numbers<[0], [0], [1], [1], [0, 1, 1, 1], [], []>, precision = #tpu.contract_precision<fp32>, transpose_lhs_hint = false} : vector<640x1xf32>, vector<640x640xf32>, vector<1x640xf32> -> vector<1x640xf32>
    %mul3A_530 = vector.broadcast %dot_general3A_529 : vector<1x640xf32> to vector<640x640xf32>
    %mul3A_531 = arith.mulf %mul3A_527, %mul3A_530 : vector<640x640xf32>
    %dot_general3A_532 = arith.constant dense<0.000000e+00> : vector<640x32xf32>
    %dot_general3A_533 = tpu.matmul %add3A_503, %get3A_508, %dot_general3A_532 {dimension_numbers = #tpu.dot_dimension_numbers<[1], [0], [0], [1], [0, 0, 1, 1], [], []>, transpose_lhs_hint = false} : vector<640x32xf32>, vector<32x32xf32>, vector<640x32xf32> -> vector<640x32xf32>
    %dot_general3A_534 = arith.constant dense<0.000000e+00> : vector<640x32xf32>
    %dot_general3A_535 = tpu.matmul %mul3A_531, %dot_general3A_533, %dot_general3A_534 {dimension_numbers = #tpu.dot_dimension_numbers<[1], [0], [0], [1], [0, 0, 1, 1], [], []>, transpose_lhs_hint = false} : vector<640x640xf32>, vector<640x32xf32>, vector<640x32xf32> -> vector<640x32xf32>
    %add3A_536 = vector.broadcast %get3A_511 : vector<1x32xf32> to vector<640x32xf32>
    %add3A_537 = arith.addf %dot_general3A_535, %add3A_536 : vector<640x32xf32>
    %iota3A_538 = tpu.iota {dimensions = array<i32: 0>} : vector<640x32xi32>
    %lt3A_539 = arith.constant 625 : i32
    %lt3A_540 = vector.broadcast %lt3A_539 : i32 to vector<640x32xi32>
    %lt3A_541 = arith.cmpi slt, %iota3A_538, %lt3A_540 : vector<640x32xi32>
    %jit3A_542 = arith.constant -3.400000e+38 : f32
    %broadcast_in_dim3A_543 = vector.broadcast %jit3A_542 : f32 to vector<640x32xf32>
    %select_n3A_544 = arith.select %lt3A_541, %add3A_537, %broadcast_in_dim3A_543 : vector<640x32xi1>, vector<640x32xf32>
    %reduce_max3A = arith.constant dense<0xFF800000> : vector<32xf32>
    %reduce_max3A_545 = vector.multi_reduction <maximumf>, %select_n3A_544, %reduce_max3A [0] : vector<640x32xf32> to vector<32xf32>
    %broadcast_in_dim3A_546 = vector.shape_cast %reduce_max3A_545 : vector<32xf32> to vector<1x32xf32>
    %eq3A_547 = vector.broadcast %broadcast_in_dim3A_546 : vector<1x32xf32> to vector<640x32xf32>
    %eq3A_548 = arith.cmpf oeq, %select_n3A_544, %eq3A_547 : vector<640x32xf32>
    %jit3A_549 = arith.constant 640 : i32
    %broadcast_in_dim3A_550 = vector.broadcast %jit3A_549 : i32 to vector<640x32xi32>
    %select_n3A_551 = arith.select %eq3A_548, %iota3A_538, %broadcast_in_dim3A_550 : vector<640x32xi1>, vector<640x32xi32>
    %swap3A_552 = arith.constant 0 : index
    %swap3A_553 = arith.constant 0 : index
    %swap3A_554 = arith.constant 0 : index
    %swap3A_555 = vector.load %arg7[%swap3A_552, %swap3A_553, %swap3A_554] : memref<1x1x32xf32, #tpu.memory_space<vmem>>, vector<1x1x32xf32>
    %swap3A_556 = vector.shape_cast %swap3A_555 : vector<1x1x32xf32> to vector<1x32xf32>
    %swap3A_557 = vector.shape_cast %broadcast_in_dim3A_546 : vector<1x32xf32> to vector<1x1x32xf32>
    tpu.vector_store %arg7[%swap3A_552, %swap3A_553, %swap3A_554], %swap3A_557 {strides = array<i32>} : memref<1x1x32xf32, #tpu.memory_space<vmem>>, vector<1x1x32xf32>,
    %reduce_min3A = arith.constant dense<2147483647> : vector<32xi32>
    %reduce_min3A_558 = vector.multi_reduction <minsi>, %select_n3A_551, %reduce_min3A [0] : vector<640x32xi32> to vector<32xi32>
    %broadcast_in_dim3A_559 = vector.shape_cast %reduce_min3A_558 : vector<32xi32> to vector<1x32xi32>
    %swap3A_560 = arith.constant 0 : index
    %swap3A_561 = arith.constant 0 : index
    %swap3A_562 = arith.constant 0 : index
    %swap3A_563 = vector.load %arg8[%swap3A_560, %swap3A_561, %swap3A_562] : memref<1x1x32xi32, #tpu.memory_space<vmem>>, vector<1x1x32xi32>
    %swap3A_564 = vector.shape_cast %swap3A_563 : vector<1x1x32xi32> to vector<1x32xi32>
    %swap3A_565 = vector.shape_cast %broadcast_in_dim3A_559 : vector<1x32xi32> to vector<1x1x32xi32>
    tpu.vector_store %arg8[%swap3A_560, %swap3A_561, %swap3A_562], %swap3A_565 {strides = array<i32>} : memref<1x1x32xi32, #tpu.memory_space<vmem>>, vector<1x1x32xi32>,
    return
  }
  func.func @transform_0(%arg0: i32) -> (i32, i32, i32) {
    %c0_i32 = arith.constant 0 : i32
    %c0_i32_0 = arith.constant 0 : i32
    %c0_i32_1 = arith.constant 0 : i32
    return %arg0, %c0_i32, %c0_i32_0 : i32, i32, i32
  }
  func.func @transform_1(%arg0: i32) -> (i32, i32, i32) {
    %c0_i32 = arith.constant 0 : i32
    %c0_i32_0 = arith.constant 0 : i32
    %c0_i32_1 = arith.constant 0 : i32
    return %arg0, %c0_i32, %c0_i32_0 : i32, i32, i32
  }
  func.func @transform_2(%arg0: i32) -> (i32, i32) {
    %c0_i32 = arith.constant 0 : i32
    %c0_i32_0 = arith.constant 0 : i32
    %c0_i32_1 = arith.constant 0 : i32
    return %c0_i32, %c0_i32_0 : i32, i32
  }
  func.func @transform_3(%arg0: i32) -> (i32, i32, i32) {
    %c0_i32 = arith.constant 0 : i32
    %c0_i32_0 = arith.constant 0 : i32
    %c0_i32_1 = arith.constant 0 : i32
    %c0_i32_2 = arith.constant 0 : i32
    return %c0_i32, %c0_i32_0, %c0_i32_1 : i32, i32, i32
  }
  func.func @transform_4(%arg0: i32) -> (i32, i32) {
    %c0_i32 = arith.constant 0 : i32
    %c0_i32_0 = arith.constant 0 : i32
    %c0_i32_1 = arith.constant 0 : i32
    return %c0_i32, %c0_i32_0 : i32, i32
  }
  func.func @transform_5(%arg0: i32) -> (i32, i32) {
    %c0_i32 = arith.constant 0 : i32
    %c0_i32_0 = arith.constant 0 : i32
    %c0_i32_1 = arith.constant 0 : i32
    return %c0_i32, %c0_i32_0 : i32, i32
  }
  func.func @transform_6(%arg0: i32) -> (i32, i32, i32) {
    %c0_i32 = arith.constant 0 : i32
    %c0_i32_0 = arith.constant 0 : i32
    %c0_i32_1 = arith.constant 0 : i32
    return %arg0, %c0_i32, %c0_i32_0 : i32, i32, i32
  }
  func.func @transform_7(%arg0: i32) -> (i32, i32, i32) {
    %c0_i32 = arith.constant 0 : i32
    %c0_i32_0 = arith.constant 0 : i32
    %c0_i32_1 = arith.constant 0 : i32
    return %arg0, %c0_i32, %c0_i32_0 : i32, i32, i32
  }
}

</mosaic_0001>

<sc_bundles>
// kernel: kernel.5.cloned.1.call-start
scs
__scs_entry_jumppad:
0x0: {  	(pc) =	sbr.rel $0x88, $3  }
0x1: {  	(tag) =	ssettag $0x0;
	lr =	simm.s32 $0x1  }
0x2: {  	[smem:$0x3F7F] =	sst lr;
	_ =	strace $0xD0000000  }
0x3: {  	_ = 	snop  }
0x4: {  	_ = 	snop  }
0x5: {  	_ = 	snop  }
0x6: {  	_ = 	snop  }
0x7: {  	_ = 	snop  }
__scs_overlays_trampoline_lowered:
0x8: {  	[smem:$0x3F8E] =	sst s0  }
0x9: {  	[smem:$0x3F8F] =	sst s1  }
0xa: {  	[smem:$0x3F90] =	sst s2  }
0xb: {  	[smem:$0x3F91] =	sst s3  }
0xc: {  	[smem:$0x3F92] =	sst s4  }
0xd: {  	[smem:$0x3F93] =	sst s5  }
0xe: {  	[smem:$0x3F94] =	sst s6  }
0xf: {  	[smem:$0x3F95] =	sst s7  }
0x10: {  	[smem:$0x3F96] =	sst s8  }
0x11: {  	[smem:$0x3F97] =	sst s9;
	s0 =	simm.s32 @!p0 $0x0  }
0x12: {  	s1 =	sld [smem:$0x3F7D];
	s0 =	simm.s32 @p0 $0x1  }
0x13: {  	[smem:$0x3F98] =	sst s0;
	s0 =	simm.s32 @!p1 $0x0  }
0x14: {  	s2 =	sld [smem:$0x3F7C];
	s0 =	simm.s32 @p1 $0x1  }
0x15: {  	[smem:$0x3F99] =	sst s0;
	s0 =	simm.s32 @!p2 $0x0  }
0x16: {  	s3 =	sld [smem:$0x3FDB];
	s0 =	simm.s32 @p2 $0x1  }
0x17: {  	s4 =	simm.s32 $0x1BF5;
	[smem:$0x3F9B] =	sst s0  }
0x18: {  	s0 =	sld [smem:$0x3F7E];
	_ =	swait.ge [sflag:s4], $0x0  }
0x19: {  	s7 =	sld [smem:$0x3F7F]  }
0x1a: {  	s8 =	sadd.s32 $0xFFFFE003, lr  }
0x1b: {  	s9 =	sadd.s32 $0xFFFFFEF7, lr;
	s5 =	simm.s32 $0xFFFFFFFF;
	p2 =	slt.u32 s8, $0xFFFFF086  }
0x1c: {  	p1 =	slt.u32 s9, $0xF7A;
	s5 =	simm.s32 @!p2 $0x0  }
0x1d: {  	s5 =	simm.s32 @p1 $0x1;
	p0 =	seq.s32 s7, s2  }
0x1e: {  	s7 =	smul.u32 @!p0 $0xF7A, s2;
	p2 =	seq.s32 @!p0 s5, $0x0  }
0x1f: {  	s9 =	smul.u32 $0xF7A, s1;
	s8 =	simm.s32 @!p0 $0x1BF5;
	p2 =	por !p2, p0  }
0x20: {  	[sflag:s8] =	ssyncset.s32 @!p0 $0xFFFFF086;
	s6 =	sadd.s32 @!p0 s3, s7;
	s7 =	simm.s32 @!p0 $0x108  }
0x21: {  	s3 =	sadd.s32 s3, s9;
	s6 =	sadd.s32 @!p0 $0x88, s6;
	s7 =	simm.s32 @p2 $0x1082  }
0x22: {  	[simem:s7], [sflag:s8] =	dma.local @!p0 [hbm:s6], $0xF7A  }
0x23: {  	s9 =	sor.u32 $0xD0000000, s2;
	s6 =	simm.s32 $0x108;
	_ =	swait.ge @!p0 [sflag:s8], $0x0  }
0x24: {  	s3 =	sadd.s32 $0x88, s3;
	s6 =	simm.s32 @!p1 $0x1082;
	[sflag:s4] =	ssyncset.s32 $0xFFFFF086  }
0x25: {  	[simem:s6], [sflag:s4] =	dma.local [hbm:s3], $0xF7A  }
0x26: {  	[smem:$0x3F7F] =	sst s1;
	(tag) =	ssettag s2;
	_ =	strace s9  }
0x27: {  	s1 =	sld [smem:$0x3F8F]  }
0x28: {  	s2 =	sld [smem:$0x3F90]  }
0x29: {  	s4 =	sld [smem:$0x3F92]  }
0x2a: {  	p0 =	seq.s32 s5, $0x0;
	s5 =	sld [smem:$0x3F93]  }
0x2b: {  	s6 =	sld [smem:$0x3F94]  }
0x2c: {  	s7 =	sld [smem:$0x3F95]  }
0x2d: {  	s3 =	simm.s32 $0x108;
	s8 =	sld [smem:$0x3F96]  }
0x2e: {  	s3 =	simm.s32 @!p0 $0x1082;
	s9 =	sld [smem:$0x3F97]  }
0x2f: {  	lr =	sadd.s32 s0, s3;
	s0 =	sld [smem:$0x3F8E]  }
0x30: {  	s3 =	sld [smem:$0x3F91]  }
0x31: {  	[smem:$0x3F9A] =	sst s10  }
0x32: {  	s10 =	sld [smem:$0x3F98];
	_ =	sdelay $0x3  }
0x33: {  	p0 =	seq.s32 s10, $0x1;
	s10 =	sld [smem:$0x3F9A];
	_ =	sdelay $0x3  }
0x34: {  	[smem:$0x3F9A] =	sst s10  }
0x35: {  	s10 =	sld [smem:$0x3F99];
	_ =	sdelay $0x3  }
0x36: {  	p1 =	seq.s32 s10, $0x1;
	s10 =	sld [smem:$0x3F9A];
	_ =	sdelay $0x3  }
0x37: {  	[smem:$0x3F9A] =	sst s10  }
0x38: {  	s10 =	sld [smem:$0x3F9B]  }
0x39: {  	_ = 	snop;
	(pc) =	sbr.ind lr, $3  }
0x3a: {  	_ = 	snop  }
0x3b: {  	_ = 	snop  }
0x3c: {  	p2 =	seq.s32 s10, $0x1;
	s10 =	sld [smem:$0x3F9A]  }
0x3d: {  	_ =	shalt  }
0x3e: {  	_ =	shalt  }
0x3f: {  	_ =	shalt  }
0x40: {  	_ =	shalt  }
0x41: {  	_ =	shalt  }
0x42: {  	_ =	shalt  }
0x43: {  	_ =	shalt  }
0x44: {  	_ =	shalt  }
0x45: {  	_ =	shalt  }
0x46: {  	_ =	shalt  }
0x47: {  	_ =	shalt  }
0x48: {  	_ =	shalt  }
0x49: {  	_ =	shalt  }
0x4a: {  	_ =	shalt  }
0x4b: {  	_ =	shalt  }
0x4c: {  	_ =	shalt  }
0x4d: {  	_ =	shalt  }
0x4e: {  	_ =	shalt  }
0x4f: {  	_ =	shalt  }
0x50: {  	_ =	shalt  }
0x51: {  	_ =	shalt  }
0x52: {  	_ =	shalt  }
0x53: {  	_ =	shalt  }
0x54: {  	_ =	shalt  }
0x55: {  	_ =	shalt  }
0x56: {  	_ =	shalt  }
0x57: {  	_ =	shalt  }
0x58: {  	_ =	shalt  }
0x59: {  	_ =	shalt  }
0x5a: {  	_ =	shalt  }
0x5b: {  	_ =	shalt  }
0x5c: {  	_ =	shalt  }
0x5d: {  	_ =	shalt  }
0x5e: {  	_ =	shalt  }
0x5f: {  	_ =	shalt  }
0x60: {  	_ =	shalt  }
0x61: {  	_ =	shalt  }
0x62: {  	_ =	shalt  }
0x63: {  	_ =	shalt  }
0x64: {  	_ =	shalt  }
0x65: {  	_ =	shalt  }
0x66: {  	_ =	shalt  }
0x67: {  	_ =	shalt  }
0x68: {  	_ =	shalt  }
0x69: {  	_ =	shalt  }
0x6a: {  	_ =	shalt  }
0x6b: {  	_ =	shalt  }
0x6c: {  	_ =	shalt  }
0x6d: {  	_ =	shalt  }
0x6e: {  	_ =	shalt  }
0x6f: {  	_ =	shalt  }
0x70: {  	_ =	shalt  }
0x71: {  	_ =	shalt  }
0x72: {  	_ =	shalt  }
0x73: {  	_ =	shalt  }
0x74: {  	_ =	shalt  }
0x75: {  	_ =	shalt  }
0x76: {  	_ =	shalt  }
0x77: {  	_ =	shalt  }
0x78: {  	_ =	shalt  }
0x79: {  	_ =	shalt  }
0x7a: {  	_ =	shalt  }
0x7b: {  	_ =	shalt  }
0x7c: {  	_ =	shalt  }
0x7d: {  	_ =	shalt  }
0x7e: {  	_ =	shalt  }
0x7f: {  	_ =	shalt  }
0x80: {  	_ =	shalt  }
0x81: {  	_ =	shalt  }
0x82: {  	_ =	shalt  }
0x83: {  	_ =	shalt  }
0x84: {  	_ =	shalt  }
0x85: {  	_ =	shalt  }
0x86: {  	_ =	shalt  }
0x87: {  	_ =	shalt  }
.Lfunc_end0:
.L_simem_size_0:
called_computation_lowered:
.L_overlay_start_0:
0x88: {  	s2 =	sld [smem:$0x3FD9]  }
0x89: {  	s3 =	sld [smem:$0x3FFE];
	_ =	sdelay $0x1  }
0x8a: {  	s1 =	srdreg.scid  }
0x8b: {  	s0 =	sand.u32 $0x1, s1  }
0x8c: {  	s16 =	sshll.u32 s0, $0xA;
	s2 =	sadd.s32 s3, s2  }
0x8d: {  	s2 =	sadd.s32 s2, s16  }
0x8e: {  	[smem:$0x3FA6] =	sst s2  }
0x8f: {  	_ = 	snop  }
0x90: {  	(tm) =	ssettm $0x1  }
0x91: {  	s17 =	sld [smem:$0x3FFB];
	_ =	sdelay $0x3  }
0x92: {  	_ =	strace s17  }
0x93: {  	s2 =	sld [smem:$0x3FFC];
	_ =	sdelay $0x3  }
0x94: {  	_ =	strace s2  }
0x95: {  	s2 =	sld [smem:$0x3FFD];
	_ =	sdelay $0x3  }
0x96: {  	_ =	strace s2  }
0x97: {  	_ =	strace $0x8FFFFFFF  }
0x98: {  	s18 =	sld [smem:$0x3FDB];
	_ =	sdelay $0x1  }
0x99: {  	s19 =	simm.s32 $_scs_section_size  }
0x9a: {  	s4 =	simm.s32 $_size__tile_overlayer_lowered;
	s5 =	simm.s32 $_tile_overlayer_lowered  }
0x9b: {  	s22 =	simm.s32 $0x1BFF;
	s21 =	sshll.u32 s5, $0x1;
	s2 =	sadd.s32 s19, s18  }
0x9c: {  	s6 =	simm.s32 $0x0;
	s20 =	sshll.u32 s4, $0x1;
	s4 =	sadd.s32 s21, s2  }
0x9d: {  	[timem:s6], [sflag:s22] =	dma.local [hbm:s4], s20  }
0x9e: {  	_ =	swait.ge [sflag:s22], s20  }
0x9f: {  	s3 =	ssub.s32 $0x0, s20;
	[sflag:s22] =	ssyncset.done $0x0  }
0xa0: {  	[sflag:s22] =	ssyncadd.s32 s3;
	_ =	sdelay $0x1  }
0xa1: {  	s23 =	simm.s32 $0x1B8B  }
0xa2: {  	_ =	swait.ge [sflag:s23], $0x1  }
0xa3: {  	[sflag:s23] =	ssyncset.done $0x0  }
0xa4: {  	s25 =	simm.s32 $0x1B8E;
	s24 =	sld [smem:$0x3FFE];
	[sflag:s23] =	ssyncadd.s32 $0xFFFFFFFF  }
0xa5: {  	s26 =	simm.s32 $execute0_lowered;
	[smem:$0x3FD2] =	sst s25  }
0xa6: {  	s4 =	sshll.u32 s26, $0x1;
	_ =	strace $0x80000046;
	[dreg:$0x1] =	wrdreg $0xFFFFFFFF  }
0xa7: {  	s28 =	simm.s32 $_size_execute0_lowered;
	s2 =	sadd.s32 s2, s4;
	[dreg:$0x0] =	wrdreg $0x0  }
0xa8: {  	s4 =	sshll.u32 s28, $0x1;
	[dreg:$0x2] =	wrdreg s2  }
0xa9: {  	[dreg:$0x3] =	wrdreg s4  }
0xaa: {  	[dreg:$0x4] =	wrdreg $0xC0  }
0xab: {  	_ =	task [dreg:s6], $0x5FFFF  }
0xac: {  	[dreg:$0x1] =	wrdreg $0xFFFFFFFF  }
0xad: {  	[dreg:$0x0] =	wrdreg $0x60  }
0xae: {  	[dreg:$0x2] =	wrdreg s24  }
0xaf: {  	[dreg:$0x3] =	wrdreg $0x9  }
0xb0: {  	_ =	task.clear_ibuf [dreg:s6], $0x4FFFF;
	_ =	strace $0x90000046  }
0xb1: {  	s29 =	simm.s32 $0x9;
	_ =	strace $0x80000048  }
0xb2: {  	_ =	swait.ge [sflag:s29], $0x1  }
0xb3: {  	[sflag:s29] =	ssyncadd.s32 $0xFFFFFFFF  }
0xb4: {  	_ =	strace $0x90000048  }
0xb5: {  	_ =	sfence  }
0xb6: {  	s30 =	sld [smem:$0x0];
	_ =	sdelay $0x2  }
0xb7: {  	s31 =	sshll.u32 s1, $0xD;
	s1 =	sshrl.u32 s1, $0x2  }
0xb8: {  	s3 =	sand.u32 $0x4000, s31;
	s1 =	sadd.s32 s1, s30  }
0xb9: {  	s0 =	sor.u32 s3, s0;
	s1 =	sshll.u32 s1, $0x11  }
0xba: {  	s0 =	sor.u32 s1, s0  }
0xbb: {  	s0 =	sadd.s32 $0x8F2B, s0  }
0xbc: {  	[sflag:s0] =	ssyncadd.remote.s32 $0x1  }
0xbd: {  	_ =	sfence.sel $0xFFFF  }
0xbe: {  	[dreg:$0x0] =	wrdreg $0xFFFFFFFF;
	(pc) =	sbr.abs _section_cstart, $3  }
0xbf: {  	[dreg:$0x1] =	wrdreg $0xFFFFFFFF  }
0xc0: {  	_ =	task.clear_ibuf [dreg:s6], $0x2FFFF;
	_ =	strace $0x9FFFFFFF  }
0xc1: {  	(tm) =	ssettm $0x7FFFFFFF  }
tec
execute0_lowered:
.L_overlay_start_1:
0x0: {  	(tag) =	ssettag $0x1  }
0x1: {  	s0 =	stileid.u32;
	s1 =	srdreg.scid  }
0x2: {  	s22 =	rddreg [dreg:$0x0];
	s28 =	simm.s32 $0x800;
	s8 =	sshrl.u32 s0, $0x1  }
0x3: {  	s29 =	simm.s32 $0x1000;
	s30 =	simm.s32 $0x0;
	s3 =	smul.u32 $0x2710, s8  }
0x4: {  	s2 =	sshll.u32 s0, $0x1;
	s1 =	sand.u32 $0x1, s1;
	s13 =	smul.u32 $0x271, s8  }
0x5: {  	s20 =	sadd.s32 $0x9000, s22;
	s11 =	smul.u32 $0x280, s8;
	s15 =	sor.u32 $0x8, s8  }
0x6: {  	s21 =	sadd.s32 $0x4000, s22;
	s2 =	sand.u32 $0x2, s2;
	s12 =	smul.u32 $0x2710, s15  }
0x7: {  	s2 =	sor.u32 s1, s2;
	s1 =	ssub.s32 $0x2, s1;
	s16 =	smul.u32 $0x271, s15  }
0x8: {  	s17 =	smul.u32 $0xA0, s2;
	s26 =	sshrl.u32 s1, $0x1;
	s9 =	sshrl.u32 s3, $0x3  }
0x9: {  	s19 =	ssub.s32 s1, s26;
	s1 =	sadd.s32 s20, s9;
	s2 =	sadd.s32 s21, s9  }
0xa: {  	s4 =	sadd.s32 $0xFA, s9;
	s6 =	sadd.s32 $0x1F4, s9;
	s10 =	sadd.s32 $0x2EE, s9  }
0xb: {  	s31 =	sadd.s32 $0x3E8, s9;
	s24 =	sshrl.u32 s12, $0x3;
	s26 =	smul.u32 $0x280, s15  }
0xc: {  	s14 =	sadd.s32 s13, s17;
	s3 =	sadd.s32 s20, s4;
	s4 =	sadd.s32 s21, s4  }
0xd: {  	s5 =	sadd.s32 s20, s6;
	s6 =	sadd.s32 s21, s6;
	s7 =	sadd.s32 s20, s10  }
0xe: {  	s8 =	sadd.s32 s21, s10;
	s9 =	sadd.s32 s20, s31;
	s11 =	sadd.s32 s11, s17  }
0xf: {  	s10 =	sadd.s32 s21, s31;
	s12 =	sadd.s32 s21, s24;
	s18 =	sadd.s32 s16, s17  }
0x10: {  	v4 =	vimm.f32 $0.0e+00;
	s0 =	sadd.s32 $0xFA, s24;
	s25 =	sadd.s32 $0x1F4, s24;
	s31 =	sadd.s32 $0x2EE, s24  }
0x11: {  	vm0 =	vmmov $0x1;
	v0 =	vmov s13;
	v1 =	vmov s16;
	s23 =	smul.u32 $0x50, s11;
	s11 =	sadd.s32 s20, s24;
	s13 =	sadd.s32 s20, s0  }
0x12: {  	v2 =	vsub.s32 $0x0, v0;
	v3 =	vsub.s32 $0x0, v1;
	v0 =	vmov s14;
	s14 =	sadd.s32 s21, s0;
	s15 =	sadd.s32 s20, s25;
	s16 =	sadd.s32 s21, s25  }
0x13: {  	v1 =	vbroadcast v2, $0x0;
	v2 =	vbroadcast v3, $0x0;
	v3 =	vmov s18;
	s0 =	sadd.s32 s26, s17;
	s17 =	sadd.s32 s20, s31;
	s18 =	sadd.s32 s21, s31  }
0x14: {  	v5 =	vimm.s32 $0x0;
	vm4 =	vcmask $0xB08;
	vm10 =	vcmask $0xF0C;
	s24 =	sadd.s32 $0x3E8, s24;
	s31 =	sadd.s32 $0xE000, s22;
	s22 =	simm.s32 $0x0  }
0x15: {  	vm11 =	vcmask $0x1310;
	vm12 =	vcmask $0x1714;
	v5 =	vsel vm0, $0xFFFFFFFF, v5;
	s25 =	smax.u32 s19, $0x1;
	s20 =	sadd.s32 s20, s24;
	s26 =	smul.u32 $0x50, s0  }
0x16: {  	vm13 =	vcmask $0x1B18;
	vm14 =	vcmask $0x1F1C;
	vm15 =	vcmask $0x2320;
	[tilespmem:$0x1FFF0] =	vst v5;
	s21 =	sadd.s32 s21, s24;
	[smem:$0x7FF] =	sst s22;
	s23 =	sadd.s32 s31, s23  }
0x17: {  	vm8 =	vcmask $0x2724;
	vm9 =	vcmask $0x3F3C;
	v5 =	vimm.f32 $1.000000000e+00;
	_ =	strace $0x80000047;
	s24 =	sadd.s32 s31, s26;
	s26 =	simm.s32 $0x1  }
.LBB2_1:
0x18: {  	s19 =	simm.s32 $0x40;
	s31 =	simm.s32 $0x0  }
.LBB2_2:
0x19: {  	p0 =	sne.s32 s19, $0x63FC0;
	[tilespmem:s31+$0x1000] =	vst v4;
	s31 =	smov.u32 s19;
	s19 =	sadd.s32 $0x40, s19  }
.Ltmp0:
0x1a: {  	(pc) =	sbr.rel @p0 .LBB2_2-.Ltmp0, $2  }
0x1b: {  	_ =	sdelay $0x2  }
0x1c: {  	s31 =	sshra.s32 s31, $0x2  }
0x1d: {  	[tilespmem:s31+$0x1000] =	vst v4;
	s19 =	simm.s32 $0x0  }
0x1e: {  	[tilespmem:s19], [sflag:$0x1] =	stream.linear.gather [hbm4b:s1+s19], $0x7D0, $0x38;
	[tilespmem:$0x1A000] =	vst v63  }
0x1f: {  	_ =	swait.ge [sflag:s26], $0x7D0  }
0x20: {  	[sflag:s26] =	ssyncset.done $0x0  }
0x21: {  	[sflag:s26] =	ssyncadd.s32 $0xFFFFF830  }
0x22: {  	[tilespmem:s28], [sflag:$0x1] =	stream.linear.gather [hbm4b:s2+s19], $0x7D0, $0x38;
	[tilespmem:$0x1A000] =	vst v63  }
0x23: {  	_ =	swait.ge [sflag:s26], $0x7D0  }
0x24: {  	[sflag:s26] =	ssyncset.done $0x0  }
0x25: {  	s0 =	simm.s32 $0x0;
	[sflag:s26] =	ssyncadd.s32 $0xFFFFF830  }
0x26: {  	v6 =	vld [tilespmem:s0+$0x800];
	_ =	sdelay $0x1  }
0x27: {  	v7 =	vld [tilespmem:s0+$0x0];
	_ =	sdelay $0x2  }
0x28: {  	v6 =	vsub.s32 v6, v0  }
0x29: {  	v8 =	vmul.u32 $0x280, v6  }
0x2a: {  	v7 =	vadd.s32 v1, v7  }
0x2b: {  	v7 =	vadd.s32 v8, v7  }
0x2c: {  	vm1 =	vgt.s32 v7, $0x0  }
0x2d: {  	vm3 =	vlt.u32 v6, $0xA0;
	v6 =	vnsel vm1, $0x0, v7;
	v7 =	vld [tilespmem:$0x1FFF0];
	_ =	sdelay $0x2  }
0x2e: {  	vm2 =	vcmask $0x704  }
0x2f: {  	vm6 =	vmand vm3, vm2  }
0x30: {  	vm2 =	vmand vm3, vm10;
	vm0 =	vnez.u8 v7;
	v7 =	vimm.s32 $0x0  }
0x31: {  	v7 =	vsel vm2, $0xFFFFFFFF, v7  }
0x32: {  	vm2 =	vmand vm3, vm11;
	[tilespmem:$0x1FFB0] =	vst v7;
	v7 =	vimm.s32 $0x0  }
0x33: {  	vm1 =	vmand vm3, vm0;
	v7 =	vsel vm2, $0xFFFFFFFF, v7  }
0x34: {  	v6 =	vmin.u32 v6, $0x18FFF;
	[tilespmem:$0x1FFC0] =	vst v7;
	v7 =	vld [tilespmem:$0x1FFB0];
	_ =	sdelay $0x3  }
0x35: {  	vm7 =	vmand vm3, vm4  }
0x36: {  	[tilespmem:v6+s29+$0x0] =	vst.idx.add.f32.msk vm1, v5;
	vm1 =	vnez.u8 v7  }
0x37: {  	v7 =	vld [tilespmem:$0x1FFC0];
	_ =	sdelay $0x2  }
0x38: {  	[tilespmem:v6+s29+$0x0] =	vst.idx.add.f32.msk vm6, v5  }
0x39: {  	[tilespmem:v6+s29+$0x0] =	vst.idx.add.f32.msk vm7, v5  }
0x3a: {  	[tilespmem:v6+s29+$0x0] =	vst.idx.add.f32.msk vm1, v5;
	vm1 =	vnez.u8 v7;
	_ =	sdelay $0x5  }
0x3b: {  	[tilespmem:v6+s29+$0x0] =	vst.idx.add.f32.msk vm1, v5;
	vm1 =	vcmask $0x2B28  }
0x3c: {  	v7 =	vimm.s32 $0x0;
	vm1 =	vmand vm3, vm1  }
0x3d: {  	v7 =	vsel vm1, $0xFFFFFFFF, v7;
	vm1 =	vcmask $0x2F2C  }
0x3e: {  	[tilespmem:$0x1FFD0] =	vst v7;
	vm1 =	vmand vm3, vm1;
	v7 =	vimm.s32 $0x0  }
0x3f: {  	vm2 =	vmand vm3, vm12;
	v7 =	vsel vm1, $0xFFFFFFFF, v7  }
0x40: {  	[tilespmem:$0x1FFE0] =	vst v7;
	v7 =	vld [tilespmem:$0x1FFD0]  }
0x41: {  	vm5 =	vmand vm3, vm13  }
0x42: {  	vm6 =	vmand vm3, vm14  }
0x43: {  	vm7 =	vmand vm3, vm15  }
0x44: {  	vm8 =	vmand vm3, vm8  }
0x45: {  	[tilespmem:v6+s29+$0x0] =	vst.idx.add.f32.msk vm2, v5;
	vm2 =	vnez.u8 v7  }
0x46: {  	v7 =	vld [tilespmem:$0x1FFE0]  }
0x47: {  	[tilespmem:v6+s29+$0x0] =	vst.idx.add.f32.msk vm5, v5  }
0x48: {  	[tilespmem:v6+s29+$0x0] =	vst.idx.add.f32.msk vm6, v5  }
0x49: {  	[tilespmem:v6+s29+$0x0] =	vst.idx.add.f32.msk vm7, v5  }
0x4a: {  	[tilespmem:v6+s29+$0x0] =	vst.idx.add.f32.msk vm8, v5  }
0x4b: {  	vm1 =	vcmask $0x3330;
	[tilespmem:v6+s29+$0x0] =	vst.idx.add.f32.msk vm2, v5;
	vm2 =	vnez.u8 v7  }
0x4c: {  	vm5 =	vmand vm3, vm1;
	vm1 =	vcmask $0x3734  }
0x4d: {  	vm6 =	vmand vm3, vm1;
	vm1 =	vcmask $0x3B38  }
0x4e: {  	vm1 =	vmand vm3, vm1;
	_ =	sdelay $0x2  }
0x4f: {  	[tilespmem:v6+s29+$0x0] =	vst.idx.add.f32.msk vm2, v5  }
0x50: {  	[tilespmem:v6+s29+$0x0] =	vst.idx.add.f32.msk vm5, v5  }
0x51: {  	[tilespmem:v6+s29+$0x0] =	vst.idx.add.f32.msk vm6, v5  }
0x52: {  	[tilespmem:v6+s29+$0x0] =	vst.idx.add.f32.msk vm1, v5;
	vm1 =	vmand vm3, vm9;
	_ =	sdelay $0x3  }
0x53: {  	s31 =	simm.s32 $0x40;
	s19 =	simm.s32 $0x80;
	vm9 =	vmmov vm4  }
.LBB2_4:
0x54: {  	p0 =	sne.s32 s19, $0x1F00  }
0x55: {  	s0 =	sshra.s32 s31, $0x2;
	[tilespmem:v6+s29+$0x0] =	vst.idx.add.f32.msk vm1, v5;
	s31 =	smov.u32 s19;
	s19 =	sadd.s32 $0x40, s19  }
0x56: {  	v6 =	vld [tilespmem:s0+$0x800];
	_ =	sdelay $0x1  }
0x57: {  	v7 =	vld [tilespmem:s0+$0x0];
	_ =	sdelay $0x2  }
0x58: {  	v6 =	vsub.s32 v6, v0  }
0x59: {  	vm1 =	vlt.u32 v6, $0xA0;
	v6 =	vmul.u32 $0x280, v6  }
0x5a: {  	v7 =	vadd.s32 v1, v7  }
0x5b: {  	v6 =	vadd.s32 v6, v7  }
0x5c: {  	vm2 =	vgt.s32 v6, $0x0  }
0x5d: {  	vm3 =	vcmask $0x704;
	v6 =	vnsel vm2, $0x0, v6;
	vm2 =	vmand vm1, vm0  }
0x5e: {  	vm3 =	vmand vm1, vm3;
	v6 =	vmin.u32 v6, $0x18FFF  }
0x5f: {  	vm4 =	vmand vm1, vm9  }
0x60: {  	vm5 =	vmand vm1, vm10  }
0x61: {  	vm6 =	vmand vm1, vm11  }
0x62: {  	vm7 =	vmand vm1, vm12  }
0x63: {  	[tilespmem:v6+s29+$0x0] =	vst.idx.add.f32.msk vm2, v5;
	vm2 =	vmand vm1, vm13  }
0x64: {  	[tilespmem:v6+s29+$0x0] =	vst.idx.add.f32.msk vm3, v5;
	vm3 =	vmand vm1, vm14  }
0x65: {  	[tilespmem:v6+s29+$0x0] =	vst.idx.add.f32.msk vm4, v5;
	vm4 =	vmand vm1, vm15  }
0x66: {  	[tilespmem:v6+s29+$0x0] =	vst.idx.add.f32.msk vm5, v5;
	vm5 =	vcmask $0x2724  }
0x67: {  	vm5 =	vmand vm1, vm5  }
0x68: {  	[tilespmem:v6+s29+$0x0] =	vst.idx.add.f32.msk vm6, v5;
	vm6 =	vcmask $0x2B28  }
0x69: {  	vm6 =	vmand vm1, vm6  }
0x6a: {  	[tilespmem:v6+s29+$0x0] =	vst.idx.add.f32.msk vm7, v5;
	vm7 =	vcmask $0x2F2C  }
0x6b: {  	vm7 =	vmand vm1, vm7  }
0x6c: {  	[tilespmem:v6+s29+$0x0] =	vst.idx.add.f32.msk vm2, v5;
	vm2 =	vcmask $0x3330  }
0x6d: {  	vm2 =	vmand vm1, vm2  }
0x6e: {  	[tilespmem:v6+s29+$0x0] =	vst.idx.add.f32.msk vm3, v5;
	vm3 =	vcmask $0x3734  }
0x6f: {  	vm3 =	vmand vm1, vm3  }
0x70: {  	[tilespmem:v6+s29+$0x0] =	vst.idx.add.f32.msk vm4, v5;
	vm4 =	vcmask $0x3B38  }
0x71: {  	vm4 =	vmand vm1, vm4  }
0x72: {  	[tilespmem:v6+s29+$0x0] =	vst.idx.add.f32.msk vm5, v5;
	vm5 =	vcmask $0x3F3C  }
0x73: {  	vm1 =	vmand vm1, vm5  }
.Ltmp1:
0x74: {  	[tilespmem:v6+s29+$0x0] =	vst.idx.add.f32.msk vm6, v5;
	(pc) =	sbr.rel @p0 .LBB2_4-.Ltmp1, $4  }
0x75: {  	[tilespmem:v6+s29+$0x0] =	vst.idx.add.f32.msk vm7, v5  }
0x76: {  	[tilespmem:v6+s29+$0x0] =	vst.idx.add.f32.msk vm2, v5  }
0x77: {  	vm8 =	vcmask $0x704;
	[tilespmem:v6+s29+$0x0] =	vst.idx.add.f32.msk vm3, v5  }
0x78: {  	[tilespmem:v6+s29+$0x0] =	vst.idx.add.f32.msk vm4, v5  }
0x79: {  	_ =	sdelay $0x4  }
0x7a: {  	s0 =	sshra.s32 s31, $0x2;
	[tilespmem:v6+s29+$0x0] =	vst.idx.add.f32.msk vm1, v5  }
0x7b: {  	v6 =	vld [tilespmem:s0+$0x800];
	_ =	sdelay $0x1  }
0x7c: {  	v7 =	vld [tilespmem:s0+$0x0];
	_ =	sdelay $0x2  }
0x7d: {  	v6 =	vsub.s32 v6, v0  }
0x7e: {  	v8 =	vmul.u32 $0x280, v6  }
0x7f: {  	v7 =	vadd.s32 v1, v7  }
0x80: {  	v7 =	vadd.s32 v8, v7  }
0x81: {  	vm1 =	vlt.u32 v6, $0xA0;
	vm2 =	vgt.s32 v7, $0x0  }
0x82: {  	v6 =	vnsel vm2, $0x0, v7;
	vm2 =	vmand vm1, vm0  }
0x83: {  	vm3 =	vmand vm1, vm8;
	v6 =	vmin.u32 v6, $0x18FFF  }
0x84: {  	vm4 =	vmand vm1, vm9  }
0x85: {  	vm5 =	vmand vm1, vm10;
	_ =	sdelay $0x1  }
0x86: {  	vm6 =	vmand vm1, vm11  }
0x87: {  	vm7 =	vmand vm1, vm12;
	[tilespmem:v6+s29+$0x0] =	vst.idx.add.f32.msk vm2, v5  }
0x88: {  	vm2 =	vmand vm1, vm13;
	[tilespmem:v6+s29+$0x0] =	vst.idx.add.f32.msk vm3, v5  }
0x89: {  	vm3 =	vmand vm1, vm14;
	[tilespmem:v6+s29+$0x0] =	vst.idx.add.f32.msk vm4, v5  }
0x8a: {  	vm4 =	vmand vm1, vm15;
	[tilespmem:v6+s29+$0x0] =	vst.idx.add.f32.msk vm5, v5;
	vm5 =	vcmask $0x2724  }
0x8b: {  	vm5 =	vmand vm1, vm5  }
0x8c: {  	[tilespmem:v6+s29+$0x0] =	vst.idx.add.f32.msk vm6, v5;
	vm6 =	vcmask $0x2B28  }
0x8d: {  	vm6 =	vmand vm1, vm6;
	[tilespmem:v6+s29+$0x0] =	vst.idx.add.f32.msk vm7, v5;
	vm7 =	vcmask $0x2F2C  }
0x8e: {  	vm7 =	vmand vm1, vm7;
	[tilespmem:v6+s29+$0x0] =	vst.idx.add.f32.msk vm2, v5;
	vm2 =	vcmask $0x3330  }
0x8f: {  	vm2 =	vmand vm1, vm2;
	[tilespmem:v6+s29+$0x0] =	vst.idx.add.f32.msk vm3, v5;
	vm3 =	vcmask $0x3734  }
0x90: {  	vm3 =	vmand vm1, vm3;
	[tilespmem:v6+s29+$0x0] =	vst.idx.add.f32.msk vm4, v5;
	vm4 =	vcmask $0x3B38  }
0x91: {  	vm4 =	vmand vm1, vm4;
	[tilespmem:v6+s29+$0x0] =	vst.idx.add.f32.msk vm5, v5;
	vm5 =	vcmask $0x3F3C  }
0x92: {  	vm1 =	vmand vm1, vm5  }
0x93: {  	[tilespmem:v6+s29+$0x0] =	vst.idx.add.f32.msk vm6, v5  }
0x94: {  	[tilespmem:v6+s29+$0x0] =	vst.idx.add.f32.msk vm7, v5  }
0x95: {  	[tilespmem:v6+s29+$0x0] =	vst.idx.add.f32.msk vm2, v5  }
0x96: {  	[tilespmem:v6+s29+$0x0] =	vst.idx.add.f32.msk vm3, v5  }
0x97: {  	[tilespmem:v6+s29+$0x0] =	vst.idx.add.f32.msk vm4, v5  }
0x98: {  	s19 =	simm.s32 $0x0;
	[tilespmem:v6+s29+$0x0] =	vst.idx.add.f32.msk vm1, v5  }
0x99: {  	[tilespmem:s19], [sflag:$0x1] =	stream.linear.gather [hbm4b:s3+s19], $0x7D0, $0x38;
	[tilespmem:$0x1A000] =	vst v63  }
0x9a: {  	_ =	swait.ge [sflag:s26], $0x7D0  }
0x9b: {  	[sflag:s26] =	ssyncset.done $0x0  }
0x9c: {  	[sflag:s26] =	ssyncadd.s32 $0xFFFFF830  }
0x9d: {  	[tilespmem:s28], [sflag:$0x1] =	stream.linear.gather [hbm4b:s4+s19], $0x7D0, $0x38;
	[tilespmem:$0x1A000] =	vst v63  }
0x9e: {  	_ =	swait.ge [sflag:s26], $0x7D0  }
0x9f: {  	[sflag:s26] =	ssyncset.done $0x0  }
0xa0: {  	s19 =	simm.s32 $0x0;
	[sflag:s26] =	ssyncadd.s32 $0xFFFFF830  }
0xa1: {  	v6 =	vld [tilespmem:s19+$0x800];
	_ =	sdelay $0x1  }
0xa2: {  	v7 =	vld [tilespmem:s19+$0x0];
	_ =	sdelay $0x2  }
0xa3: {  	v6 =	vsub.s32 v6, v0  }
0xa4: {  	v8 =	vmul.u32 $0x280, v6  }
0xa5: {  	v7 =	vadd.s32 v1, v7  }
0xa6: {  	v7 =	vadd.s32 v8, v7  }
0xa7: {  	vm1 =	vlt.u32 v6, $0xA0;
	vm2 =	vgt.s32 v7, $0x0  }
0xa8: {  	v6 =	vnsel vm2, $0x0, v7;
	vm2 =	vmand vm1, vm0  }
0xa9: {  	vm3 =	vmand vm1, vm8;
	v6 =	vmin.u32 v6, $0x18FFF  }
0xaa: {  	vm4 =	vmand vm1, vm9  }
0xab: {  	vm5 =	vmand vm1, vm10  }
0xac: {  	vm6 =	vmand vm1, vm11  }
0xad: {  	vm7 =	vmand vm1, vm12  }
0xae: {  	[tilespmem:v6+s29+$0x0] =	vst.idx.add.f32.msk vm2, v5;
	vm2 =	vmand vm1, vm13  }
0xaf: {  	[tilespmem:v6+s29+$0x0] =	vst.idx.add.f32.msk vm3, v5  }
0xb0: {  	vm3 =	vmand vm1, vm14;
	[tilespmem:v6+s29+$0x0] =	vst.idx.add.f32.msk vm4, v5  }
0xb1: {  	vm4 =	vmand vm1, vm15;
	[tilespmem:v6+s29+$0x0] =	vst.idx.add.f32.msk vm5, v5;
	vm5 =	vcmask $0x2724  }
0xb2: {  	vm5 =	vmand vm1, vm5;
	[tilespmem:v6+s29+$0x0] =	vst.idx.add.f32.msk vm6, v5;
	vm6 =	vcmask $0x2B28  }
0xb3: {  	vm6 =	vmand vm1, vm6;
	[tilespmem:v6+s29+$0x0] =	vst.idx.add.f32.msk vm7, v5;
	vm7 =	vcmask $0x2F2C  }
0xb4: {  	vm7 =	vmand vm1, vm7;
	[tilespmem:v6+s29+$0x0] =	vst.idx.add.f32.msk vm2, v5;
	vm2 =	vcmask $0x3330  }
0xb5: {  	vm2 =	vmand vm1, vm2  }
0xb6: {  	[tilespmem:v6+s29+$0x0] =	vst.idx.add.f32.msk vm3, v5  }
0xb7: {  	[tilespmem:v6+s29+$0x0] =	vst.idx.add.f32.msk vm4, v5  }
0xb8: {  	vm3 =	vcmask $0x3734;
	[tilespmem:v6+s29+$0x0] =	vst.idx.add.f32.msk vm5, v5  }
0xb9: {  	vm3 =	vmand vm1, vm3;
	vm4 =	vcmask $0x3B38;
	[tilespmem:v6+s29+$0x0] =	vst.idx.add.f32.msk vm6, v5  }
0xba: {  	vm4 =	vmand vm1, vm4;
	[tilespmem:v6+s29+$0x0] =	vst.idx.add.f32.msk vm7, v5  }
0xbb: {  	[tilespmem:v6+s29+$0x0] =	vst.idx.add.f32.msk vm2, v5;
	vm2 =	vcmask $0x3F3C  }
0xbc: {  	vm1 =	vmand vm1, vm2;
	_ =	sdelay $0x2  }
0xbd: {  	[tilespmem:v6+s29+$0x0] =	vst.idx.add.f32.msk vm3, v5  }
0xbe: {  	s31 =	simm.s32 $0x40;
	s19 =	simm.s32 $0x80;
	[tilespmem:v6+s29+$0x0] =	vst.idx.add.f32.msk vm4, v5  }
.LBB2_6:
0xbf: {  	p0 =	sne.s32 s19, $0x1F00  }
0xc0: {  	s0 =	sshra.s32 s31, $0x2;
	[tilespmem:v6+s29+$0x0] =	vst.idx.add.f32.msk vm1, v5;
	s31 =	smov.u32 s19;
	s19 =	sadd.s32 $0x40, s19  }
0xc1: {  	v6 =	vld [tilespmem:s0+$0x800];
	_ =	sdelay $0x1  }
0xc2: {  	v7 =	vld [tilespmem:s0+$0x0];
	_ =	sdelay $0x2  }
0xc3: {  	v6 =	vsub.s32 v6, v0  }
0xc4: {  	vm1 =	vlt.u32 v6, $0xA0;
	v6 =	vmul.u32 $0x280, v6  }
0xc5: {  	v7 =	vadd.s32 v1, v7  }
0xc6: {  	v6 =	vadd.s32 v6, v7  }
0xc7: {  	vm2 =	vgt.s32 v6, $0x0  }
0xc8: {  	v6 =	vnsel vm2, $0x0, v6;
	vm2 =	vmand vm1, vm0  }
0xc9: {  	vm3 =	vmand vm1, vm8;
	v6 =	vmin.u32 v6, $0x18FFF  }
0xca: {  	vm4 =	vmand vm1, vm9  }
0xcb: {  	vm5 =	vmand vm1, vm10  }
0xcc: {  	vm6 =	vmand vm1, vm11  }
0xcd: {  	vm7 =	vmand vm1, vm12  }
0xce: {  	[tilespmem:v6+s29+$0x0] =	vst.idx.add.f32.msk vm2, v5;
	vm2 =	vmand vm1, vm13  }
0xcf: {  	[tilespmem:v6+s29+$0x0] =	vst.idx.add.f32.msk vm3, v5;
	vm3 =	vmand vm1, vm14  }
0xd0: {  	[tilespmem:v6+s29+$0x0] =	vst.idx.add.f32.msk vm4, v5;
	vm4 =	vmand vm1, vm15  }
0xd1: {  	[tilespmem:v6+s29+$0x0] =	vst.idx.add.f32.msk vm5, v5;
	vm5 =	vcmask $0x2724  }
0xd2: {  	vm5 =	vmand vm1, vm5  }
0xd3: {  	[tilespmem:v6+s29+$0x0] =	vst.idx.add.f32.msk vm6, v5;
	vm6 =	vcmask $0x2B28  }
0xd4: {  	vm6 =	vmand vm1, vm6  }
0xd5: {  	[tilespmem:v6+s29+$0x0] =	vst.idx.add.f32.msk vm7, v5;
	vm7 =	vcmask $0x2F2C  }
0xd6: {  	vm7 =	vmand vm1, vm7  }
0xd7: {  	[tilespmem:v6+s29+$0x0] =	vst.idx.add.f32.msk vm2, v5;
	vm2 =	vcmask $0x3330  }
0xd8: {  	vm2 =	vmand vm1, vm2  }
0xd9: {  	[tilespmem:v6+s29+$0x0] =	vst.idx.add.f32.msk vm3, v5;
	vm3 =	vcmask $0x3734  }
0xda: {  	vm3 =	vmand vm1, vm3  }
0xdb: {  	[tilespmem:v6+s29+$0x0] =	vst.idx.add.f32.msk vm4, v5;
	vm4 =	vcmask $0x3B38  }
0xdc: {  	vm4 =	vmand vm1, vm4  }
0xdd: {  	[tilespmem:v6+s29+$0x0] =	vst.idx.add.f32.msk vm5, v5;
	vm5 =	vcmask $0x3F3C  }
0xde: {  	vm1 =	vmand vm1, vm5  }
.Ltmp2:
0xdf: {  	[tilespmem:v6+s29+$0x0] =	vst.idx.add.f32.msk vm6, v5;
	(pc) =	sbr.rel @p0 .LBB2_6-.Ltmp2, $4  }
0xe0: {  	[tilespmem:v6+s29+$0x0] =	vst.idx.add.f32.msk vm7, v5  }
0xe1: {  	[tilespmem:v6+s29+$0x0] =	vst.idx.add.f32.msk vm2, v5  }
0xe2: {  	[tilespmem:v6+s29+$0x0] =	vst.idx.add.f32.msk vm3, v5  }
0xe3: {  	[tilespmem:v6+s29+$0x0] =	vst.idx.add.f32.msk vm4, v5  }
0xe4: {  	_ =	sdelay $0x4  }
0xe5: {  	s0 =	sshra.s32 s31, $0x2;
	[tilespmem:v6+s29+$0x0] =	vst.idx.add.f32.msk vm1, v5  }
0xe6: {  	v6 =	vld [tilespmem:s0+$0x800];
	_ =	sdelay $0x1  }
0xe7: {  	v7 =	vld [tilespmem:s0+$0x0];
	_ =	sdelay $0x2  }
0xe8: {  	v6 =	vsub.s32 v6, v0  }
0xe9: {  	v8 =	vmul.u32 $0x280, v6  }
0xea: {  	v7 =	vadd.s32 v1, v7  }
0xeb: {  	v7 =	vadd.s32 v8, v7  }
0xec: {  	vm1 =	vlt.u32 v6, $0xA0;
	vm2 =	vgt.s32 v7, $0x0  }
0xed: {  	v6 =	vnsel vm2, $0x0, v7;
	vm2 =	vmand vm1, vm0  }
0xee: {  	vm3 =	vmand vm1, vm8;
	v6 =	vmin.u32 v6, $0x18FFF  }
0xef: {  	vm4 =	vmand vm1, vm9  }
0xf0: {  	vm5 =	vmand vm1, vm10;
	_ =	sdelay $0x1  }
0xf1: {  	vm6 =	vmand vm1, vm11  }
0xf2: {  	vm7 =	vmand vm1, vm12;
	[tilespmem:v6+s29+$0x0] =	vst.idx.add.f32.msk vm2, v5  }
0xf3: {  	vm2 =	vmand vm1, vm13;
	[tilespmem:v6+s29+$0x0] =	vst.idx.add.f32.msk vm3, v5  }
0xf4: {  	vm3 =	vmand vm1, vm14;
	[tilespmem:v6+s29+$0x0] =	vst.idx.add.f32.msk vm4, v5  }
0xf5: {  	vm4 =	vmand vm1, vm15;
	[tilespmem:v6+s29+$0x0] =	vst.idx.add.f32.msk vm5, v5;
	vm5 =	vcmask $0x2724  }
0xf6: {  	vm5 =	vmand vm1, vm5  }
0xf7: {  	[tilespmem:v6+s29+$0x0] =	vst.idx.add.f32.msk vm6, v5;
	vm6 =	vcmask $0x2B28  }
0xf8: {  	vm6 =	vmand vm1, vm6;
	[tilespmem:v6+s29+$0x0] =	vst.idx.add.f32.msk vm7, v5;
	vm7 =	vcmask $0x2F2C  }
0xf9: {  	vm7 =	vmand vm1, vm7;
	[tilespmem:v6+s29+$0x0] =	vst.idx.add.f32.msk vm2, v5;
	vm2 =	vcmask $0x3330  }
0xfa: {  	vm2 =	vmand vm1, vm2;
	[tilespmem:v6+s29+$0x0] =	vst.idx.add.f32.msk vm3, v5;
	vm3 =	vcmask $0x3734  }
0xfb: {  	vm3 =	vmand vm1, vm3;
	[tilespmem:v6+s29+$0x0] =	vst.idx.add.f32.msk vm4, v5;
	vm4 =	vcmask $0x3B38  }
0xfc: {  	vm4 =	vmand vm1, vm4;
	[tilespmem:v6+s29+$0x0] =	vst.idx.add.f32.msk vm5, v5;
	vm5 =	vcmask $0x3F3C  }
0xfd: {  	vm1 =	vmand vm1, vm5  }
0xfe: {  	[tilespmem:v6+s29+$0x0] =	vst.idx.add.f32.msk vm6, v5  }
0xff: {  	[tilespmem:v6+s29+$0x0] =	vst.idx.add.f32.msk vm7, v5  }
0x100: {  	[tilespmem:v6+s29+$0x0] =	vst.idx.add.f32.msk vm2, v5  }
0x101: {  	[tilespmem:v6+s29+$0x0] =	vst.idx.add.f32.msk vm3, v5  }
0x102: {  	[tilespmem:v6+s29+$0x0] =	vst.idx.add.f32.msk vm4, v5  }
0x103: {  	s19 =	simm.s32 $0x0;
	[tilespmem:v6+s29+$0x0] =	vst.idx.add.f32.msk vm1, v5  }
0x104: {  	[tilespmem:s19], [sflag:$0x1] =	stream.linear.gather [hbm4b:s5+s19], $0x7D0, $0x38;
	[tilespmem:$0x1A000] =	vst v63  }
0x105: {  	_ =	swait.ge [sflag:s26], $0x7D0  }
0x106: {  	[sflag:s26] =	ssyncset.done $0x0  }
0x107: {  	[sflag:s26] =	ssyncadd.s32 $0xFFFFF830  }
0x108: {  	[tilespmem:s28], [sflag:$0x1] =	stream.linear.gather [hbm4b:s6+s19], $0x7D0, $0x38;
	[tilespmem:$0x1A000] =	vst v63  }
0x109: {  	_ =	swait.ge [sflag:s26], $0x7D0  }
0x10a: {  	[sflag:s26] =	ssyncset.done $0x0  }
0x10b: {  	s19 =	simm.s32 $0x0;
	[sflag:s26] =	ssyncadd.s32 $0xFFFFF830  }
0x10c: {  	v6 =	vld [tilespmem:s19+$0x800];
	_ =	sdelay $0x1  }
0x10d: {  	v7 =	vld [tilespmem:s19+$0x0];
	_ =	sdelay $0x2  }
0x10e: {  	v6 =	vsub.s32 v6, v0  }
0x10f: {  	v8 =	vmul.u32 $0x280, v6  }
0x110: {  	v7 =	vadd.s32 v1, v7  }
0x111: {  	v7 =	vadd.s32 v8, v7  }
0x112: {  	vm1 =	vlt.u32 v6, $0xA0;
	vm2 =	vgt.s32 v7, $0x0  }
0x113: {  	v6 =	vnsel vm2, $0x0, v7;
	vm2 =	vmand vm1, vm0  }
0x114: {  	vm3 =	vmand vm1, vm8;
	v6 =	vmin.u32 v6, $0x18FFF  }
0x115: {  	vm4 =	vmand vm1, vm9  }
0x116: {  	vm5 =	vmand vm1, vm10  }
0x117: {  	vm6 =	vmand vm1, vm11  }
0x118: {  	vm7 =	vmand vm1, vm12  }
0x119: {  	[tilespmem:v6+s29+$0x0] =	vst.idx.add.f32.msk vm2, v5;
	vm2 =	vmand vm1, vm13  }
0x11a: {  	[tilespmem:v6+s29+$0x0] =	vst.idx.add.f32.msk vm3, v5  }
0x11b: {  	vm3 =	vmand vm1, vm14;
	[tilespmem:v6+s29+$0x0] =	vst.idx.add.f32.msk vm4, v5  }
0x11c: {  	vm4 =	vmand vm1, vm15;
	[tilespmem:v6+s29+$0x0] =	vst.idx.add.f32.msk vm5, v5;
	vm5 =	vcmask $0x2724  }
0x11d: {  	vm5 =	vmand vm1, vm5;
	[tilespmem:v6+s29+$0x0] =	vst.idx.add.f32.msk vm6, v5;
	vm6 =	vcmask $0x2B28  }
0x11e: {  	vm6 =	vmand vm1, vm6;
	[tilespmem:v6+s29+$0x0] =	vst.idx.add.f32.msk vm7, v5;
	vm7 =	vcmask $0x2F2C  }
0x11f: {  	vm7 =	vmand vm1, vm7;
	[tilespmem:v6+s29+$0x0] =	vst.idx.add.f32.msk vm2, v5;
	vm2 =	vcmask $0x3330  }
0x120: {  	vm2 =	vmand vm1, vm2  }
0x121: {  	[tilespmem:v6+s29+$0x0] =	vst.idx.add.f32.msk vm3, v5  }
0x122: {  	[tilespmem:v6+s29+$0x0] =	vst.idx.add.f32.msk vm4, v5  }
0x123: {  	vm3 =	vcmask $0x3734;
	[tilespmem:v6+s29+$0x0] =	vst.idx.add.f32.msk vm5, v5  }
0x124: {  	vm3 =	vmand vm1, vm3;
	vm4 =	vcmask $0x3B38;
	[tilespmem:v6+s29+$0x0] =	vst.idx.add.f32.msk vm6, v5  }
0x125: {  	vm4 =	vmand vm1, vm4;
	[tilespmem:v6+s29+$0x0] =	vst.idx.add.f32.msk vm7, v5  }
0x126: {  	[tilespmem:v6+s29+$0x0] =	vst.idx.add.f32.msk vm2, v5;
	vm2 =	vcmask $0x3F3C  }
0x127: {  	vm1 =	vmand vm1, vm2;
	_ =	sdelay $0x2  }
0x128: {  	[tilespmem:v6+s29+$0x0] =	vst.idx.add.f32.msk vm3, v5  }
0x129: {  	s31 =	simm.s32 $0x40;
	s19 =	simm.s32 $0x80;
	[tilespmem:v6+s29+$0x0] =	vst.idx.add.f32.msk vm4, v5  }
.LBB2_8:
0x12a: {  	p0 =	sne.s32 s19, $0x1F00  }
0x12b: {  	s0 =	sshra.s32 s31, $0x2;
	[tilespmem:v6+s29+$0x0] =	vst.idx.add.f32.msk vm1, v5;
	s31 =	smov.u32 s19;
	s19 =	sadd.s32 $0x40, s19  }
0x12c: {  	v6 =	vld [tilespmem:s0+$0x800];
	_ =	sdelay $0x1  }
0x12d: {  	v7 =	vld [tilespmem:s0+$0x0];
	_ =	sdelay $0x2  }
0x12e: {  	v6 =	vsub.s32 v6, v0  }
0x12f: {  	vm1 =	vlt.u32 v6, $0xA0;
	v6 =	vmul.u32 $0x280, v6  }
0x130: {  	v7 =	vadd.s32 v1, v7  }
0x131: {  	v6 =	vadd.s32 v6, v7  }
0x132: {  	vm2 =	vgt.s32 v6, $0x0  }
0x133: {  	v6 =	vnsel vm2, $0x0, v6;
	vm2 =	vmand vm1, vm0  }
0x134: {  	vm3 =	vmand vm1, vm8;
	v6 =	vmin.u32 v6, $0x18FFF  }
0x135: {  	vm4 =	vmand vm1, vm9  }
0x136: {  	vm5 =	vmand vm1, vm10  }
0x137: {  	vm6 =	vmand vm1, vm11  }
0x138: {  	vm7 =	vmand vm1, vm12  }
0x139: {  	[tilespmem:v6+s29+$0x0] =	vst.idx.add.f32.msk vm2, v5;
	vm2 =	vmand vm1, vm13  }
0x13a: {  	[tilespmem:v6+s29+$0x0] =	vst.idx.add.f32.msk vm3, v5;
	vm3 =	vmand vm1, vm14  }
0x13b: {  	[tilespmem:v6+s29+$0x0] =	vst.idx.add.f32.msk vm4, v5;
	vm4 =	vmand vm1, vm15  }
0x13c: {  	[tilespmem:v6+s29+$0x0] =	vst.idx.add.f32.msk vm5, v5;
	vm5 =	vcmask $0x2724  }
0x13d: {  	vm5 =	vmand vm1, vm5  }
0x13e: {  	[tilespmem:v6+s29+$0x0] =	vst.idx.add.f32.msk vm6, v5;
	vm6 =	vcmask $0x2B28  }
0x13f: {  	vm6 =	vmand vm1, vm6  }
0x140: {  	[tilespmem:v6+s29+$0x0] =	vst.idx.add.f32.msk vm7, v5;
	vm7 =	vcmask $0x2F2C  }
0x141: {  	vm7 =	vmand vm1, vm7  }
0x142: {  	[tilespmem:v6+s29+$0x0] =	vst.idx.add.f32.msk vm2, v5;
	vm2 =	vcmask $0x3330  }
0x143: {  	vm2 =	vmand vm1, vm2  }
0x144: {  	[tilespmem:v6+s29+$0x0] =	vst.idx.add.f32.msk vm3, v5;
	vm3 =	vcmask $0x3734  }
0x145: {  	vm3 =	vmand vm1, vm3  }
0x146: {  	[tilespmem:v6+s29+$0x0] =	vst.idx.add.f32.msk vm4, v5;
	vm4 =	vcmask $0x3B38  }
0x147: {  	vm4 =	vmand vm1, vm4  }
0x148: {  	[tilespmem:v6+s29+$0x0] =	vst.idx.add.f32.msk vm5, v5;
	vm5 =	vcmask $0x3F3C  }
0x149: {  	vm1 =	vmand vm1, vm5  }
.Ltmp3:
0x14a: {  	[tilespmem:v6+s29+$0x0] =	vst.idx.add.f32.msk vm6, v5;
	(pc) =	sbr.rel @p0 .LBB2_8-.Ltmp3, $4  }
0x14b: {  	[tilespmem:v6+s29+$0x0] =	vst.idx.add.f32.msk vm7, v5  }
0x14c: {  	[tilespmem:v6+s29+$0x0] =	vst.idx.add.f32.msk vm2, v5  }
0x14d: {  	[tilespmem:v6+s29+$0x0] =	vst.idx.add.f32.msk vm3, v5  }
0x14e: {  	[tilespmem:v6+s29+$0x0] =	vst.idx.add.f32.msk vm4, v5  }
0x14f: {  	_ =	sdelay $0x4  }
0x150: {  	s0 =	sshra.s32 s31, $0x2;
	[tilespmem:v6+s29+$0x0] =	vst.idx.add.f32.msk vm1, v5  }
0x151: {  	v6 =	vld [tilespmem:s0+$0x800];
	_ =	sdelay $0x1  }
0x152: {  	v7 =	vld [tilespmem:s0+$0x0];
	_ =	sdelay $0x2  }
0x153: {  	v6 =	vsub.s32 v6, v0  }
0x154: {  	v8 =	vmul.u32 $0x280, v6  }
0x155: {  	v7 =	vadd.s32 v1, v7  }
0x156: {  	v7 =	vadd.s32 v8, v7  }
0x157: {  	vm1 =	vlt.u32 v6, $0xA0;
	vm2 =	vgt.s32 v7, $0x0  }
0x158: {  	v6 =	vnsel vm2, $0x0, v7;
	vm2 =	vmand vm1, vm0  }
0x159: {  	vm3 =	vmand vm1, vm8;
	v6 =	vmin.u32 v6, $0x18FFF  }
0x15a: {  	vm4 =	vmand vm1, vm9  }
0x15b: {  	vm5 =	vmand vm1, vm10;
	_ =	sdelay $0x1  }
0x15c: {  	vm6 =	vmand vm1, vm11  }
0x15d: {  	vm7 =	vmand vm1, vm12;
	[tilespmem:v6+s29+$0x0] =	vst.idx.add.f32.msk vm2, v5  }
0x15e: {  	vm2 =	vmand vm1, vm13;
	[tilespmem:v6+s29+$0x0] =	vst.idx.add.f32.msk vm3, v5  }
0x15f: {  	vm3 =	vmand vm1, vm14;
	[tilespmem:v6+s29+$0x0] =	vst.idx.add.f32.msk vm4, v5  }
0x160: {  	vm4 =	vmand vm1, vm15;
	[tilespmem:v6+s29+$0x0] =	vst.idx.add.f32.msk vm5, v5;
	vm5 =	vcmask $0x2724  }
0x161: {  	vm5 =	vmand vm1, vm5  }
0x162: {  	[tilespmem:v6+s29+$0x0] =	vst.idx.add.f32.msk vm6, v5;
	vm6 =	vcmask $0x2B28  }
0x163: {  	vm6 =	vmand vm1, vm6;
	[tilespmem:v6+s29+$0x0] =	vst.idx.add.f32.msk vm7, v5;
	vm7 =	vcmask $0x2F2C  }
0x164: {  	vm7 =	vmand vm1, vm7;
	[tilespmem:v6+s29+$0x0] =	vst.idx.add.f32.msk vm2, v5;
	vm2 =	vcmask $0x3330  }
0x165: {  	vm2 =	vmand vm1, vm2;
	[tilespmem:v6+s29+$0x0] =	vst.idx.add.f32.msk vm3, v5;
	vm3 =	vcmask $0x3734  }
0x166: {  	vm3 =	vmand vm1, vm3;
	[tilespmem:v6+s29+$0x0] =	vst.idx.add.f32.msk vm4, v5;
	vm4 =	vcmask $0x3B38  }
0x167: {  	vm4 =	vmand vm1, vm4;
	[tilespmem:v6+s29+$0x0] =	vst.idx.add.f32.msk vm5, v5;
	vm5 =	vcmask $0x3F3C  }
0x168: {  	vm1 =	vmand vm1, vm5  }
0x169: {  	[tilespmem:v6+s29+$0x0] =	vst.idx.add.f32.msk vm6, v5  }
0x16a: {  	[tilespmem:v6+s29+$0x0] =	vst.idx.add.f32.msk vm7, v5  }
0x16b: {  	[tilespmem:v6+s29+$0x0] =	vst.idx.add.f32.msk vm2, v5  }
0x16c: {  	[tilespmem:v6+s29+$0x0] =	vst.idx.add.f32.msk vm3, v5  }
0x16d: {  	[tilespmem:v6+s29+$0x0] =	vst.idx.add.f32.msk vm4, v5  }
0x16e: {  	s19 =	simm.s32 $0x0;
	[tilespmem:v6+s29+$0x0] =	vst.idx.add.f32.msk vm1, v5  }
0x16f: {  	[tilespmem:s19], [sflag:$0x1] =	stream.linear.gather [hbm4b:s7+s19], $0x7D0, $0x38;
	[tilespmem:$0x1A000] =	vst v63  }
0x170: {  	_ =	swait.ge [sflag:s26], $0x7D0  }
0x171: {  	[sflag:s26] =	ssyncset.done $0x0  }
0x172: {  	[sflag:s26] =	ssyncadd.s32 $0xFFFFF830  }
0x173: {  	[tilespmem:s28], [sflag:$0x1] =	stream.linear.gather [hbm4b:s8+s19], $0x7D0, $0x38;
	[tilespmem:$0x1A000] =	vst v63  }
0x174: {  	_ =	swait.ge [sflag:s26], $0x7D0  }
0x175: {  	[sflag:s26] =	ssyncset.done $0x0  }
0x176: {  	s19 =	simm.s32 $0x0;
	[sflag:s26] =	ssyncadd.s32 $0xFFFFF830  }
0x177: {  	v6 =	vld [tilespmem:s19+$0x800];
	_ =	sdelay $0x1  }
0x178: {  	v7 =	vld [tilespmem:s19+$0x0];
	_ =	sdelay $0x2  }
0x179: {  	v6 =	vsub.s32 v6, v0  }
0x17a: {  	v8 =	vmul.u32 $0x280, v6  }
0x17b: {  	v7 =	vadd.s32 v1, v7  }
0x17c: {  	v7 =	vadd.s32 v8, v7  }
0x17d: {  	vm1 =	vlt.u32 v6, $0xA0;
	vm2 =	vgt.s32 v7, $0x0  }
0x17e: {  	v6 =	vnsel vm2, $0x0, v7;
	vm2 =	vmand vm1, vm0  }
0x17f: {  	vm3 =	vmand vm1, vm8;
	v6 =	vmin.u32 v6, $0x18FFF  }
0x180: {  	vm4 =	vmand vm1, vm9  }
0x181: {  	vm5 =	vmand vm1, vm10  }
0x182: {  	vm6 =	vmand vm1, vm11  }
0x183: {  	vm7 =	vmand vm1, vm12  }
0x184: {  	[tilespmem:v6+s29+$0x0] =	vst.idx.add.f32.msk vm2, v5;
	vm2 =	vmand vm1, vm13  }
0x185: {  	[tilespmem:v6+s29+$0x0] =	vst.idx.add.f32.msk vm3, v5  }
0x186: {  	vm3 =	vmand vm1, vm14;
	[tilespmem:v6+s29+$0x0] =	vst.idx.add.f32.msk vm4, v5  }
0x187: {  	vm4 =	vmand vm1, vm15;
	[tilespmem:v6+s29+$0x0] =	vst.idx.add.f32.msk vm5, v5;
	vm5 =	vcmask $0x2724  }
0x188: {  	vm5 =	vmand vm1, vm5;
	[tilespmem:v6+s29+$0x0] =	vst.idx.add.f32.msk vm6, v5;
	vm6 =	vcmask $0x2B28  }
0x189: {  	vm6 =	vmand vm1, vm6;
	[tilespmem:v6+s29+$0x0] =	vst.idx.add.f32.msk vm7, v5;
	vm7 =	vcmask $0x2F2C  }
0x18a: {  	vm7 =	vmand vm1, vm7;
	[tilespmem:v6+s29+$0x0] =	vst.idx.add.f32.msk vm2, v5;
	vm2 =	vcmask $0x3330  }
0x18b: {  	vm2 =	vmand vm1, vm2  }
0x18c: {  	[tilespmem:v6+s29+$0x0] =	vst.idx.add.f32.msk vm3, v5  }
0x18d: {  	[tilespmem:v6+s29+$0x0] =	vst.idx.add.f32.msk vm4, v5  }
0x18e: {  	vm3 =	vcmask $0x3734;
	[tilespmem:v6+s29+$0x0] =	vst.idx.add.f32.msk vm5, v5  }
0x18f: {  	vm3 =	vmand vm1, vm3;
	vm4 =	vcmask $0x3B38;
	[tilespmem:v6+s29+$0x0] =	vst.idx.add.f32.msk vm6, v5  }
0x190: {  	vm4 =	vmand vm1, vm4;
	[tilespmem:v6+s29+$0x0] =	vst.idx.add.f32.msk vm7, v5  }
0x191: {  	[tilespmem:v6+s29+$0x0] =	vst.idx.add.f32.msk vm2, v5;
	vm2 =	vcmask $0x3F3C  }
0x192: {  	vm1 =	vmand vm1, vm2;
	_ =	sdelay $0x2  }
0x193: {  	[tilespmem:v6+s29+$0x0] =	vst.idx.add.f32.msk vm3, v5  }
0x194: {  	s31 =	simm.s32 $0x40;
	s19 =	simm.s32 $0x80;
	[tilespmem:v6+s29+$0x0] =	vst.idx.add.f32.msk vm4, v5  }
.LBB2_10:
0x195: {  	p0 =	sne.s32 s19, $0x1F00  }
0x196: {  	s0 =	sshra.s32 s31, $0x2;
	[tilespmem:v6+s29+$0x0] =	vst.idx.add.f32.msk vm1, v5;
	s31 =	smov.u32 s19;
	s19 =	sadd.s32 $0x40, s19  }
0x197: {  	v6 =	vld [tilespmem:s0+$0x800];
	_ =	sdelay $0x1  }
0x198: {  	v7 =	vld [tilespmem:s0+$0x0];
	_ =	sdelay $0x2  }
0x199: {  	v6 =	vsub.s32 v6, v0  }
0x19a: {  	vm1 =	vlt.u32 v6, $0xA0;
	v6 =	vmul.u32 $0x280, v6  }
0x19b: {  	v7 =	vadd.s32 v1, v7  }
0x19c: {  	v6 =	vadd.s32 v6, v7  }
0x19d: {  	vm2 =	vgt.s32 v6, $0x0  }
0x19e: {  	v6 =	vnsel vm2, $0x0, v6;
	vm2 =	vmand vm1, vm0  }
0x19f: {  	vm3 =	vmand vm1, vm8;
	v6 =	vmin.u32 v6, $0x18FFF  }
0x1a0: {  	vm4 =	vmand vm1, vm9  }
0x1a1: {  	vm5 =	vmand vm1, vm10  }
0x1a2: {  	vm6 =	vmand vm1, vm11  }
0x1a3: {  	vm7 =	vmand vm1, vm12  }
0x1a4: {  	[tilespmem:v6+s29+$0x0] =	vst.idx.add.f32.msk vm2, v5;
	vm2 =	vmand vm1, vm13  }
0x1a5: {  	[tilespmem:v6+s29+$0x0] =	vst.idx.add.f32.msk vm3, v5;
	vm3 =	vmand vm1, vm14  }
0x1a6: {  	[tilespmem:v6+s29+$0x0] =	vst.idx.add.f32.msk vm4, v5;
	vm4 =	vmand vm1, vm15  }
0x1a7: {  	[tilespmem:v6+s29+$0x0] =	vst.idx.add.f32.msk vm5, v5;
	vm5 =	vcmask $0x2724  }
0x1a8: {  	vm5 =	vmand vm1, vm5  }
0x1a9: {  	[tilespmem:v6+s29+$0x0] =	vst.idx.add.f32.msk vm6, v5;
	vm6 =	vcmask $0x2B28  }
0x1aa: {  	vm6 =	vmand vm1, vm6  }
0x1ab: {  	[tilespmem:v6+s29+$0x0] =	vst.idx.add.f32.msk vm7, v5;
	vm7 =	vcmask $0x2F2C  }
0x1ac: {  	vm7 =	vmand vm1, vm7  }
0x1ad: {  	[tilespmem:v6+s29+$0x0] =	vst.idx.add.f32.msk vm2, v5;
	vm2 =	vcmask $0x3330  }
0x1ae: {  	vm2 =	vmand vm1, vm2  }
0x1af: {  	[tilespmem:v6+s29+$0x0] =	vst.idx.add.f32.msk vm3, v5;
	vm3 =	vcmask $0x3734  }
0x1b0: {  	vm3 =	vmand vm1, vm3  }
0x1b1: {  	[tilespmem:v6+s29+$0x0] =	vst.idx.add.f32.msk vm4, v5;
	vm4 =	vcmask $0x3B38  }
0x1b2: {  	vm4 =	vmand vm1, vm4  }
0x1b3: {  	[tilespmem:v6+s29+$0x0] =	vst.idx.add.f32.msk vm5, v5;
	vm5 =	vcmask $0x3F3C  }
0x1b4: {  	vm1 =	vmand vm1, vm5  }
.Ltmp4:
0x1b5: {  	[tilespmem:v6+s29+$0x0] =	vst.idx.add.f32.msk vm6, v5;
	(pc) =	sbr.rel @p0 .LBB2_10-.Ltmp4, $4  }
0x1b6: {  	[tilespmem:v6+s29+$0x0] =	vst.idx.add.f32.msk vm7, v5  }
0x1b7: {  	[tilespmem:v6+s29+$0x0] =	vst.idx.add.f32.msk vm2, v5  }
0x1b8: {  	[tilespmem:v6+s29+$0x0] =	vst.idx.add.f32.msk vm3, v5  }
0x1b9: {  	[tilespmem:v6+s29+$0x0] =	vst.idx.add.f32.msk vm4, v5  }
0x1ba: {  	_ =	sdelay $0x4  }
0x1bb: {  	s0 =	sshra.s32 s31, $0x2;
	[tilespmem:v6+s29+$0x0] =	vst.idx.add.f32.msk vm1, v5  }
0x1bc: {  	v6 =	vld [tilespmem:s0+$0x800];
	_ =	sdelay $0x1  }
0x1bd: {  	v7 =	vld [tilespmem:s0+$0x0];
	_ =	sdelay $0x2  }
0x1be: {  	v6 =	vsub.s32 v6, v0  }
0x1bf: {  	v8 =	vmul.u32 $0x280, v6  }
0x1c0: {  	v7 =	vadd.s32 v1, v7  }
0x1c1: {  	v7 =	vadd.s32 v8, v7  }
0x1c2: {  	vm1 =	vlt.u32 v6, $0xA0;
	vm2 =	vgt.s32 v7, $0x0  }
0x1c3: {  	v6 =	vnsel vm2, $0x0, v7;
	vm2 =	vmand vm1, vm0  }
0x1c4: {  	vm3 =	vmand vm1, vm8;
	v6 =	vmin.u32 v6, $0x18FFF  }
0x1c5: {  	vm4 =	vmand vm1, vm9  }
0x1c6: {  	vm5 =	vmand vm1, vm10;
	_ =	sdelay $0x1  }
0x1c7: {  	vm6 =	vmand vm1, vm11  }
0x1c8: {  	vm7 =	vmand vm1, vm12;
	[tilespmem:v6+s29+$0x0] =	vst.idx.add.f32.msk vm2, v5  }
0x1c9: {  	vm2 =	vmand vm1, vm13;
	[tilespmem:v6+s29+$0x0] =	vst.idx.add.f32.msk vm3, v5  }
0x1ca: {  	vm3 =	vmand vm1, vm14;
	[tilespmem:v6+s29+$0x0] =	vst.idx.add.f32.msk vm4, v5  }
0x1cb: {  	vm4 =	vmand vm1, vm15;
	[tilespmem:v6+s29+$0x0] =	vst.idx.add.f32.msk vm5, v5;
	vm5 =	vcmask $0x2724  }
0x1cc: {  	vm5 =	vmand vm1, vm5  }
0x1cd: {  	[tilespmem:v6+s29+$0x0] =	vst.idx.add.f32.msk vm6, v5;
	vm6 =	vcmask $0x2B28  }
0x1ce: {  	vm6 =	vmand vm1, vm6;
	[tilespmem:v6+s29+$0x0] =	vst.idx.add.f32.msk vm7, v5;
	vm7 =	vcmask $0x2F2C  }
0x1cf: {  	vm7 =	vmand vm1, vm7;
	[tilespmem:v6+s29+$0x0] =	vst.idx.add.f32.msk vm2, v5;
	vm2 =	vcmask $0x3330  }
0x1d0: {  	vm2 =	vmand vm1, vm2;
	[tilespmem:v6+s29+$0x0] =	vst.idx.add.f32.msk vm3, v5;
	vm3 =	vcmask $0x3734  }
0x1d1: {  	vm3 =	vmand vm1, vm3;
	[tilespmem:v6+s29+$0x0] =	vst.idx.add.f32.msk vm4, v5;
	vm4 =	vcmask $0x3B38  }
0x1d2: {  	vm4 =	vmand vm1, vm4;
	[tilespmem:v6+s29+$0x0] =	vst.idx.add.f32.msk vm5, v5;
	vm5 =	vcmask $0x3F3C  }
0x1d3: {  	vm1 =	vmand vm1, vm5  }
0x1d4: {  	[tilespmem:v6+s29+$0x0] =	vst.idx.add.f32.msk vm6, v5  }
0x1d5: {  	[tilespmem:v6+s29+$0x0] =	vst.idx.add.f32.msk vm7, v5  }
0x1d6: {  	[tilespmem:v6+s29+$0x0] =	vst.idx.add.f32.msk vm2, v5  }
0x1d7: {  	[tilespmem:v6+s29+$0x0] =	vst.idx.add.f32.msk vm3, v5  }
0x1d8: {  	[tilespmem:v6+s29+$0x0] =	vst.idx.add.f32.msk vm4, v5  }
0x1d9: {  	s19 =	simm.s32 $0x0;
	[tilespmem:v6+s29+$0x0] =	vst.idx.add.f32.msk vm1, v5  }
0x1da: {  	[tilespmem:s19], [sflag:$0x1] =	stream.linear.gather [hbm4b:s9+s19], $0x7D0, $0x38;
	[tilespmem:$0x1A000] =	vst v63  }
0x1db: {  	_ =	swait.ge [sflag:s26], $0x7D0  }
0x1dc: {  	[sflag:s26] =	ssyncset.done $0x0  }
0x1dd: {  	[sflag:s26] =	ssyncadd.s32 $0xFFFFF830  }
0x1de: {  	[tilespmem:s28], [sflag:$0x1] =	stream.linear.gather [hbm4b:s10+s19], $0x7D0, $0x38;
	[tilespmem:$0x1A000] =	vst v63  }
0x1df: {  	_ =	swait.ge [sflag:s26], $0x7D0  }
0x1e0: {  	[sflag:s26] =	ssyncset.done $0x0  }
0x1e1: {  	s19 =	simm.s32 $0x0;
	[sflag:s26] =	ssyncadd.s32 $0xFFFFF830  }
0x1e2: {  	v6 =	vld [tilespmem:s19+$0x800];
	_ =	sdelay $0x1  }
0x1e3: {  	v7 =	vld [tilespmem:s19+$0x0];
	_ =	sdelay $0x2  }
0x1e4: {  	v6 =	vsub.s32 v6, v0  }
0x1e5: {  	v8 =	vmul.u32 $0x280, v6  }
0x1e6: {  	v7 =	vadd.s32 v1, v7  }
0x1e7: {  	v7 =	vadd.s32 v8, v7  }
0x1e8: {  	vm1 =	vlt.u32 v6, $0xA0;
	vm2 =	vgt.s32 v7, $0x0  }
0x1e9: {  	v6 =	vnsel vm2, $0x0, v7;
	vm2 =	vmand vm1, vm0  }
0x1ea: {  	vm3 =	vmand vm1, vm8;
	v6 =	vmin.u32 v6, $0x18FFF  }
0x1eb: {  	vm4 =	vmand vm1, vm9  }
0x1ec: {  	vm5 =	vmand vm1, vm10  }
0x1ed: {  	vm6 =	vmand vm1, vm11  }
0x1ee: {  	vm7 =	vmand vm1, vm12  }
0x1ef: {  	[tilespmem:v6+s29+$0x0] =	vst.idx.add.f32.msk vm2, v5;
	vm2 =	vmand vm1, vm13  }
0x1f0: {  	[tilespmem:v6+s29+$0x0] =	vst.idx.add.f32.msk vm3, v5  }
0x1f1: {  	vm3 =	vmand vm1, vm14;
	[tilespmem:v6+s29+$0x0] =	vst.idx.add.f32.msk vm4, v5  }
0x1f2: {  	vm4 =	vmand vm1, vm15;
	[tilespmem:v6+s29+$0x0] =	vst.idx.add.f32.msk vm5, v5;
	vm5 =	vcmask $0x2724  }
0x1f3: {  	vm5 =	vmand vm1, vm5;
	[tilespmem:v6+s29+$0x0] =	vst.idx.add.f32.msk vm6, v5;
	vm6 =	vcmask $0x2B28  }
0x1f4: {  	vm6 =	vmand vm1, vm6;
	[tilespmem:v6+s29+$0x0] =	vst.idx.add.f32.msk vm7, v5;
	vm7 =	vcmask $0x2F2C  }
0x1f5: {  	vm7 =	vmand vm1, vm7;
	[tilespmem:v6+s29+$0x0] =	vst.idx.add.f32.msk vm2, v5;
	vm2 =	vcmask $0x3330  }
0x1f6: {  	vm2 =	vmand vm1, vm2  }
0x1f7: {  	[tilespmem:v6+s29+$0x0] =	vst.idx.add.f32.msk vm3, v5  }
0x1f8: {  	[tilespmem:v6+s29+$0x0] =	vst.idx.add.f32.msk vm4, v5  }
0x1f9: {  	vm3 =	vcmask $0x3734;
	[tilespmem:v6+s29+$0x0] =	vst.idx.add.f32.msk vm5, v5  }
0x1fa: {  	vm3 =	vmand vm1, vm3;
	vm4 =	vcmask $0x3B38;
	[tilespmem:v6+s29+$0x0] =	vst.idx.add.f32.msk vm6, v5  }
0x1fb: {  	vm4 =	vmand vm1, vm4;
	[tilespmem:v6+s29+$0x0] =	vst.idx.add.f32.msk vm7, v5  }
0x1fc: {  	[tilespmem:v6+s29+$0x0] =	vst.idx.add.f32.msk vm2, v5;
	vm2 =	vcmask $0x3F3C  }
0x1fd: {  	vm1 =	vmand vm1, vm2;
	_ =	sdelay $0x2  }
0x1fe: {  	[tilespmem:v6+s29+$0x0] =	vst.idx.add.f32.msk vm3, v5  }
0x1ff: {  	s31 =	simm.s32 $0x40;
	s19 =	simm.s32 $0x80;
	[tilespmem:v6+s29+$0x0] =	vst.idx.add.f32.msk vm4, v5  }
.LBB2_12:
0x200: {  	p0 =	sne.s32 s19, $0x1F00  }
0x201: {  	s0 =	sshra.s32 s31, $0x2;
	[tilespmem:v6+s29+$0x0] =	vst.idx.add.f32.msk vm1, v5;
	s31 =	smov.u32 s19;
	s19 =	sadd.s32 $0x40, s19  }
0x202: {  	v6 =	vld [tilespmem:s0+$0x800];
	_ =	sdelay $0x1  }
0x203: {  	v7 =	vld [tilespmem:s0+$0x0];
	_ =	sdelay $0x2  }
0x204: {  	v6 =	vsub.s32 v6, v0  }
0x205: {  	vm1 =	vlt.u32 v6, $0xA0;
	v6 =	vmul.u32 $0x280, v6  }
0x206: {  	v7 =	vadd.s32 v1, v7  }
0x207: {  	v6 =	vadd.s32 v6, v7  }
0x208: {  	vm2 =	vgt.s32 v6, $0x0  }
0x209: {  	v6 =	vnsel vm2, $0x0, v6;
	vm2 =	vmand vm1, vm0  }
0x20a: {  	vm3 =	vmand vm1, vm8;
	v6 =	vmin.u32 v6, $0x18FFF  }
0x20b: {  	vm4 =	vmand vm1, vm9  }
0x20c: {  	vm5 =	vmand vm1, vm10  }
0x20d: {  	vm6 =	vmand vm1, vm11  }
0x20e: {  	vm7 =	vmand vm1, vm12  }
0x20f: {  	[tilespmem:v6+s29+$0x0] =	vst.idx.add.f32.msk vm2, v5;
	vm2 =	vmand vm1, vm13  }
0x210: {  	[tilespmem:v6+s29+$0x0] =	vst.idx.add.f32.msk vm3, v5;
	vm3 =	vmand vm1, vm14  }
0x211: {  	[tilespmem:v6+s29+$0x0] =	vst.idx.add.f32.msk vm4, v5;
	vm4 =	vmand vm1, vm15  }
0x212: {  	[tilespmem:v6+s29+$0x0] =	vst.idx.add.f32.msk vm5, v5;
	vm5 =	vcmask $0x2724  }
0x213: {  	vm5 =	vmand vm1, vm5  }
0x214: {  	[tilespmem:v6+s29+$0x0] =	vst.idx.add.f32.msk vm6, v5;
	vm6 =	vcmask $0x2B28  }
0x215: {  	vm6 =	vmand vm1, vm6  }
0x216: {  	[tilespmem:v6+s29+$0x0] =	vst.idx.add.f32.msk vm7, v5;
	vm7 =	vcmask $0x2F2C  }
0x217: {  	vm7 =	vmand vm1, vm7  }
0x218: {  	[tilespmem:v6+s29+$0x0] =	vst.idx.add.f32.msk vm2, v5;
	vm2 =	vcmask $0x3330  }
0x219: {  	vm2 =	vmand vm1, vm2  }
0x21a: {  	[tilespmem:v6+s29+$0x0] =	vst.idx.add.f32.msk vm3, v5;
	vm3 =	vcmask $0x3734  }
0x21b: {  	vm3 =	vmand vm1, vm3  }
0x21c: {  	[tilespmem:v6+s29+$0x0] =	vst.idx.add.f32.msk vm4, v5;
	vm4 =	vcmask $0x3B38  }
0x21d: {  	vm4 =	vmand vm1, vm4  }
0x21e: {  	[tilespmem:v6+s29+$0x0] =	vst.idx.add.f32.msk vm5, v5;
	vm5 =	vcmask $0x3F3C  }
0x21f: {  	vm1 =	vmand vm1, vm5  }
.Ltmp5:
0x220: {  	[tilespmem:v6+s29+$0x0] =	vst.idx.add.f32.msk vm6, v5;
	(pc) =	sbr.rel @p0 .LBB2_12-.Ltmp5, $4  }
0x221: {  	[tilespmem:v6+s29+$0x0] =	vst.idx.add.f32.msk vm7, v5  }
0x222: {  	[tilespmem:v6+s29+$0x0] =	vst.idx.add.f32.msk vm2, v5  }
0x223: {  	[tilespmem:v6+s29+$0x0] =	vst.idx.add.f32.msk vm3, v5  }
0x224: {  	[tilespmem:v6+s29+$0x0] =	vst.idx.add.f32.msk vm4, v5  }
0x225: {  	_ =	sdelay $0x4  }
0x226: {  	s0 =	sshra.s32 s31, $0x2;
	[tilespmem:v6+s29+$0x0] =	vst.idx.add.f32.msk vm1, v5  }
0x227: {  	v6 =	vld [tilespmem:s0+$0x800];
	_ =	sdelay $0x1  }
0x228: {  	v7 =	vld [tilespmem:s0+$0x0];
	_ =	sdelay $0x2  }
0x229: {  	v6 =	vsub.s32 v6, v0  }
0x22a: {  	v8 =	vmul.u32 $0x280, v6  }
0x22b: {  	v7 =	vadd.s32 v1, v7  }
0x22c: {  	v7 =	vadd.s32 v8, v7  }
0x22d: {  	vm1 =	vlt.u32 v6, $0xA0;
	vm2 =	vgt.s32 v7, $0x0  }
0x22e: {  	v6 =	vnsel vm2, $0x0, v7;
	vm2 =	vmand vm1, vm0  }
0x22f: {  	vm3 =	vmand vm1, vm8;
	v6 =	vmin.u32 v6, $0x18FFF  }
0x230: {  	vm4 =	vmand vm1, vm9  }
0x231: {  	vm5 =	vmand vm1, vm10  }
0x232: {  	vm6 =	vmand vm1, vm11  }
0x233: {  	vm7 =	vmand vm1, vm12  }
0x234: {  	vm11 =	vmand vm1, vm13;
	[tilespmem:v6+s29+$0x0] =	vst.idx.add.f32.msk vm2, v5  }
0x235: {  	vm12 =	vmand vm1, vm14;
	[tilespmem:v6+s29+$0x0] =	vst.idx.add.f32.msk vm3, v5  }
0x236: {  	vm13 =	vmand vm1, vm15;
	vm14 =	vcmask $0x2724;
	[tilespmem:v6+s29+$0x0] =	vst.idx.add.f32.msk vm4, v5  }
0x237: {  	vm15 =	vmand vm1, vm14;
	[tilespmem:v6+s29+$0x0] =	vst.idx.add.f32.msk vm5, v5  }
0x238: {  	[tilespmem:v6+s29+$0x0] =	vst.idx.add.f32.msk vm6, v5;
	vm6 =	vcmask $0x2B28  }
0x239: {  	vm8 =	vcmask $0x2F2C;
	vm6 =	vmand vm1, vm6;
	[tilespmem:v6+s29+$0x0] =	vst.idx.add.f32.msk vm7, v5  }
0x23a: {  	vm9 =	vcmask $0x3330;
	vm7 =	vmand vm1, vm8;
	[tilespmem:v6+s29+$0x0] =	vst.idx.add.f32.msk vm11, v5  }
0x23b: {  	vm10 =	vmand vm1, vm9;
	vm11 =	vcmask $0x3734;
	[tilespmem:v6+s29+$0x0] =	vst.idx.add.f32.msk vm12, v5  }
0x23c: {  	vm12 =	vmand vm1, vm11;
	[tilespmem:v6+s29+$0x0] =	vst.idx.add.f32.msk vm13, v5;
	vm13 =	vcmask $0x3B38  }
0x23d: {  	vm14 =	vmand vm1, vm13;
	[tilespmem:v6+s29+$0x0] =	vst.idx.add.f32.msk vm15, v5;
	vm15 =	vcmask $0x3F3C  }
0x23e: {  	vm1 =	vmand vm1, vm15  }
0x23f: {  	[tilespmem:v6+s29+$0x0] =	vst.idx.add.f32.msk vm6, v5  }
0x240: {  	[tilespmem:v6+s29+$0x0] =	vst.idx.add.f32.msk vm7, v5  }
0x241: {  	[tilespmem:v6+s29+$0x0] =	vst.idx.add.f32.msk vm10, v5  }
0x242: {  	[tilespmem:v6+s29+$0x0] =	vst.idx.add.f32.msk vm12, v5  }
0x243: {  	[tilespmem:v6+s29+$0x0] =	vst.idx.add.f32.msk vm14, v5  }
0x244: {  	s19 =	simm.s32 $0x0;
	[tilespmem:v6+s29+$0x0] =	vst.idx.add.f32.msk vm1, v5  }
0x245: {  	[hbm4b:s23+s19] =	stream.linear.scatter [tilespmem:s29], [sflag:$0x1], $0x19000, $0x38;
	[tilespmem:$0x1A000] =	vst v63  }
0x246: {  	_ =	swait.ge [sflag:s26], $0x19000  }
0x247: {  	[sflag:s26] =	ssyncset.done $0x0  }
0x248: {  	s31 =	simm.s32 $0x0;
	s19 =	simm.s32 $0x40;
	[sflag:s26] =	ssyncadd.s32 $0xFFFE7000  }
.LBB2_14:
0x249: {  	p0 =	sne.s32 s19, $0x63FC0;
	[tilespmem:s31+$0x1000] =	vst v4;
	s0 =	smov.u32 s19;
	s19 =	sadd.s32 $0x40, s19  }
.Ltmp6:
0x24a: {  	(pc) =	sbr.rel @p0 .LBB2_14-.Ltmp6, $2  }
0x24b: {  	_ =	sdelay $0x2  }
0x24c: {  	s31 =	sshra.s32 s0, $0x2  }
0x24d: {  	[tilespmem:s31+$0x1000] =	vst v4;
	s0 =	simm.s32 $0x0  }
0x24e: {  	[tilespmem:s0], [sflag:$0x1] =	stream.linear.gather [hbm4b:s11+s0], $0x7D0, $0x38;
	[tilespmem:$0x1A000] =	vst v63  }
0x24f: {  	_ =	swait.ge [sflag:s26], $0x7D0  }
0x250: {  	[sflag:s26] =	ssyncset.done $0x0  }
0x251: {  	[sflag:s26] =	ssyncadd.s32 $0xFFFFF830  }
0x252: {  	[tilespmem:s28], [sflag:$0x1] =	stream.linear.gather [hbm4b:s12+s0], $0x7D0, $0x38;
	[tilespmem:$0x1A000] =	vst v63  }
0x253: {  	_ =	swait.ge [sflag:s26], $0x7D0  }
0x254: {  	[sflag:s26] =	ssyncset.done $0x0  }
0x255: {  	s19 =	simm.s32 $0x0;
	[sflag:s26] =	ssyncadd.s32 $0xFFFFF830  }
0x256: {  	v6 =	vld [tilespmem:s19+$0x800];
	_ =	sdelay $0x1  }
0x257: {  	v7 =	vld [tilespmem:s19+$0x0];
	_ =	sdelay $0x2  }
0x258: {  	v6 =	vsub.s32 v6, v3  }
0x259: {  	v8 =	vmul.u32 $0x280, v6  }
0x25a: {  	v7 =	vadd.s32 v2, v7  }
0x25b: {  	v7 =	vadd.s32 v8, v7  }
0x25c: {  	vm2 =	vgt.s32 v7, $0x0  }
0x25d: {  	vm1 =	vlt.u32 v6, $0xA0;
	v6 =	vnsel vm2, $0x0, v7;
	v7 =	vld [tilespmem:$0x1FFF0];
	_ =	sdelay $0x4  }
0x25e: {  	vm0 =	vnez.u8 v7  }
0x25f: {  	vm8 =	vcmask $0x704;
	vm2 =	vmand vm1, vm0  }
0x260: {  	vm9 =	vcmask $0xB08;
	vm3 =	vmand vm1, vm8;
	v6 =	vmin.u32 v6, $0x18FFF  }
0x261: {  	vm10 =	vcmask $0xF0C;
	vm4 =	vmand vm1, vm9  }
0x262: {  	vm11 =	vcmask $0x1310;
	vm5 =	vmand vm1, vm10  }
0x263: {  	vm12 =	vcmask $0x1714;
	vm6 =	vmand vm1, vm11  }
0x264: {  	vm13 =	vcmask $0x1B18;
	vm7 =	vmand vm1, vm12  }
0x265: {  	vm14 =	vcmask $0x1F1C;
	[tilespmem:v6+s29+$0x0] =	vst.idx.add.f32.msk vm2, v5;
	vm2 =	vmand vm1, vm13  }
0x266: {  	vm15 =	vcmask $0x2320;
	[tilespmem:v6+s29+$0x0] =	vst.idx.add.f32.msk vm3, v5;
	vm3 =	vmand vm1, vm14  }
0x267: {  	[tilespmem:v6+s29+$0x0] =	vst.idx.add.f32.msk vm4, v5;
	vm4 =	vmand vm1, vm15  }
0x268: {  	vm8 =	vcmask $0x2724;
	[tilespmem:v6+s29+$0x0] =	vst.idx.add.f32.msk vm5, v5  }
0x269: {  	vm5 =	vmand vm1, vm8;
	[tilespmem:v6+s29+$0x0] =	vst.idx.add.f32.msk vm6, v5;
	vm6 =	vcmask $0x2B28  }
0x26a: {  	vm6 =	vmand vm1, vm6;
	[tilespmem:v6+s29+$0x0] =	vst.idx.add.f32.msk vm7, v5;
	vm7 =	vcmask $0x2F2C  }
0x26b: {  	vm7 =	vmand vm1, vm7;
	[tilespmem:v6+s29+$0x0] =	vst.idx.add.f32.msk vm2, v5;
	vm2 =	vcmask $0x3330  }
0x26c: {  	vm2 =	vmand vm1, vm2;
	[tilespmem:v6+s29+$0x0] =	vst.idx.add.f32.msk vm3, v5;
	vm3 =	vcmask $0x3734  }
0x26d: {  	vm3 =	vmand vm1, vm3;
	[tilespmem:v6+s29+$0x0] =	vst.idx.add.f32.msk vm4, v5;
	vm4 =	vcmask $0x3B38  }
0x26e: {  	vm4 =	vmand vm1, vm4  }
0x26f: {  	vm9 =	vcmask $0x3F3C;
	[tilespmem:v6+s29+$0x0] =	vst.idx.add.f32.msk vm5, v5  }
0x270: {  	vm1 =	vmand vm1, vm9;
	[tilespmem:v6+s29+$0x0] =	vst.idx.add.f32.msk vm6, v5  }
0x271: {  	[tilespmem:v6+s29+$0x0] =	vst.idx.add.f32.msk vm7, v5  }
0x272: {  	[tilespmem:v6+s29+$0x0] =	vst.idx.add.f32.msk vm2, v5  }
0x273: {  	[tilespmem:v6+s29+$0x0] =	vst.idx.add.f32.msk vm3, v5  }
0x274: {  	s31 =	simm.s32 $0x40;
	s19 =	simm.s32 $0x80;
	[tilespmem:v6+s29+$0x0] =	vst.idx.add.f32.msk vm4, v5  }
.LBB2_16:
0x275: {  	p0 =	sne.s32 s19, $0x1F00  }
0x276: {  	s0 =	sshra.s32 s31, $0x2;
	[tilespmem:v6+s29+$0x0] =	vst.idx.add.f32.msk vm1, v5;
	s31 =	smov.u32 s19;
	s19 =	sadd.s32 $0x40, s19  }
0x277: {  	v6 =	vld [tilespmem:s0+$0x800];
	_ =	sdelay $0x1  }
0x278: {  	v7 =	vld [tilespmem:s0+$0x0];
	_ =	sdelay $0x2  }
0x279: {  	v6 =	vsub.s32 v6, v3  }
0x27a: {  	vm1 =	vlt.u32 v6, $0xA0;
	v6 =	vmul.u32 $0x280, v6  }
0x27b: {  	v7 =	vadd.s32 v2, v7  }
0x27c: {  	v6 =	vadd.s32 v6, v7  }
0x27d: {  	vm2 =	vgt.s32 v6, $0x0  }
0x27e: {  	vm3 =	vcmask $0x704;
	v6 =	vnsel vm2, $0x0, v6;
	vm2 =	vmand vm1, vm0  }
0x27f: {  	vm4 =	vcmask $0xB08;
	vm3 =	vmand vm1, vm3;
	v6 =	vmin.u32 v6, $0x18FFF  }
0x280: {  	vm4 =	vmand vm1, vm4  }
0x281: {  	vm5 =	vmand vm1, vm10  }
0x282: {  	vm6 =	vmand vm1, vm11  }
0x283: {  	vm7 =	vmand vm1, vm12  }
0x284: {  	[tilespmem:v6+s29+$0x0] =	vst.idx.add.f32.msk vm2, v5;
	vm2 =	vmand vm1, vm13  }
0x285: {  	[tilespmem:v6+s29+$0x0] =	vst.idx.add.f32.msk vm3, v5;
	vm3 =	vmand vm1, vm14  }
0x286: {  	[tilespmem:v6+s29+$0x0] =	vst.idx.add.f32.msk vm4, v5;
	vm4 =	vmand vm1, vm15  }
0x287: {  	[tilespmem:v6+s29+$0x0] =	vst.idx.add.f32.msk vm5, v5;
	vm5 =	vmand vm1, vm8  }
0x288: {  	[tilespmem:v6+s29+$0x0] =	vst.idx.add.f32.msk vm6, v5;
	vm6 =	vcmask $0x2B28  }
0x289: {  	vm6 =	vmand vm1, vm6  }
0x28a: {  	[tilespmem:v6+s29+$0x0] =	vst.idx.add.f32.msk vm7, v5;
	vm7 =	vcmask $0x2F2C  }
0x28b: {  	vm7 =	vmand vm1, vm7  }
0x28c: {  	[tilespmem:v6+s29+$0x0] =	vst.idx.add.f32.msk vm2, v5;
	vm2 =	vcmask $0x3330  }
0x28d: {  	vm2 =	vmand vm1, vm2  }
0x28e: {  	[tilespmem:v6+s29+$0x0] =	vst.idx.add.f32.msk vm3, v5;
	vm3 =	vcmask $0x3734  }
0x28f: {  	vm3 =	vmand vm1, vm3  }
0x290: {  	[tilespmem:v6+s29+$0x0] =	vst.idx.add.f32.msk vm4, v5;
	vm4 =	vcmask $0x3B38  }
0x291: {  	vm4 =	vmand vm1, vm4  }
0x292: {  	vm1 =	vmand vm1, vm9;
	[tilespmem:v6+s29+$0x0] =	vst.idx.add.f32.msk vm5, v5  }
.Ltmp7:
0x293: {  	[tilespmem:v6+s29+$0x0] =	vst.idx.add.f32.msk vm6, v5;
	(pc) =	sbr.rel @p0 .LBB2_16-.Ltmp7, $4  }
0x294: {  	[tilespmem:v6+s29+$0x0] =	vst.idx.add.f32.msk vm7, v5  }
0x295: {  	[tilespmem:v6+s29+$0x0] =	vst.idx.add.f32.msk vm2, v5  }
0x296: {  	[tilespmem:v6+s29+$0x0] =	vst.idx.add.f32.msk vm3, v5  }
0x297: {  	[tilespmem:v6+s29+$0x0] =	vst.idx.add.f32.msk vm4, v5  }
0x298: {  	_ =	sdelay $0x4  }
0x299: {  	s0 =	sshra.s32 s31, $0x2;
	[tilespmem:v6+s29+$0x0] =	vst.idx.add.f32.msk vm1, v5  }
0x29a: {  	v6 =	vld [tilespmem:s0+$0x800];
	_ =	sdelay $0x1  }
0x29b: {  	v7 =	vld [tilespmem:s0+$0x0];
	_ =	sdelay $0x2  }
0x29c: {  	v6 =	vsub.s32 v6, v3  }
0x29d: {  	v8 =	vmul.u32 $0x280, v6  }
0x29e: {  	v7 =	vadd.s32 v2, v7  }
0x29f: {  	v7 =	vadd.s32 v8, v7  }
0x2a0: {  	vm1 =	vlt.u32 v6, $0xA0;
	vm2 =	vgt.s32 v7, $0x0  }
0x2a1: {  	vm3 =	vcmask $0x704;
	v6 =	vnsel vm2, $0x0, v7;
	vm2 =	vmand vm1, vm0  }
0x2a2: {  	vm4 =	vcmask $0xB08;
	vm3 =	vmand vm1, vm3;
	v6 =	vmin.u32 v6, $0x18FFF  }
0x2a3: {  	vm4 =	vmand vm1, vm4  }
0x2a4: {  	vm5 =	vmand vm1, vm10  }
0x2a5: {  	vm6 =	vmand vm1, vm11  }
0x2a6: {  	vm7 =	vmand vm1, vm12  }
0x2a7: {  	[tilespmem:v6+s29+$0x0] =	vst.idx.add.f32.msk vm2, v5;
	vm2 =	vmand vm1, vm13  }
0x2a8: {  	[tilespmem:v6+s29+$0x0] =	vst.idx.add.f32.msk vm3, v5;
	vm3 =	vmand vm1, vm14  }
0x2a9: {  	[tilespmem:v6+s29+$0x0] =	vst.idx.add.f32.msk vm4, v5;
	vm4 =	vmand vm1, vm15  }
0x2aa: {  	[tilespmem:v6+s29+$0x0] =	vst.idx.add.f32.msk vm5, v5  }
0x2ab: {  	vm5 =	vmand vm1, vm8;
	[tilespmem:v6+s29+$0x0] =	vst.idx.add.f32.msk vm6, v5;
	vm6 =	vcmask $0x2B28  }
0x2ac: {  	vm6 =	vmand vm1, vm6;
	[tilespmem:v6+s29+$0x0] =	vst.idx.add.f32.msk vm7, v5;
	vm7 =	vcmask $0x2F2C  }
0x2ad: {  	vm7 =	vmand vm1, vm7;
	[tilespmem:v6+s29+$0x0] =	vst.idx.add.f32.msk vm2, v5;
	vm2 =	vcmask $0x3330  }
0x2ae: {  	vm2 =	vmand vm1, vm2;
	[tilespmem:v6+s29+$0x0] =	vst.idx.add.f32.msk vm3, v5;
	vm3 =	vcmask $0x3734  }
0x2af: {  	vm3 =	vmand vm1, vm3;
	[tilespmem:v6+s29+$0x0] =	vst.idx.add.f32.msk vm4, v5;
	vm4 =	vcmask $0x3B38  }
0x2b0: {  	vm4 =	vmand vm1, vm4  }
0x2b1: {  	[tilespmem:v6+s29+$0x0] =	vst.idx.add.f32.msk vm5, v5;
	vm1 =	vmand vm1, vm9  }
0x2b2: {  	[tilespmem:v6+s29+$0x0] =	vst.idx.add.f32.msk vm6, v5  }
0x2b3: {  	[tilespmem:v6+s29+$0x0] =	vst.idx.add.f32.msk vm7, v5  }
0x2b4: {  	[tilespmem:v6+s29+$0x0] =	vst.idx.add.f32.msk vm2, v5  }
0x2b5: {  	[tilespmem:v6+s29+$0x0] =	vst.idx.add.f32.msk vm3, v5  }
0x2b6: {  	[tilespmem:v6+s29+$0x0] =	vst.idx.add.f32.msk vm4, v5  }
0x2b7: {  	s19 =	simm.s32 $0x0;
	[tilespmem:v6+s29+$0x0] =	vst.idx.add.f32.msk vm1, v5  }
0x2b8: {  	[tilespmem:s19], [sflag:$0x1] =	stream.linear.gather [hbm4b:s13+s19], $0x7D0, $0x38;
	[tilespmem:$0x1A000] =	vst v63  }
0x2b9: {  	_ =	swait.ge [sflag:s26], $0x7D0  }
0x2ba: {  	[sflag:s26] =	ssyncset.done $0x0  }
0x2bb: {  	[sflag:s26] =	ssyncadd.s32 $0xFFFFF830  }
0x2bc: {  	[tilespmem:s28], [sflag:$0x1] =	stream.linear.gather [hbm4b:s14+s19], $0x7D0, $0x38;
	[tilespmem:$0x1A000] =	vst v63  }
0x2bd: {  	_ =	swait.ge [sflag:s26], $0x7D0  }
0x2be: {  	[sflag:s26] =	ssyncset.done $0x0  }
0x2bf: {  	s19 =	simm.s32 $0x0;
	[sflag:s26] =	ssyncadd.s32 $0xFFFFF830  }
0x2c0: {  	v6 =	vld [tilespmem:s19+$0x800];
	_ =	sdelay $0x1  }
0x2c1: {  	v7 =	vld [tilespmem:s19+$0x0];
	_ =	sdelay $0x2  }
0x2c2: {  	v6 =	vsub.s32 v6, v3  }
0x2c3: {  	v8 =	vmul.u32 $0x280, v6  }
0x2c4: {  	v7 =	vadd.s32 v2, v7  }
0x2c5: {  	v7 =	vadd.s32 v8, v7  }
0x2c6: {  	vm1 =	vlt.u32 v6, $0xA0;
	vm2 =	vgt.s32 v7, $0x0  }
0x2c7: {  	vm3 =	vcmask $0x704;
	v6 =	vnsel vm2, $0x0, v7;
	vm2 =	vmand vm1, vm0  }
0x2c8: {  	vm4 =	vcmask $0xB08;
	vm3 =	vmand vm1, vm3;
	v6 =	vmin.u32 v6, $0x18FFF  }
0x2c9: {  	vm4 =	vmand vm1, vm4  }
0x2ca: {  	vm5 =	vmand vm1, vm10  }
0x2cb: {  	vm6 =	vmand vm1, vm11  }
0x2cc: {  	vm7 =	vmand vm1, vm12  }
0x2cd: {  	[tilespmem:v6+s29+$0x0] =	vst.idx.add.f32.msk vm2, v5;
	vm2 =	vmand vm1, vm13  }
0x2ce: {  	[tilespmem:v6+s29+$0x0] =	vst.idx.add.f32.msk vm3, v5;
	vm3 =	vmand vm1, vm14  }
0x2cf: {  	[tilespmem:v6+s29+$0x0] =	vst.idx.add.f32.msk vm4, v5;
	vm4 =	vmand vm1, vm15  }
0x2d0: {  	[tilespmem:v6+s29+$0x0] =	vst.idx.add.f32.msk vm5, v5  }
0x2d1: {  	vm5 =	vmand vm1, vm8;
	[tilespmem:v6+s29+$0x0] =	vst.idx.add.f32.msk vm6, v5;
	vm6 =	vcmask $0x2B28  }
0x2d2: {  	vm6 =	vmand vm1, vm6;
	[tilespmem:v6+s29+$0x0] =	vst.idx.add.f32.msk vm7, v5;
	vm7 =	vcmask $0x2F2C  }
0x2d3: {  	vm7 =	vmand vm1, vm7;
	[tilespmem:v6+s29+$0x0] =	vst.idx.add.f32.msk vm2, v5;
	vm2 =	vcmask $0x3330  }
0x2d4: {  	vm2 =	vmand vm1, vm2;
	[tilespmem:v6+s29+$0x0] =	vst.idx.add.f32.msk vm3, v5;
	vm3 =	vcmask $0x3734  }
0x2d5: {  	vm3 =	vmand vm1, vm3;
	[tilespmem:v6+s29+$0x0] =	vst.idx.add.f32.msk vm4, v5;
	vm4 =	vcmask $0x3B38  }
0x2d6: {  	vm4 =	vmand vm1, vm4  }
0x2d7: {  	[tilespmem:v6+s29+$0x0] =	vst.idx.add.f32.msk vm5, v5  }
0x2d8: {  	vm1 =	vmand vm1, vm9;
	[tilespmem:v6+s29+$0x0] =	vst.idx.add.f32.msk vm6, v5  }
0x2d9: {  	[tilespmem:v6+s29+$0x0] =	vst.idx.add.f32.msk vm7, v5  }
0x2da: {  	[tilespmem:v6+s29+$0x0] =	vst.idx.add.f32.msk vm2, v5  }
0x2db: {  	[tilespmem:v6+s29+$0x0] =	vst.idx.add.f32.msk vm3, v5  }
0x2dc: {  	s31 =	simm.s32 $0x40;
	s19 =	simm.s32 $0x80;
	[tilespmem:v6+s29+$0x0] =	vst.idx.add.f32.msk vm4, v5  }
.LBB2_18:
0x2dd: {  	p0 =	sne.s32 s19, $0x1F00  }
0x2de: {  	s0 =	sshra.s32 s31, $0x2;
	[tilespmem:v6+s29+$0x0] =	vst.idx.add.f32.msk vm1, v5;
	s31 =	smov.u32 s19;
	s19 =	sadd.s32 $0x40, s19  }
0x2df: {  	v6 =	vld [tilespmem:s0+$0x800];
	_ =	sdelay $0x1  }
0x2e0: {  	v7 =	vld [tilespmem:s0+$0x0];
	_ =	sdelay $0x2  }
0x2e1: {  	v6 =	vsub.s32 v6, v3  }
0x2e2: {  	vm1 =	vlt.u32 v6, $0xA0;
	v6 =	vmul.u32 $0x280, v6  }
0x2e3: {  	v7 =	vadd.s32 v2, v7  }
0x2e4: {  	v6 =	vadd.s32 v6, v7  }
0x2e5: {  	vm2 =	vgt.s32 v6, $0x0  }
0x2e6: {  	vm3 =	vcmask $0x704;
	v6 =	vnsel vm2, $0x0, v6;
	vm2 =	vmand vm1, vm0  }
0x2e7: {  	vm4 =	vcmask $0xB08;
	vm3 =	vmand vm1, vm3;
	v6 =	vmin.u32 v6, $0x18FFF  }
0x2e8: {  	vm4 =	vmand vm1, vm4  }
0x2e9: {  	vm5 =	vmand vm1, vm10  }
0x2ea: {  	vm6 =	vmand vm1, vm11  }
0x2eb: {  	vm7 =	vmand vm1, vm12  }
0x2ec: {  	[tilespmem:v6+s29+$0x0] =	vst.idx.add.f32.msk vm2, v5;
	vm2 =	vmand vm1, vm13  }
0x2ed: {  	[tilespmem:v6+s29+$0x0] =	vst.idx.add.f32.msk vm3, v5;
	vm3 =	vmand vm1, vm14  }
0x2ee: {  	[tilespmem:v6+s29+$0x0] =	vst.idx.add.f32.msk vm4, v5;
	vm4 =	vmand vm1, vm15  }
0x2ef: {  	[tilespmem:v6+s29+$0x0] =	vst.idx.add.f32.msk vm5, v5;
	vm5 =	vmand vm1, vm8  }
0x2f0: {  	[tilespmem:v6+s29+$0x0] =	vst.idx.add.f32.msk vm6, v5;
	vm6 =	vcmask $0x2B28  }
0x2f1: {  	vm6 =	vmand vm1, vm6  }
0x2f2: {  	[tilespmem:v6+s29+$0x0] =	vst.idx.add.f32.msk vm7, v5;
	vm7 =	vcmask $0x2F2C  }
0x2f3: {  	vm7 =	vmand vm1, vm7  }
0x2f4: {  	[tilespmem:v6+s29+$0x0] =	vst.idx.add.f32.msk vm2, v5;
	vm2 =	vcmask $0x3330  }
0x2f5: {  	vm2 =	vmand vm1, vm2  }
0x2f6: {  	[tilespmem:v6+s29+$0x0] =	vst.idx.add.f32.msk vm3, v5;
	vm3 =	vcmask $0x3734  }
0x2f7: {  	vm3 =	vmand vm1, vm3  }
0x2f8: {  	[tilespmem:v6+s29+$0x0] =	vst.idx.add.f32.msk vm4, v5;
	vm4 =	vcmask $0x3B38  }
0x2f9: {  	vm4 =	vmand vm1, vm4  }
0x2fa: {  	vm1 =	vmand vm1, vm9;
	[tilespmem:v6+s29+$0x0] =	vst.idx.add.f32.msk vm5, v5  }
.Ltmp8:
0x2fb: {  	[tilespmem:v6+s29+$0x0] =	vst.idx.add.f32.msk vm6, v5;
	(pc) =	sbr.rel @p0 .LBB2_18-.Ltmp8, $4  }
0x2fc: {  	[tilespmem:v6+s29+$0x0] =	vst.idx.add.f32.msk vm7, v5  }
0x2fd: {  	[tilespmem:v6+s29+$0x0] =	vst.idx.add.f32.msk vm2, v5  }
0x2fe: {  	[tilespmem:v6+s29+$0x0] =	vst.idx.add.f32.msk vm3, v5  }
0x2ff: {  	[tilespmem:v6+s29+$0x0] =	vst.idx.add.f32.msk vm4, v5  }
0x300: {  	_ =	sdelay $0x4  }
0x301: {  	s0 =	sshra.s32 s31, $0x2;
	[tilespmem:v6+s29+$0x0] =	vst.idx.add.f32.msk vm1, v5  }
0x302: {  	v6 =	vld [tilespmem:s0+$0x800];
	_ =	sdelay $0x1  }
0x303: {  	v7 =	vld [tilespmem:s0+$0x0];
	_ =	sdelay $0x2  }
0x304: {  	v6 =	vsub.s32 v6, v3  }
0x305: {  	v8 =	vmul.u32 $0x280, v6  }
0x306: {  	v7 =	vadd.s32 v2, v7  }
0x307: {  	v7 =	vadd.s32 v8, v7  }
0x308: {  	vm1 =	vlt.u32 v6, $0xA0;
	vm2 =	vgt.s32 v7, $0x0  }
0x309: {  	vm3 =	vcmask $0x704;
	v6 =	vnsel vm2, $0x0, v7;
	vm2 =	vmand vm1, vm0  }
0x30a: {  	vm4 =	vcmask $0xB08;
	vm3 =	vmand vm1, vm3;
	v6 =	vmin.u32 v6, $0x18FFF  }
0x30b: {  	vm4 =	vmand vm1, vm4  }
0x30c: {  	vm5 =	vmand vm1, vm10  }
0x30d: {  	vm6 =	vmand vm1, vm11  }
0x30e: {  	vm7 =	vmand vm1, vm12  }
0x30f: {  	[tilespmem:v6+s29+$0x0] =	vst.idx.add.f32.msk vm2, v5;
	vm2 =	vmand vm1, vm13  }
0x310: {  	[tilespmem:v6+s29+$0x0] =	vst.idx.add.f32.msk vm3, v5;
	vm3 =	vmand vm1, vm14  }
0x311: {  	[tilespmem:v6+s29+$0x0] =	vst.idx.add.f32.msk vm4, v5;
	vm4 =	vmand vm1, vm15  }
0x312: {  	[tilespmem:v6+s29+$0x0] =	vst.idx.add.f32.msk vm5, v5  }
0x313: {  	vm5 =	vmand vm1, vm8;
	[tilespmem:v6+s29+$0x0] =	vst.idx.add.f32.msk vm6, v5;
	vm6 =	vcmask $0x2B28  }
0x314: {  	vm6 =	vmand vm1, vm6;
	[tilespmem:v6+s29+$0x0] =	vst.idx.add.f32.msk vm7, v5;
	vm7 =	vcmask $0x2F2C  }
0x315: {  	vm7 =	vmand vm1, vm7;
	[tilespmem:v6+s29+$0x0] =	vst.idx.add.f32.msk vm2, v5;
	vm2 =	vcmask $0x3330  }
0x316: {  	vm2 =	vmand vm1, vm2;
	[tilespmem:v6+s29+$0x0] =	vst.idx.add.f32.msk vm3, v5;
	vm3 =	vcmask $0x3734  }
0x317: {  	vm3 =	vmand vm1, vm3;
	[tilespmem:v6+s29+$0x0] =	vst.idx.add.f32.msk vm4, v5;
	vm4 =	vcmask $0x3B38  }
0x318: {  	vm4 =	vmand vm1, vm4  }
0x319: {  	[tilespmem:v6+s29+$0x0] =	vst.idx.add.f32.msk vm5, v5;
	vm1 =	vmand vm1, vm9  }
0x31a: {  	[tilespmem:v6+s29+$0x0] =	vst.idx.add.f32.msk vm6, v5  }
0x31b: {  	[tilespmem:v6+s29+$0x0] =	vst.idx.add.f32.msk vm7, v5  }
0x31c: {  	[tilespmem:v6+s29+$0x0] =	vst.idx.add.f32.msk vm2, v5  }
0x31d: {  	[tilespmem:v6+s29+$0x0] =	vst.idx.add.f32.msk vm3, v5  }
0x31e: {  	[tilespmem:v6+s29+$0x0] =	vst.idx.add.f32.msk vm4, v5  }
0x31f: {  	s19 =	simm.s32 $0x0;
	[tilespmem:v6+s29+$0x0] =	vst.idx.add.f32.msk vm1, v5  }
0x320: {  	[tilespmem:s19], [sflag:$0x1] =	stream.linear.gather [hbm4b:s15+s19], $0x7D0, $0x38;
	[tilespmem:$0x1A000] =	vst v63  }
0x321: {  	_ =	swait.ge [sflag:s26], $0x7D0  }
0x322: {  	[sflag:s26] =	ssyncset.done $0x0  }
0x323: {  	[sflag:s26] =	ssyncadd.s32 $0xFFFFF830  }
0x324: {  	[tilespmem:s28], [sflag:$0x1] =	stream.linear.gather [hbm4b:s16+s19], $0x7D0, $0x38;
	[tilespmem:$0x1A000] =	vst v63  }
0x325: {  	_ =	swait.ge [sflag:s26], $0x7D0  }
0x326: {  	[sflag:s26] =	ssyncset.done $0x0  }
0x327: {  	s19 =	simm.s32 $0x0;
	[sflag:s26] =	ssyncadd.s32 $0xFFFFF830  }
0x328: {  	v6 =	vld [tilespmem:s19+$0x800];
	_ =	sdelay $0x1  }
0x329: {  	v7 =	vld [tilespmem:s19+$0x0];
	_ =	sdelay $0x2  }
0x32a: {  	v6 =	vsub.s32 v6, v3  }
0x32b: {  	v8 =	vmul.u32 $0x280, v6  }
0x32c: {  	v7 =	vadd.s32 v2, v7  }
0x32d: {  	v7 =	vadd.s32 v8, v7  }
0x32e: {  	vm1 =	vlt.u32 v6, $0xA0;
	vm2 =	vgt.s32 v7, $0x0  }
0x32f: {  	vm3 =	vcmask $0x704;
	v6 =	vnsel vm2, $0x0, v7;
	vm2 =	vmand vm1, vm0  }
0x330: {  	vm4 =	vcmask $0xB08;
	vm3 =	vmand vm1, vm3;
	v6 =	vmin.u32 v6, $0x18FFF  }
0x331: {  	vm4 =	vmand vm1, vm4  }
0x332: {  	vm5 =	vmand vm1, vm10  }
0x333: {  	vm6 =	vmand vm1, vm11  }
0x334: {  	vm7 =	vmand vm1, vm12  }
0x335: {  	[tilespmem:v6+s29+$0x0] =	vst.idx.add.f32.msk vm2, v5;
	vm2 =	vmand vm1, vm13  }
0x336: {  	[tilespmem:v6+s29+$0x0] =	vst.idx.add.f32.msk vm3, v5;
	vm3 =	vmand vm1, vm14  }
0x337: {  	[tilespmem:v6+s29+$0x0] =	vst.idx.add.f32.msk vm4, v5;
	vm4 =	vmand vm1, vm15  }
0x338: {  	[tilespmem:v6+s29+$0x0] =	vst.idx.add.f32.msk vm5, v5  }
0x339: {  	vm5 =	vmand vm1, vm8;
	[tilespmem:v6+s29+$0x0] =	vst.idx.add.f32.msk vm6, v5;
	vm6 =	vcmask $0x2B28  }
0x33a: {  	vm6 =	vmand vm1, vm6;
	[tilespmem:v6+s29+$0x0] =	vst.idx.add.f32.msk vm7, v5;
	vm7 =	vcmask $0x2F2C  }
0x33b: {  	vm7 =	vmand vm1, vm7;
	[tilespmem:v6+s29+$0x0] =	vst.idx.add.f32.msk vm2, v5;
	vm2 =	vcmask $0x3330  }
0x33c: {  	vm2 =	vmand vm1, vm2;
	[tilespmem:v6+s29+$0x0] =	vst.idx.add.f32.msk vm3, v5;
	vm3 =	vcmask $0x3734  }
0x33d: {  	vm3 =	vmand vm1, vm3;
	[tilespmem:v6+s29+$0x0] =	vst.idx.add.f32.msk vm4, v5;
	vm4 =	vcmask $0x3B38  }
0x33e: {  	vm4 =	vmand vm1, vm4  }
0x33f: {  	[tilespmem:v6+s29+$0x0] =	vst.idx.add.f32.msk vm5, v5  }
0x340: {  	vm1 =	vmand vm1, vm9;
	[tilespmem:v6+s29+$0x0] =	vst.idx.add.f32.msk vm6, v5  }
0x341: {  	[tilespmem:v6+s29+$0x0] =	vst.idx.add.f32.msk vm7, v5  }
0x342: {  	[tilespmem:v6+s29+$0x0] =	vst.idx.add.f32.msk vm2, v5  }
0x343: {  	[tilespmem:v6+s29+$0x0] =	vst.idx.add.f32.msk vm3, v5  }
0x344: {  	s31 =	simm.s32 $0x40;
	s19 =	simm.s32 $0x80;
	[tilespmem:v6+s29+$0x0] =	vst.idx.add.f32.msk vm4, v5  }
.LBB2_20:
0x345: {  	p0 =	sne.s32 s19, $0x1F00  }
0x346: {  	s0 =	sshra.s32 s31, $0x2;
	[tilespmem:v6+s29+$0x0] =	vst.idx.add.f32.msk vm1, v5;
	s31 =	smov.u32 s19;
	s19 =	sadd.s32 $0x40, s19  }
0x347: {  	v6 =	vld [tilespmem:s0+$0x800];
	_ =	sdelay $0x1  }
0x348: {  	v7 =	vld [tilespmem:s0+$0x0];
	_ =	sdelay $0x2  }
0x349: {  	v6 =	vsub.s32 v6, v3  }
0x34a: {  	vm1 =	vlt.u32 v6, $0xA0;
	v6 =	vmul.u32 $0x280, v6  }
0x34b: {  	v7 =	vadd.s32 v2, v7  }
0x34c: {  	v6 =	vadd.s32 v6, v7  }
0x34d: {  	vm2 =	vgt.s32 v6, $0x0  }
0x34e: {  	vm3 =	vcmask $0x704;
	v6 =	vnsel vm2, $0x0, v6;
	vm2 =	vmand vm1, vm0  }
0x34f: {  	vm4 =	vcmask $0xB08;
	vm3 =	vmand vm1, vm3;
	v6 =	vmin.u32 v6, $0x18FFF  }
0x350: {  	vm4 =	vmand vm1, vm4  }
0x351: {  	vm5 =	vmand vm1, vm10  }
0x352: {  	vm6 =	vmand vm1, vm11  }
0x353: {  	vm7 =	vmand vm1, vm12  }
0x354: {  	[tilespmem:v6+s29+$0x0] =	vst.idx.add.f32.msk vm2, v5;
	vm2 =	vmand vm1, vm13  }
0x355: {  	[tilespmem:v6+s29+$0x0] =	vst.idx.add.f32.msk vm3, v5;
	vm3 =	vmand vm1, vm14  }
0x356: {  	[tilespmem:v6+s29+$0x0] =	vst.idx.add.f32.msk vm4, v5;
	vm4 =	vmand vm1, vm15  }
0x357: {  	[tilespmem:v6+s29+$0x0] =	vst.idx.add.f32.msk vm5, v5;
	vm5 =	vmand vm1, vm8  }
0x358: {  	[tilespmem:v6+s29+$0x0] =	vst.idx.add.f32.msk vm6, v5;
	vm6 =	vcmask $0x2B28  }
0x359: {  	vm6 =	vmand vm1, vm6  }
0x35a: {  	[tilespmem:v6+s29+$0x0] =	vst.idx.add.f32.msk vm7, v5;
	vm7 =	vcmask $0x2F2C  }
0x35b: {  	vm7 =	vmand vm1, vm7  }
0x35c: {  	[tilespmem:v6+s29+$0x0] =	vst.idx.add.f32.msk vm2, v5;
	vm2 =	vcmask $0x3330  }
0x35d: {  	vm2 =	vmand vm1, vm2  }
0x35e: {  	[tilespmem:v6+s29+$0x0] =	vst.idx.add.f32.msk vm3, v5;
	vm3 =	vcmask $0x3734  }
0x35f: {  	vm3 =	vmand vm1, vm3  }
0x360: {  	[tilespmem:v6+s29+$0x0] =	vst.idx.add.f32.msk vm4, v5;
	vm4 =	vcmask $0x3B38  }
0x361: {  	vm4 =	vmand vm1, vm4  }
0x362: {  	vm1 =	vmand vm1, vm9;
	[tilespmem:v6+s29+$0x0] =	vst.idx.add.f32.msk vm5, v5  }
.Ltmp9:
0x363: {  	[tilespmem:v6+s29+$0x0] =	vst.idx.add.f32.msk vm6, v5;
	(pc) =	sbr.rel @p0 .LBB2_20-.Ltmp9, $4  }
0x364: {  	[tilespmem:v6+s29+$0x0] =	vst.idx.add.f32.msk vm7, v5  }
0x365: {  	[tilespmem:v6+s29+$0x0] =	vst.idx.add.f32.msk vm2, v5  }
0x366: {  	[tilespmem:v6+s29+$0x0] =	vst.idx.add.f32.msk vm3, v5  }
0x367: {  	[tilespmem:v6+s29+$0x0] =	vst.idx.add.f32.msk vm4, v5  }
0x368: {  	_ =	sdelay $0x4  }
0x369: {  	s0 =	sshra.s32 s31, $0x2;
	[tilespmem:v6+s29+$0x0] =	vst.idx.add.f32.msk vm1, v5  }
0x36a: {  	v6 =	vld [tilespmem:s0+$0x800];
	_ =	sdelay $0x1  }
0x36b: {  	v7 =	vld [tilespmem:s0+$0x0];
	_ =	sdelay $0x2  }
0x36c: {  	v6 =	vsub.s32 v6, v3  }
0x36d: {  	v8 =	vmul.u32 $0x280, v6  }
0x36e: {  	v7 =	vadd.s32 v2, v7  }
0x36f: {  	v7 =	vadd.s32 v8, v7  }
0x370: {  	vm1 =	vlt.u32 v6, $0xA0;
	vm2 =	vgt.s32 v7, $0x0  }
0x371: {  	vm3 =	vcmask $0x704;
	v6 =	vnsel vm2, $0x0, v7;
	vm2 =	vmand vm1, vm0  }
0x372: {  	vm4 =	vcmask $0xB08;
	vm3 =	vmand vm1, vm3;
	v6 =	vmin.u32 v6, $0x18FFF  }
0x373: {  	vm4 =	vmand vm1, vm4  }
0x374: {  	vm5 =	vmand vm1, vm10  }
0x375: {  	vm6 =	vmand vm1, vm11  }
0x376: {  	vm7 =	vmand vm1, vm12  }
0x377: {  	[tilespmem:v6+s29+$0x0] =	vst.idx.add.f32.msk vm2, v5;
	vm2 =	vmand vm1, vm13  }
0x378: {  	[tilespmem:v6+s29+$0x0] =	vst.idx.add.f32.msk vm3, v5;
	vm3 =	vmand vm1, vm14  }
0x379: {  	[tilespmem:v6+s29+$0x0] =	vst.idx.add.f32.msk vm4, v5;
	vm4 =	vmand vm1, vm15  }
0x37a: {  	[tilespmem:v6+s29+$0x0] =	vst.idx.add.f32.msk vm5, v5  }
0x37b: {  	vm5 =	vmand vm1, vm8;
	[tilespmem:v6+s29+$0x0] =	vst.idx.add.f32.msk vm6, v5;
	vm6 =	vcmask $0x2B28  }
0x37c: {  	vm6 =	vmand vm1, vm6;
	[tilespmem:v6+s29+$0x0] =	vst.idx.add.f32.msk vm7, v5;
	vm7 =	vcmask $0x2F2C  }
0x37d: {  	vm7 =	vmand vm1, vm7;
	[tilespmem:v6+s29+$0x0] =	vst.idx.add.f32.msk vm2, v5;
	vm2 =	vcmask $0x3330  }
0x37e: {  	vm2 =	vmand vm1, vm2;
	[tilespmem:v6+s29+$0x0] =	vst.idx.add.f32.msk vm3, v5;
	vm3 =	vcmask $0x3734  }
0x37f: {  	vm3 =	vmand vm1, vm3;
	[tilespmem:v6+s29+$0x0] =	vst.idx.add.f32.msk vm4, v5;
	vm4 =	vcmask $0x3B38  }
0x380: {  	vm4 =	vmand vm1, vm4  }
0x381: {  	[tilespmem:v6+s29+$0x0] =	vst.idx.add.f32.msk vm5, v5;
	vm1 =	vmand vm1, vm9  }
0x382: {  	[tilespmem:v6+s29+$0x0] =	vst.idx.add.f32.msk vm6, v5  }
0x383: {  	[tilespmem:v6+s29+$0x0] =	vst.idx.add.f32.msk vm7, v5  }
0x384: {  	[tilespmem:v6+s29+$0x0] =	vst.idx.add.f32.msk vm2, v5  }
0x385: {  	[tilespmem:v6+s29+$0x0] =	vst.idx.add.f32.msk vm3, v5  }
0x386: {  	[tilespmem:v6+s29+$0x0] =	vst.idx.add.f32.msk vm4, v5  }
0x387: {  	s19 =	simm.s32 $0x0;
	[tilespmem:v6+s29+$0x0] =	vst.idx.add.f32.msk vm1, v5  }
0x388: {  	[tilespmem:s19], [sflag:$0x1] =	stream.linear.gather [hbm4b:s17+s19], $0x7D0, $0x38;
	[tilespmem:$0x1A000] =	vst v63  }
0x389: {  	_ =	swait.ge [sflag:s26], $0x7D0  }
0x38a: {  	[sflag:s26] =	ssyncset.done $0x0  }
0x38b: {  	[sflag:s26] =	ssyncadd.s32 $0xFFFFF830  }
0x38c: {  	[tilespmem:s28], [sflag:$0x1] =	stream.linear.gather [hbm4b:s18+s19], $0x7D0, $0x38;
	[tilespmem:$0x1A000] =	vst v63  }
0x38d: {  	_ =	swait.ge [sflag:s26], $0x7D0  }
0x38e: {  	[sflag:s26] =	ssyncset.done $0x0  }
0x38f: {  	s19 =	simm.s32 $0x0;
	[sflag:s26] =	ssyncadd.s32 $0xFFFFF830  }
0x390: {  	v6 =	vld [tilespmem:s19+$0x800];
	_ =	sdelay $0x1  }
0x391: {  	v7 =	vld [tilespmem:s19+$0x0];
	_ =	sdelay $0x2  }
0x392: {  	v6 =	vsub.s32 v6, v3  }
0x393: {  	v8 =	vmul.u32 $0x280, v6  }
0x394: {  	v7 =	vadd.s32 v2, v7  }
0x395: {  	v7 =	vadd.s32 v8, v7  }
0x396: {  	vm1 =	vlt.u32 v6, $0xA0;
	vm2 =	vgt.s32 v7, $0x0  }
0x397: {  	vm3 =	vcmask $0x704;
	v6 =	vnsel vm2, $0x0, v7;
	vm2 =	vmand vm1, vm0  }
0x398: {  	vm4 =	vcmask $0xB08;
	vm3 =	vmand vm1, vm3;
	v6 =	vmin.u32 v6, $0x18FFF  }
0x399: {  	vm4 =	vmand vm1, vm4  }
0x39a: {  	vm5 =	vmand vm1, vm10  }
0x39b: {  	vm6 =	vmand vm1, vm11  }
0x39c: {  	vm7 =	vmand vm1, vm12  }
0x39d: {  	[tilespmem:v6+s29+$0x0] =	vst.idx.add.f32.msk vm2, v5;
	vm2 =	vmand vm1, vm13  }
0x39e: {  	[tilespmem:v6+s29+$0x0] =	vst.idx.add.f32.msk vm3, v5;
	vm3 =	vmand vm1, vm14  }
0x39f: {  	[tilespmem:v6+s29+$0x0] =	vst.idx.add.f32.msk vm4, v5;
	vm4 =	vmand vm1, vm15  }
0x3a0: {  	[tilespmem:v6+s29+$0x0] =	vst.idx.add.f32.msk vm5, v5  }
0x3a1: {  	vm5 =	vmand vm1, vm8;
	[tilespmem:v6+s29+$0x0] =	vst.idx.add.f32.msk vm6, v5;
	vm6 =	vcmask $0x2B28  }
0x3a2: {  	vm6 =	vmand vm1, vm6;
	[tilespmem:v6+s29+$0x0] =	vst.idx.add.f32.msk vm7, v5;
	vm7 =	vcmask $0x2F2C  }
0x3a3: {  	vm7 =	vmand vm1, vm7;
	[tilespmem:v6+s29+$0x0] =	vst.idx.add.f32.msk vm2, v5;
	vm2 =	vcmask $0x3330  }
0x3a4: {  	vm2 =	vmand vm1, vm2;
	[tilespmem:v6+s29+$0x0] =	vst.idx.add.f32.msk vm3, v5;
	vm3 =	vcmask $0x3734  }
0x3a5: {  	vm3 =	vmand vm1, vm3;
	[tilespmem:v6+s29+$0x0] =	vst.idx.add.f32.msk vm4, v5;
	vm4 =	vcmask $0x3B38  }
0x3a6: {  	vm4 =	vmand vm1, vm4  }
0x3a7: {  	[tilespmem:v6+s29+$0x0] =	vst.idx.add.f32.msk vm5, v5  }
0x3a8: {  	vm1 =	vmand vm1, vm9;
	[tilespmem:v6+s29+$0x0] =	vst.idx.add.f32.msk vm6, v5  }
0x3a9: {  	[tilespmem:v6+s29+$0x0] =	vst.idx.add.f32.msk vm7, v5  }
0x3aa: {  	[tilespmem:v6+s29+$0x0] =	vst.idx.add.f32.msk vm2, v5  }
0x3ab: {  	[tilespmem:v6+s29+$0x0] =	vst.idx.add.f32.msk vm3, v5  }
0x3ac: {  	s31 =	simm.s32 $0x40;
	s19 =	simm.s32 $0x80;
	[tilespmem:v6+s29+$0x0] =	vst.idx.add.f32.msk vm4, v5  }
.LBB2_22:
0x3ad: {  	p0 =	sne.s32 s19, $0x1F00  }
0x3ae: {  	s0 =	sshra.s32 s31, $0x2;
	[tilespmem:v6+s29+$0x0] =	vst.idx.add.f32.msk vm1, v5;
	s31 =	smov.u32 s19;
	s19 =	sadd.s32 $0x40, s19  }
0x3af: {  	v6 =	vld [tilespmem:s0+$0x800];
	_ =	sdelay $0x1  }
0x3b0: {  	v7 =	vld [tilespmem:s0+$0x0];
	_ =	sdelay $0x2  }
0x3b1: {  	v6 =	vsub.s32 v6, v3  }
0x3b2: {  	vm1 =	vlt.u32 v6, $0xA0;
	v6 =	vmul.u32 $0x280, v6  }
0x3b3: {  	v7 =	vadd.s32 v2, v7  }
0x3b4: {  	v6 =	vadd.s32 v6, v7  }
0x3b5: {  	vm2 =	vgt.s32 v6, $0x0  }
0x3b6: {  	vm3 =	vcmask $0x704;
	v6 =	vnsel vm2, $0x0, v6;
	vm2 =	vmand vm1, vm0  }
0x3b7: {  	vm4 =	vcmask $0xB08;
	vm3 =	vmand vm1, vm3;
	v6 =	vmin.u32 v6, $0x18FFF  }
0x3b8: {  	vm4 =	vmand vm1, vm4  }
0x3b9: {  	vm5 =	vmand vm1, vm10  }
0x3ba: {  	vm6 =	vmand vm1, vm11  }
0x3bb: {  	vm7 =	vmand vm1, vm12  }
0x3bc: {  	[tilespmem:v6+s29+$0x0] =	vst.idx.add.f32.msk vm2, v5;
	vm2 =	vmand vm1, vm13  }
0x3bd: {  	[tilespmem:v6+s29+$0x0] =	vst.idx.add.f32.msk vm3, v5;
	vm3 =	vmand vm1, vm14  }
0x3be: {  	[tilespmem:v6+s29+$0x0] =	vst.idx.add.f32.msk vm4, v5;
	vm4 =	vmand vm1, vm15  }
0x3bf: {  	[tilespmem:v6+s29+$0x0] =	vst.idx.add.f32.msk vm5, v5;
	vm5 =	vmand vm1, vm8  }
0x3c0: {  	[tilespmem:v6+s29+$0x0] =	vst.idx.add.f32.msk vm6, v5;
	vm6 =	vcmask $0x2B28  }
0x3c1: {  	vm6 =	vmand vm1, vm6  }
0x3c2: {  	[tilespmem:v6+s29+$0x0] =	vst.idx.add.f32.msk vm7, v5;
	vm7 =	vcmask $0x2F2C  }
0x3c3: {  	vm7 =	vmand vm1, vm7  }
0x3c4: {  	[tilespmem:v6+s29+$0x0] =	vst.idx.add.f32.msk vm2, v5;
	vm2 =	vcmask $0x3330  }
0x3c5: {  	vm2 =	vmand vm1, vm2  }
0x3c6: {  	[tilespmem:v6+s29+$0x0] =	vst.idx.add.f32.msk vm3, v5;
	vm3 =	vcmask $0x3734  }
0x3c7: {  	vm3 =	vmand vm1, vm3  }
0x3c8: {  	[tilespmem:v6+s29+$0x0] =	vst.idx.add.f32.msk vm4, v5;
	vm4 =	vcmask $0x3B38  }
0x3c9: {  	vm4 =	vmand vm1, vm4  }
0x3ca: {  	vm1 =	vmand vm1, vm9;
	[tilespmem:v6+s29+$0x0] =	vst.idx.add.f32.msk vm5, v5  }
.Ltmp10:
0x3cb: {  	[tilespmem:v6+s29+$0x0] =	vst.idx.add.f32.msk vm6, v5;
	(pc) =	sbr.rel @p0 .LBB2_22-.Ltmp10, $4  }
0x3cc: {  	[tilespmem:v6+s29+$0x0] =	vst.idx.add.f32.msk vm7, v5  }
0x3cd: {  	[tilespmem:v6+s29+$0x0] =	vst.idx.add.f32.msk vm2, v5  }
0x3ce: {  	[tilespmem:v6+s29+$0x0] =	vst.idx.add.f32.msk vm3, v5  }
0x3cf: {  	[tilespmem:v6+s29+$0x0] =	vst.idx.add.f32.msk vm4, v5  }
0x3d0: {  	_ =	sdelay $0x4  }
0x3d1: {  	s0 =	sshra.s32 s31, $0x2;
	[tilespmem:v6+s29+$0x0] =	vst.idx.add.f32.msk vm1, v5  }
0x3d2: {  	v6 =	vld [tilespmem:s0+$0x800];
	_ =	sdelay $0x1  }
0x3d3: {  	v7 =	vld [tilespmem:s0+$0x0];
	_ =	sdelay $0x2  }
0x3d4: {  	v6 =	vsub.s32 v6, v3  }
0x3d5: {  	v8 =	vmul.u32 $0x280, v6  }
0x3d6: {  	v7 =	vadd.s32 v2, v7  }
0x3d7: {  	v7 =	vadd.s32 v8, v7  }
0x3d8: {  	vm1 =	vlt.u32 v6, $0xA0;
	vm2 =	vgt.s32 v7, $0x0  }
0x3d9: {  	vm3 =	vcmask $0x704;
	v6 =	vnsel vm2, $0x0, v7;
	vm2 =	vmand vm1, vm0  }
0x3da: {  	vm4 =	vcmask $0xB08;
	vm3 =	vmand vm1, vm3;
	v6 =	vmin.u32 v6, $0x18FFF  }
0x3db: {  	vm4 =	vmand vm1, vm4  }
0x3dc: {  	vm5 =	vmand vm1, vm10  }
0x3dd: {  	vm6 =	vmand vm1, vm11  }
0x3de: {  	vm7 =	vmand vm1, vm12  }
0x3df: {  	[tilespmem:v6+s29+$0x0] =	vst.idx.add.f32.msk vm2, v5;
	vm2 =	vmand vm1, vm13  }
0x3e0: {  	[tilespmem:v6+s29+$0x0] =	vst.idx.add.f32.msk vm3, v5;
	vm3 =	vmand vm1, vm14  }
0x3e1: {  	[tilespmem:v6+s29+$0x0] =	vst.idx.add.f32.msk vm4, v5;
	vm4 =	vmand vm1, vm15  }
0x3e2: {  	[tilespmem:v6+s29+$0x0] =	vst.idx.add.f32.msk vm5, v5  }
0x3e3: {  	vm5 =	vmand vm1, vm8;
	[tilespmem:v6+s29+$0x0] =	vst.idx.add.f32.msk vm6, v5;
	vm6 =	vcmask $0x2B28  }
0x3e4: {  	vm6 =	vmand vm1, vm6;
	[tilespmem:v6+s29+$0x0] =	vst.idx.add.f32.msk vm7, v5;
	vm7 =	vcmask $0x2F2C  }
0x3e5: {  	vm7 =	vmand vm1, vm7;
	[tilespmem:v6+s29+$0x0] =	vst.idx.add.f32.msk vm2, v5;
	vm2 =	vcmask $0x3330  }
0x3e6: {  	vm2 =	vmand vm1, vm2;
	[tilespmem:v6+s29+$0x0] =	vst.idx.add.f32.msk vm3, v5;
	vm3 =	vcmask $0x3734  }
0x3e7: {  	vm3 =	vmand vm1, vm3;
	[tilespmem:v6+s29+$0x0] =	vst.idx.add.f32.msk vm4, v5;
	vm4 =	vcmask $0x3B38  }
0x3e8: {  	vm4 =	vmand vm1, vm4  }
0x3e9: {  	[tilespmem:v6+s29+$0x0] =	vst.idx.add.f32.msk vm5, v5;
	vm1 =	vmand vm1, vm9  }
0x3ea: {  	[tilespmem:v6+s29+$0x0] =	vst.idx.add.f32.msk vm6, v5  }
0x3eb: {  	[tilespmem:v6+s29+$0x0] =	vst.idx.add.f32.msk vm7, v5  }
0x3ec: {  	[tilespmem:v6+s29+$0x0] =	vst.idx.add.f32.msk vm2, v5  }
0x3ed: {  	[tilespmem:v6+s29+$0x0] =	vst.idx.add.f32.msk vm3, v5  }
0x3ee: {  	[tilespmem:v6+s29+$0x0] =	vst.idx.add.f32.msk vm4, v5  }
0x3ef: {  	s19 =	simm.s32 $0x0;
	[tilespmem:v6+s29+$0x0] =	vst.idx.add.f32.msk vm1, v5  }
0x3f0: {  	[tilespmem:s19], [sflag:$0x1] =	stream.linear.gather [hbm4b:s20+s19], $0x7D0, $0x38;
	[tilespmem:$0x1A000] =	vst v63  }
0x3f1: {  	_ =	swait.ge [sflag:s26], $0x7D0  }
0x3f2: {  	[sflag:s26] =	ssyncset.done $0x0  }
0x3f3: {  	[sflag:s26] =	ssyncadd.s32 $0xFFFFF830  }
0x3f4: {  	[tilespmem:s28], [sflag:$0x1] =	stream.linear.gather [hbm4b:s21+s19], $0x7D0, $0x38;
	[tilespmem:$0x1A000] =	vst v63  }
0x3f5: {  	_ =	swait.ge [sflag:s26], $0x7D0  }
0x3f6: {  	[sflag:s26] =	ssyncset.done $0x0  }
0x3f7: {  	s19 =	simm.s32 $0x0;
	[sflag:s26] =	ssyncadd.s32 $0xFFFFF830  }
0x3f8: {  	v6 =	vld [tilespmem:s19+$0x800];
	_ =	sdelay $0x1  }
0x3f9: {  	v7 =	vld [tilespmem:s19+$0x0];
	_ =	sdelay $0x2  }
0x3fa: {  	v6 =	vsub.s32 v6, v3  }
0x3fb: {  	v8 =	vmul.u32 $0x280, v6  }
0x3fc: {  	v7 =	vadd.s32 v2, v7  }
0x3fd: {  	v7 =	vadd.s32 v8, v7  }
0x3fe: {  	vm1 =	vlt.u32 v6, $0xA0;
	vm2 =	vgt.s32 v7, $0x0  }
0x3ff: {  	vm3 =	vcmask $0x704;
	v6 =	vnsel vm2, $0x0, v7;
	vm2 =	vmand vm1, vm0  }
0x400: {  	vm4 =	vcmask $0xB08;
	vm3 =	vmand vm1, vm3;
	v6 =	vmin.u32 v6, $0x18FFF  }
0x401: {  	vm4 =	vmand vm1, vm4  }
0x402: {  	vm5 =	vmand vm1, vm10  }
0x403: {  	vm6 =	vmand vm1, vm11  }
0x404: {  	vm7 =	vmand vm1, vm12  }
0x405: {  	[tilespmem:v6+s29+$0x0] =	vst.idx.add.f32.msk vm2, v5;
	vm2 =	vmand vm1, vm13  }
0x406: {  	[tilespmem:v6+s29+$0x0] =	vst.idx.add.f32.msk vm3, v5;
	vm3 =	vmand vm1, vm14  }
0x407: {  	[tilespmem:v6+s29+$0x0] =	vst.idx.add.f32.msk vm4, v5;
	vm4 =	vmand vm1, vm15  }
0x408: {  	[tilespmem:v6+s29+$0x0] =	vst.idx.add.f32.msk vm5, v5  }
0x409: {  	vm5 =	vmand vm1, vm8;
	[tilespmem:v6+s29+$0x0] =	vst.idx.add.f32.msk vm6, v5;
	vm6 =	vcmask $0x2B28  }
0x40a: {  	vm6 =	vmand vm1, vm6;
	[tilespmem:v6+s29+$0x0] =	vst.idx.add.f32.msk vm7, v5;
	vm7 =	vcmask $0x2F2C  }
0x40b: {  	vm7 =	vmand vm1, vm7;
	[tilespmem:v6+s29+$0x0] =	vst.idx.add.f32.msk vm2, v5;
	vm2 =	vcmask $0x3330  }
0x40c: {  	vm2 =	vmand vm1, vm2;
	[tilespmem:v6+s29+$0x0] =	vst.idx.add.f32.msk vm3, v5;
	vm3 =	vcmask $0x3734  }
0x40d: {  	vm3 =	vmand vm1, vm3;
	[tilespmem:v6+s29+$0x0] =	vst.idx.add.f32.msk vm4, v5;
	vm4 =	vcmask $0x3B38  }
0x40e: {  	vm4 =	vmand vm1, vm4  }
0x40f: {  	[tilespmem:v6+s29+$0x0] =	vst.idx.add.f32.msk vm5, v5  }
0x410: {  	vm1 =	vmand vm1, vm9;
	[tilespmem:v6+s29+$0x0] =	vst.idx.add.f32.msk vm6, v5  }
0x411: {  	[tilespmem:v6+s29+$0x0] =	vst.idx.add.f32.msk vm7, v5  }
0x412: {  	[tilespmem:v6+s29+$0x0] =	vst.idx.add.f32.msk vm2, v5  }
0x413: {  	[tilespmem:v6+s29+$0x0] =	vst.idx.add.f32.msk vm3, v5  }
0x414: {  	s31 =	simm.s32 $0x40;
	s19 =	simm.s32 $0x80;
	[tilespmem:v6+s29+$0x0] =	vst.idx.add.f32.msk vm4, v5  }
.LBB2_24:
0x415: {  	p0 =	sne.s32 s19, $0x1F00  }
0x416: {  	s0 =	sshra.s32 s31, $0x2;
	[tilespmem:v6+s29+$0x0] =	vst.idx.add.f32.msk vm1, v5;
	s31 =	smov.u32 s19;
	s19 =	sadd.s32 $0x40, s19  }
0x417: {  	v6 =	vld [tilespmem:s0+$0x800];
	_ =	sdelay $0x1  }
0x418: {  	v7 =	vld [tilespmem:s0+$0x0];
	_ =	sdelay $0x2  }
0x419: {  	v6 =	vsub.s32 v6, v3  }
0x41a: {  	vm1 =	vlt.u32 v6, $0xA0;
	v6 =	vmul.u32 $0x280, v6  }
0x41b: {  	v7 =	vadd.s32 v2, v7  }
0x41c: {  	v6 =	vadd.s32 v6, v7  }
0x41d: {  	vm2 =	vgt.s32 v6, $0x0  }
0x41e: {  	vm3 =	vcmask $0x704;
	v6 =	vnsel vm2, $0x0, v6;
	vm2 =	vmand vm1, vm0  }
0x41f: {  	vm4 =	vcmask $0xB08;
	vm3 =	vmand vm1, vm3;
	v6 =	vmin.u32 v6, $0x18FFF  }
0x420: {  	vm4 =	vmand vm1, vm4  }
0x421: {  	vm5 =	vmand vm1, vm10  }
0x422: {  	vm6 =	vmand vm1, vm11  }
0x423: {  	vm7 =	vmand vm1, vm12  }
0x424: {  	[tilespmem:v6+s29+$0x0] =	vst.idx.add.f32.msk vm2, v5;
	vm2 =	vmand vm1, vm13  }
0x425: {  	[tilespmem:v6+s29+$0x0] =	vst.idx.add.f32.msk vm3, v5;
	vm3 =	vmand vm1, vm14  }
0x426: {  	[tilespmem:v6+s29+$0x0] =	vst.idx.add.f32.msk vm4, v5;
	vm4 =	vmand vm1, vm15  }
0x427: {  	[tilespmem:v6+s29+$0x0] =	vst.idx.add.f32.msk vm5, v5;
	vm5 =	vmand vm1, vm8  }
0x428: {  	[tilespmem:v6+s29+$0x0] =	vst.idx.add.f32.msk vm6, v5;
	vm6 =	vcmask $0x2B28  }
0x429: {  	vm6 =	vmand vm1, vm6  }
0x42a: {  	[tilespmem:v6+s29+$0x0] =	vst.idx.add.f32.msk vm7, v5;
	vm7 =	vcmask $0x2F2C  }
0x42b: {  	vm7 =	vmand vm1, vm7  }
0x42c: {  	[tilespmem:v6+s29+$0x0] =	vst.idx.add.f32.msk vm2, v5;
	vm2 =	vcmask $0x3330  }
0x42d: {  	vm2 =	vmand vm1, vm2  }
0x42e: {  	[tilespmem:v6+s29+$0x0] =	vst.idx.add.f32.msk vm3, v5;
	vm3 =	vcmask $0x3734  }
0x42f: {  	vm3 =	vmand vm1, vm3  }
0x430: {  	[tilespmem:v6+s29+$0x0] =	vst.idx.add.f32.msk vm4, v5;
	vm4 =	vcmask $0x3B38  }
0x431: {  	vm4 =	vmand vm1, vm4  }
0x432: {  	vm1 =	vmand vm1, vm9;
	[tilespmem:v6+s29+$0x0] =	vst.idx.add.f32.msk vm5, v5  }
.Ltmp11:
0x433: {  	[tilespmem:v6+s29+$0x0] =	vst.idx.add.f32.msk vm6, v5;
	(pc) =	sbr.rel @p0 .LBB2_24-.Ltmp11, $4  }
0x434: {  	[tilespmem:v6+s29+$0x0] =	vst.idx.add.f32.msk vm7, v5  }
0x435: {  	[tilespmem:v6+s29+$0x0] =	vst.idx.add.f32.msk vm2, v5  }
0x436: {  	[tilespmem:v6+s29+$0x0] =	vst.idx.add.f32.msk vm3, v5  }
0x437: {  	[tilespmem:v6+s29+$0x0] =	vst.idx.add.f32.msk vm4, v5  }
0x438: {  	_ =	sdelay $0x4  }
0x439: {  	s0 =	sshra.s32 s31, $0x2;
	[tilespmem:v6+s29+$0x0] =	vst.idx.add.f32.msk vm1, v5  }
0x43a: {  	v6 =	vld [tilespmem:s0+$0x800];
	_ =	sdelay $0x1  }
0x43b: {  	v7 =	vld [tilespmem:s0+$0x0];
	_ =	sdelay $0x2  }
0x43c: {  	v6 =	vsub.s32 v6, v3  }
0x43d: {  	v8 =	vmul.u32 $0x280, v6  }
0x43e: {  	v7 =	vadd.s32 v2, v7  }
0x43f: {  	v7 =	vadd.s32 v8, v7  }
0x440: {  	vm1 =	vlt.u32 v6, $0xA0;
	vm2 =	vgt.s32 v7, $0x0  }
0x441: {  	v6 =	vnsel vm2, $0x0, v7;
	vm2 =	vmand vm1, vm0;
	vm0 =	vcmask $0x704  }
0x442: {  	v6 =	vmin.u32 v6, $0x18FFF;
	vm3 =	vmand vm1, vm0;
	vm0 =	vcmask $0xB08  }
0x443: {  	vm4 =	vmand vm1, vm0  }
0x444: {  	vm5 =	vmand vm1, vm10  }
0x445: {  	vm6 =	vmand vm1, vm11  }
0x446: {  	vm7 =	vmand vm1, vm12  }
0x447: {  	[tilespmem:v6+s29+$0x0] =	vst.idx.add.f32.msk vm2, v5;
	vm2 =	vmand vm1, vm13  }
0x448: {  	[tilespmem:v6+s29+$0x0] =	vst.idx.add.f32.msk vm3, v5;
	vm3 =	vmand vm1, vm14  }
0x449: {  	[tilespmem:v6+s29+$0x0] =	vst.idx.add.f32.msk vm4, v5;
	vm4 =	vmand vm1, vm15  }
0x44a: {  	[tilespmem:v6+s29+$0x0] =	vst.idx.add.f32.msk vm5, v5  }
0x44b: {  	vm5 =	vmand vm1, vm8;
	[tilespmem:v6+s29+$0x0] =	vst.idx.add.f32.msk vm6, v5;
	vm6 =	vcmask $0x2B28  }
0x44c: {  	vm6 =	vmand vm1, vm6;
	[tilespmem:v6+s29+$0x0] =	vst.idx.add.f32.msk vm7, v5;
	vm7 =	vcmask $0x2F2C  }
0x44d: {  	vm7 =	vmand vm1, vm7;
	[tilespmem:v6+s29+$0x0] =	vst.idx.add.f32.msk vm2, v5;
	vm2 =	vcmask $0x3330  }
0x44e: {  	vm2 =	vmand vm1, vm2;
	[tilespmem:v6+s29+$0x0] =	vst.idx.add.f32.msk vm3, v5;
	vm3 =	vcmask $0x3734  }
0x44f: {  	vm3 =	vmand vm1, vm3;
	[tilespmem:v6+s29+$0x0] =	vst.idx.add.f32.msk vm4, v5;
	vm4 =	vcmask $0x3B38  }
0x450: {  	vm4 =	vmand vm1, vm4  }
0x451: {  	[tilespmem:v6+s29+$0x0] =	vst.idx.add.f32.msk vm5, v5;
	vm1 =	vmand vm1, vm9  }
0x452: {  	[tilespmem:v6+s29+$0x0] =	vst.idx.add.f32.msk vm6, v5  }
0x453: {  	[tilespmem:v6+s29+$0x0] =	vst.idx.add.f32.msk vm7, v5  }
0x454: {  	[tilespmem:v6+s29+$0x0] =	vst.idx.add.f32.msk vm2, v5  }
0x455: {  	s30 =	sadd.s32 $0x1, s30;
	[tilespmem:v6+s29+$0x0] =	vst.idx.add.f32.msk vm3, v5  }
0x456: {  	p0 =	sne.s32 s30, s25;
	[tilespmem:v6+s29+$0x0] =	vst.idx.add.f32.msk vm4, v5  }
.Ltmp12:
0x457: {  	[tilespmem:v6+s29+$0x0] =	vst.idx.add.f32.msk vm1, v5;
	(pc) =	sbr.rel @p0 .LBB2_1-.Ltmp12, $4  }
0x458: {  	[hbm4b:s24+s22] =	stream.linear.scatter [tilespmem:s29], [sflag:$0x1], $0x19000, $0x38;
	[tilespmem:$0x1A000] =	vst v63  }
0x459: {  	_ =	swait.ge [sflag:s26], $0x19000  }
0x45a: {  	[sflag:s26] =	ssyncset.done $0x0  }
0x45b: {  	vm4 =	vmmov vm0;
	[sflag:s26] =	ssyncadd.s32 $0xFFFE7000  }
0x45c: {  	_ =	sfence.sel $0x180000  }
0x45d: {  	[bflag:$0x0] =	sbarrier.arrive $0xFFFF  }
0x45e: {  	_ =	strace $0x90000047  }
0x45f: {  	s0 =	stileid.u32;
	[bflag:$0x2] =	sbarrier.arrive $0xFFFF  }
0x460: {  	p0 =	sne.s32 s0, $0x0;
	s0 =	rddreg [dreg:$0x1]  }
0x461: {  	s0 =	sadd.s32 @!p0 $0x100000, s0  }
0x462: {  	[sflag:s0] =	ssyncadd.tile.s32 @!p0 $0x1;
	_ =	shalt  }
.Lfunc_end2:
_tile_overlayer_lowered:
.L_overlay_start_2:
0x463: {  	(tag) =	ssettag $0x2  }
0x464: {  	s0 =	rddreg [dreg:$0x0];
	s2 =	stileid.u32  }
0x465: {  	s1 =	rddreg [dreg:$0x1];
	p0 =	sne.s32 s2, $0x0  }
0x466: {  	s3 =	rddreg [dreg:$0x2];
	[bflag:$0x3] =	sbarrier.arrive $0xFFFF;
	s2 =	simm.s32 @!p0 $0x1C01  }
0x467: {  	[timem:s3], [sflag:s2] =	dma.local @!p0 [hbm:s0], s1  }
0x468: {  	s0 =	simm.s32 @!p0 $0x1  }
0x469: {  	_ =	swait.ge @!p0 [sflag:s0], s1  }
0x46a: {  	s1 =	ssub.s32 @!p0 $0x0, s1;
	[sflag:s0] =	ssyncset.done @!p0 $0x0  }
0x46b: {  	[sflag:s0] =	ssyncadd.s32 @!p0 s1  }
0x46c: {  	[bflag:$0x3] =	sbarrier.arrive $0xFFFF  }
0x46d: {  	_ =	shalt  }

</sc_bundles>
